<compile_context>
chip_gen: v7x
topology: tpu7x:2x2x1
jax: 0.10.2.dev20260603
libtpu: 0.0.44.dev20260713+nightly
codegen_flags: <defaults>
</compile_context>

<pallas_src>
import functools

import jax
import jax.numpy as jnp
from jax import lax
from jax.experimental import pallas as pl
from jax.experimental.pallas import tpu as pltpu
from jax.experimental.pallas import tpu_sc as plsc

N = 50000
Q = 4
G = 32
HF = 64
E = 800000

NC = 2
NS = 16
LANES = 16

EPAD = 819200
EROWS = EPAD // 128
NPAD_DEG = 51200
NPAD_ACC = 51200
NPAD_OUT = 52000
BATCH = 1024
SUB = 8
KA_BATCHES = EPAD // BATCH // (NC * NS)
KC_BATCHES = EPAD // BATCH // NS
DEG_STRIPE = NPAD_DEG // NS
ACC_STRIPE = NPAD_ACC // NS
BN = 2000


def _mesh():
    return plsc.VectorSubcoreMesh(core_axis_name="c", subcore_axis_name="s",
                                  num_cores=NC, num_subcores=NS)


def _ka_body(rowp, colp, mrow_out, degp, rvm, cvm, mrvm, ones_vm, zbuf, degsh):
    cid = lax.axis_index("c")
    sid = lax.axis_index("s")
    wid = cid * NS + sid

    def fill_z(k, _):
        zbuf[pl.ds(k * 16, 16)] = jnp.zeros((16,), jnp.float32)
        return _
    lax.fori_loop(0, DEG_STRIPE // 16, fill_z, None)
    for i in range(128 // 16):
        ones_vm[pl.ds(i * 16, 16)] = jnp.ones((16,), jnp.float32)

    pltpu.sync_copy(zbuf, degsh.at[pl.ds(sid * DEG_STRIPE, DEG_STRIPE)])
    plsc.subcore_barrier()

    garb = (N + wid * 16) + lax.iota(jnp.int32, 16)

    def batch(b, _):
        rb = (wid * KA_BATCHES + b) * SUB
        pltpu.sync_copy(rowp.at[pl.ds(rb, SUB)], rvm)
        pltpu.sync_copy(colp.at[pl.ds(rb, SUB)], cvm)

        def inner(j, _):
            for i in range(128 // 16):
                sl = pl.ds(i * 16, 16)
                r = rvm[j, sl]
                c = cvm[j, sl]
                mrvm[j, sl] = jnp.where(r == c, garb, r)
            return _
        lax.fori_loop(0, SUB, inner, None)

        for j in range(SUB):
            pltpu.sync_copy(ones_vm, degsh.at[mrvm.at[j]], add=True)
        pltpu.sync_copy(mrvm, mrow_out.at[pl.ds(rb, SUB)])
        return _
    lax.fori_loop(0, KA_BATCHES, batch, None)

    plsc.subcore_barrier()
    sl = pl.ds(sid * DEG_STRIPE, DEG_STRIPE)
    pltpu.sync_copy(degsh.at[sl], degp.at[cid, sl])


def _run_ka(rowp, colp):
    f = pl.kernel(
        _ka_body,
        out_type=[
            jax.ShapeDtypeStruct((EROWS, 128), jnp.int32),
            jax.ShapeDtypeStruct((NC, NPAD_DEG), jnp.float32),
        ],
        mesh=_mesh(),
        compiler_params=pltpu.CompilerParams(use_tc_tiling_on_sc=False),
        scratch_types=[
            pltpu.VMEM((SUB, 128), jnp.int32),
            pltpu.VMEM((SUB, 128), jnp.int32),
            pltpu.VMEM((SUB, 128), jnp.int32),
            pltpu.VMEM((128,), jnp.float32),
            pltpu.VMEM((DEG_STRIPE,), jnp.float32),
            pltpu.VMEM_SHARED((NPAD_DEG,), jnp.float32),
        ],
    )
    return f(rowp, colp)


NB = KC_BATCHES
NU = NB * SUB
RING = 5
IB = 3


def _kc_body(mrowp, colp, insf, accum_out, mrvm, cvm, pay, sem_i, sem_g,
             sem_s, accsh):
    cid = lax.axis_index("c")
    sid = lax.axis_index("s")

    def wait_idx():
        pltpu.make_async_copy(mrowp.at[pl.ds(0, SUB)], mrvm.at[0],
                              sem_i).wait()

    def wait_pay(sem):
        pltpu.make_async_copy(insf.at[pl.ds(0, 128)], pay.at[0], sem).wait()

    for qi in range(NC):
        q = cid * NC + qi
        qbase = q * N

        def fill_z(k, _):
            for i in range(2):
                pay[0, k, pl.ds(i * 16, 16)] = jnp.zeros((16,), jnp.float32)
            return _
        lax.fori_loop(0, 128, fill_z, None)

        def zero_stripe(k, _):
            pltpu.sync_copy(
                pay.at[0], accsh.at[pl.ds(sid * ACC_STRIPE + k * 128, 128)])
            return _
        lax.fori_loop(0, ACC_STRIPE // 128, zero_stripe, None)
        plsc.subcore_barrier()

        rb0 = sid * NB * SUB
        pltpu.async_copy(mrowp.at[pl.ds(rb0, SUB)], mrvm.at[0], sem_i)
        pltpu.async_copy(colp.at[pl.ds(rb0, SUB)], cvm.at[0], sem_i)

        def unit(u, _):
            b = u // SUB
            j = u - b * SUB
            hb = lax.rem(b, IB)
            rbuf = lax.rem(u, RING)

            @pl.when(jnp.logical_and(u < NU, j == 0))
            def _preamble():
                wait_idx()
                wait_idx()

                def adj(j2, _):
                    for i in range(8):
                        sl = pl.ds(i * 16, 16)
                        cvm[hb, j2, sl] = cvm[hb, j2, sl] + qbase
                    return _
                lax.fori_loop(0, SUB, adj, None)

                @pl.when(b + 1 < NB)
                def _prefetch():
                    rb = (sid * NB + b + 1) * SUB
                    nhb = lax.rem(b + 1, IB)
                    pltpu.async_copy(mrowp.at[pl.ds(rb, SUB)], mrvm.at[nhb],
                                     sem_i)
                    pltpu.async_copy(colp.at[pl.ds(rb, SUB)], cvm.at[nhb],
                                     sem_i)

            @pl.when(jnp.logical_and(u >= RING, u < NU))
            def _free_ring():
                wait_pay(sem_s)

            @pl.when(u < NU)
            def _gather():
                pltpu.async_copy(insf.at[cvm.at[hb, j]], pay.at[rbuf], sem_g)

            @pl.when(u >= 3)
            def _scatter():
                v = u - 3
                bv = v // SUB
                jv = v - bv * SUB
                hv = lax.rem(bv, IB)
                rv = lax.rem(v, RING)
                wait_pay(sem_g)
                pltpu.async_copy(pay.at[rv], accsh.at[mrvm.at[hv, jv]],
                                 sem_s, add=True)
            return _
        lax.fori_loop(0, NU + 3, unit, None)

        for _ in range(RING):
            wait_pay(sem_s)

        plsc.subcore_barrier()
        pltpu.sync_copy(
            accsh.at[pl.ds(sid * ACC_STRIPE, ACC_STRIPE)],
            accum_out.at[pl.ds(q * NPAD_OUT + sid * ACC_STRIPE, ACC_STRIPE)])


def _run_kc(mrowp, colp, insf):
    f = pl.kernel(
        _kc_body,
        out_type=jax.ShapeDtypeStruct((Q * NPAD_OUT, G), jnp.float32),
        mesh=_mesh(),
        compiler_params=pltpu.CompilerParams(use_tc_tiling_on_sc=False),
        scratch_types=[
            pltpu.VMEM((IB, SUB, 128), jnp.int32),
            pltpu.VMEM((IB, SUB, 128), jnp.int32),
            pltpu.VMEM((RING, 128, G), jnp.float32),
            pltpu.SemaphoreType.DMA,
            pltpu.SemaphoreType.DMA,
            pltpu.SemaphoreType.DMA,
            pltpu.VMEM_SHARED((NPAD_ACC, G), jnp.float32),
        ],
    )
    return f(mrowp, colp, insf)


def _kb_body(xb, wc, bb, degb, p_ref, z1_ref, ins1_ref, d_ref):
    deg = degb[:, 0] + degb[:, 1]
    d = jnp.where(deg > 0.0, lax.rsqrt(deg), 0.0)
    z = lax.dot_general(xb[...], wc[...], (((1,), (0,)), ((), ())),
                        preferred_element_type=jnp.float32)
    z0 = z[:, :G]
    z1 = z[:, G:2 * G]
    z2 = z[:, 2 * G:]
    p_ref[...] = z0 - z2 + bb[0, :][None, :]
    z1_ref[...] = z1
    ins1_ref[...] = z2 * d[:, None]
    d_ref[...] = d[:, None]


def _run_kb(xf, wc, bias2, degt):
    nb = Q * N // BN
    return pl.pallas_call(
        _kb_body,
        grid=(nb,),
        in_specs=[
            pl.BlockSpec((BN, HF), lambda i: (i, 0)),
            pl.BlockSpec((HF, 3 * G), lambda i: (0, 0)),
            pl.BlockSpec((1, G), lambda i: (0, 0)),
            pl.BlockSpec((BN, NC), lambda i: (i % (N // BN), 0)),
        ],
        out_specs=[
            pl.BlockSpec((BN, G), lambda i: (i, 0)),
            pl.BlockSpec((BN, G), lambda i: (i, 0)),
            pl.BlockSpec((BN, G), lambda i: (i, 0)),
            pl.BlockSpec((BN, 1), lambda i: (i % (N // BN), 0)),
        ],
        out_shape=[
            jax.ShapeDtypeStruct((Q * N, G), jnp.float32),
            jax.ShapeDtypeStruct((Q * N, G), jnp.float32),
            jax.ShapeDtypeStruct((Q * N, G), jnp.float32),
            jax.ShapeDtypeStruct((N, 1), jnp.float32),
        ],
    )(xf, wc, bias2, degt)


def _kd_body(z1b, accb, db, out_ref):
    d = db[:, 0]
    out_ref[...] = z1b[...] * d[:, None] - (2.0 * d * d)[:, None] * accb[...]


def _acc_spec():
    nq = NPAD_OUT // BN
    nn = N // BN
    return pl.BlockSpec((BN, G), lambda i: ((i // nn) * nq + (i % nn), 0))


def _run_kd(z1f, acc1, dvec):
    nb = Q * N // BN
    return pl.pallas_call(
        _kd_body,
        grid=(nb,),
        in_specs=[
            pl.BlockSpec((BN, G), lambda i: (i, 0)),
            _acc_spec(),
            pl.BlockSpec((BN, 1), lambda i: (i % (N // BN), 0)),
        ],
        out_specs=pl.BlockSpec((BN, G), lambda i: (i, 0)),
        out_shape=jax.ShapeDtypeStruct((Q * N, G), jnp.float32),
    )(z1f, acc1, dvec)


def _ke_body(pb, accb, db, out_ref):
    d = db[:, 0]
    out_ref[...] = pb[...] - d[:, None] * accb[...]


def _run_ke(pf, acc2, dvec):
    nb = Q * N // BN
    return pl.pallas_call(
        _ke_body,
        grid=(nb,),
        in_specs=[
            pl.BlockSpec((BN, G), lambda i: (i, 0)),
            _acc_spec(),
            pl.BlockSpec((BN, 1), lambda i: (i % (N // BN), 0)),
        ],
        out_specs=pl.BlockSpec((BN, G), lambda i: (i, 0)),
        out_shape=jax.ShapeDtypeStruct((Q * N, G), jnp.float32),
    )(pf, acc2, dvec)


@jax.jit
def kernel(x, edge_index, weight, bias):
    pad = jnp.arange(EPAD - E, dtype=jnp.int32) % N
    ei = jnp.concatenate(
        [edge_index, jnp.stack([pad, pad])], axis=1)
    rowp = ei[0].reshape(EROWS, 128)
    colp = ei[1].reshape(EROWS, 128)

    mrowp, degp = _run_ka(rowp, colp)
    degt = jnp.transpose(degp)

    xf = x.reshape(Q * N, HF)
    wc = jnp.transpose(weight, (1, 2, 0, 3)).reshape(HF, 3 * G)
    bias2 = bias.reshape(1, G)
    pf, z1f, ins1f, dvec = _run_kb(xf, wc, bias2, degt)

    acc1 = _run_kc(mrowp, colp, ins1f)
    ins2f = _run_kd(z1f, acc1, dvec)
    acc2 = _run_kc(mrowp, colp, ins2f)
    outf = _run_ke(pf, acc2, dvec)
    return outf.reshape(Q, N, G)

# --- scband reference (transcript-rebuilt; emitter-appended) ---
"""Pipeline reference for scband-cheb-time-conv-deprecated-13288628814255 (READ-ONLY COPY).

The authoritative reference and input builder live on the scoring server;
editing this copy changes nothing except your own understanding.
"""

import jax, jax.numpy as jnp
import numpy as np

Q, N, H, F, G, K, E = 4, 50000, 4, 16, 32, 3, 800000


def setup_inputs(seed: int = 0) -> dict:
    key = jax.random.key(seed)
    k1, k2, k3, k4 = jax.random.split(key, 4)
    x = jax.random.normal(k1, (Q, N, H, F), dtype=jnp.float32)
    edge_index = jax.random.randint(k2, (2, E), 0, N, dtype=jnp.int32)
    stdv = 1.0 / np.sqrt(F * K)
    weight = jax.random.uniform(k3, (K, H, F, G), minval=-stdv, maxval=stdv, dtype=jnp.float32)
    bias = jax.random.uniform(k4, (G,), minval=-stdv, maxval=stdv, dtype=jnp.float32)
    return {"x": x, "edge_index": edge_index, "weight": weight, "bias": bias}


def reference(x, edge_index, weight, bias):
    # remove self loops (fixed-shape masked equivalent)
    row, col = edge_index[0], edge_index[1]
    mask = row != col
    num_nodes = x.shape[1]
    edge_weight = mask.astype(x.dtype)
    # degree of row nodes
    deg = jnp.zeros((num_nodes,), dtype=x.dtype).at[row].add(edge_weight)
    deg = deg ** (-0.5)
    deg = jnp.where(jnp.isinf(deg), jnp.zeros_like(deg), deg)
    lap = -deg[row] * edge_weight * deg[col]

    def spmm(xt):
        # out[q, r, h, f] += lap_e * xt[q, c, h, f]
        gathered = xt[:, col, :, :] * lap[None, :, None, None]
        return jnp.zeros_like(xt).at[:, row].add(gathered)

    Kcheb = weight.shape[0]
    Tx_0 = x  # already 4D [Q, N, H, F]
    out = jnp.einsum('qnhf,hfg->qng', Tx_0, weight[0])
    Tx_1 = Tx_0
    if Kcheb > 1:
        Tx_1 = spmm(Tx_0)
        out = out + jnp.einsum('qnhf,hfg->qng', Tx_1, weight[1])
    for k in range(2, Kcheb):
        temp = spmm(Tx_1)
        Tx_2 = 2 * temp - Tx_0
        out = out + jnp.einsum('qnhf,hfg->qng', Tx_2, weight[k])
        Tx_0, Tx_1 = Tx_1, Tx_2
    out = out + bias
    return out

if __name__ == "__main__":
    import jax
    _d = setup_inputs()
    print(jax.jit(kernel)(*tuple(_d.values())))

</pallas_src>

<mosaic_0001>
#map = affine_map<(d0, d1) -> (0, 0)>
module attributes {stable_mosaic.version = 14 : i64} {
  func.func @_kc_body(%arg0: i32, %arg1: i32, %arg2: memref<6400x128xi32, #tpu.memory_space<hbm>>, %arg3: memref<6400x128xi32, #tpu.memory_space<hbm>>, %arg4: memref<200000x32xf32, #tpu.memory_space<hbm>>, %arg5: memref<208000x32xf32, #tpu.memory_space<hbm>>, %arg6: memref<3x8x128xi32, #tpu.memory_space<vmem>>, %arg7: memref<3x8x128xi32, #tpu.memory_space<vmem>>, %arg8: memref<5x128x32xf32, #tpu.memory_space<vmem>>, %arg9: memref<!tpu.dma_semaphore, #tpu.memory_space<semaphore_mem>>, %arg10: memref<!tpu.dma_semaphore, #tpu.memory_space<semaphore_mem>>, %arg11: memref<!tpu.dma_semaphore, #tpu.memory_space<semaphore_mem>>, %arg12: memref<51200x32xf32, #tpu.memory_space<vmem_shared>>) attributes {dimension_semantics = [#tpu.dimension_semantics<core_parallel>, #tpu.dimension_semantics<subcore_parallel>], iteration_bounds = array<i64: 2, 16>, scalar_prefetch = 0 : i64, scratch_operands = 7 : i64, tpu.core_type = #tpu.core_type<sc_vector_subcore>, window_params = [{transform_indices = #map}, {transform_indices = #map}, {transform_indices = #map}, {transform_indices = #map}]} {
    %mul3A = arith.constant 2 : i32
    %mul3A_0 = arith.muli %arg0, %mul3A : i32
    %add3A = arith.constant 0 : i32
    %add3A_1 = arith.addi %mul3A_0, %add3A : i32
    %mul3A_2 = arith.constant 50000 : i32
    %mul3A_3 = arith.muli %add3A_1, %mul3A_2 : i32
    %scan3A = arith.constant 0 : i32
    %scan3A_4 = arith.constant 128 : i32
    %scan3A_5 = arith.addi %scan3A, %scan3A_4 : i32
    %scan3A_6 = arith.constant 1 : i32
    scf.for %scan3A_264 = %scan3A to %scan3A_5 step %scan3A_6  : i32 {
      %broadcast_in_dim3A = arith.constant 0.000000e+00 : f32
      %broadcast_in_dim3A_265 = vector.broadcast %broadcast_in_dim3A : f32 to vector<16xf32>
      %swap3A = arith.constant 0 : i32
      %swap3A_266 = arith.index_cast %swap3A : i32 to index
      %swap3A_267 = arith.index_cast %scan3A_264 : i32 to index
      %swap3A_268 = arith.constant 0 : index
      %swap3A_269 = tpu.vector_load %arg8[%swap3A_266, %swap3A_267, %swap3A_268] {strides = array<i32>} : memref<5x128x32xf32, #tpu.memory_space<vmem>>, vector<1x1x16xf32>,
      %swap3A_270 = vector.shape_cast %swap3A_269 : vector<1x1x16xf32> to vector<16xf32>
      %swap3A_271 = vector.shape_cast %broadcast_in_dim3A_265 : vector<16xf32> to vector<1x1x16xf32>
      tpu.vector_store %arg8[%swap3A_266, %swap3A_267, %swap3A_268], %swap3A_271 {strides = array<i32>} : memref<5x128x32xf32, #tpu.memory_space<vmem>>, vector<1x1x16xf32>,
      %broadcast_in_dim3A_272 = arith.constant 0.000000e+00 : f32
      %broadcast_in_dim3A_273 = vector.broadcast %broadcast_in_dim3A_272 : f32 to vector<16xf32>
      %swap3A_274 = arith.constant 0 : i32
      %swap3A_275 = arith.index_cast %swap3A_274 : i32 to index
      %swap3A_276 = arith.index_cast %scan3A_264 : i32 to index
      %swap3A_277 = arith.constant 16 : index
      %swap3A_278 = tpu.vector_load %arg8[%swap3A_275, %swap3A_276, %swap3A_277] {strides = array<i32>} : memref<5x128x32xf32, #tpu.memory_space<vmem>>, vector<1x1x16xf32>,
      %swap3A_279 = vector.shape_cast %swap3A_278 : vector<1x1x16xf32> to vector<16xf32>
      %swap3A_280 = vector.shape_cast %broadcast_in_dim3A_273 : vector<16xf32> to vector<1x1x16xf32>
      tpu.vector_store %arg8[%swap3A_275, %swap3A_276, %swap3A_277], %swap3A_280 {strides = array<i32>} : memref<5x128x32xf32, #tpu.memory_space<vmem>>, vector<1x1x16xf32>,
    }
    %scan3A_7 = arith.constant 128 : i32
    %scan3A_8 = arith.constant 0 : i32
    %scan3A_9 = arith.constant 25 : i32
    %scan3A_10 = arith.addi %scan3A_8, %scan3A_9 : i32
    %scan3A_11 = arith.constant 1 : i32
    scf.for %scan3A_264 = %scan3A_8 to %scan3A_10 step %scan3A_11  : i32 {
      %mul3A_265 = arith.constant 3200 : i32
      %mul3A_266 = arith.muli %arg1, %mul3A_265 : i32
      %mul3A_267 = arith.constant 128 : i32
      %mul3A_268 = arith.muli %scan3A_264, %mul3A_267 : i32
      %add3A_269 = arith.addi %mul3A_266, %mul3A_268 : i32
      %run_scoped3A = arith.constant 0 : i32
      "tpu.region"() ({
        %run_scoped3A_270 = tpu.sem_alloc : memref<!tpu.dma_semaphore, #tpu.memory_space<semaphore_mem>>
        %dma_start3A_271 = arith.constant 0 : i32
        %dma_start3A_272 = arith.constant 0 : i32
        %dma_start3A_273 = tpu.memref_slice %arg8[%run_scoped3A, %dma_start3A_271, %dma_start3A_272] : memref<5x128x32xf32, #tpu.memory_space<vmem>> -> memref<1x128x32xf32, #tpu.memory_space<vmem>>
        %dma_start3A_274 = tpu.memref_squeeze %dma_start3A_273 : memref<1x128x32xf32, #tpu.memory_space<vmem>> -> memref<128x32xf32, #tpu.memory_space<vmem>>
        %dma_start3A_275 = arith.constant 0 : i32
        %dma_start3A_276 = tpu.memref_slice %arg12[%add3A_269, %dma_start3A_275] : memref<51200x32xf32, #tpu.memory_space<vmem_shared>> -> memref<128x32xf32, #tpu.memory_space<vmem_shared>>
        %dma_start3A_277 = arith.constant 0 : i32
        %dma_start3A_278 = tpu.memref_slice %arg12[%add3A_269, %dma_start3A_277] : memref<51200x32xf32, #tpu.memory_space<vmem_shared>> -> memref<128x32xf32, #tpu.memory_space<vmem_shared>>
        %dma_start3A_279 = arith.constant 0 : i32
        %dma_start3A_280 = arith.constant 0 : i32
        %dma_start3A_281 = tpu.memref_slice %arg8[%run_scoped3A, %dma_start3A_279, %dma_start3A_280] : memref<5x128x32xf32, #tpu.memory_space<vmem>> -> memref<1x128x32xf32, #tpu.memory_space<vmem>>
        %dma_start3A_282 = tpu.memref_squeeze %dma_start3A_281 : memref<1x128x32xf32, #tpu.memory_space<vmem>> -> memref<128x32xf32, #tpu.memory_space<vmem>>
        tpu.enqueue_dma source(%dma_start3A_282 : memref<128x32xf32, #tpu.memory_space<vmem>>) target(%dma_start3A_278 : memref<128x32xf32, #tpu.memory_space<vmem_shared>>) target_semaphore(%run_scoped3A_270 : memref<!tpu.dma_semaphore, #tpu.memory_space<semaphore_mem>>)
        %dma_wait3A_283 = arith.constant 0 : i32
        %dma_wait3A_284 = arith.constant 0 : i32
        %dma_wait3A_285 = tpu.memref_slice %arg8[%run_scoped3A, %dma_wait3A_283, %dma_wait3A_284] : memref<5x128x32xf32, #tpu.memory_space<vmem>> -> memref<1x128x32xf32, #tpu.memory_space<vmem>>
        %dma_wait3A_286 = tpu.memref_squeeze %dma_wait3A_285 : memref<1x128x32xf32, #tpu.memory_space<vmem>> -> memref<128x32xf32, #tpu.memory_space<vmem>>
        %dma_wait3A_287 = arith.constant 0 : i32
        %dma_wait3A_288 = tpu.memref_slice %arg12[%add3A_269, %dma_wait3A_287] : memref<51200x32xf32, #tpu.memory_space<vmem_shared>> -> memref<128x32xf32, #tpu.memory_space<vmem_shared>>
        %dma_wait3A_289 = arith.constant 0 : i32
        %dma_wait3A_290 = tpu.memref_slice %arg12[%add3A_269, %dma_wait3A_289] : memref<51200x32xf32, #tpu.memory_space<vmem_shared>> -> memref<128x32xf32, #tpu.memory_space<vmem_shared>>
        %dma_wait3A_291 = arith.constant 0 : i32
        %dma_wait3A_292 = arith.constant 0 : i32
        %dma_wait3A_293 = tpu.memref_slice %arg8[%run_scoped3A, %dma_wait3A_291, %dma_wait3A_292] : memref<5x128x32xf32, #tpu.memory_space<vmem>> -> memref<1x128x32xf32, #tpu.memory_space<vmem>>
        %dma_wait3A_294 = tpu.memref_squeeze %dma_wait3A_293 : memref<1x128x32xf32, #tpu.memory_space<vmem>> -> memref<128x32xf32, #tpu.memory_space<vmem>>
        tpu.wait_dma2 semaphore(%run_scoped3A_270 : memref<!tpu.dma_semaphore, #tpu.memory_space<semaphore_mem>>) src(%dma_wait3A_294 : memref<128x32xf32, #tpu.memory_space<vmem>>) dst(%dma_wait3A_290 : memref<128x32xf32, #tpu.memory_space<vmem_shared>>)
        tpu.yield
      }) : () -> ()
    }
    %scan3A_12 = arith.constant 25 : i32
    %barrier3A = arith.constant 0 : index
    tpu.barrier barrier_id(%barrier3A)
    %mul3A_13 = arith.constant 50 : i32
    %mul3A_14 = arith.muli %arg1, %mul3A_13 : i32
    %mul3A_15 = arith.constant 8 : i32
    %mul3A_16 = arith.muli %mul3A_14, %mul3A_15 : i32
    %dma_start3A = arith.constant 0 : i32
    %dma_start3A_17 = arith.constant 0 : i32
    %dma_start3A_18 = arith.constant 0 : i32
    %dma_start3A_19 = tpu.memref_slice %arg6[%dma_start3A, %dma_start3A_17, %dma_start3A_18] : memref<3x8x128xi32, #tpu.memory_space<vmem>> -> memref<1x8x128xi32, #tpu.memory_space<vmem>>
    %dma_start3A_20 = tpu.memref_squeeze %dma_start3A_19 : memref<1x8x128xi32, #tpu.memory_space<vmem>> -> memref<8x128xi32, #tpu.memory_space<vmem>>
    %dma_start3A_21 = arith.constant 0 : i32
    %dma_start3A_22 = tpu.memref_slice %arg2[%mul3A_16, %dma_start3A_21] : memref<6400x128xi32, #tpu.memory_space<hbm>> -> memref<8x128xi32, #tpu.memory_space<hbm>>
    %dma_start3A_23 = arith.constant 0 : i32
    %dma_start3A_24 = arith.constant 0 : i32
    %dma_start3A_25 = tpu.memref_slice %arg6[%dma_start3A, %dma_start3A_23, %dma_start3A_24] : memref<3x8x128xi32, #tpu.memory_space<vmem>> -> memref<1x8x128xi32, #tpu.memory_space<vmem>>
    %dma_start3A_26 = tpu.memref_squeeze %dma_start3A_25 : memref<1x8x128xi32, #tpu.memory_space<vmem>> -> memref<8x128xi32, #tpu.memory_space<vmem>>
    %dma_start3A_27 = arith.constant 0 : i32
    %dma_start3A_28 = tpu.memref_slice %arg2[%mul3A_16, %dma_start3A_27] : memref<6400x128xi32, #tpu.memory_space<hbm>> -> memref<8x128xi32, #tpu.memory_space<hbm>>
    tpu.enqueue_dma source(%dma_start3A_28 : memref<8x128xi32, #tpu.memory_space<hbm>>) target(%dma_start3A_26 : memref<8x128xi32, #tpu.memory_space<vmem>>) target_semaphore(%arg9 : memref<!tpu.dma_semaphore, #tpu.memory_space<semaphore_mem>>)
    %dma_start3A_29 = arith.constant 0 : i32
    %dma_start3A_30 = arith.constant 0 : i32
    %dma_start3A_31 = arith.constant 0 : i32
    %dma_start3A_32 = tpu.memref_slice %arg7[%dma_start3A_29, %dma_start3A_30, %dma_start3A_31] : memref<3x8x128xi32, #tpu.memory_space<vmem>> -> memref<1x8x128xi32, #tpu.memory_space<vmem>>
    %dma_start3A_33 = tpu.memref_squeeze %dma_start3A_32 : memref<1x8x128xi32, #tpu.memory_space<vmem>> -> memref<8x128xi32, #tpu.memory_space<vmem>>
    %dma_start3A_34 = arith.constant 0 : i32
    %dma_start3A_35 = tpu.memref_slice %arg3[%mul3A_16, %dma_start3A_34] : memref<6400x128xi32, #tpu.memory_space<hbm>> -> memref<8x128xi32, #tpu.memory_space<hbm>>
    %dma_start3A_36 = arith.constant 0 : i32
    %dma_start3A_37 = arith.constant 0 : i32
    %dma_start3A_38 = tpu.memref_slice %arg7[%dma_start3A_29, %dma_start3A_36, %dma_start3A_37] : memref<3x8x128xi32, #tpu.memory_space<vmem>> -> memref<1x8x128xi32, #tpu.memory_space<vmem>>
    %dma_start3A_39 = tpu.memref_squeeze %dma_start3A_38 : memref<1x8x128xi32, #tpu.memory_space<vmem>> -> memref<8x128xi32, #tpu.memory_space<vmem>>
    %dma_start3A_40 = arith.constant 0 : i32
    %dma_start3A_41 = tpu.memref_slice %arg3[%mul3A_16, %dma_start3A_40] : memref<6400x128xi32, #tpu.memory_space<hbm>> -> memref<8x128xi32, #tpu.memory_space<hbm>>
    tpu.enqueue_dma source(%dma_start3A_41 : memref<8x128xi32, #tpu.memory_space<hbm>>) target(%dma_start3A_39 : memref<8x128xi32, #tpu.memory_space<vmem>>) target_semaphore(%arg9 : memref<!tpu.dma_semaphore, #tpu.memory_space<semaphore_mem>>)
    %scan3A_42 = arith.constant 0 : i32
    %scan3A_43 = arith.constant 403 : i32
    %scan3A_44 = arith.addi %scan3A_42, %scan3A_43 : i32
    %scan3A_45 = arith.constant 1 : i32
    scf.for %scan3A_264 = %scan3A_42 to %scan3A_44 step %scan3A_45  : i32 {
      %jit3A = arith.constant 8 : i32
      %div3A = arith.divsi %scan3A_264, %jit3A : i32
      %sign3A = arith.constant 0 : i32
      %sign3A_265 = arith.cmpi sgt, %scan3A_264, %sign3A : i32
      %sign3A_266 = arith.extui %sign3A_265 : i1 to i32
      %sign3A_267 = arith.constant 0 : i32
      %sign3A_268 = arith.cmpi slt, %scan3A_264, %sign3A_267 : i32
      %sign3A_269 = arith.extui %sign3A_268 : i1 to i32
      %sign3A_270 = arith.subi %sign3A_266, %sign3A_269 : i32
      %sign3A_271 = arith.constant 0 : i32
      %sign3A_272 = arith.cmpi sgt, %jit3A, %sign3A_271 : i32
      %sign3A_273 = arith.extui %sign3A_272 : i1 to i32
      %sign3A_274 = arith.constant 0 : i32
      %sign3A_275 = arith.cmpi slt, %jit3A, %sign3A_274 : i32
      %sign3A_276 = arith.extui %sign3A_275 : i1 to i32
      %sign3A_277 = arith.subi %sign3A_273, %sign3A_276 : i32
      %ne3A = arith.cmpi ne, %sign3A_270, %sign3A_277 : i32
      %rem3A = arith.remsi %scan3A_264, %jit3A : i32
      %ne3A_278 = arith.constant 0 : i32
      %ne3A_279 = arith.cmpi ne, %rem3A, %ne3A_278 : i32
      %and3A = arith.andi %ne3A, %ne3A_279 : i1
      %sub3A = arith.constant 1 : i32
      %sub3A_280 = arith.subi %div3A, %sub3A : i32
      %select_n3A = arith.select %and3A, %sub3A_280, %div3A : i32
      %mul3A_281 = arith.constant 8 : i32
      %mul3A_282 = arith.muli %select_n3A, %mul3A_281 : i32
      %sub3A_283 = arith.subi %scan3A_264, %mul3A_282 : i32
      %rem3A_284 = arith.constant 3 : i32
      %rem3A_285 = arith.remsi %select_n3A, %rem3A_284 : i32
      %rem3A_286 = arith.constant 5 : i32
      %rem3A_287 = arith.remsi %scan3A_264, %rem3A_286 : i32
      %lt3A = arith.constant 400 : i32
      %lt3A_288 = arith.cmpi slt, %scan3A_264, %lt3A : i32
      %eq3A = arith.constant 0 : i32
      %eq3A_289 = arith.cmpi eq, %sub3A_283, %eq3A : i32
      %and3A_290 = arith.andi %lt3A_288, %eq3A_289 : i1
      %convert_element_type3A = arith.extui %and3A_290 : i1 to i32
      %cond3A = arith.constant 0 : i32
      %cond3A_291 = arith.cmpi ne, %convert_element_type3A, %cond3A : i32
      scf.if %cond3A_291 {
        %dma_wait3A_309 = arith.constant 0 : i32
        %dma_wait3A_310 = arith.constant 0 : i32
        %dma_wait3A_311 = arith.constant 0 : i32
        %dma_wait3A_312 = tpu.memref_slice %arg6[%dma_wait3A_309, %dma_wait3A_310, %dma_wait3A_311] : memref<3x8x128xi32, #tpu.memory_space<vmem>> -> memref<1x8x128xi32, #tpu.memory_space<vmem>>
        %dma_wait3A_313 = tpu.memref_squeeze %dma_wait3A_312 : memref<1x8x128xi32, #tpu.memory_space<vmem>> -> memref<8x128xi32, #tpu.memory_space<vmem>>
        %dma_wait3A_314 = arith.constant 0 : i32
        %dma_wait3A_315 = arith.constant 0 : i32
        %dma_wait3A_316 = tpu.memref_slice %arg2[%dma_wait3A_314, %dma_wait3A_315] : memref<6400x128xi32, #tpu.memory_space<hbm>> -> memref<8x128xi32, #tpu.memory_space<hbm>>
        %dma_wait3A_317 = arith.constant 0 : i32
        %dma_wait3A_318 = arith.constant 0 : i32
        %dma_wait3A_319 = tpu.memref_slice %arg6[%dma_wait3A_309, %dma_wait3A_317, %dma_wait3A_318] : memref<3x8x128xi32, #tpu.memory_space<vmem>> -> memref<1x8x128xi32, #tpu.memory_space<vmem>>
        %dma_wait3A_320 = tpu.memref_squeeze %dma_wait3A_319 : memref<1x8x128xi32, #tpu.memory_space<vmem>> -> memref<8x128xi32, #tpu.memory_space<vmem>>
        %dma_wait3A_321 = arith.constant 0 : i32
        %dma_wait3A_322 = arith.constant 0 : i32
        %dma_wait3A_323 = tpu.memref_slice %arg2[%dma_wait3A_321, %dma_wait3A_322] : memref<6400x128xi32, #tpu.memory_space<hbm>> -> memref<8x128xi32, #tpu.memory_space<hbm>>
        tpu.wait_dma2 semaphore(%arg9 : memref<!tpu.dma_semaphore, #tpu.memory_space<semaphore_mem>>) src(%dma_wait3A_323 : memref<8x128xi32, #tpu.memory_space<hbm>>) dst(%dma_wait3A_320 : memref<8x128xi32, #tpu.memory_space<vmem>>)
        %dma_wait3A_324 = arith.constant 0 : i32
        %dma_wait3A_325 = arith.constant 0 : i32
        %dma_wait3A_326 = arith.constant 0 : i32
        %dma_wait3A_327 = tpu.memref_slice %arg6[%dma_wait3A_324, %dma_wait3A_325, %dma_wait3A_326] : memref<3x8x128xi32, #tpu.memory_space<vmem>> -> memref<1x8x128xi32, #tpu.memory_space<vmem>>
        %dma_wait3A_328 = tpu.memref_squeeze %dma_wait3A_327 : memref<1x8x128xi32, #tpu.memory_space<vmem>> -> memref<8x128xi32, #tpu.memory_space<vmem>>
        %dma_wait3A_329 = arith.constant 0 : i32
        %dma_wait3A_330 = arith.constant 0 : i32
        %dma_wait3A_331 = tpu.memref_slice %arg2[%dma_wait3A_329, %dma_wait3A_330] : memref<6400x128xi32, #tpu.memory_space<hbm>> -> memref<8x128xi32, #tpu.memory_space<hbm>>
        %dma_wait3A_332 = arith.constant 0 : i32
        %dma_wait3A_333 = arith.constant 0 : i32
        %dma_wait3A_334 = tpu.memref_slice %arg6[%dma_wait3A_324, %dma_wait3A_332, %dma_wait3A_333] : memref<3x8x128xi32, #tpu.memory_space<vmem>> -> memref<1x8x128xi32, #tpu.memory_space<vmem>>
        %dma_wait3A_335 = tpu.memref_squeeze %dma_wait3A_334 : memref<1x8x128xi32, #tpu.memory_space<vmem>> -> memref<8x128xi32, #tpu.memory_space<vmem>>
        %dma_wait3A_336 = arith.constant 0 : i32
        %dma_wait3A_337 = arith.constant 0 : i32
        %dma_wait3A_338 = tpu.memref_slice %arg2[%dma_wait3A_336, %dma_wait3A_337] : memref<6400x128xi32, #tpu.memory_space<hbm>> -> memref<8x128xi32, #tpu.memory_space<hbm>>
        tpu.wait_dma2 semaphore(%arg9 : memref<!tpu.dma_semaphore, #tpu.memory_space<semaphore_mem>>) src(%dma_wait3A_338 : memref<8x128xi32, #tpu.memory_space<hbm>>) dst(%dma_wait3A_335 : memref<8x128xi32, #tpu.memory_space<vmem>>)
        %scan3A_339 = arith.constant 0 : i32
        %scan3A_340 = arith.constant 8 : i32
        %scan3A_341 = arith.addi %scan3A_339, %scan3A_340 : i32
        %scan3A_342 = arith.constant 1 : i32
        scf.for %scan3A_351 = %scan3A_339 to %scan3A_341 step %scan3A_342  : i32 {
          %get3A = arith.index_cast %rem3A_285 : i32 to index
          %get3A_352 = arith.index_cast %scan3A_351 : i32 to index
          %get3A_353 = arith.constant 0 : index
          %get3A_354 = tpu.vector_load %arg7[%get3A, %get3A_352, %get3A_353] {strides = array<i32>} : memref<3x8x128xi32, #tpu.memory_space<vmem>>, vector<1x1x16xi32>,
          %get3A_355 = vector.shape_cast %get3A_354 : vector<1x1x16xi32> to vector<16xi32>
          %add3A_356 = vector.broadcast %mul3A_3 : i32 to vector<16xi32>
          %add3A_357 = arith.addi %get3A_355, %add3A_356 : vector<16xi32>
          %swap3A = arith.index_cast %rem3A_285 : i32 to index
          %swap3A_358 = arith.index_cast %scan3A_351 : i32 to index
          %swap3A_359 = arith.constant 0 : index
          %swap3A_360 = tpu.vector_load %arg7[%swap3A, %swap3A_358, %swap3A_359] {strides = array<i32>} : memref<3x8x128xi32, #tpu.memory_space<vmem>>, vector<1x1x16xi32>,
          %swap3A_361 = vector.shape_cast %swap3A_360 : vector<1x1x16xi32> to vector<16xi32>
          %swap3A_362 = vector.shape_cast %add3A_357 : vector<16xi32> to vector<1x1x16xi32>
          tpu.vector_store %arg7[%swap3A, %swap3A_358, %swap3A_359], %swap3A_362 {strides = array<i32>} : memref<3x8x128xi32, #tpu.memory_space<vmem>>, vector<1x1x16xi32>,
          %get3A_363 = arith.index_cast %rem3A_285 : i32 to index
          %get3A_364 = arith.index_cast %scan3A_351 : i32 to index
          %get3A_365 = arith.constant 16 : index
          %get3A_366 = tpu.vector_load %arg7[%get3A_363, %get3A_364, %get3A_365] {strides = array<i32>} : memref<3x8x128xi32, #tpu.memory_space<vmem>>, vector<1x1x16xi32>,
          %get3A_367 = vector.shape_cast %get3A_366 : vector<1x1x16xi32> to vector<16xi32>
          %add3A_368 = vector.broadcast %mul3A_3 : i32 to vector<16xi32>
          %add3A_369 = arith.addi %get3A_367, %add3A_368 : vector<16xi32>
          %swap3A_370 = arith.index_cast %rem3A_285 : i32 to index
          %swap3A_371 = arith.index_cast %scan3A_351 : i32 to index
          %swap3A_372 = arith.constant 16 : index
          %swap3A_373 = tpu.vector_load %arg7[%swap3A_370, %swap3A_371, %swap3A_372] {strides = array<i32>} : memref<3x8x128xi32, #tpu.memory_space<vmem>>, vector<1x1x16xi32>,
          %swap3A_374 = vector.shape_cast %swap3A_373 : vector<1x1x16xi32> to vector<16xi32>
          %swap3A_375 = vector.shape_cast %add3A_369 : vector<16xi32> to vector<1x1x16xi32>
          tpu.vector_store %arg7[%swap3A_370, %swap3A_371, %swap3A_372], %swap3A_375 {strides = array<i32>} : memref<3x8x128xi32, #tpu.memory_space<vmem>>, vector<1x1x16xi32>,
          %get3A_376 = arith.index_cast %rem3A_285 : i32 to index
          %get3A_377 = arith.index_cast %scan3A_351 : i32 to index
          %get3A_378 = arith.constant 32 : index
          %get3A_379 = tpu.vector_load %arg7[%get3A_376, %get3A_377, %get3A_378] {strides = array<i32>} : memref<3x8x128xi32, #tpu.memory_space<vmem>>, vector<1x1x16xi32>,
          %get3A_380 = vector.shape_cast %get3A_379 : vector<1x1x16xi32> to vector<16xi32>
          %add3A_381 = vector.broadcast %mul3A_3 : i32 to vector<16xi32>
          %add3A_382 = arith.addi %get3A_380, %add3A_381 : vector<16xi32>
          %swap3A_383 = arith.index_cast %rem3A_285 : i32 to index
          %swap3A_384 = arith.index_cast %scan3A_351 : i32 to index
          %swap3A_385 = arith.constant 32 : index
          %swap3A_386 = tpu.vector_load %arg7[%swap3A_383, %swap3A_384, %swap3A_385] {strides = array<i32>} : memref<3x8x128xi32, #tpu.memory_space<vmem>>, vector<1x1x16xi32>,
          %swap3A_387 = vector.shape_cast %swap3A_386 : vector<1x1x16xi32> to vector<16xi32>
          %swap3A_388 = vector.shape_cast %add3A_382 : vector<16xi32> to vector<1x1x16xi32>
          tpu.vector_store %arg7[%swap3A_383, %swap3A_384, %swap3A_385], %swap3A_388 {strides = array<i32>} : memref<3x8x128xi32, #tpu.memory_space<vmem>>, vector<1x1x16xi32>,
          %get3A_389 = arith.index_cast %rem3A_285 : i32 to index
          %get3A_390 = arith.index_cast %scan3A_351 : i32 to index
          %get3A_391 = arith.constant 48 : index
          %get3A_392 = tpu.vector_load %arg7[%get3A_389, %get3A_390, %get3A_391] {strides = array<i32>} : memref<3x8x128xi32, #tpu.memory_space<vmem>>, vector<1x1x16xi32>,
          %get3A_393 = vector.shape_cast %get3A_392 : vector<1x1x16xi32> to vector<16xi32>
          %add3A_394 = vector.broadcast %mul3A_3 : i32 to vector<16xi32>
          %add3A_395 = arith.addi %get3A_393, %add3A_394 : vector<16xi32>
          %swap3A_396 = arith.index_cast %rem3A_285 : i32 to index
          %swap3A_397 = arith.index_cast %scan3A_351 : i32 to index
          %swap3A_398 = arith.constant 48 : index
          %swap3A_399 = tpu.vector_load %arg7[%swap3A_396, %swap3A_397, %swap3A_398] {strides = array<i32>} : memref<3x8x128xi32, #tpu.memory_space<vmem>>, vector<1x1x16xi32>,
          %swap3A_400 = vector.shape_cast %swap3A_399 : vector<1x1x16xi32> to vector<16xi32>
          %swap3A_401 = vector.shape_cast %add3A_395 : vector<16xi32> to vector<1x1x16xi32>
          tpu.vector_store %arg7[%swap3A_396, %swap3A_397, %swap3A_398], %swap3A_401 {strides = array<i32>} : memref<3x8x128xi32, #tpu.memory_space<vmem>>, vector<1x1x16xi32>,
          %get3A_402 = arith.index_cast %rem3A_285 : i32 to index
          %get3A_403 = arith.index_cast %scan3A_351 : i32 to index
          %get3A_404 = arith.constant 64 : index
          %get3A_405 = tpu.vector_load %arg7[%get3A_402, %get3A_403, %get3A_404] {strides = array<i32>} : memref<3x8x128xi32, #tpu.memory_space<vmem>>, vector<1x1x16xi32>,
          %get3A_406 = vector.shape_cast %get3A_405 : vector<1x1x16xi32> to vector<16xi32>
          %add3A_407 = vector.broadcast %mul3A_3 : i32 to vector<16xi32>
          %add3A_408 = arith.addi %get3A_406, %add3A_407 : vector<16xi32>
          %swap3A_409 = arith.index_cast %rem3A_285 : i32 to index
          %swap3A_410 = arith.index_cast %scan3A_351 : i32 to index
          %swap3A_411 = arith.constant 64 : index
          %swap3A_412 = tpu.vector_load %arg7[%swap3A_409, %swap3A_410, %swap3A_411] {strides = array<i32>} : memref<3x8x128xi32, #tpu.memory_space<vmem>>, vector<1x1x16xi32>,
          %swap3A_413 = vector.shape_cast %swap3A_412 : vector<1x1x16xi32> to vector<16xi32>
          %swap3A_414 = vector.shape_cast %add3A_408 : vector<16xi32> to vector<1x1x16xi32>
          tpu.vector_store %arg7[%swap3A_409, %swap3A_410, %swap3A_411], %swap3A_414 {strides = array<i32>} : memref<3x8x128xi32, #tpu.memory_space<vmem>>, vector<1x1x16xi32>,
          %get3A_415 = arith.index_cast %rem3A_285 : i32 to index
          %get3A_416 = arith.index_cast %scan3A_351 : i32 to index
          %get3A_417 = arith.constant 80 : index
          %get3A_418 = tpu.vector_load %arg7[%get3A_415, %get3A_416, %get3A_417] {strides = array<i32>} : memref<3x8x128xi32, #tpu.memory_space<vmem>>, vector<1x1x16xi32>,
          %get3A_419 = vector.shape_cast %get3A_418 : vector<1x1x16xi32> to vector<16xi32>
          %add3A_420 = vector.broadcast %mul3A_3 : i32 to vector<16xi32>
          %add3A_421 = arith.addi %get3A_419, %add3A_420 : vector<16xi32>
          %swap3A_422 = arith.index_cast %rem3A_285 : i32 to index
          %swap3A_423 = arith.index_cast %scan3A_351 : i32 to index
          %swap3A_424 = arith.constant 80 : index
          %swap3A_425 = tpu.vector_load %arg7[%swap3A_422, %swap3A_423, %swap3A_424] {strides = array<i32>} : memref<3x8x128xi32, #tpu.memory_space<vmem>>, vector<1x1x16xi32>,
          %swap3A_426 = vector.shape_cast %swap3A_425 : vector<1x1x16xi32> to vector<16xi32>
          %swap3A_427 = vector.shape_cast %add3A_421 : vector<16xi32> to vector<1x1x16xi32>
          tpu.vector_store %arg7[%swap3A_422, %swap3A_423, %swap3A_424], %swap3A_427 {strides = array<i32>} : memref<3x8x128xi32, #tpu.memory_space<vmem>>, vector<1x1x16xi32>,
          %get3A_428 = arith.index_cast %rem3A_285 : i32 to index
          %get3A_429 = arith.index_cast %scan3A_351 : i32 to index
          %get3A_430 = arith.constant 96 : index
          %get3A_431 = tpu.vector_load %arg7[%get3A_428, %get3A_429, %get3A_430] {strides = array<i32>} : memref<3x8x128xi32, #tpu.memory_space<vmem>>, vector<1x1x16xi32>,
          %get3A_432 = vector.shape_cast %get3A_431 : vector<1x1x16xi32> to vector<16xi32>
          %add3A_433 = vector.broadcast %mul3A_3 : i32 to vector<16xi32>
          %add3A_434 = arith.addi %get3A_432, %add3A_433 : vector<16xi32>
          %swap3A_435 = arith.index_cast %rem3A_285 : i32 to index
          %swap3A_436 = arith.index_cast %scan3A_351 : i32 to index
          %swap3A_437 = arith.constant 96 : index
          %swap3A_438 = tpu.vector_load %arg7[%swap3A_435, %swap3A_436, %swap3A_437] {strides = array<i32>} : memref<3x8x128xi32, #tpu.memory_space<vmem>>, vector<1x1x16xi32>,
          %swap3A_439 = vector.shape_cast %swap3A_438 : vector<1x1x16xi32> to vector<16xi32>
          %swap3A_440 = vector.shape_cast %add3A_434 : vector<16xi32> to vector<1x1x16xi32>
          tpu.vector_store %arg7[%swap3A_435, %swap3A_436, %swap3A_437], %swap3A_440 {strides = array<i32>} : memref<3x8x128xi32, #tpu.memory_space<vmem>>, vector<1x1x16xi32>,
          %get3A_441 = arith.index_cast %rem3A_285 : i32 to index
          %get3A_442 = arith.index_cast %scan3A_351 : i32 to index
          %get3A_443 = arith.constant 112 : index
          %get3A_444 = tpu.vector_load %arg7[%get3A_441, %get3A_442, %get3A_443] {strides = array<i32>} : memref<3x8x128xi32, #tpu.memory_space<vmem>>, vector<1x1x16xi32>,
          %get3A_445 = vector.shape_cast %get3A_444 : vector<1x1x16xi32> to vector<16xi32>
          %add3A_446 = vector.broadcast %mul3A_3 : i32 to vector<16xi32>
          %add3A_447 = arith.addi %get3A_445, %add3A_446 : vector<16xi32>
          %swap3A_448 = arith.index_cast %rem3A_285 : i32 to index
          %swap3A_449 = arith.index_cast %scan3A_351 : i32 to index
          %swap3A_450 = arith.constant 112 : index
          %swap3A_451 = tpu.vector_load %arg7[%swap3A_448, %swap3A_449, %swap3A_450] {strides = array<i32>} : memref<3x8x128xi32, #tpu.memory_space<vmem>>, vector<1x1x16xi32>,
          %swap3A_452 = vector.shape_cast %swap3A_451 : vector<1x1x16xi32> to vector<16xi32>
          %swap3A_453 = vector.shape_cast %add3A_447 : vector<16xi32> to vector<1x1x16xi32>
          tpu.vector_store %arg7[%swap3A_448, %swap3A_449, %swap3A_450], %swap3A_453 {strides = array<i32>} : memref<3x8x128xi32, #tpu.memory_space<vmem>>, vector<1x1x16xi32>,
        }
        %scan3A_343 = arith.constant 8 : i32
        %add3A_344 = arith.constant 1 : i32
        %add3A_345 = arith.addi %select_n3A, %add3A_344 : i32
        %lt3A_346 = arith.constant 50 : i32
        %lt3A_347 = arith.cmpi slt, %add3A_345, %lt3A_346 : i32
        %convert_element_type3A_348 = arith.extui %lt3A_347 : i1 to i32
        %cond3A_349 = arith.constant 0 : i32
        %cond3A_350 = arith.cmpi ne, %convert_element_type3A_348, %cond3A_349 : i32
        scf.if %cond3A_350 {
          %mul3A_351 = arith.constant 50 : i32
          %mul3A_352 = arith.muli %arg1, %mul3A_351 : i32
          %add3A_353 = arith.addi %mul3A_352, %select_n3A : i32
          %add3A_354 = arith.constant 1 : i32
          %add3A_355 = arith.addi %add3A_353, %add3A_354 : i32
          %mul3A_356 = arith.constant 8 : i32
          %mul3A_357 = arith.muli %add3A_355, %mul3A_356 : i32
          %add3A_358 = arith.constant 1 : i32
          %add3A_359 = arith.addi %select_n3A, %add3A_358 : i32
          %rem3A_360 = arith.constant 3 : i32
          %rem3A_361 = arith.remsi %add3A_359, %rem3A_360 : i32
          %dma_start3A_362 = arith.constant 0 : i32
          %dma_start3A_363 = arith.constant 0 : i32
          %dma_start3A_364 = tpu.memref_slice %arg6[%rem3A_361, %dma_start3A_362, %dma_start3A_363] : memref<3x8x128xi32, #tpu.memory_space<vmem>> -> memref<1x8x128xi32, #tpu.memory_space<vmem>>
          %dma_start3A_365 = tpu.memref_squeeze %dma_start3A_364 : memref<1x8x128xi32, #tpu.memory_space<vmem>> -> memref<8x128xi32, #tpu.memory_space<vmem>>
          %dma_start3A_366 = arith.constant 0 : i32
          %dma_start3A_367 = tpu.memref_slice %arg2[%mul3A_357, %dma_start3A_366] : memref<6400x128xi32, #tpu.memory_space<hbm>> -> memref<8x128xi32, #tpu.memory_space<hbm>>
          %dma_start3A_368 = arith.constant 0 : i32
          %dma_start3A_369 = arith.constant 0 : i32
          %dma_start3A_370 = tpu.memref_slice %arg6[%rem3A_361, %dma_start3A_368, %dma_start3A_369] : memref<3x8x128xi32, #tpu.memory_space<vmem>> -> memref<1x8x128xi32, #tpu.memory_space<vmem>>
          %dma_start3A_371 = tpu.memref_squeeze %dma_start3A_370 : memref<1x8x128xi32, #tpu.memory_space<vmem>> -> memref<8x128xi32, #tpu.memory_space<vmem>>
          %dma_start3A_372 = arith.constant 0 : i32
          %dma_start3A_373 = tpu.memref_slice %arg2[%mul3A_357, %dma_start3A_372] : memref<6400x128xi32, #tpu.memory_space<hbm>> -> memref<8x128xi32, #tpu.memory_space<hbm>>
          tpu.enqueue_dma source(%dma_start3A_373 : memref<8x128xi32, #tpu.memory_space<hbm>>) target(%dma_start3A_371 : memref<8x128xi32, #tpu.memory_space<vmem>>) target_semaphore(%arg9 : memref<!tpu.dma_semaphore, #tpu.memory_space<semaphore_mem>>)
          %dma_start3A_374 = arith.constant 0 : i32
          %dma_start3A_375 = arith.constant 0 : i32
          %dma_start3A_376 = tpu.memref_slice %arg7[%rem3A_361, %dma_start3A_374, %dma_start3A_375] : memref<3x8x128xi32, #tpu.memory_space<vmem>> -> memref<1x8x128xi32, #tpu.memory_space<vmem>>
          %dma_start3A_377 = tpu.memref_squeeze %dma_start3A_376 : memref<1x8x128xi32, #tpu.memory_space<vmem>> -> memref<8x128xi32, #tpu.memory_space<vmem>>
          %dma_start3A_378 = arith.constant 0 : i32
          %dma_start3A_379 = tpu.memref_slice %arg3[%mul3A_357, %dma_start3A_378] : memref<6400x128xi32, #tpu.memory_space<hbm>> -> memref<8x128xi32, #tpu.memory_space<hbm>>
          %dma_start3A_380 = arith.constant 0 : i32
          %dma_start3A_381 = arith.constant 0 : i32
          %dma_start3A_382 = tpu.memref_slice %arg7[%rem3A_361, %dma_start3A_380, %dma_start3A_381] : memref<3x8x128xi32, #tpu.memory_space<vmem>> -> memref<1x8x128xi32, #tpu.memory_space<vmem>>
          %dma_start3A_383 = tpu.memref_squeeze %dma_start3A_382 : memref<1x8x128xi32, #tpu.memory_space<vmem>> -> memref<8x128xi32, #tpu.memory_space<vmem>>
          %dma_start3A_384 = arith.constant 0 : i32
          %dma_start3A_385 = tpu.memref_slice %arg3[%mul3A_357, %dma_start3A_384] : memref<6400x128xi32, #tpu.memory_space<hbm>> -> memref<8x128xi32, #tpu.memory_space<hbm>>
          tpu.enqueue_dma source(%dma_start3A_385 : memref<8x128xi32, #tpu.memory_space<hbm>>) target(%dma_start3A_383 : memref<8x128xi32, #tpu.memory_space<vmem>>) target_semaphore(%arg9 : memref<!tpu.dma_semaphore, #tpu.memory_space<semaphore_mem>>)
        } else {
        }
      } else {
      }
      %ge3A = arith.constant 5 : i32
      %ge3A_292 = arith.cmpi sge, %scan3A_264, %ge3A : i32
      %lt3A_293 = arith.constant 400 : i32
      %lt3A_294 = arith.cmpi slt, %scan3A_264, %lt3A_293 : i32
      %and3A_295 = arith.andi %ge3A_292, %lt3A_294 : i1
      %convert_element_type3A_296 = arith.extui %and3A_295 : i1 to i32
      %cond3A_297 = arith.constant 0 : i32
      %cond3A_298 = arith.cmpi ne, %convert_element_type3A_296, %cond3A_297 : i32
      scf.if %cond3A_298 {
        %dma_wait3A_309 = arith.constant 0 : i32
        %dma_wait3A_310 = arith.constant 0 : i32
        %dma_wait3A_311 = arith.constant 0 : i32
        %dma_wait3A_312 = tpu.memref_slice %arg8[%dma_wait3A_309, %dma_wait3A_310, %dma_wait3A_311] : memref<5x128x32xf32, #tpu.memory_space<vmem>> -> memref<1x128x32xf32, #tpu.memory_space<vmem>>
        %dma_wait3A_313 = tpu.memref_squeeze %dma_wait3A_312 : memref<1x128x32xf32, #tpu.memory_space<vmem>> -> memref<128x32xf32, #tpu.memory_space<vmem>>
        %dma_wait3A_314 = arith.constant 0 : i32
        %dma_wait3A_315 = arith.constant 0 : i32
        %dma_wait3A_316 = tpu.memref_slice %arg4[%dma_wait3A_314, %dma_wait3A_315] : memref<200000x32xf32, #tpu.memory_space<hbm>> -> memref<128x32xf32, #tpu.memory_space<hbm>>
        %dma_wait3A_317 = arith.constant 0 : i32
        %dma_wait3A_318 = arith.constant 0 : i32
        %dma_wait3A_319 = tpu.memref_slice %arg8[%dma_wait3A_309, %dma_wait3A_317, %dma_wait3A_318] : memref<5x128x32xf32, #tpu.memory_space<vmem>> -> memref<1x128x32xf32, #tpu.memory_space<vmem>>
        %dma_wait3A_320 = tpu.memref_squeeze %dma_wait3A_319 : memref<1x128x32xf32, #tpu.memory_space<vmem>> -> memref<128x32xf32, #tpu.memory_space<vmem>>
        %dma_wait3A_321 = arith.constant 0 : i32
        %dma_wait3A_322 = arith.constant 0 : i32
        %dma_wait3A_323 = tpu.memref_slice %arg4[%dma_wait3A_321, %dma_wait3A_322] : memref<200000x32xf32, #tpu.memory_space<hbm>> -> memref<128x32xf32, #tpu.memory_space<hbm>>
        tpu.wait_dma2 semaphore(%arg11 : memref<!tpu.dma_semaphore, #tpu.memory_space<semaphore_mem>>) src(%dma_wait3A_323 : memref<128x32xf32, #tpu.memory_space<hbm>>) dst(%dma_wait3A_320 : memref<128x32xf32, #tpu.memory_space<vmem>>)
      } else {
      }
      %lt3A_299 = arith.constant 400 : i32
      %lt3A_300 = arith.cmpi slt, %scan3A_264, %lt3A_299 : i32
      %convert_element_type3A_301 = arith.extui %lt3A_300 : i1 to i32
      %cond3A_302 = arith.constant 0 : i32
      %cond3A_303 = arith.cmpi ne, %convert_element_type3A_301, %cond3A_302 : i32
      scf.if %cond3A_303 {
        %dma_start3A_309 = arith.constant 0 : i32
        %dma_start3A_310 = arith.constant 0 : i32
        %dma_start3A_311 = tpu.memref_slice %arg8[%rem3A_287, %dma_start3A_309, %dma_start3A_310] : memref<5x128x32xf32, #tpu.memory_space<vmem>> -> memref<1x128x32xf32, #tpu.memory_space<vmem>>
        %dma_start3A_312 = tpu.memref_squeeze %dma_start3A_311 : memref<1x128x32xf32, #tpu.memory_space<vmem>> -> memref<128x32xf32, #tpu.memory_space<vmem>>
        %dma_start3A_313 = arith.constant 0 : i32
        %dma_start3A_314 = tpu.memref_slice %arg7[%rem3A_285, %sub3A_283, %dma_start3A_313] : memref<3x8x128xi32, #tpu.memory_space<vmem>> -> memref<1x1x128xi32, #tpu.memory_space<vmem>>
        %dma_start3A_315 = tpu.memref_squeeze %dma_start3A_314 : memref<1x1x128xi32, #tpu.memory_space<vmem>> -> memref<128xi32, #tpu.memory_space<vmem>>
        %dma_start3A_316 = arith.constant 0 : i32
        %dma_start3A_317 = arith.constant 0 : i32
        %dma_start3A_318 = tpu.memref_slice %arg4[%dma_start3A_316, %dma_start3A_317] : memref<200000x32xf32, #tpu.memory_space<hbm>> -> memref<200000x32xf32, #tpu.memory_space<hbm>>
        tpu.enqueue_indirect_dma source(%dma_start3A_318 : memref<200000x32xf32, #tpu.memory_space<hbm>>) target(%dma_start3A_312 : memref<128x32xf32, #tpu.memory_space<vmem>>) offsets(%dma_start3A_315 : memref<128xi32, #tpu.memory_space<vmem>>) semaphore(%arg10 : memref<!tpu.dma_semaphore, #tpu.memory_space<semaphore_mem>>)
      } else {
      }
      %ge3A_304 = arith.constant 3 : i32
      %ge3A_305 = arith.cmpi sge, %scan3A_264, %ge3A_304 : i32
      %convert_element_type3A_306 = arith.extui %ge3A_305 : i1 to i32
      %cond3A_307 = arith.constant 0 : i32
      %cond3A_308 = arith.cmpi ne, %convert_element_type3A_306, %cond3A_307 : i32
      scf.if %cond3A_308 {
        %sub3A_309 = arith.constant 3 : i32
        %sub3A_310 = arith.subi %scan3A_264, %sub3A_309 : i32
        %jit3A_311 = arith.constant 8 : i32
        %div3A_312 = arith.divsi %sub3A_310, %jit3A_311 : i32
        %sign3A_313 = arith.constant 0 : i32
        %sign3A_314 = arith.cmpi sgt, %sub3A_310, %sign3A_313 : i32
        %sign3A_315 = arith.extui %sign3A_314 : i1 to i32
        %sign3A_316 = arith.constant 0 : i32
        %sign3A_317 = arith.cmpi slt, %sub3A_310, %sign3A_316 : i32
        %sign3A_318 = arith.extui %sign3A_317 : i1 to i32
        %sign3A_319 = arith.subi %sign3A_315, %sign3A_318 : i32
        %sign3A_320 = arith.constant 0 : i32
        %sign3A_321 = arith.cmpi sgt, %jit3A_311, %sign3A_320 : i32
        %sign3A_322 = arith.extui %sign3A_321 : i1 to i32
        %sign3A_323 = arith.constant 0 : i32
        %sign3A_324 = arith.cmpi slt, %jit3A_311, %sign3A_323 : i32
        %sign3A_325 = arith.extui %sign3A_324 : i1 to i32
        %sign3A_326 = arith.subi %sign3A_322, %sign3A_325 : i32
        %ne3A_327 = arith.cmpi ne, %sign3A_319, %sign3A_326 : i32
        %rem3A_328 = arith.remsi %sub3A_310, %jit3A_311 : i32
        %ne3A_329 = arith.constant 0 : i32
        %ne3A_330 = arith.cmpi ne, %rem3A_328, %ne3A_329 : i32
        %and3A_331 = arith.andi %ne3A_327, %ne3A_330 : i1
        %sub3A_332 = arith.constant 1 : i32
        %sub3A_333 = arith.subi %div3A_312, %sub3A_332 : i32
        %select_n3A_334 = arith.select %and3A_331, %sub3A_333, %div3A_312 : i32
        %mul3A_335 = arith.constant 8 : i32
        %mul3A_336 = arith.muli %select_n3A_334, %mul3A_335 : i32
        %sub3A_337 = arith.subi %sub3A_310, %mul3A_336 : i32
        %rem3A_338 = arith.constant 3 : i32
        %rem3A_339 = arith.remsi %select_n3A_334, %rem3A_338 : i32
        %rem3A_340 = arith.constant 5 : i32
        %rem3A_341 = arith.remsi %sub3A_310, %rem3A_340 : i32
        %dma_wait3A_342 = arith.constant 0 : i32
        %dma_wait3A_343 = arith.constant 0 : i32
        %dma_wait3A_344 = arith.constant 0 : i32
        %dma_wait3A_345 = tpu.memref_slice %arg8[%dma_wait3A_342, %dma_wait3A_343, %dma_wait3A_344] : memref<5x128x32xf32, #tpu.memory_space<vmem>> -> memref<1x128x32xf32, #tpu.memory_space<vmem>>
        %dma_wait3A_346 = tpu.memref_squeeze %dma_wait3A_345 : memref<1x128x32xf32, #tpu.memory_space<vmem>> -> memref<128x32xf32, #tpu.memory_space<vmem>>
        %dma_wait3A_347 = arith.constant 0 : i32
        %dma_wait3A_348 = arith.constant 0 : i32
        %dma_wait3A_349 = tpu.memref_slice %arg4[%dma_wait3A_347, %dma_wait3A_348] : memref<200000x32xf32, #tpu.memory_space<hbm>> -> memref<128x32xf32, #tpu.memory_space<hbm>>
        %dma_wait3A_350 = arith.constant 0 : i32
        %dma_wait3A_351 = arith.constant 0 : i32
        %dma_wait3A_352 = tpu.memref_slice %arg8[%dma_wait3A_342, %dma_wait3A_350, %dma_wait3A_351] : memref<5x128x32xf32, #tpu.memory_space<vmem>> -> memref<1x128x32xf32, #tpu.memory_space<vmem>>
        %dma_wait3A_353 = tpu.memref_squeeze %dma_wait3A_352 : memref<1x128x32xf32, #tpu.memory_space<vmem>> -> memref<128x32xf32, #tpu.memory_space<vmem>>
        %dma_wait3A_354 = arith.constant 0 : i32
        %dma_wait3A_355 = arith.constant 0 : i32
        %dma_wait3A_356 = tpu.memref_slice %arg4[%dma_wait3A_354, %dma_wait3A_355] : memref<200000x32xf32, #tpu.memory_space<hbm>> -> memref<128x32xf32, #tpu.memory_space<hbm>>
        tpu.wait_dma2 semaphore(%arg10 : memref<!tpu.dma_semaphore, #tpu.memory_space<semaphore_mem>>) src(%dma_wait3A_356 : memref<128x32xf32, #tpu.memory_space<hbm>>) dst(%dma_wait3A_353 : memref<128x32xf32, #tpu.memory_space<vmem>>)
        %dma_start3A_357 = arith.constant 0 : i32
        %dma_start3A_358 = arith.constant 0 : i32
        %dma_start3A_359 = tpu.memref_slice %arg8[%rem3A_341, %dma_start3A_357, %dma_start3A_358] : memref<5x128x32xf32, #tpu.memory_space<vmem>> -> memref<1x128x32xf32, #tpu.memory_space<vmem>>
        %dma_start3A_360 = tpu.memref_squeeze %dma_start3A_359 : memref<1x128x32xf32, #tpu.memory_space<vmem>> -> memref<128x32xf32, #tpu.memory_space<vmem>>
        %dma_start3A_361 = arith.constant 0 : i32
        %dma_start3A_362 = tpu.memref_slice %arg6[%rem3A_339, %sub3A_337, %dma_start3A_361] : memref<3x8x128xi32, #tpu.memory_space<vmem>> -> memref<1x1x128xi32, #tpu.memory_space<vmem>>
        %dma_start3A_363 = tpu.memref_squeeze %dma_start3A_362 : memref<1x1x128xi32, #tpu.memory_space<vmem>> -> memref<128xi32, #tpu.memory_space<vmem>>
        %dma_start3A_364 = arith.constant 0 : i32
        %dma_start3A_365 = arith.constant 0 : i32
        %dma_start3A_366 = tpu.memref_slice %arg12[%dma_start3A_364, %dma_start3A_365] : memref<51200x32xf32, #tpu.memory_space<vmem_shared>> -> memref<51200x32xf32, #tpu.memory_space<vmem_shared>>
        tpu.enqueue_indirect_dma source(%dma_start3A_360 : memref<128x32xf32, #tpu.memory_space<vmem>>) target(%dma_start3A_366 : memref<51200x32xf32, #tpu.memory_space<vmem_shared>>) offsets(%dma_start3A_363 : memref<128xi32, #tpu.memory_space<vmem>>) semaphore(%arg11 : memref<!tpu.dma_semaphore, #tpu.memory_space<semaphore_mem>>) {add = true}
      } else {
      }
    }
    %scan3A_46 = arith.constant 403 : i32
    %dma_wait3A = arith.constant 0 : i32
    %dma_wait3A_47 = arith.constant 0 : i32
    %dma_wait3A_48 = arith.constant 0 : i32
    %dma_wait3A_49 = tpu.memref_slice %arg8[%dma_wait3A, %dma_wait3A_47, %dma_wait3A_48] : memref<5x128x32xf32, #tpu.memory_space<vmem>> -> memref<1x128x32xf32, #tpu.memory_space<vmem>>
    %dma_wait3A_50 = tpu.memref_squeeze %dma_wait3A_49 : memref<1x128x32xf32, #tpu.memory_space<vmem>> -> memref<128x32xf32, #tpu.memory_space<vmem>>
    %dma_wait3A_51 = arith.constant 0 : i32
    %dma_wait3A_52 = arith.constant 0 : i32
    %dma_wait3A_53 = tpu.memref_slice %arg4[%dma_wait3A_51, %dma_wait3A_52] : memref<200000x32xf32, #tpu.memory_space<hbm>> -> memref<128x32xf32, #tpu.memory_space<hbm>>
    %dma_wait3A_54 = arith.constant 0 : i32
    %dma_wait3A_55 = arith.constant 0 : i32
    %dma_wait3A_56 = tpu.memref_slice %arg8[%dma_wait3A, %dma_wait3A_54, %dma_wait3A_55] : memref<5x128x32xf32, #tpu.memory_space<vmem>> -> memref<1x128x32xf32, #tpu.memory_space<vmem>>
    %dma_wait3A_57 = tpu.memref_squeeze %dma_wait3A_56 : memref<1x128x32xf32, #tpu.memory_space<vmem>> -> memref<128x32xf32, #tpu.memory_space<vmem>>
    %dma_wait3A_58 = arith.constant 0 : i32
    %dma_wait3A_59 = arith.constant 0 : i32
    %dma_wait3A_60 = tpu.memref_slice %arg4[%dma_wait3A_58, %dma_wait3A_59] : memref<200000x32xf32, #tpu.memory_space<hbm>> -> memref<128x32xf32, #tpu.memory_space<hbm>>
    tpu.wait_dma2 semaphore(%arg11 : memref<!tpu.dma_semaphore, #tpu.memory_space<semaphore_mem>>) src(%dma_wait3A_60 : memref<128x32xf32, #tpu.memory_space<hbm>>) dst(%dma_wait3A_57 : memref<128x32xf32, #tpu.memory_space<vmem>>)
    %dma_wait3A_61 = arith.constant 0 : i32
    %dma_wait3A_62 = arith.constant 0 : i32
    %dma_wait3A_63 = arith.constant 0 : i32
    %dma_wait3A_64 = tpu.memref_slice %arg8[%dma_wait3A_61, %dma_wait3A_62, %dma_wait3A_63] : memref<5x128x32xf32, #tpu.memory_space<vmem>> -> memref<1x128x32xf32, #tpu.memory_space<vmem>>
    %dma_wait3A_65 = tpu.memref_squeeze %dma_wait3A_64 : memref<1x128x32xf32, #tpu.memory_space<vmem>> -> memref<128x32xf32, #tpu.memory_space<vmem>>
    %dma_wait3A_66 = arith.constant 0 : i32
    %dma_wait3A_67 = arith.constant 0 : i32
    %dma_wait3A_68 = tpu.memref_slice %arg4[%dma_wait3A_66, %dma_wait3A_67] : memref<200000x32xf32, #tpu.memory_space<hbm>> -> memref<128x32xf32, #tpu.memory_space<hbm>>
    %dma_wait3A_69 = arith.constant 0 : i32
    %dma_wait3A_70 = arith.constant 0 : i32
    %dma_wait3A_71 = tpu.memref_slice %arg8[%dma_wait3A_61, %dma_wait3A_69, %dma_wait3A_70] : memref<5x128x32xf32, #tpu.memory_space<vmem>> -> memref<1x128x32xf32, #tpu.memory_space<vmem>>
    %dma_wait3A_72 = tpu.memref_squeeze %dma_wait3A_71 : memref<1x128x32xf32, #tpu.memory_space<vmem>> -> memref<128x32xf32, #tpu.memory_space<vmem>>
    %dma_wait3A_73 = arith.constant 0 : i32
    %dma_wait3A_74 = arith.constant 0 : i32
    %dma_wait3A_75 = tpu.memref_slice %arg4[%dma_wait3A_73, %dma_wait3A_74] : memref<200000x32xf32, #tpu.memory_space<hbm>> -> memref<128x32xf32, #tpu.memory_space<hbm>>
    tpu.wait_dma2 semaphore(%arg11 : memref<!tpu.dma_semaphore, #tpu.memory_space<semaphore_mem>>) src(%dma_wait3A_75 : memref<128x32xf32, #tpu.memory_space<hbm>>) dst(%dma_wait3A_72 : memref<128x32xf32, #tpu.memory_space<vmem>>)
    %dma_wait3A_76 = arith.constant 0 : i32
    %dma_wait3A_77 = arith.constant 0 : i32
    %dma_wait3A_78 = arith.constant 0 : i32
    %dma_wait3A_79 = tpu.memref_slice %arg8[%dma_wait3A_76, %dma_wait3A_77, %dma_wait3A_78] : memref<5x128x32xf32, #tpu.memory_space<vmem>> -> memref<1x128x32xf32, #tpu.memory_space<vmem>>
    %dma_wait3A_80 = tpu.memref_squeeze %dma_wait3A_79 : memref<1x128x32xf32, #tpu.memory_space<vmem>> -> memref<128x32xf32, #tpu.memory_space<vmem>>
    %dma_wait3A_81 = arith.constant 0 : i32
    %dma_wait3A_82 = arith.constant 0 : i32
    %dma_wait3A_83 = tpu.memref_slice %arg4[%dma_wait3A_81, %dma_wait3A_82] : memref<200000x32xf32, #tpu.memory_space<hbm>> -> memref<128x32xf32, #tpu.memory_space<hbm>>
    %dma_wait3A_84 = arith.constant 0 : i32
    %dma_wait3A_85 = arith.constant 0 : i32
    %dma_wait3A_86 = tpu.memref_slice %arg8[%dma_wait3A_76, %dma_wait3A_84, %dma_wait3A_85] : memref<5x128x32xf32, #tpu.memory_space<vmem>> -> memref<1x128x32xf32, #tpu.memory_space<vmem>>
    %dma_wait3A_87 = tpu.memref_squeeze %dma_wait3A_86 : memref<1x128x32xf32, #tpu.memory_space<vmem>> -> memref<128x32xf32, #tpu.memory_space<vmem>>
    %dma_wait3A_88 = arith.constant 0 : i32
    %dma_wait3A_89 = arith.constant 0 : i32
    %dma_wait3A_90 = tpu.memref_slice %arg4[%dma_wait3A_88, %dma_wait3A_89] : memref<200000x32xf32, #tpu.memory_space<hbm>> -> memref<128x32xf32, #tpu.memory_space<hbm>>
    tpu.wait_dma2 semaphore(%arg11 : memref<!tpu.dma_semaphore, #tpu.memory_space<semaphore_mem>>) src(%dma_wait3A_90 : memref<128x32xf32, #tpu.memory_space<hbm>>) dst(%dma_wait3A_87 : memref<128x32xf32, #tpu.memory_space<vmem>>)
    %dma_wait3A_91 = arith.constant 0 : i32
    %dma_wait3A_92 = arith.constant 0 : i32
    %dma_wait3A_93 = arith.constant 0 : i32
    %dma_wait3A_94 = tpu.memref_slice %arg8[%dma_wait3A_91, %dma_wait3A_92, %dma_wait3A_93] : memref<5x128x32xf32, #tpu.memory_space<vmem>> -> memref<1x128x32xf32, #tpu.memory_space<vmem>>
    %dma_wait3A_95 = tpu.memref_squeeze %dma_wait3A_94 : memref<1x128x32xf32, #tpu.memory_space<vmem>> -> memref<128x32xf32, #tpu.memory_space<vmem>>
    %dma_wait3A_96 = arith.constant 0 : i32
    %dma_wait3A_97 = arith.constant 0 : i32
    %dma_wait3A_98 = tpu.memref_slice %arg4[%dma_wait3A_96, %dma_wait3A_97] : memref<200000x32xf32, #tpu.memory_space<hbm>> -> memref<128x32xf32, #tpu.memory_space<hbm>>
    %dma_wait3A_99 = arith.constant 0 : i32
    %dma_wait3A_100 = arith.constant 0 : i32
    %dma_wait3A_101 = tpu.memref_slice %arg8[%dma_wait3A_91, %dma_wait3A_99, %dma_wait3A_100] : memref<5x128x32xf32, #tpu.memory_space<vmem>> -> memref<1x128x32xf32, #tpu.memory_space<vmem>>
    %dma_wait3A_102 = tpu.memref_squeeze %dma_wait3A_101 : memref<1x128x32xf32, #tpu.memory_space<vmem>> -> memref<128x32xf32, #tpu.memory_space<vmem>>
    %dma_wait3A_103 = arith.constant 0 : i32
    %dma_wait3A_104 = arith.constant 0 : i32
    %dma_wait3A_105 = tpu.memref_slice %arg4[%dma_wait3A_103, %dma_wait3A_104] : memref<200000x32xf32, #tpu.memory_space<hbm>> -> memref<128x32xf32, #tpu.memory_space<hbm>>
    tpu.wait_dma2 semaphore(%arg11 : memref<!tpu.dma_semaphore, #tpu.memory_space<semaphore_mem>>) src(%dma_wait3A_105 : memref<128x32xf32, #tpu.memory_space<hbm>>) dst(%dma_wait3A_102 : memref<128x32xf32, #tpu.memory_space<vmem>>)
    %dma_wait3A_106 = arith.constant 0 : i32
    %dma_wait3A_107 = arith.constant 0 : i32
    %dma_wait3A_108 = arith.constant 0 : i32
    %dma_wait3A_109 = tpu.memref_slice %arg8[%dma_wait3A_106, %dma_wait3A_107, %dma_wait3A_108] : memref<5x128x32xf32, #tpu.memory_space<vmem>> -> memref<1x128x32xf32, #tpu.memory_space<vmem>>
    %dma_wait3A_110 = tpu.memref_squeeze %dma_wait3A_109 : memref<1x128x32xf32, #tpu.memory_space<vmem>> -> memref<128x32xf32, #tpu.memory_space<vmem>>
    %dma_wait3A_111 = arith.constant 0 : i32
    %dma_wait3A_112 = arith.constant 0 : i32
    %dma_wait3A_113 = tpu.memref_slice %arg4[%dma_wait3A_111, %dma_wait3A_112] : memref<200000x32xf32, #tpu.memory_space<hbm>> -> memref<128x32xf32, #tpu.memory_space<hbm>>
    %dma_wait3A_114 = arith.constant 0 : i32
    %dma_wait3A_115 = arith.constant 0 : i32
    %dma_wait3A_116 = tpu.memref_slice %arg8[%dma_wait3A_106, %dma_wait3A_114, %dma_wait3A_115] : memref<5x128x32xf32, #tpu.memory_space<vmem>> -> memref<1x128x32xf32, #tpu.memory_space<vmem>>
    %dma_wait3A_117 = tpu.memref_squeeze %dma_wait3A_116 : memref<1x128x32xf32, #tpu.memory_space<vmem>> -> memref<128x32xf32, #tpu.memory_space<vmem>>
    %dma_wait3A_118 = arith.constant 0 : i32
    %dma_wait3A_119 = arith.constant 0 : i32
    %dma_wait3A_120 = tpu.memref_slice %arg4[%dma_wait3A_118, %dma_wait3A_119] : memref<200000x32xf32, #tpu.memory_space<hbm>> -> memref<128x32xf32, #tpu.memory_space<hbm>>
    tpu.wait_dma2 semaphore(%arg11 : memref<!tpu.dma_semaphore, #tpu.memory_space<semaphore_mem>>) src(%dma_wait3A_120 : memref<128x32xf32, #tpu.memory_space<hbm>>) dst(%dma_wait3A_117 : memref<128x32xf32, #tpu.memory_space<vmem>>)
    %barrier3A_121 = arith.constant 0 : index
    tpu.barrier barrier_id(%barrier3A_121)
    %mul3A_122 = arith.constant 3200 : i32
    %mul3A_123 = arith.muli %arg1, %mul3A_122 : i32
    %mul3A_124 = arith.constant 52000 : i32
    %mul3A_125 = arith.muli %add3A_1, %mul3A_124 : i32
    %mul3A_126 = arith.constant 3200 : i32
    %mul3A_127 = arith.muli %arg1, %mul3A_126 : i32
    %add3A_128 = arith.addi %mul3A_125, %mul3A_127 : i32
    "tpu.region"() ({
      %run_scoped3A = tpu.sem_alloc : memref<!tpu.dma_semaphore, #tpu.memory_space<semaphore_mem>>
      %dma_start3A_264 = arith.constant 0 : i32
      %dma_start3A_265 = tpu.memref_slice %arg5[%add3A_128, %dma_start3A_264] : memref<208000x32xf32, #tpu.memory_space<hbm>> -> memref<3200x32xf32, #tpu.memory_space<hbm>>
      %dma_start3A_266 = arith.constant 0 : i32
      %dma_start3A_267 = tpu.memref_slice %arg12[%mul3A_123, %dma_start3A_266] : memref<51200x32xf32, #tpu.memory_space<vmem_shared>> -> memref<3200x32xf32, #tpu.memory_space<vmem_shared>>
      tpu.enqueue_dma source(%dma_start3A_267 : memref<3200x32xf32, #tpu.memory_space<vmem_shared>>) target(%dma_start3A_265 : memref<3200x32xf32, #tpu.memory_space<hbm>>) target_semaphore(%run_scoped3A : memref<!tpu.dma_semaphore, #tpu.memory_space<semaphore_mem>>)
      %dma_wait3A_268 = arith.constant 0 : i32
      %dma_wait3A_269 = tpu.memref_slice %arg5[%add3A_128, %dma_wait3A_268] : memref<208000x32xf32, #tpu.memory_space<hbm>> -> memref<3200x32xf32, #tpu.memory_space<hbm>>
      %dma_wait3A_270 = arith.constant 0 : i32
      %dma_wait3A_271 = tpu.memref_slice %arg12[%mul3A_123, %dma_wait3A_270] : memref<51200x32xf32, #tpu.memory_space<vmem_shared>> -> memref<3200x32xf32, #tpu.memory_space<vmem_shared>>
      tpu.wait_dma2 semaphore(%run_scoped3A : memref<!tpu.dma_semaphore, #tpu.memory_space<semaphore_mem>>) src(%dma_wait3A_271 : memref<3200x32xf32, #tpu.memory_space<vmem_shared>>) dst(%dma_wait3A_269 : memref<3200x32xf32, #tpu.memory_space<hbm>>)
      tpu.yield
    }) : () -> ()
    %mul3A_129 = arith.constant 2 : i32
    %mul3A_130 = arith.muli %arg0, %mul3A_129 : i32
    %add3A_131 = arith.constant 1 : i32
    %add3A_132 = arith.addi %mul3A_130, %add3A_131 : i32
    %mul3A_133 = arith.constant 50000 : i32
    %mul3A_134 = arith.muli %add3A_132, %mul3A_133 : i32
    %scan3A_135 = arith.constant 0 : i32
    %scan3A_136 = arith.constant 128 : i32
    %scan3A_137 = arith.addi %scan3A_135, %scan3A_136 : i32
    %scan3A_138 = arith.constant 1 : i32
    scf.for %scan3A_264 = %scan3A_135 to %scan3A_137 step %scan3A_138  : i32 {
      %broadcast_in_dim3A = arith.constant 0.000000e+00 : f32
      %broadcast_in_dim3A_265 = vector.broadcast %broadcast_in_dim3A : f32 to vector<16xf32>
      %swap3A = arith.constant 0 : i32
      %swap3A_266 = arith.index_cast %swap3A : i32 to index
      %swap3A_267 = arith.index_cast %scan3A_264 : i32 to index
      %swap3A_268 = arith.constant 0 : index
      %swap3A_269 = tpu.vector_load %arg8[%swap3A_266, %swap3A_267, %swap3A_268] {strides = array<i32>} : memref<5x128x32xf32, #tpu.memory_space<vmem>>, vector<1x1x16xf32>,
      %swap3A_270 = vector.shape_cast %swap3A_269 : vector<1x1x16xf32> to vector<16xf32>
      %swap3A_271 = vector.shape_cast %broadcast_in_dim3A_265 : vector<16xf32> to vector<1x1x16xf32>
      tpu.vector_store %arg8[%swap3A_266, %swap3A_267, %swap3A_268], %swap3A_271 {strides = array<i32>} : memref<5x128x32xf32, #tpu.memory_space<vmem>>, vector<1x1x16xf32>,
      %broadcast_in_dim3A_272 = arith.constant 0.000000e+00 : f32
      %broadcast_in_dim3A_273 = vector.broadcast %broadcast_in_dim3A_272 : f32 to vector<16xf32>
      %swap3A_274 = arith.constant 0 : i32
      %swap3A_275 = arith.index_cast %swap3A_274 : i32 to index
      %swap3A_276 = arith.index_cast %scan3A_264 : i32 to index
      %swap3A_277 = arith.constant 16 : index
      %swap3A_278 = tpu.vector_load %arg8[%swap3A_275, %swap3A_276, %swap3A_277] {strides = array<i32>} : memref<5x128x32xf32, #tpu.memory_space<vmem>>, vector<1x1x16xf32>,
      %swap3A_279 = vector.shape_cast %swap3A_278 : vector<1x1x16xf32> to vector<16xf32>
      %swap3A_280 = vector.shape_cast %broadcast_in_dim3A_273 : vector<16xf32> to vector<1x1x16xf32>
      tpu.vector_store %arg8[%swap3A_275, %swap3A_276, %swap3A_277], %swap3A_280 {strides = array<i32>} : memref<5x128x32xf32, #tpu.memory_space<vmem>>, vector<1x1x16xf32>,
    }
    %scan3A_139 = arith.constant 128 : i32
    %scan3A_140 = arith.constant 0 : i32
    %scan3A_141 = arith.constant 25 : i32
    %scan3A_142 = arith.addi %scan3A_140, %scan3A_141 : i32
    %scan3A_143 = arith.constant 1 : i32
    scf.for %scan3A_264 = %scan3A_140 to %scan3A_142 step %scan3A_143  : i32 {
      %mul3A_265 = arith.constant 3200 : i32
      %mul3A_266 = arith.muli %arg1, %mul3A_265 : i32
      %mul3A_267 = arith.constant 128 : i32
      %mul3A_268 = arith.muli %scan3A_264, %mul3A_267 : i32
      %add3A_269 = arith.addi %mul3A_266, %mul3A_268 : i32
      %run_scoped3A = arith.constant 0 : i32
      "tpu.region"() ({
        %run_scoped3A_270 = tpu.sem_alloc : memref<!tpu.dma_semaphore, #tpu.memory_space<semaphore_mem>>
        %dma_start3A_271 = arith.constant 0 : i32
        %dma_start3A_272 = arith.constant 0 : i32
        %dma_start3A_273 = tpu.memref_slice %arg8[%run_scoped3A, %dma_start3A_271, %dma_start3A_272] : memref<5x128x32xf32, #tpu.memory_space<vmem>> -> memref<1x128x32xf32, #tpu.memory_space<vmem>>
        %dma_start3A_274 = tpu.memref_squeeze %dma_start3A_273 : memref<1x128x32xf32, #tpu.memory_space<vmem>> -> memref<128x32xf32, #tpu.memory_space<vmem>>
        %dma_start3A_275 = arith.constant 0 : i32
        %dma_start3A_276 = tpu.memref_slice %arg12[%add3A_269, %dma_start3A_275] : memref<51200x32xf32, #tpu.memory_space<vmem_shared>> -> memref<128x32xf32, #tpu.memory_space<vmem_shared>>
        %dma_start3A_277 = arith.constant 0 : i32
        %dma_start3A_278 = tpu.memref_slice %arg12[%add3A_269, %dma_start3A_277] : memref<51200x32xf32, #tpu.memory_space<vmem_shared>> -> memref<128x32xf32, #tpu.memory_space<vmem_shared>>
        %dma_start3A_279 = arith.constant 0 : i32
        %dma_start3A_280 = arith.constant 0 : i32
        %dma_start3A_281 = tpu.memref_slice %arg8[%run_scoped3A, %dma_start3A_279, %dma_start3A_280] : memref<5x128x32xf32, #tpu.memory_space<vmem>> -> memref<1x128x32xf32, #tpu.memory_space<vmem>>
        %dma_start3A_282 = tpu.memref_squeeze %dma_start3A_281 : memref<1x128x32xf32, #tpu.memory_space<vmem>> -> memref<128x32xf32, #tpu.memory_space<vmem>>
        tpu.enqueue_dma source(%dma_start3A_282 : memref<128x32xf32, #tpu.memory_space<vmem>>) target(%dma_start3A_278 : memref<128x32xf32, #tpu.memory_space<vmem_shared>>) target_semaphore(%run_scoped3A_270 : memref<!tpu.dma_semaphore, #tpu.memory_space<semaphore_mem>>)
        %dma_wait3A_283 = arith.constant 0 : i32
        %dma_wait3A_284 = arith.constant 0 : i32
        %dma_wait3A_285 = tpu.memref_slice %arg8[%run_scoped3A, %dma_wait3A_283, %dma_wait3A_284] : memref<5x128x32xf32, #tpu.memory_space<vmem>> -> memref<1x128x32xf32, #tpu.memory_space<vmem>>
        %dma_wait3A_286 = tpu.memref_squeeze %dma_wait3A_285 : memref<1x128x32xf32, #tpu.memory_space<vmem>> -> memref<128x32xf32, #tpu.memory_space<vmem>>
        %dma_wait3A_287 = arith.constant 0 : i32
        %dma_wait3A_288 = tpu.memref_slice %arg12[%add3A_269, %dma_wait3A_287] : memref<51200x32xf32, #tpu.memory_space<vmem_shared>> -> memref<128x32xf32, #tpu.memory_space<vmem_shared>>
        %dma_wait3A_289 = arith.constant 0 : i32
        %dma_wait3A_290 = tpu.memref_slice %arg12[%add3A_269, %dma_wait3A_289] : memref<51200x32xf32, #tpu.memory_space<vmem_shared>> -> memref<128x32xf32, #tpu.memory_space<vmem_shared>>
        %dma_wait3A_291 = arith.constant 0 : i32
        %dma_wait3A_292 = arith.constant 0 : i32
        %dma_wait3A_293 = tpu.memref_slice %arg8[%run_scoped3A, %dma_wait3A_291, %dma_wait3A_292] : memref<5x128x32xf32, #tpu.memory_space<vmem>> -> memref<1x128x32xf32, #tpu.memory_space<vmem>>
        %dma_wait3A_294 = tpu.memref_squeeze %dma_wait3A_293 : memref<1x128x32xf32, #tpu.memory_space<vmem>> -> memref<128x32xf32, #tpu.memory_space<vmem>>
        tpu.wait_dma2 semaphore(%run_scoped3A_270 : memref<!tpu.dma_semaphore, #tpu.memory_space<semaphore_mem>>) src(%dma_wait3A_294 : memref<128x32xf32, #tpu.memory_space<vmem>>) dst(%dma_wait3A_290 : memref<128x32xf32, #tpu.memory_space<vmem_shared>>)
        tpu.yield
      }) : () -> ()
    }
    %scan3A_144 = arith.constant 25 : i32
    %barrier3A_145 = arith.constant 0 : index
    tpu.barrier barrier_id(%barrier3A_145)
    %mul3A_146 = arith.constant 50 : i32
    %mul3A_147 = arith.muli %arg1, %mul3A_146 : i32
    %mul3A_148 = arith.constant 8 : i32
    %mul3A_149 = arith.muli %mul3A_147, %mul3A_148 : i32
    %dma_start3A_150 = arith.constant 0 : i32
    %dma_start3A_151 = arith.constant 0 : i32
    %dma_start3A_152 = arith.constant 0 : i32
    %dma_start3A_153 = tpu.memref_slice %arg6[%dma_start3A_150, %dma_start3A_151, %dma_start3A_152] : memref<3x8x128xi32, #tpu.memory_space<vmem>> -> memref<1x8x128xi32, #tpu.memory_space<vmem>>
    %dma_start3A_154 = tpu.memref_squeeze %dma_start3A_153 : memref<1x8x128xi32, #tpu.memory_space<vmem>> -> memref<8x128xi32, #tpu.memory_space<vmem>>
    %dma_start3A_155 = arith.constant 0 : i32
    %dma_start3A_156 = tpu.memref_slice %arg2[%mul3A_149, %dma_start3A_155] : memref<6400x128xi32, #tpu.memory_space<hbm>> -> memref<8x128xi32, #tpu.memory_space<hbm>>
    %dma_start3A_157 = arith.constant 0 : i32
    %dma_start3A_158 = arith.constant 0 : i32
    %dma_start3A_159 = tpu.memref_slice %arg6[%dma_start3A_150, %dma_start3A_157, %dma_start3A_158] : memref<3x8x128xi32, #tpu.memory_space<vmem>> -> memref<1x8x128xi32, #tpu.memory_space<vmem>>
    %dma_start3A_160 = tpu.memref_squeeze %dma_start3A_159 : memref<1x8x128xi32, #tpu.memory_space<vmem>> -> memref<8x128xi32, #tpu.memory_space<vmem>>
    %dma_start3A_161 = arith.constant 0 : i32
    %dma_start3A_162 = tpu.memref_slice %arg2[%mul3A_149, %dma_start3A_161] : memref<6400x128xi32, #tpu.memory_space<hbm>> -> memref<8x128xi32, #tpu.memory_space<hbm>>
    tpu.enqueue_dma source(%dma_start3A_162 : memref<8x128xi32, #tpu.memory_space<hbm>>) target(%dma_start3A_160 : memref<8x128xi32, #tpu.memory_space<vmem>>) target_semaphore(%arg9 : memref<!tpu.dma_semaphore, #tpu.memory_space<semaphore_mem>>)
    %dma_start3A_163 = arith.constant 0 : i32
    %dma_start3A_164 = arith.constant 0 : i32
    %dma_start3A_165 = arith.constant 0 : i32
    %dma_start3A_166 = tpu.memref_slice %arg7[%dma_start3A_163, %dma_start3A_164, %dma_start3A_165] : memref<3x8x128xi32, #tpu.memory_space<vmem>> -> memref<1x8x128xi32, #tpu.memory_space<vmem>>
    %dma_start3A_167 = tpu.memref_squeeze %dma_start3A_166 : memref<1x8x128xi32, #tpu.memory_space<vmem>> -> memref<8x128xi32, #tpu.memory_space<vmem>>
    %dma_start3A_168 = arith.constant 0 : i32
    %dma_start3A_169 = tpu.memref_slice %arg3[%mul3A_149, %dma_start3A_168] : memref<6400x128xi32, #tpu.memory_space<hbm>> -> memref<8x128xi32, #tpu.memory_space<hbm>>
    %dma_start3A_170 = arith.constant 0 : i32
    %dma_start3A_171 = arith.constant 0 : i32
    %dma_start3A_172 = tpu.memref_slice %arg7[%dma_start3A_163, %dma_start3A_170, %dma_start3A_171] : memref<3x8x128xi32, #tpu.memory_space<vmem>> -> memref<1x8x128xi32, #tpu.memory_space<vmem>>
    %dma_start3A_173 = tpu.memref_squeeze %dma_start3A_172 : memref<1x8x128xi32, #tpu.memory_space<vmem>> -> memref<8x128xi32, #tpu.memory_space<vmem>>
    %dma_start3A_174 = arith.constant 0 : i32
    %dma_start3A_175 = tpu.memref_slice %arg3[%mul3A_149, %dma_start3A_174] : memref<6400x128xi32, #tpu.memory_space<hbm>> -> memref<8x128xi32, #tpu.memory_space<hbm>>
    tpu.enqueue_dma source(%dma_start3A_175 : memref<8x128xi32, #tpu.memory_space<hbm>>) target(%dma_start3A_173 : memref<8x128xi32, #tpu.memory_space<vmem>>) target_semaphore(%arg9 : memref<!tpu.dma_semaphore, #tpu.memory_space<semaphore_mem>>)
    %scan3A_176 = arith.constant 0 : i32
    %scan3A_177 = arith.constant 403 : i32
    %scan3A_178 = arith.addi %scan3A_176, %scan3A_177 : i32
    %scan3A_179 = arith.constant 1 : i32
    scf.for %scan3A_264 = %scan3A_176 to %scan3A_178 step %scan3A_179  : i32 {
      %jit3A = arith.constant 8 : i32
      %div3A = arith.divsi %scan3A_264, %jit3A : i32
      %sign3A = arith.constant 0 : i32
      %sign3A_265 = arith.cmpi sgt, %scan3A_264, %sign3A : i32
      %sign3A_266 = arith.extui %sign3A_265 : i1 to i32
      %sign3A_267 = arith.constant 0 : i32
      %sign3A_268 = arith.cmpi slt, %scan3A_264, %sign3A_267 : i32
      %sign3A_269 = arith.extui %sign3A_268 : i1 to i32
      %sign3A_270 = arith.subi %sign3A_266, %sign3A_269 : i32
      %sign3A_271 = arith.constant 0 : i32
      %sign3A_272 = arith.cmpi sgt, %jit3A, %sign3A_271 : i32
      %sign3A_273 = arith.extui %sign3A_272 : i1 to i32
      %sign3A_274 = arith.constant 0 : i32
      %sign3A_275 = arith.cmpi slt, %jit3A, %sign3A_274 : i32
      %sign3A_276 = arith.extui %sign3A_275 : i1 to i32
      %sign3A_277 = arith.subi %sign3A_273, %sign3A_276 : i32
      %ne3A = arith.cmpi ne, %sign3A_270, %sign3A_277 : i32
      %rem3A = arith.remsi %scan3A_264, %jit3A : i32
      %ne3A_278 = arith.constant 0 : i32
      %ne3A_279 = arith.cmpi ne, %rem3A, %ne3A_278 : i32
      %and3A = arith.andi %ne3A, %ne3A_279 : i1
      %sub3A = arith.constant 1 : i32
      %sub3A_280 = arith.subi %div3A, %sub3A : i32
      %select_n3A = arith.select %and3A, %sub3A_280, %div3A : i32
      %mul3A_281 = arith.constant 8 : i32
      %mul3A_282 = arith.muli %select_n3A, %mul3A_281 : i32
      %sub3A_283 = arith.subi %scan3A_264, %mul3A_282 : i32
      %rem3A_284 = arith.constant 3 : i32
      %rem3A_285 = arith.remsi %select_n3A, %rem3A_284 : i32
      %rem3A_286 = arith.constant 5 : i32
      %rem3A_287 = arith.remsi %scan3A_264, %rem3A_286 : i32
      %lt3A = arith.constant 400 : i32
      %lt3A_288 = arith.cmpi slt, %scan3A_264, %lt3A : i32
      %eq3A = arith.constant 0 : i32
      %eq3A_289 = arith.cmpi eq, %sub3A_283, %eq3A : i32
      %and3A_290 = arith.andi %lt3A_288, %eq3A_289 : i1
      %convert_element_type3A = arith.extui %and3A_290 : i1 to i32
      %cond3A = arith.constant 0 : i32
      %cond3A_291 = arith.cmpi ne, %convert_element_type3A, %cond3A : i32
      scf.if %cond3A_291 {
        %dma_wait3A_309 = arith.constant 0 : i32
        %dma_wait3A_310 = arith.constant 0 : i32
        %dma_wait3A_311 = arith.constant 0 : i32
        %dma_wait3A_312 = tpu.memref_slice %arg6[%dma_wait3A_309, %dma_wait3A_310, %dma_wait3A_311] : memref<3x8x128xi32, #tpu.memory_space<vmem>> -> memref<1x8x128xi32, #tpu.memory_space<vmem>>
        %dma_wait3A_313 = tpu.memref_squeeze %dma_wait3A_312 : memref<1x8x128xi32, #tpu.memory_space<vmem>> -> memref<8x128xi32, #tpu.memory_space<vmem>>
        %dma_wait3A_314 = arith.constant 0 : i32
        %dma_wait3A_315 = arith.constant 0 : i32
        %dma_wait3A_316 = tpu.memref_slice %arg2[%dma_wait3A_314, %dma_wait3A_315] : memref<6400x128xi32, #tpu.memory_space<hbm>> -> memref<8x128xi32, #tpu.memory_space<hbm>>
        %dma_wait3A_317 = arith.constant 0 : i32
        %dma_wait3A_318 = arith.constant 0 : i32
        %dma_wait3A_319 = tpu.memref_slice %arg6[%dma_wait3A_309, %dma_wait3A_317, %dma_wait3A_318] : memref<3x8x128xi32, #tpu.memory_space<vmem>> -> memref<1x8x128xi32, #tpu.memory_space<vmem>>
        %dma_wait3A_320 = tpu.memref_squeeze %dma_wait3A_319 : memref<1x8x128xi32, #tpu.memory_space<vmem>> -> memref<8x128xi32, #tpu.memory_space<vmem>>
        %dma_wait3A_321 = arith.constant 0 : i32
        %dma_wait3A_322 = arith.constant 0 : i32
        %dma_wait3A_323 = tpu.memref_slice %arg2[%dma_wait3A_321, %dma_wait3A_322] : memref<6400x128xi32, #tpu.memory_space<hbm>> -> memref<8x128xi32, #tpu.memory_space<hbm>>
        tpu.wait_dma2 semaphore(%arg9 : memref<!tpu.dma_semaphore, #tpu.memory_space<semaphore_mem>>) src(%dma_wait3A_323 : memref<8x128xi32, #tpu.memory_space<hbm>>) dst(%dma_wait3A_320 : memref<8x128xi32, #tpu.memory_space<vmem>>)
        %dma_wait3A_324 = arith.constant 0 : i32
        %dma_wait3A_325 = arith.constant 0 : i32
        %dma_wait3A_326 = arith.constant 0 : i32
        %dma_wait3A_327 = tpu.memref_slice %arg6[%dma_wait3A_324, %dma_wait3A_325, %dma_wait3A_326] : memref<3x8x128xi32, #tpu.memory_space<vmem>> -> memref<1x8x128xi32, #tpu.memory_space<vmem>>
        %dma_wait3A_328 = tpu.memref_squeeze %dma_wait3A_327 : memref<1x8x128xi32, #tpu.memory_space<vmem>> -> memref<8x128xi32, #tpu.memory_space<vmem>>
        %dma_wait3A_329 = arith.constant 0 : i32
        %dma_wait3A_330 = arith.constant 0 : i32
        %dma_wait3A_331 = tpu.memref_slice %arg2[%dma_wait3A_329, %dma_wait3A_330] : memref<6400x128xi32, #tpu.memory_space<hbm>> -> memref<8x128xi32, #tpu.memory_space<hbm>>
        %dma_wait3A_332 = arith.constant 0 : i32
        %dma_wait3A_333 = arith.constant 0 : i32
        %dma_wait3A_334 = tpu.memref_slice %arg6[%dma_wait3A_324, %dma_wait3A_332, %dma_wait3A_333] : memref<3x8x128xi32, #tpu.memory_space<vmem>> -> memref<1x8x128xi32, #tpu.memory_space<vmem>>
        %dma_wait3A_335 = tpu.memref_squeeze %dma_wait3A_334 : memref<1x8x128xi32, #tpu.memory_space<vmem>> -> memref<8x128xi32, #tpu.memory_space<vmem>>
        %dma_wait3A_336 = arith.constant 0 : i32
        %dma_wait3A_337 = arith.constant 0 : i32
        %dma_wait3A_338 = tpu.memref_slice %arg2[%dma_wait3A_336, %dma_wait3A_337] : memref<6400x128xi32, #tpu.memory_space<hbm>> -> memref<8x128xi32, #tpu.memory_space<hbm>>
        tpu.wait_dma2 semaphore(%arg9 : memref<!tpu.dma_semaphore, #tpu.memory_space<semaphore_mem>>) src(%dma_wait3A_338 : memref<8x128xi32, #tpu.memory_space<hbm>>) dst(%dma_wait3A_335 : memref<8x128xi32, #tpu.memory_space<vmem>>)
        %scan3A_339 = arith.constant 0 : i32
        %scan3A_340 = arith.constant 8 : i32
        %scan3A_341 = arith.addi %scan3A_339, %scan3A_340 : i32
        %scan3A_342 = arith.constant 1 : i32
        scf.for %scan3A_351 = %scan3A_339 to %scan3A_341 step %scan3A_342  : i32 {
          %get3A = arith.index_cast %rem3A_285 : i32 to index
          %get3A_352 = arith.index_cast %scan3A_351 : i32 to index
          %get3A_353 = arith.constant 0 : index
          %get3A_354 = tpu.vector_load %arg7[%get3A, %get3A_352, %get3A_353] {strides = array<i32>} : memref<3x8x128xi32, #tpu.memory_space<vmem>>, vector<1x1x16xi32>,
          %get3A_355 = vector.shape_cast %get3A_354 : vector<1x1x16xi32> to vector<16xi32>
          %add3A_356 = vector.broadcast %mul3A_134 : i32 to vector<16xi32>
          %add3A_357 = arith.addi %get3A_355, %add3A_356 : vector<16xi32>
          %swap3A = arith.index_cast %rem3A_285 : i32 to index
          %swap3A_358 = arith.index_cast %scan3A_351 : i32 to index
          %swap3A_359 = arith.constant 0 : index
          %swap3A_360 = tpu.vector_load %arg7[%swap3A, %swap3A_358, %swap3A_359] {strides = array<i32>} : memref<3x8x128xi32, #tpu.memory_space<vmem>>, vector<1x1x16xi32>,
          %swap3A_361 = vector.shape_cast %swap3A_360 : vector<1x1x16xi32> to vector<16xi32>
          %swap3A_362 = vector.shape_cast %add3A_357 : vector<16xi32> to vector<1x1x16xi32>
          tpu.vector_store %arg7[%swap3A, %swap3A_358, %swap3A_359], %swap3A_362 {strides = array<i32>} : memref<3x8x128xi32, #tpu.memory_space<vmem>>, vector<1x1x16xi32>,
          %get3A_363 = arith.index_cast %rem3A_285 : i32 to index
          %get3A_364 = arith.index_cast %scan3A_351 : i32 to index
          %get3A_365 = arith.constant 16 : index
          %get3A_366 = tpu.vector_load %arg7[%get3A_363, %get3A_364, %get3A_365] {strides = array<i32>} : memref<3x8x128xi32, #tpu.memory_space<vmem>>, vector<1x1x16xi32>,
          %get3A_367 = vector.shape_cast %get3A_366 : vector<1x1x16xi32> to vector<16xi32>
          %add3A_368 = vector.broadcast %mul3A_134 : i32 to vector<16xi32>
          %add3A_369 = arith.addi %get3A_367, %add3A_368 : vector<16xi32>
          %swap3A_370 = arith.index_cast %rem3A_285 : i32 to index
          %swap3A_371 = arith.index_cast %scan3A_351 : i32 to index
          %swap3A_372 = arith.constant 16 : index
          %swap3A_373 = tpu.vector_load %arg7[%swap3A_370, %swap3A_371, %swap3A_372] {strides = array<i32>} : memref<3x8x128xi32, #tpu.memory_space<vmem>>, vector<1x1x16xi32>,
          %swap3A_374 = vector.shape_cast %swap3A_373 : vector<1x1x16xi32> to vector<16xi32>
          %swap3A_375 = vector.shape_cast %add3A_369 : vector<16xi32> to vector<1x1x16xi32>
          tpu.vector_store %arg7[%swap3A_370, %swap3A_371, %swap3A_372], %swap3A_375 {strides = array<i32>} : memref<3x8x128xi32, #tpu.memory_space<vmem>>, vector<1x1x16xi32>,
          %get3A_376 = arith.index_cast %rem3A_285 : i32 to index
          %get3A_377 = arith.index_cast %scan3A_351 : i32 to index
          %get3A_378 = arith.constant 32 : index
          %get3A_379 = tpu.vector_load %arg7[%get3A_376, %get3A_377, %get3A_378] {strides = array<i32>} : memref<3x8x128xi32, #tpu.memory_space<vmem>>, vector<1x1x16xi32>,
          %get3A_380 = vector.shape_cast %get3A_379 : vector<1x1x16xi32> to vector<16xi32>
          %add3A_381 = vector.broadcast %mul3A_134 : i32 to vector<16xi32>
          %add3A_382 = arith.addi %get3A_380, %add3A_381 : vector<16xi32>
          %swap3A_383 = arith.index_cast %rem3A_285 : i32 to index
          %swap3A_384 = arith.index_cast %scan3A_351 : i32 to index
          %swap3A_385 = arith.constant 32 : index
          %swap3A_386 = tpu.vector_load %arg7[%swap3A_383, %swap3A_384, %swap3A_385] {strides = array<i32>} : memref<3x8x128xi32, #tpu.memory_space<vmem>>, vector<1x1x16xi32>,
          %swap3A_387 = vector.shape_cast %swap3A_386 : vector<1x1x16xi32> to vector<16xi32>
          %swap3A_388 = vector.shape_cast %add3A_382 : vector<16xi32> to vector<1x1x16xi32>
          tpu.vector_store %arg7[%swap3A_383, %swap3A_384, %swap3A_385], %swap3A_388 {strides = array<i32>} : memref<3x8x128xi32, #tpu.memory_space<vmem>>, vector<1x1x16xi32>,
          %get3A_389 = arith.index_cast %rem3A_285 : i32 to index
          %get3A_390 = arith.index_cast %scan3A_351 : i32 to index
          %get3A_391 = arith.constant 48 : index
          %get3A_392 = tpu.vector_load %arg7[%get3A_389, %get3A_390, %get3A_391] {strides = array<i32>} : memref<3x8x128xi32, #tpu.memory_space<vmem>>, vector<1x1x16xi32>,
          %get3A_393 = vector.shape_cast %get3A_392 : vector<1x1x16xi32> to vector<16xi32>
          %add3A_394 = vector.broadcast %mul3A_134 : i32 to vector<16xi32>
          %add3A_395 = arith.addi %get3A_393, %add3A_394 : vector<16xi32>
          %swap3A_396 = arith.index_cast %rem3A_285 : i32 to index
          %swap3A_397 = arith.index_cast %scan3A_351 : i32 to index
          %swap3A_398 = arith.constant 48 : index
          %swap3A_399 = tpu.vector_load %arg7[%swap3A_396, %swap3A_397, %swap3A_398] {strides = array<i32>} : memref<3x8x128xi32, #tpu.memory_space<vmem>>, vector<1x1x16xi32>,
          %swap3A_400 = vector.shape_cast %swap3A_399 : vector<1x1x16xi32> to vector<16xi32>
          %swap3A_401 = vector.shape_cast %add3A_395 : vector<16xi32> to vector<1x1x16xi32>
          tpu.vector_store %arg7[%swap3A_396, %swap3A_397, %swap3A_398], %swap3A_401 {strides = array<i32>} : memref<3x8x128xi32, #tpu.memory_space<vmem>>, vector<1x1x16xi32>,
          %get3A_402 = arith.index_cast %rem3A_285 : i32 to index
          %get3A_403 = arith.index_cast %scan3A_351 : i32 to index
          %get3A_404 = arith.constant 64 : index
          %get3A_405 = tpu.vector_load %arg7[%get3A_402, %get3A_403, %get3A_404] {strides = array<i32>} : memref<3x8x128xi32, #tpu.memory_space<vmem>>, vector<1x1x16xi32>,
          %get3A_406 = vector.shape_cast %get3A_405 : vector<1x1x16xi32> to vector<16xi32>
          %add3A_407 = vector.broadcast %mul3A_134 : i32 to vector<16xi32>
          %add3A_408 = arith.addi %get3A_406, %add3A_407 : vector<16xi32>
          %swap3A_409 = arith.index_cast %rem3A_285 : i32 to index
          %swap3A_410 = arith.index_cast %scan3A_351 : i32 to index
          %swap3A_411 = arith.constant 64 : index
          %swap3A_412 = tpu.vector_load %arg7[%swap3A_409, %swap3A_410, %swap3A_411] {strides = array<i32>} : memref<3x8x128xi32, #tpu.memory_space<vmem>>, vector<1x1x16xi32>,
          %swap3A_413 = vector.shape_cast %swap3A_412 : vector<1x1x16xi32> to vector<16xi32>
          %swap3A_414 = vector.shape_cast %add3A_408 : vector<16xi32> to vector<1x1x16xi32>
          tpu.vector_store %arg7[%swap3A_409, %swap3A_410, %swap3A_411], %swap3A_414 {strides = array<i32>} : memref<3x8x128xi32, #tpu.memory_space<vmem>>, vector<1x1x16xi32>,
          %get3A_415 = arith.index_cast %rem3A_285 : i32 to index
          %get3A_416 = arith.index_cast %scan3A_351 : i32 to index
          %get3A_417 = arith.constant 80 : index
          %get3A_418 = tpu.vector_load %arg7[%get3A_415, %get3A_416, %get3A_417] {strides = array<i32>} : memref<3x8x128xi32, #tpu.memory_space<vmem>>, vector<1x1x16xi32>,
          %get3A_419 = vector.shape_cast %get3A_418 : vector<1x1x16xi32> to vector<16xi32>
          %add3A_420 = vector.broadcast %mul3A_134 : i32 to vector<16xi32>
          %add3A_421 = arith.addi %get3A_419, %add3A_420 : vector<16xi32>
          %swap3A_422 = arith.index_cast %rem3A_285 : i32 to index
          %swap3A_423 = arith.index_cast %scan3A_351 : i32 to index
          %swap3A_424 = arith.constant 80 : index
          %swap3A_425 = tpu.vector_load %arg7[%swap3A_422, %swap3A_423, %swap3A_424] {strides = array<i32>} : memref<3x8x128xi32, #tpu.memory_space<vmem>>, vector<1x1x16xi32>,
          %swap3A_426 = vector.shape_cast %swap3A_425 : vector<1x1x16xi32> to vector<16xi32>
          %swap3A_427 = vector.shape_cast %add3A_421 : vector<16xi32> to vector<1x1x16xi32>
          tpu.vector_store %arg7[%swap3A_422, %swap3A_423, %swap3A_424], %swap3A_427 {strides = array<i32>} : memref<3x8x128xi32, #tpu.memory_space<vmem>>, vector<1x1x16xi32>,
          %get3A_428 = arith.index_cast %rem3A_285 : i32 to index
          %get3A_429 = arith.index_cast %scan3A_351 : i32 to index
          %get3A_430 = arith.constant 96 : index
          %get3A_431 = tpu.vector_load %arg7[%get3A_428, %get3A_429, %get3A_430] {strides = array<i32>} : memref<3x8x128xi32, #tpu.memory_space<vmem>>, vector<1x1x16xi32>,
          %get3A_432 = vector.shape_cast %get3A_431 : vector<1x1x16xi32> to vector<16xi32>
          %add3A_433 = vector.broadcast %mul3A_134 : i32 to vector<16xi32>
          %add3A_434 = arith.addi %get3A_432, %add3A_433 : vector<16xi32>
          %swap3A_435 = arith.index_cast %rem3A_285 : i32 to index
          %swap3A_436 = arith.index_cast %scan3A_351 : i32 to index
          %swap3A_437 = arith.constant 96 : index
          %swap3A_438 = tpu.vector_load %arg7[%swap3A_435, %swap3A_436, %swap3A_437] {strides = array<i32>} : memref<3x8x128xi32, #tpu.memory_space<vmem>>, vector<1x1x16xi32>,
          %swap3A_439 = vector.shape_cast %swap3A_438 : vector<1x1x16xi32> to vector<16xi32>
          %swap3A_440 = vector.shape_cast %add3A_434 : vector<16xi32> to vector<1x1x16xi32>
          tpu.vector_store %arg7[%swap3A_435, %swap3A_436, %swap3A_437], %swap3A_440 {strides = array<i32>} : memref<3x8x128xi32, #tpu.memory_space<vmem>>, vector<1x1x16xi32>,
          %get3A_441 = arith.index_cast %rem3A_285 : i32 to index
          %get3A_442 = arith.index_cast %scan3A_351 : i32 to index
          %get3A_443 = arith.constant 112 : index
          %get3A_444 = tpu.vector_load %arg7[%get3A_441, %get3A_442, %get3A_443] {strides = array<i32>} : memref<3x8x128xi32, #tpu.memory_space<vmem>>, vector<1x1x16xi32>,
          %get3A_445 = vector.shape_cast %get3A_444 : vector<1x1x16xi32> to vector<16xi32>
          %add3A_446 = vector.broadcast %mul3A_134 : i32 to vector<16xi32>
          %add3A_447 = arith.addi %get3A_445, %add3A_446 : vector<16xi32>
          %swap3A_448 = arith.index_cast %rem3A_285 : i32 to index
          %swap3A_449 = arith.index_cast %scan3A_351 : i32 to index
          %swap3A_450 = arith.constant 112 : index
          %swap3A_451 = tpu.vector_load %arg7[%swap3A_448, %swap3A_449, %swap3A_450] {strides = array<i32>} : memref<3x8x128xi32, #tpu.memory_space<vmem>>, vector<1x1x16xi32>,
          %swap3A_452 = vector.shape_cast %swap3A_451 : vector<1x1x16xi32> to vector<16xi32>
          %swap3A_453 = vector.shape_cast %add3A_447 : vector<16xi32> to vector<1x1x16xi32>
          tpu.vector_store %arg7[%swap3A_448, %swap3A_449, %swap3A_450], %swap3A_453 {strides = array<i32>} : memref<3x8x128xi32, #tpu.memory_space<vmem>>, vector<1x1x16xi32>,
        }
        %scan3A_343 = arith.constant 8 : i32
        %add3A_344 = arith.constant 1 : i32
        %add3A_345 = arith.addi %select_n3A, %add3A_344 : i32
        %lt3A_346 = arith.constant 50 : i32
        %lt3A_347 = arith.cmpi slt, %add3A_345, %lt3A_346 : i32
        %convert_element_type3A_348 = arith.extui %lt3A_347 : i1 to i32
        %cond3A_349 = arith.constant 0 : i32
        %cond3A_350 = arith.cmpi ne, %convert_element_type3A_348, %cond3A_349 : i32
        scf.if %cond3A_350 {
          %mul3A_351 = arith.constant 50 : i32
          %mul3A_352 = arith.muli %arg1, %mul3A_351 : i32
          %add3A_353 = arith.addi %mul3A_352, %select_n3A : i32
          %add3A_354 = arith.constant 1 : i32
          %add3A_355 = arith.addi %add3A_353, %add3A_354 : i32
          %mul3A_356 = arith.constant 8 : i32
          %mul3A_357 = arith.muli %add3A_355, %mul3A_356 : i32
          %add3A_358 = arith.constant 1 : i32
          %add3A_359 = arith.addi %select_n3A, %add3A_358 : i32
          %rem3A_360 = arith.constant 3 : i32
          %rem3A_361 = arith.remsi %add3A_359, %rem3A_360 : i32
          %dma_start3A_362 = arith.constant 0 : i32
          %dma_start3A_363 = arith.constant 0 : i32
          %dma_start3A_364 = tpu.memref_slice %arg6[%rem3A_361, %dma_start3A_362, %dma_start3A_363] : memref<3x8x128xi32, #tpu.memory_space<vmem>> -> memref<1x8x128xi32, #tpu.memory_space<vmem>>
          %dma_start3A_365 = tpu.memref_squeeze %dma_start3A_364 : memref<1x8x128xi32, #tpu.memory_space<vmem>> -> memref<8x128xi32, #tpu.memory_space<vmem>>
          %dma_start3A_366 = arith.constant 0 : i32
          %dma_start3A_367 = tpu.memref_slice %arg2[%mul3A_357, %dma_start3A_366] : memref<6400x128xi32, #tpu.memory_space<hbm>> -> memref<8x128xi32, #tpu.memory_space<hbm>>
          %dma_start3A_368 = arith.constant 0 : i32
          %dma_start3A_369 = arith.constant 0 : i32
          %dma_start3A_370 = tpu.memref_slice %arg6[%rem3A_361, %dma_start3A_368, %dma_start3A_369] : memref<3x8x128xi32, #tpu.memory_space<vmem>> -> memref<1x8x128xi32, #tpu.memory_space<vmem>>
          %dma_start3A_371 = tpu.memref_squeeze %dma_start3A_370 : memref<1x8x128xi32, #tpu.memory_space<vmem>> -> memref<8x128xi32, #tpu.memory_space<vmem>>
          %dma_start3A_372 = arith.constant 0 : i32
          %dma_start3A_373 = tpu.memref_slice %arg2[%mul3A_357, %dma_start3A_372] : memref<6400x128xi32, #tpu.memory_space<hbm>> -> memref<8x128xi32, #tpu.memory_space<hbm>>
          tpu.enqueue_dma source(%dma_start3A_373 : memref<8x128xi32, #tpu.memory_space<hbm>>) target(%dma_start3A_371 : memref<8x128xi32, #tpu.memory_space<vmem>>) target_semaphore(%arg9 : memref<!tpu.dma_semaphore, #tpu.memory_space<semaphore_mem>>)
          %dma_start3A_374 = arith.constant 0 : i32
          %dma_start3A_375 = arith.constant 0 : i32
          %dma_start3A_376 = tpu.memref_slice %arg7[%rem3A_361, %dma_start3A_374, %dma_start3A_375] : memref<3x8x128xi32, #tpu.memory_space<vmem>> -> memref<1x8x128xi32, #tpu.memory_space<vmem>>
          %dma_start3A_377 = tpu.memref_squeeze %dma_start3A_376 : memref<1x8x128xi32, #tpu.memory_space<vmem>> -> memref<8x128xi32, #tpu.memory_space<vmem>>
          %dma_start3A_378 = arith.constant 0 : i32
          %dma_start3A_379 = tpu.memref_slice %arg3[%mul3A_357, %dma_start3A_378] : memref<6400x128xi32, #tpu.memory_space<hbm>> -> memref<8x128xi32, #tpu.memory_space<hbm>>
          %dma_start3A_380 = arith.constant 0 : i32
          %dma_start3A_381 = arith.constant 0 : i32
          %dma_start3A_382 = tpu.memref_slice %arg7[%rem3A_361, %dma_start3A_380, %dma_start3A_381] : memref<3x8x128xi32, #tpu.memory_space<vmem>> -> memref<1x8x128xi32, #tpu.memory_space<vmem>>
          %dma_start3A_383 = tpu.memref_squeeze %dma_start3A_382 : memref<1x8x128xi32, #tpu.memory_space<vmem>> -> memref<8x128xi32, #tpu.memory_space<vmem>>
          %dma_start3A_384 = arith.constant 0 : i32
          %dma_start3A_385 = tpu.memref_slice %arg3[%mul3A_357, %dma_start3A_384] : memref<6400x128xi32, #tpu.memory_space<hbm>> -> memref<8x128xi32, #tpu.memory_space<hbm>>
          tpu.enqueue_dma source(%dma_start3A_385 : memref<8x128xi32, #tpu.memory_space<hbm>>) target(%dma_start3A_383 : memref<8x128xi32, #tpu.memory_space<vmem>>) target_semaphore(%arg9 : memref<!tpu.dma_semaphore, #tpu.memory_space<semaphore_mem>>)
        } else {
        }
      } else {
      }
      %ge3A = arith.constant 5 : i32
      %ge3A_292 = arith.cmpi sge, %scan3A_264, %ge3A : i32
      %lt3A_293 = arith.constant 400 : i32
      %lt3A_294 = arith.cmpi slt, %scan3A_264, %lt3A_293 : i32
      %and3A_295 = arith.andi %ge3A_292, %lt3A_294 : i1
      %convert_element_type3A_296 = arith.extui %and3A_295 : i1 to i32
      %cond3A_297 = arith.constant 0 : i32
      %cond3A_298 = arith.cmpi ne, %convert_element_type3A_296, %cond3A_297 : i32
      scf.if %cond3A_298 {
        %dma_wait3A_309 = arith.constant 0 : i32
        %dma_wait3A_310 = arith.constant 0 : i32
        %dma_wait3A_311 = arith.constant 0 : i32
        %dma_wait3A_312 = tpu.memref_slice %arg8[%dma_wait3A_309, %dma_wait3A_310, %dma_wait3A_311] : memref<5x128x32xf32, #tpu.memory_space<vmem>> -> memref<1x128x32xf32, #tpu.memory_space<vmem>>
        %dma_wait3A_313 = tpu.memref_squeeze %dma_wait3A_312 : memref<1x128x32xf32, #tpu.memory_space<vmem>> -> memref<128x32xf32, #tpu.memory_space<vmem>>
        %dma_wait3A_314 = arith.constant 0 : i32
        %dma_wait3A_315 = arith.constant 0 : i32
        %dma_wait3A_316 = tpu.memref_slice %arg4[%dma_wait3A_314, %dma_wait3A_315] : memref<200000x32xf32, #tpu.memory_space<hbm>> -> memref<128x32xf32, #tpu.memory_space<hbm>>
        %dma_wait3A_317 = arith.constant 0 : i32
        %dma_wait3A_318 = arith.constant 0 : i32
        %dma_wait3A_319 = tpu.memref_slice %arg8[%dma_wait3A_309, %dma_wait3A_317, %dma_wait3A_318] : memref<5x128x32xf32, #tpu.memory_space<vmem>> -> memref<1x128x32xf32, #tpu.memory_space<vmem>>
        %dma_wait3A_320 = tpu.memref_squeeze %dma_wait3A_319 : memref<1x128x32xf32, #tpu.memory_space<vmem>> -> memref<128x32xf32, #tpu.memory_space<vmem>>
        %dma_wait3A_321 = arith.constant 0 : i32
        %dma_wait3A_322 = arith.constant 0 : i32
        %dma_wait3A_323 = tpu.memref_slice %arg4[%dma_wait3A_321, %dma_wait3A_322] : memref<200000x32xf32, #tpu.memory_space<hbm>> -> memref<128x32xf32, #tpu.memory_space<hbm>>
        tpu.wait_dma2 semaphore(%arg11 : memref<!tpu.dma_semaphore, #tpu.memory_space<semaphore_mem>>) src(%dma_wait3A_323 : memref<128x32xf32, #tpu.memory_space<hbm>>) dst(%dma_wait3A_320 : memref<128x32xf32, #tpu.memory_space<vmem>>)
      } else {
      }
      %lt3A_299 = arith.constant 400 : i32
      %lt3A_300 = arith.cmpi slt, %scan3A_264, %lt3A_299 : i32
      %convert_element_type3A_301 = arith.extui %lt3A_300 : i1 to i32
      %cond3A_302 = arith.constant 0 : i32
      %cond3A_303 = arith.cmpi ne, %convert_element_type3A_301, %cond3A_302 : i32
      scf.if %cond3A_303 {
        %dma_start3A_309 = arith.constant 0 : i32
        %dma_start3A_310 = arith.constant 0 : i32
        %dma_start3A_311 = tpu.memref_slice %arg8[%rem3A_287, %dma_start3A_309, %dma_start3A_310] : memref<5x128x32xf32, #tpu.memory_space<vmem>> -> memref<1x128x32xf32, #tpu.memory_space<vmem>>
        %dma_start3A_312 = tpu.memref_squeeze %dma_start3A_311 : memref<1x128x32xf32, #tpu.memory_space<vmem>> -> memref<128x32xf32, #tpu.memory_space<vmem>>
        %dma_start3A_313 = arith.constant 0 : i32
        %dma_start3A_314 = tpu.memref_slice %arg7[%rem3A_285, %sub3A_283, %dma_start3A_313] : memref<3x8x128xi32, #tpu.memory_space<vmem>> -> memref<1x1x128xi32, #tpu.memory_space<vmem>>
        %dma_start3A_315 = tpu.memref_squeeze %dma_start3A_314 : memref<1x1x128xi32, #tpu.memory_space<vmem>> -> memref<128xi32, #tpu.memory_space<vmem>>
        %dma_start3A_316 = arith.constant 0 : i32
        %dma_start3A_317 = arith.constant 0 : i32
        %dma_start3A_318 = tpu.memref_slice %arg4[%dma_start3A_316, %dma_start3A_317] : memref<200000x32xf32, #tpu.memory_space<hbm>> -> memref<200000x32xf32, #tpu.memory_space<hbm>>
        tpu.enqueue_indirect_dma source(%dma_start3A_318 : memref<200000x32xf32, #tpu.memory_space<hbm>>) target(%dma_start3A_312 : memref<128x32xf32, #tpu.memory_space<vmem>>) offsets(%dma_start3A_315 : memref<128xi32, #tpu.memory_space<vmem>>) semaphore(%arg10 : memref<!tpu.dma_semaphore, #tpu.memory_space<semaphore_mem>>)
      } else {
      }
      %ge3A_304 = arith.constant 3 : i32
      %ge3A_305 = arith.cmpi sge, %scan3A_264, %ge3A_304 : i32
      %convert_element_type3A_306 = arith.extui %ge3A_305 : i1 to i32
      %cond3A_307 = arith.constant 0 : i32
      %cond3A_308 = arith.cmpi ne, %convert_element_type3A_306, %cond3A_307 : i32
      scf.if %cond3A_308 {
        %sub3A_309 = arith.constant 3 : i32
        %sub3A_310 = arith.subi %scan3A_264, %sub3A_309 : i32
        %jit3A_311 = arith.constant 8 : i32
        %div3A_312 = arith.divsi %sub3A_310, %jit3A_311 : i32
        %sign3A_313 = arith.constant 0 : i32
        %sign3A_314 = arith.cmpi sgt, %sub3A_310, %sign3A_313 : i32
        %sign3A_315 = arith.extui %sign3A_314 : i1 to i32
        %sign3A_316 = arith.constant 0 : i32
        %sign3A_317 = arith.cmpi slt, %sub3A_310, %sign3A_316 : i32
        %sign3A_318 = arith.extui %sign3A_317 : i1 to i32
        %sign3A_319 = arith.subi %sign3A_315, %sign3A_318 : i32
        %sign3A_320 = arith.constant 0 : i32
        %sign3A_321 = arith.cmpi sgt, %jit3A_311, %sign3A_320 : i32
        %sign3A_322 = arith.extui %sign3A_321 : i1 to i32
        %sign3A_323 = arith.constant 0 : i32
        %sign3A_324 = arith.cmpi slt, %jit3A_311, %sign3A_323 : i32
        %sign3A_325 = arith.extui %sign3A_324 : i1 to i32
        %sign3A_326 = arith.subi %sign3A_322, %sign3A_325 : i32
        %ne3A_327 = arith.cmpi ne, %sign3A_319, %sign3A_326 : i32
        %rem3A_328 = arith.remsi %sub3A_310, %jit3A_311 : i32
        %ne3A_329 = arith.constant 0 : i32
        %ne3A_330 = arith.cmpi ne, %rem3A_328, %ne3A_329 : i32
        %and3A_331 = arith.andi %ne3A_327, %ne3A_330 : i1
        %sub3A_332 = arith.constant 1 : i32
        %sub3A_333 = arith.subi %div3A_312, %sub3A_332 : i32
        %select_n3A_334 = arith.select %and3A_331, %sub3A_333, %div3A_312 : i32
        %mul3A_335 = arith.constant 8 : i32
        %mul3A_336 = arith.muli %select_n3A_334, %mul3A_335 : i32
        %sub3A_337 = arith.subi %sub3A_310, %mul3A_336 : i32
        %rem3A_338 = arith.constant 3 : i32
        %rem3A_339 = arith.remsi %select_n3A_334, %rem3A_338 : i32
        %rem3A_340 = arith.constant 5 : i32
        %rem3A_341 = arith.remsi %sub3A_310, %rem3A_340 : i32
        %dma_wait3A_342 = arith.constant 0 : i32
        %dma_wait3A_343 = arith.constant 0 : i32
        %dma_wait3A_344 = arith.constant 0 : i32
        %dma_wait3A_345 = tpu.memref_slice %arg8[%dma_wait3A_342, %dma_wait3A_343, %dma_wait3A_344] : memref<5x128x32xf32, #tpu.memory_space<vmem>> -> memref<1x128x32xf32, #tpu.memory_space<vmem>>
        %dma_wait3A_346 = tpu.memref_squeeze %dma_wait3A_345 : memref<1x128x32xf32, #tpu.memory_space<vmem>> -> memref<128x32xf32, #tpu.memory_space<vmem>>
        %dma_wait3A_347 = arith.constant 0 : i32
        %dma_wait3A_348 = arith.constant 0 : i32
        %dma_wait3A_349 = tpu.memref_slice %arg4[%dma_wait3A_347, %dma_wait3A_348] : memref<200000x32xf32, #tpu.memory_space<hbm>> -> memref<128x32xf32, #tpu.memory_space<hbm>>
        %dma_wait3A_350 = arith.constant 0 : i32
        %dma_wait3A_351 = arith.constant 0 : i32
        %dma_wait3A_352 = tpu.memref_slice %arg8[%dma_wait3A_342, %dma_wait3A_350, %dma_wait3A_351] : memref<5x128x32xf32, #tpu.memory_space<vmem>> -> memref<1x128x32xf32, #tpu.memory_space<vmem>>
        %dma_wait3A_353 = tpu.memref_squeeze %dma_wait3A_352 : memref<1x128x32xf32, #tpu.memory_space<vmem>> -> memref<128x32xf32, #tpu.memory_space<vmem>>
        %dma_wait3A_354 = arith.constant 0 : i32
        %dma_wait3A_355 = arith.constant 0 : i32
        %dma_wait3A_356 = tpu.memref_slice %arg4[%dma_wait3A_354, %dma_wait3A_355] : memref<200000x32xf32, #tpu.memory_space<hbm>> -> memref<128x32xf32, #tpu.memory_space<hbm>>
        tpu.wait_dma2 semaphore(%arg10 : memref<!tpu.dma_semaphore, #tpu.memory_space<semaphore_mem>>) src(%dma_wait3A_356 : memref<128x32xf32, #tpu.memory_space<hbm>>) dst(%dma_wait3A_353 : memref<128x32xf32, #tpu.memory_space<vmem>>)
        %dma_start3A_357 = arith.constant 0 : i32
        %dma_start3A_358 = arith.constant 0 : i32
        %dma_start3A_359 = tpu.memref_slice %arg8[%rem3A_341, %dma_start3A_357, %dma_start3A_358] : memref<5x128x32xf32, #tpu.memory_space<vmem>> -> memref<1x128x32xf32, #tpu.memory_space<vmem>>
        %dma_start3A_360 = tpu.memref_squeeze %dma_start3A_359 : memref<1x128x32xf32, #tpu.memory_space<vmem>> -> memref<128x32xf32, #tpu.memory_space<vmem>>
        %dma_start3A_361 = arith.constant 0 : i32
        %dma_start3A_362 = tpu.memref_slice %arg6[%rem3A_339, %sub3A_337, %dma_start3A_361] : memref<3x8x128xi32, #tpu.memory_space<vmem>> -> memref<1x1x128xi32, #tpu.memory_space<vmem>>
        %dma_start3A_363 = tpu.memref_squeeze %dma_start3A_362 : memref<1x1x128xi32, #tpu.memory_space<vmem>> -> memref<128xi32, #tpu.memory_space<vmem>>
        %dma_start3A_364 = arith.constant 0 : i32
        %dma_start3A_365 = arith.constant 0 : i32
        %dma_start3A_366 = tpu.memref_slice %arg12[%dma_start3A_364, %dma_start3A_365] : memref<51200x32xf32, #tpu.memory_space<vmem_shared>> -> memref<51200x32xf32, #tpu.memory_space<vmem_shared>>
        tpu.enqueue_indirect_dma source(%dma_start3A_360 : memref<128x32xf32, #tpu.memory_space<vmem>>) target(%dma_start3A_366 : memref<51200x32xf32, #tpu.memory_space<vmem_shared>>) offsets(%dma_start3A_363 : memref<128xi32, #tpu.memory_space<vmem>>) semaphore(%arg11 : memref<!tpu.dma_semaphore, #tpu.memory_space<semaphore_mem>>) {add = true}
      } else {
      }
    }
    %scan3A_180 = arith.constant 403 : i32
    %dma_wait3A_181 = arith.constant 0 : i32
    %dma_wait3A_182 = arith.constant 0 : i32
    %dma_wait3A_183 = arith.constant 0 : i32
    %dma_wait3A_184 = tpu.memref_slice %arg8[%dma_wait3A_181, %dma_wait3A_182, %dma_wait3A_183] : memref<5x128x32xf32, #tpu.memory_space<vmem>> -> memref<1x128x32xf32, #tpu.memory_space<vmem>>
    %dma_wait3A_185 = tpu.memref_squeeze %dma_wait3A_184 : memref<1x128x32xf32, #tpu.memory_space<vmem>> -> memref<128x32xf32, #tpu.memory_space<vmem>>
    %dma_wait3A_186 = arith.constant 0 : i32
    %dma_wait3A_187 = arith.constant 0 : i32
    %dma_wait3A_188 = tpu.memref_slice %arg4[%dma_wait3A_186, %dma_wait3A_187] : memref<200000x32xf32, #tpu.memory_space<hbm>> -> memref<128x32xf32, #tpu.memory_space<hbm>>
    %dma_wait3A_189 = arith.constant 0 : i32
    %dma_wait3A_190 = arith.constant 0 : i32
    %dma_wait3A_191 = tpu.memref_slice %arg8[%dma_wait3A_181, %dma_wait3A_189, %dma_wait3A_190] : memref<5x128x32xf32, #tpu.memory_space<vmem>> -> memref<1x128x32xf32, #tpu.memory_space<vmem>>
    %dma_wait3A_192 = tpu.memref_squeeze %dma_wait3A_191 : memref<1x128x32xf32, #tpu.memory_space<vmem>> -> memref<128x32xf32, #tpu.memory_space<vmem>>
    %dma_wait3A_193 = arith.constant 0 : i32
    %dma_wait3A_194 = arith.constant 0 : i32
    %dma_wait3A_195 = tpu.memref_slice %arg4[%dma_wait3A_193, %dma_wait3A_194] : memref<200000x32xf32, #tpu.memory_space<hbm>> -> memref<128x32xf32, #tpu.memory_space<hbm>>
    tpu.wait_dma2 semaphore(%arg11 : memref<!tpu.dma_semaphore, #tpu.memory_space<semaphore_mem>>) src(%dma_wait3A_195 : memref<128x32xf32, #tpu.memory_space<hbm>>) dst(%dma_wait3A_192 : memref<128x32xf32, #tpu.memory_space<vmem>>)
    %dma_wait3A_196 = arith.constant 0 : i32
    %dma_wait3A_197 = arith.constant 0 : i32
    %dma_wait3A_198 = arith.constant 0 : i32
    %dma_wait3A_199 = tpu.memref_slice %arg8[%dma_wait3A_196, %dma_wait3A_197, %dma_wait3A_198] : memref<5x128x32xf32, #tpu.memory_space<vmem>> -> memref<1x128x32xf32, #tpu.memory_space<vmem>>
    %dma_wait3A_200 = tpu.memref_squeeze %dma_wait3A_199 : memref<1x128x32xf32, #tpu.memory_space<vmem>> -> memref<128x32xf32, #tpu.memory_space<vmem>>
    %dma_wait3A_201 = arith.constant 0 : i32
    %dma_wait3A_202 = arith.constant 0 : i32
    %dma_wait3A_203 = tpu.memref_slice %arg4[%dma_wait3A_201, %dma_wait3A_202] : memref<200000x32xf32, #tpu.memory_space<hbm>> -> memref<128x32xf32, #tpu.memory_space<hbm>>
    %dma_wait3A_204 = arith.constant 0 : i32
    %dma_wait3A_205 = arith.constant 0 : i32
    %dma_wait3A_206 = tpu.memref_slice %arg8[%dma_wait3A_196, %dma_wait3A_204, %dma_wait3A_205] : memref<5x128x32xf32, #tpu.memory_space<vmem>> -> memref<1x128x32xf32, #tpu.memory_space<vmem>>
    %dma_wait3A_207 = tpu.memref_squeeze %dma_wait3A_206 : memref<1x128x32xf32, #tpu.memory_space<vmem>> -> memref<128x32xf32, #tpu.memory_space<vmem>>
    %dma_wait3A_208 = arith.constant 0 : i32
    %dma_wait3A_209 = arith.constant 0 : i32
    %dma_wait3A_210 = tpu.memref_slice %arg4[%dma_wait3A_208, %dma_wait3A_209] : memref<200000x32xf32, #tpu.memory_space<hbm>> -> memref<128x32xf32, #tpu.memory_space<hbm>>
    tpu.wait_dma2 semaphore(%arg11 : memref<!tpu.dma_semaphore, #tpu.memory_space<semaphore_mem>>) src(%dma_wait3A_210 : memref<128x32xf32, #tpu.memory_space<hbm>>) dst(%dma_wait3A_207 : memref<128x32xf32, #tpu.memory_space<vmem>>)
    %dma_wait3A_211 = arith.constant 0 : i32
    %dma_wait3A_212 = arith.constant 0 : i32
    %dma_wait3A_213 = arith.constant 0 : i32
    %dma_wait3A_214 = tpu.memref_slice %arg8[%dma_wait3A_211, %dma_wait3A_212, %dma_wait3A_213] : memref<5x128x32xf32, #tpu.memory_space<vmem>> -> memref<1x128x32xf32, #tpu.memory_space<vmem>>
    %dma_wait3A_215 = tpu.memref_squeeze %dma_wait3A_214 : memref<1x128x32xf32, #tpu.memory_space<vmem>> -> memref<128x32xf32, #tpu.memory_space<vmem>>
    %dma_wait3A_216 = arith.constant 0 : i32
    %dma_wait3A_217 = arith.constant 0 : i32
    %dma_wait3A_218 = tpu.memref_slice %arg4[%dma_wait3A_216, %dma_wait3A_217] : memref<200000x32xf32, #tpu.memory_space<hbm>> -> memref<128x32xf32, #tpu.memory_space<hbm>>
    %dma_wait3A_219 = arith.constant 0 : i32
    %dma_wait3A_220 = arith.constant 0 : i32
    %dma_wait3A_221 = tpu.memref_slice %arg8[%dma_wait3A_211, %dma_wait3A_219, %dma_wait3A_220] : memref<5x128x32xf32, #tpu.memory_space<vmem>> -> memref<1x128x32xf32, #tpu.memory_space<vmem>>
    %dma_wait3A_222 = tpu.memref_squeeze %dma_wait3A_221 : memref<1x128x32xf32, #tpu.memory_space<vmem>> -> memref<128x32xf32, #tpu.memory_space<vmem>>
    %dma_wait3A_223 = arith.constant 0 : i32
    %dma_wait3A_224 = arith.constant 0 : i32
    %dma_wait3A_225 = tpu.memref_slice %arg4[%dma_wait3A_223, %dma_wait3A_224] : memref<200000x32xf32, #tpu.memory_space<hbm>> -> memref<128x32xf32, #tpu.memory_space<hbm>>
    tpu.wait_dma2 semaphore(%arg11 : memref<!tpu.dma_semaphore, #tpu.memory_space<semaphore_mem>>) src(%dma_wait3A_225 : memref<128x32xf32, #tpu.memory_space<hbm>>) dst(%dma_wait3A_222 : memref<128x32xf32, #tpu.memory_space<vmem>>)
    %dma_wait3A_226 = arith.constant 0 : i32
    %dma_wait3A_227 = arith.constant 0 : i32
    %dma_wait3A_228 = arith.constant 0 : i32
    %dma_wait3A_229 = tpu.memref_slice %arg8[%dma_wait3A_226, %dma_wait3A_227, %dma_wait3A_228] : memref<5x128x32xf32, #tpu.memory_space<vmem>> -> memref<1x128x32xf32, #tpu.memory_space<vmem>>
    %dma_wait3A_230 = tpu.memref_squeeze %dma_wait3A_229 : memref<1x128x32xf32, #tpu.memory_space<vmem>> -> memref<128x32xf32, #tpu.memory_space<vmem>>
    %dma_wait3A_231 = arith.constant 0 : i32
    %dma_wait3A_232 = arith.constant 0 : i32
    %dma_wait3A_233 = tpu.memref_slice %arg4[%dma_wait3A_231, %dma_wait3A_232] : memref<200000x32xf32, #tpu.memory_space<hbm>> -> memref<128x32xf32, #tpu.memory_space<hbm>>
    %dma_wait3A_234 = arith.constant 0 : i32
    %dma_wait3A_235 = arith.constant 0 : i32
    %dma_wait3A_236 = tpu.memref_slice %arg8[%dma_wait3A_226, %dma_wait3A_234, %dma_wait3A_235] : memref<5x128x32xf32, #tpu.memory_space<vmem>> -> memref<1x128x32xf32, #tpu.memory_space<vmem>>
    %dma_wait3A_237 = tpu.memref_squeeze %dma_wait3A_236 : memref<1x128x32xf32, #tpu.memory_space<vmem>> -> memref<128x32xf32, #tpu.memory_space<vmem>>
    %dma_wait3A_238 = arith.constant 0 : i32
    %dma_wait3A_239 = arith.constant 0 : i32
    %dma_wait3A_240 = tpu.memref_slice %arg4[%dma_wait3A_238, %dma_wait3A_239] : memref<200000x32xf32, #tpu.memory_space<hbm>> -> memref<128x32xf32, #tpu.memory_space<hbm>>
    tpu.wait_dma2 semaphore(%arg11 : memref<!tpu.dma_semaphore, #tpu.memory_space<semaphore_mem>>) src(%dma_wait3A_240 : memref<128x32xf32, #tpu.memory_space<hbm>>) dst(%dma_wait3A_237 : memref<128x32xf32, #tpu.memory_space<vmem>>)
    %dma_wait3A_241 = arith.constant 0 : i32
    %dma_wait3A_242 = arith.constant 0 : i32
    %dma_wait3A_243 = arith.constant 0 : i32
    %dma_wait3A_244 = tpu.memref_slice %arg8[%dma_wait3A_241, %dma_wait3A_242, %dma_wait3A_243] : memref<5x128x32xf32, #tpu.memory_space<vmem>> -> memref<1x128x32xf32, #tpu.memory_space<vmem>>
    %dma_wait3A_245 = tpu.memref_squeeze %dma_wait3A_244 : memref<1x128x32xf32, #tpu.memory_space<vmem>> -> memref<128x32xf32, #tpu.memory_space<vmem>>
    %dma_wait3A_246 = arith.constant 0 : i32
    %dma_wait3A_247 = arith.constant 0 : i32
    %dma_wait3A_248 = tpu.memref_slice %arg4[%dma_wait3A_246, %dma_wait3A_247] : memref<200000x32xf32, #tpu.memory_space<hbm>> -> memref<128x32xf32, #tpu.memory_space<hbm>>
    %dma_wait3A_249 = arith.constant 0 : i32
    %dma_wait3A_250 = arith.constant 0 : i32
    %dma_wait3A_251 = tpu.memref_slice %arg8[%dma_wait3A_241, %dma_wait3A_249, %dma_wait3A_250] : memref<5x128x32xf32, #tpu.memory_space<vmem>> -> memref<1x128x32xf32, #tpu.memory_space<vmem>>
    %dma_wait3A_252 = tpu.memref_squeeze %dma_wait3A_251 : memref<1x128x32xf32, #tpu.memory_space<vmem>> -> memref<128x32xf32, #tpu.memory_space<vmem>>
    %dma_wait3A_253 = arith.constant 0 : i32
    %dma_wait3A_254 = arith.constant 0 : i32
    %dma_wait3A_255 = tpu.memref_slice %arg4[%dma_wait3A_253, %dma_wait3A_254] : memref<200000x32xf32, #tpu.memory_space<hbm>> -> memref<128x32xf32, #tpu.memory_space<hbm>>
    tpu.wait_dma2 semaphore(%arg11 : memref<!tpu.dma_semaphore, #tpu.memory_space<semaphore_mem>>) src(%dma_wait3A_255 : memref<128x32xf32, #tpu.memory_space<hbm>>) dst(%dma_wait3A_252 : memref<128x32xf32, #tpu.memory_space<vmem>>)
    %barrier3A_256 = arith.constant 0 : index
    tpu.barrier barrier_id(%barrier3A_256)
    %mul3A_257 = arith.constant 3200 : i32
    %mul3A_258 = arith.muli %arg1, %mul3A_257 : i32
    %mul3A_259 = arith.constant 52000 : i32
    %mul3A_260 = arith.muli %add3A_132, %mul3A_259 : i32
    %mul3A_261 = arith.constant 3200 : i32
    %mul3A_262 = arith.muli %arg1, %mul3A_261 : i32
    %add3A_263 = arith.addi %mul3A_260, %mul3A_262 : i32
    "tpu.region"() ({
      %run_scoped3A = tpu.sem_alloc : memref<!tpu.dma_semaphore, #tpu.memory_space<semaphore_mem>>
      %dma_start3A_264 = arith.constant 0 : i32
      %dma_start3A_265 = tpu.memref_slice %arg5[%add3A_263, %dma_start3A_264] : memref<208000x32xf32, #tpu.memory_space<hbm>> -> memref<3200x32xf32, #tpu.memory_space<hbm>>
      %dma_start3A_266 = arith.constant 0 : i32
      %dma_start3A_267 = tpu.memref_slice %arg12[%mul3A_258, %dma_start3A_266] : memref<51200x32xf32, #tpu.memory_space<vmem_shared>> -> memref<3200x32xf32, #tpu.memory_space<vmem_shared>>
      tpu.enqueue_dma source(%dma_start3A_267 : memref<3200x32xf32, #tpu.memory_space<vmem_shared>>) target(%dma_start3A_265 : memref<3200x32xf32, #tpu.memory_space<hbm>>) target_semaphore(%run_scoped3A : memref<!tpu.dma_semaphore, #tpu.memory_space<semaphore_mem>>)
      %dma_wait3A_268 = arith.constant 0 : i32
      %dma_wait3A_269 = tpu.memref_slice %arg5[%add3A_263, %dma_wait3A_268] : memref<208000x32xf32, #tpu.memory_space<hbm>> -> memref<3200x32xf32, #tpu.memory_space<hbm>>
      %dma_wait3A_270 = arith.constant 0 : i32
      %dma_wait3A_271 = tpu.memref_slice %arg12[%mul3A_258, %dma_wait3A_270] : memref<51200x32xf32, #tpu.memory_space<vmem_shared>> -> memref<3200x32xf32, #tpu.memory_space<vmem_shared>>
      tpu.wait_dma2 semaphore(%run_scoped3A : memref<!tpu.dma_semaphore, #tpu.memory_space<semaphore_mem>>) src(%dma_wait3A_271 : memref<3200x32xf32, #tpu.memory_space<vmem_shared>>) dst(%dma_wait3A_269 : memref<3200x32xf32, #tpu.memory_space<hbm>>)
      tpu.yield
    }) : () -> ()
    return
  }
}

#map = affine_map<(d0, d1) -> (0, 0)>
module attributes {stable_mosaic.version = 14 : i64} {
  func.func @_kc_body(%arg0: i32, %arg1: i32, %arg2: memref<6400x128xi32, #tpu.memory_space<hbm>>, %arg3: memref<6400x128xi32, #tpu.memory_space<hbm>>, %arg4: memref<200000x32xf32, #tpu.memory_space<hbm>>, %arg5: memref<208000x32xf32, #tpu.memory_space<hbm>>, %arg6: memref<3x8x128xi32, #tpu.memory_space<vmem>>, %arg7: memref<3x8x128xi32, #tpu.memory_space<vmem>>, %arg8: memref<5x128x32xf32, #tpu.memory_space<vmem>>, %arg9: memref<!tpu.dma_semaphore, #tpu.memory_space<semaphore_mem>>, %arg10: memref<!tpu.dma_semaphore, #tpu.memory_space<semaphore_mem>>, %arg11: memref<!tpu.dma_semaphore, #tpu.memory_space<semaphore_mem>>, %arg12: memref<51200x32xf32, #tpu.memory_space<vmem_shared>>) attributes {dimension_semantics = [#tpu.dimension_semantics<core_parallel>, #tpu.dimension_semantics<subcore_parallel>], iteration_bounds = array<i64: 2, 16>, scalar_prefetch = 0 : i64, scratch_operands = 7 : i64, tpu.core_type = #tpu.core_type<sc_vector_subcore>, window_params = [{transform_indices = #map}, {transform_indices = #map}, {transform_indices = #map}, {transform_indices = #map}]} {
    %mul3A = arith.constant 2 : i32
    %mul3A_0 = arith.muli %arg0, %mul3A : i32
    %add3A = arith.constant 0 : i32
    %add3A_1 = arith.addi %mul3A_0, %add3A : i32
    %mul3A_2 = arith.constant 50000 : i32
    %mul3A_3 = arith.muli %add3A_1, %mul3A_2 : i32
    %scan3A = arith.constant 0 : i32
    %scan3A_4 = arith.constant 128 : i32
    %scan3A_5 = arith.addi %scan3A, %scan3A_4 : i32
    %scan3A_6 = arith.constant 1 : i32
    scf.for %scan3A_264 = %scan3A to %scan3A_5 step %scan3A_6  : i32 {
      %broadcast_in_dim3A = arith.constant 0.000000e+00 : f32
      %broadcast_in_dim3A_265 = vector.broadcast %broadcast_in_dim3A : f32 to vector<16xf32>
      %swap3A = arith.constant 0 : i32
      %swap3A_266 = arith.index_cast %swap3A : i32 to index
      %swap3A_267 = arith.index_cast %scan3A_264 : i32 to index
      %swap3A_268 = arith.constant 0 : index
      %swap3A_269 = tpu.vector_load %arg8[%swap3A_266, %swap3A_267, %swap3A_268] {strides = array<i32>} : memref<5x128x32xf32, #tpu.memory_space<vmem>>, vector<1x1x16xf32>,
      %swap3A_270 = vector.shape_cast %swap3A_269 : vector<1x1x16xf32> to vector<16xf32>
      %swap3A_271 = vector.shape_cast %broadcast_in_dim3A_265 : vector<16xf32> to vector<1x1x16xf32>
      tpu.vector_store %arg8[%swap3A_266, %swap3A_267, %swap3A_268], %swap3A_271 {strides = array<i32>} : memref<5x128x32xf32, #tpu.memory_space<vmem>>, vector<1x1x16xf32>,
      %broadcast_in_dim3A_272 = arith.constant 0.000000e+00 : f32
      %broadcast_in_dim3A_273 = vector.broadcast %broadcast_in_dim3A_272 : f32 to vector<16xf32>
      %swap3A_274 = arith.constant 0 : i32
      %swap3A_275 = arith.index_cast %swap3A_274 : i32 to index
      %swap3A_276 = arith.index_cast %scan3A_264 : i32 to index
      %swap3A_277 = arith.constant 16 : index
      %swap3A_278 = tpu.vector_load %arg8[%swap3A_275, %swap3A_276, %swap3A_277] {strides = array<i32>} : memref<5x128x32xf32, #tpu.memory_space<vmem>>, vector<1x1x16xf32>,
      %swap3A_279 = vector.shape_cast %swap3A_278 : vector<1x1x16xf32> to vector<16xf32>
      %swap3A_280 = vector.shape_cast %broadcast_in_dim3A_273 : vector<16xf32> to vector<1x1x16xf32>
      tpu.vector_store %arg8[%swap3A_275, %swap3A_276, %swap3A_277], %swap3A_280 {strides = array<i32>} : memref<5x128x32xf32, #tpu.memory_space<vmem>>, vector<1x1x16xf32>,
    }
    %scan3A_7 = arith.constant 128 : i32
    %scan3A_8 = arith.constant 0 : i32
    %scan3A_9 = arith.constant 25 : i32
    %scan3A_10 = arith.addi %scan3A_8, %scan3A_9 : i32
    %scan3A_11 = arith.constant 1 : i32
    scf.for %scan3A_264 = %scan3A_8 to %scan3A_10 step %scan3A_11  : i32 {
      %mul3A_265 = arith.constant 3200 : i32
      %mul3A_266 = arith.muli %arg1, %mul3A_265 : i32
      %mul3A_267 = arith.constant 128 : i32
      %mul3A_268 = arith.muli %scan3A_264, %mul3A_267 : i32
      %add3A_269 = arith.addi %mul3A_266, %mul3A_268 : i32
      %run_scoped3A = arith.constant 0 : i32
      "tpu.region"() ({
        %run_scoped3A_270 = tpu.sem_alloc : memref<!tpu.dma_semaphore, #tpu.memory_space<semaphore_mem>>
        %dma_start3A_271 = arith.constant 0 : i32
        %dma_start3A_272 = arith.constant 0 : i32
        %dma_start3A_273 = tpu.memref_slice %arg8[%run_scoped3A, %dma_start3A_271, %dma_start3A_272] : memref<5x128x32xf32, #tpu.memory_space<vmem>> -> memref<1x128x32xf32, #tpu.memory_space<vmem>>
        %dma_start3A_274 = tpu.memref_squeeze %dma_start3A_273 : memref<1x128x32xf32, #tpu.memory_space<vmem>> -> memref<128x32xf32, #tpu.memory_space<vmem>>
        %dma_start3A_275 = arith.constant 0 : i32
        %dma_start3A_276 = tpu.memref_slice %arg12[%add3A_269, %dma_start3A_275] : memref<51200x32xf32, #tpu.memory_space<vmem_shared>> -> memref<128x32xf32, #tpu.memory_space<vmem_shared>>
        %dma_start3A_277 = arith.constant 0 : i32
        %dma_start3A_278 = tpu.memref_slice %arg12[%add3A_269, %dma_start3A_277] : memref<51200x32xf32, #tpu.memory_space<vmem_shared>> -> memref<128x32xf32, #tpu.memory_space<vmem_shared>>
        %dma_start3A_279 = arith.constant 0 : i32
        %dma_start3A_280 = arith.constant 0 : i32
        %dma_start3A_281 = tpu.memref_slice %arg8[%run_scoped3A, %dma_start3A_279, %dma_start3A_280] : memref<5x128x32xf32, #tpu.memory_space<vmem>> -> memref<1x128x32xf32, #tpu.memory_space<vmem>>
        %dma_start3A_282 = tpu.memref_squeeze %dma_start3A_281 : memref<1x128x32xf32, #tpu.memory_space<vmem>> -> memref<128x32xf32, #tpu.memory_space<vmem>>
        tpu.enqueue_dma source(%dma_start3A_282 : memref<128x32xf32, #tpu.memory_space<vmem>>) target(%dma_start3A_278 : memref<128x32xf32, #tpu.memory_space<vmem_shared>>) target_semaphore(%run_scoped3A_270 : memref<!tpu.dma_semaphore, #tpu.memory_space<semaphore_mem>>)
        %dma_wait3A_283 = arith.constant 0 : i32
        %dma_wait3A_284 = arith.constant 0 : i32
        %dma_wait3A_285 = tpu.memref_slice %arg8[%run_scoped3A, %dma_wait3A_283, %dma_wait3A_284] : memref<5x128x32xf32, #tpu.memory_space<vmem>> -> memref<1x128x32xf32, #tpu.memory_space<vmem>>
        %dma_wait3A_286 = tpu.memref_squeeze %dma_wait3A_285 : memref<1x128x32xf32, #tpu.memory_space<vmem>> -> memref<128x32xf32, #tpu.memory_space<vmem>>
        %dma_wait3A_287 = arith.constant 0 : i32
        %dma_wait3A_288 = tpu.memref_slice %arg12[%add3A_269, %dma_wait3A_287] : memref<51200x32xf32, #tpu.memory_space<vmem_shared>> -> memref<128x32xf32, #tpu.memory_space<vmem_shared>>
        %dma_wait3A_289 = arith.constant 0 : i32
        %dma_wait3A_290 = tpu.memref_slice %arg12[%add3A_269, %dma_wait3A_289] : memref<51200x32xf32, #tpu.memory_space<vmem_shared>> -> memref<128x32xf32, #tpu.memory_space<vmem_shared>>
        %dma_wait3A_291 = arith.constant 0 : i32
        %dma_wait3A_292 = arith.constant 0 : i32
        %dma_wait3A_293 = tpu.memref_slice %arg8[%run_scoped3A, %dma_wait3A_291, %dma_wait3A_292] : memref<5x128x32xf32, #tpu.memory_space<vmem>> -> memref<1x128x32xf32, #tpu.memory_space<vmem>>
        %dma_wait3A_294 = tpu.memref_squeeze %dma_wait3A_293 : memref<1x128x32xf32, #tpu.memory_space<vmem>> -> memref<128x32xf32, #tpu.memory_space<vmem>>
        tpu.wait_dma2 semaphore(%run_scoped3A_270 : memref<!tpu.dma_semaphore, #tpu.memory_space<semaphore_mem>>) src(%dma_wait3A_294 : memref<128x32xf32, #tpu.memory_space<vmem>>) dst(%dma_wait3A_290 : memref<128x32xf32, #tpu.memory_space<vmem_shared>>)
        tpu.yield
      }) : () -> ()
    }
    %scan3A_12 = arith.constant 25 : i32
    %barrier3A = arith.constant 0 : index
    tpu.barrier barrier_id(%barrier3A)
    %mul3A_13 = arith.constant 50 : i32
    %mul3A_14 = arith.muli %arg1, %mul3A_13 : i32
    %mul3A_15 = arith.constant 8 : i32
    %mul3A_16 = arith.muli %mul3A_14, %mul3A_15 : i32
    %dma_start3A = arith.constant 0 : i32
    %dma_start3A_17 = arith.constant 0 : i32
    %dma_start3A_18 = arith.constant 0 : i32
    %dma_start3A_19 = tpu.memref_slice %arg6[%dma_start3A, %dma_start3A_17, %dma_start3A_18] : memref<3x8x128xi32, #tpu.memory_space<vmem>> -> memref<1x8x128xi32, #tpu.memory_space<vmem>>
    %dma_start3A_20 = tpu.memref_squeeze %dma_start3A_19 : memref<1x8x128xi32, #tpu.memory_space<vmem>> -> memref<8x128xi32, #tpu.memory_space<vmem>>
    %dma_start3A_21 = arith.constant 0 : i32
    %dma_start3A_22 = tpu.memref_slice %arg2[%mul3A_16, %dma_start3A_21] : memref<6400x128xi32, #tpu.memory_space<hbm>> -> memref<8x128xi32, #tpu.memory_space<hbm>>
    %dma_start3A_23 = arith.constant 0 : i32
    %dma_start3A_24 = arith.constant 0 : i32
    %dma_start3A_25 = tpu.memref_slice %arg6[%dma_start3A, %dma_start3A_23, %dma_start3A_24] : memref<3x8x128xi32, #tpu.memory_space<vmem>> -> memref<1x8x128xi32, #tpu.memory_space<vmem>>
    %dma_start3A_26 = tpu.memref_squeeze %dma_start3A_25 : memref<1x8x128xi32, #tpu.memory_space<vmem>> -> memref<8x128xi32, #tpu.memory_space<vmem>>
    %dma_start3A_27 = arith.constant 0 : i32
    %dma_start3A_28 = tpu.memref_slice %arg2[%mul3A_16, %dma_start3A_27] : memref<6400x128xi32, #tpu.memory_space<hbm>> -> memref<8x128xi32, #tpu.memory_space<hbm>>
    tpu.enqueue_dma source(%dma_start3A_28 : memref<8x128xi32, #tpu.memory_space<hbm>>) target(%dma_start3A_26 : memref<8x128xi32, #tpu.memory_space<vmem>>) target_semaphore(%arg9 : memref<!tpu.dma_semaphore, #tpu.memory_space<semaphore_mem>>)
    %dma_start3A_29 = arith.constant 0 : i32
    %dma_start3A_30 = arith.constant 0 : i32
    %dma_start3A_31 = arith.constant 0 : i32
    %dma_start3A_32 = tpu.memref_slice %arg7[%dma_start3A_29, %dma_start3A_30, %dma_start3A_31] : memref<3x8x128xi32, #tpu.memory_space<vmem>> -> memref<1x8x128xi32, #tpu.memory_space<vmem>>
    %dma_start3A_33 = tpu.memref_squeeze %dma_start3A_32 : memref<1x8x128xi32, #tpu.memory_space<vmem>> -> memref<8x128xi32, #tpu.memory_space<vmem>>
    %dma_start3A_34 = arith.constant 0 : i32
    %dma_start3A_35 = tpu.memref_slice %arg3[%mul3A_16, %dma_start3A_34] : memref<6400x128xi32, #tpu.memory_space<hbm>> -> memref<8x128xi32, #tpu.memory_space<hbm>>
    %dma_start3A_36 = arith.constant 0 : i32
    %dma_start3A_37 = arith.constant 0 : i32
    %dma_start3A_38 = tpu.memref_slice %arg7[%dma_start3A_29, %dma_start3A_36, %dma_start3A_37] : memref<3x8x128xi32, #tpu.memory_space<vmem>> -> memref<1x8x128xi32, #tpu.memory_space<vmem>>
    %dma_start3A_39 = tpu.memref_squeeze %dma_start3A_38 : memref<1x8x128xi32, #tpu.memory_space<vmem>> -> memref<8x128xi32, #tpu.memory_space<vmem>>
    %dma_start3A_40 = arith.constant 0 : i32
    %dma_start3A_41 = tpu.memref_slice %arg3[%mul3A_16, %dma_start3A_40] : memref<6400x128xi32, #tpu.memory_space<hbm>> -> memref<8x128xi32, #tpu.memory_space<hbm>>
    tpu.enqueue_dma source(%dma_start3A_41 : memref<8x128xi32, #tpu.memory_space<hbm>>) target(%dma_start3A_39 : memref<8x128xi32, #tpu.memory_space<vmem>>) target_semaphore(%arg9 : memref<!tpu.dma_semaphore, #tpu.memory_space<semaphore_mem>>)
    %scan3A_42 = arith.constant 0 : i32
    %scan3A_43 = arith.constant 403 : i32
    %scan3A_44 = arith.addi %scan3A_42, %scan3A_43 : i32
    %scan3A_45 = arith.constant 1 : i32
    scf.for %scan3A_264 = %scan3A_42 to %scan3A_44 step %scan3A_45  : i32 {
      %jit3A = arith.constant 8 : i32
      %div3A = arith.divsi %scan3A_264, %jit3A : i32
      %sign3A = arith.constant 0 : i32
      %sign3A_265 = arith.cmpi sgt, %scan3A_264, %sign3A : i32
      %sign3A_266 = arith.extui %sign3A_265 : i1 to i32
      %sign3A_267 = arith.constant 0 : i32
      %sign3A_268 = arith.cmpi slt, %scan3A_264, %sign3A_267 : i32
      %sign3A_269 = arith.extui %sign3A_268 : i1 to i32
      %sign3A_270 = arith.subi %sign3A_266, %sign3A_269 : i32
      %sign3A_271 = arith.constant 0 : i32
      %sign3A_272 = arith.cmpi sgt, %jit3A, %sign3A_271 : i32
      %sign3A_273 = arith.extui %sign3A_272 : i1 to i32
      %sign3A_274 = arith.constant 0 : i32
      %sign3A_275 = arith.cmpi slt, %jit3A, %sign3A_274 : i32
      %sign3A_276 = arith.extui %sign3A_275 : i1 to i32
      %sign3A_277 = arith.subi %sign3A_273, %sign3A_276 : i32
      %ne3A = arith.cmpi ne, %sign3A_270, %sign3A_277 : i32
      %rem3A = arith.remsi %scan3A_264, %jit3A : i32
      %ne3A_278 = arith.constant 0 : i32
      %ne3A_279 = arith.cmpi ne, %rem3A, %ne3A_278 : i32
      %and3A = arith.andi %ne3A, %ne3A_279 : i1
      %sub3A = arith.constant 1 : i32
      %sub3A_280 = arith.subi %div3A, %sub3A : i32
      %select_n3A = arith.select %and3A, %sub3A_280, %div3A : i32
      %mul3A_281 = arith.constant 8 : i32
      %mul3A_282 = arith.muli %select_n3A, %mul3A_281 : i32
      %sub3A_283 = arith.subi %scan3A_264, %mul3A_282 : i32
      %rem3A_284 = arith.constant 3 : i32
      %rem3A_285 = arith.remsi %select_n3A, %rem3A_284 : i32
      %rem3A_286 = arith.constant 5 : i32
      %rem3A_287 = arith.remsi %scan3A_264, %rem3A_286 : i32
      %lt3A = arith.constant 400 : i32
      %lt3A_288 = arith.cmpi slt, %scan3A_264, %lt3A : i32
      %eq3A = arith.constant 0 : i32
      %eq3A_289 = arith.cmpi eq, %sub3A_283, %eq3A : i32
      %and3A_290 = arith.andi %lt3A_288, %eq3A_289 : i1
      %convert_element_type3A = arith.extui %and3A_290 : i1 to i32
      %cond3A = arith.constant 0 : i32
      %cond3A_291 = arith.cmpi ne, %convert_element_type3A, %cond3A : i32
      scf.if %cond3A_291 {
        %dma_wait3A_309 = arith.constant 0 : i32
        %dma_wait3A_310 = arith.constant 0 : i32
        %dma_wait3A_311 = arith.constant 0 : i32
        %dma_wait3A_312 = tpu.memref_slice %arg6[%dma_wait3A_309, %dma_wait3A_310, %dma_wait3A_311] : memref<3x8x128xi32, #tpu.memory_space<vmem>> -> memref<1x8x128xi32, #tpu.memory_space<vmem>>
        %dma_wait3A_313 = tpu.memref_squeeze %dma_wait3A_312 : memref<1x8x128xi32, #tpu.memory_space<vmem>> -> memref<8x128xi32, #tpu.memory_space<vmem>>
        %dma_wait3A_314 = arith.constant 0 : i32
        %dma_wait3A_315 = arith.constant 0 : i32
        %dma_wait3A_316 = tpu.memref_slice %arg2[%dma_wait3A_314, %dma_wait3A_315] : memref<6400x128xi32, #tpu.memory_space<hbm>> -> memref<8x128xi32, #tpu.memory_space<hbm>>
        %dma_wait3A_317 = arith.constant 0 : i32
        %dma_wait3A_318 = arith.constant 0 : i32
        %dma_wait3A_319 = tpu.memref_slice %arg6[%dma_wait3A_309, %dma_wait3A_317, %dma_wait3A_318] : memref<3x8x128xi32, #tpu.memory_space<vmem>> -> memref<1x8x128xi32, #tpu.memory_space<vmem>>
        %dma_wait3A_320 = tpu.memref_squeeze %dma_wait3A_319 : memref<1x8x128xi32, #tpu.memory_space<vmem>> -> memref<8x128xi32, #tpu.memory_space<vmem>>
        %dma_wait3A_321 = arith.constant 0 : i32
        %dma_wait3A_322 = arith.constant 0 : i32
        %dma_wait3A_323 = tpu.memref_slice %arg2[%dma_wait3A_321, %dma_wait3A_322] : memref<6400x128xi32, #tpu.memory_space<hbm>> -> memref<8x128xi32, #tpu.memory_space<hbm>>
        tpu.wait_dma2 semaphore(%arg9 : memref<!tpu.dma_semaphore, #tpu.memory_space<semaphore_mem>>) src(%dma_wait3A_323 : memref<8x128xi32, #tpu.memory_space<hbm>>) dst(%dma_wait3A_320 : memref<8x128xi32, #tpu.memory_space<vmem>>)
        %dma_wait3A_324 = arith.constant 0 : i32
        %dma_wait3A_325 = arith.constant 0 : i32
        %dma_wait3A_326 = arith.constant 0 : i32
        %dma_wait3A_327 = tpu.memref_slice %arg6[%dma_wait3A_324, %dma_wait3A_325, %dma_wait3A_326] : memref<3x8x128xi32, #tpu.memory_space<vmem>> -> memref<1x8x128xi32, #tpu.memory_space<vmem>>
        %dma_wait3A_328 = tpu.memref_squeeze %dma_wait3A_327 : memref<1x8x128xi32, #tpu.memory_space<vmem>> -> memref<8x128xi32, #tpu.memory_space<vmem>>
        %dma_wait3A_329 = arith.constant 0 : i32
        %dma_wait3A_330 = arith.constant 0 : i32
        %dma_wait3A_331 = tpu.memref_slice %arg2[%dma_wait3A_329, %dma_wait3A_330] : memref<6400x128xi32, #tpu.memory_space<hbm>> -> memref<8x128xi32, #tpu.memory_space<hbm>>
        %dma_wait3A_332 = arith.constant 0 : i32
        %dma_wait3A_333 = arith.constant 0 : i32
        %dma_wait3A_334 = tpu.memref_slice %arg6[%dma_wait3A_324, %dma_wait3A_332, %dma_wait3A_333] : memref<3x8x128xi32, #tpu.memory_space<vmem>> -> memref<1x8x128xi32, #tpu.memory_space<vmem>>
        %dma_wait3A_335 = tpu.memref_squeeze %dma_wait3A_334 : memref<1x8x128xi32, #tpu.memory_space<vmem>> -> memref<8x128xi32, #tpu.memory_space<vmem>>
        %dma_wait3A_336 = arith.constant 0 : i32
        %dma_wait3A_337 = arith.constant 0 : i32
        %dma_wait3A_338 = tpu.memref_slice %arg2[%dma_wait3A_336, %dma_wait3A_337] : memref<6400x128xi32, #tpu.memory_space<hbm>> -> memref<8x128xi32, #tpu.memory_space<hbm>>
        tpu.wait_dma2 semaphore(%arg9 : memref<!tpu.dma_semaphore, #tpu.memory_space<semaphore_mem>>) src(%dma_wait3A_338 : memref<8x128xi32, #tpu.memory_space<hbm>>) dst(%dma_wait3A_335 : memref<8x128xi32, #tpu.memory_space<vmem>>)
        %scan3A_339 = arith.constant 0 : i32
        %scan3A_340 = arith.constant 8 : i32
        %scan3A_341 = arith.addi %scan3A_339, %scan3A_340 : i32
        %scan3A_342 = arith.constant 1 : i32
        scf.for %scan3A_351 = %scan3A_339 to %scan3A_341 step %scan3A_342  : i32 {
          %get3A = arith.index_cast %rem3A_285 : i32 to index
          %get3A_352 = arith.index_cast %scan3A_351 : i32 to index
          %get3A_353 = arith.constant 0 : index
          %get3A_354 = tpu.vector_load %arg7[%get3A, %get3A_352, %get3A_353] {strides = array<i32>} : memref<3x8x128xi32, #tpu.memory_space<vmem>>, vector<1x1x16xi32>,
          %get3A_355 = vector.shape_cast %get3A_354 : vector<1x1x16xi32> to vector<16xi32>
          %add3A_356 = vector.broadcast %mul3A_3 : i32 to vector<16xi32>
          %add3A_357 = arith.addi %get3A_355, %add3A_356 : vector<16xi32>
          %swap3A = arith.index_cast %rem3A_285 : i32 to index
          %swap3A_358 = arith.index_cast %scan3A_351 : i32 to index
          %swap3A_359 = arith.constant 0 : index
          %swap3A_360 = tpu.vector_load %arg7[%swap3A, %swap3A_358, %swap3A_359] {strides = array<i32>} : memref<3x8x128xi32, #tpu.memory_space<vmem>>, vector<1x1x16xi32>,
          %swap3A_361 = vector.shape_cast %swap3A_360 : vector<1x1x16xi32> to vector<16xi32>
          %swap3A_362 = vector.shape_cast %add3A_357 : vector<16xi32> to vector<1x1x16xi32>
          tpu.vector_store %arg7[%swap3A, %swap3A_358, %swap3A_359], %swap3A_362 {strides = array<i32>} : memref<3x8x128xi32, #tpu.memory_space<vmem>>, vector<1x1x16xi32>,
          %get3A_363 = arith.index_cast %rem3A_285 : i32 to index
          %get3A_364 = arith.index_cast %scan3A_351 : i32 to index
          %get3A_365 = arith.constant 16 : index
          %get3A_366 = tpu.vector_load %arg7[%get3A_363, %get3A_364, %get3A_365] {strides = array<i32>} : memref<3x8x128xi32, #tpu.memory_space<vmem>>, vector<1x1x16xi32>,
          %get3A_367 = vector.shape_cast %get3A_366 : vector<1x1x16xi32> to vector<16xi32>
          %add3A_368 = vector.broadcast %mul3A_3 : i32 to vector<16xi32>
          %add3A_369 = arith.addi %get3A_367, %add3A_368 : vector<16xi32>
          %swap3A_370 = arith.index_cast %rem3A_285 : i32 to index
          %swap3A_371 = arith.index_cast %scan3A_351 : i32 to index
          %swap3A_372 = arith.constant 16 : index
          %swap3A_373 = tpu.vector_load %arg7[%swap3A_370, %swap3A_371, %swap3A_372] {strides = array<i32>} : memref<3x8x128xi32, #tpu.memory_space<vmem>>, vector<1x1x16xi32>,
          %swap3A_374 = vector.shape_cast %swap3A_373 : vector<1x1x16xi32> to vector<16xi32>
          %swap3A_375 = vector.shape_cast %add3A_369 : vector<16xi32> to vector<1x1x16xi32>
          tpu.vector_store %arg7[%swap3A_370, %swap3A_371, %swap3A_372], %swap3A_375 {strides = array<i32>} : memref<3x8x128xi32, #tpu.memory_space<vmem>>, vector<1x1x16xi32>,
          %get3A_376 = arith.index_cast %rem3A_285 : i32 to index
          %get3A_377 = arith.index_cast %scan3A_351 : i32 to index
          %get3A_378 = arith.constant 32 : index
          %get3A_379 = tpu.vector_load %arg7[%get3A_376, %get3A_377, %get3A_378] {strides = array<i32>} : memref<3x8x128xi32, #tpu.memory_space<vmem>>, vector<1x1x16xi32>,
          %get3A_380 = vector.shape_cast %get3A_379 : vector<1x1x16xi32> to vector<16xi32>
          %add3A_381 = vector.broadcast %mul3A_3 : i32 to vector<16xi32>
          %add3A_382 = arith.addi %get3A_380, %add3A_381 : vector<16xi32>
          %swap3A_383 = arith.index_cast %rem3A_285 : i32 to index
          %swap3A_384 = arith.index_cast %scan3A_351 : i32 to index
          %swap3A_385 = arith.constant 32 : index
          %swap3A_386 = tpu.vector_load %arg7[%swap3A_383, %swap3A_384, %swap3A_385] {strides = array<i32>} : memref<3x8x128xi32, #tpu.memory_space<vmem>>, vector<1x1x16xi32>,
          %swap3A_387 = vector.shape_cast %swap3A_386 : vector<1x1x16xi32> to vector<16xi32>
          %swap3A_388 = vector.shape_cast %add3A_382 : vector<16xi32> to vector<1x1x16xi32>
          tpu.vector_store %arg7[%swap3A_383, %swap3A_384, %swap3A_385], %swap3A_388 {strides = array<i32>} : memref<3x8x128xi32, #tpu.memory_space<vmem>>, vector<1x1x16xi32>,
          %get3A_389 = arith.index_cast %rem3A_285 : i32 to index
          %get3A_390 = arith.index_cast %scan3A_351 : i32 to index
          %get3A_391 = arith.constant 48 : index
          %get3A_392 = tpu.vector_load %arg7[%get3A_389, %get3A_390, %get3A_391] {strides = array<i32>} : memref<3x8x128xi32, #tpu.memory_space<vmem>>, vector<1x1x16xi32>,
          %get3A_393 = vector.shape_cast %get3A_392 : vector<1x1x16xi32> to vector<16xi32>
          %add3A_394 = vector.broadcast %mul3A_3 : i32 to vector<16xi32>
          %add3A_395 = arith.addi %get3A_393, %add3A_394 : vector<16xi32>
          %swap3A_396 = arith.index_cast %rem3A_285 : i32 to index
          %swap3A_397 = arith.index_cast %scan3A_351 : i32 to index
          %swap3A_398 = arith.constant 48 : index
          %swap3A_399 = tpu.vector_load %arg7[%swap3A_396, %swap3A_397, %swap3A_398] {strides = array<i32>} : memref<3x8x128xi32, #tpu.memory_space<vmem>>, vector<1x1x16xi32>,
          %swap3A_400 = vector.shape_cast %swap3A_399 : vector<1x1x16xi32> to vector<16xi32>
          %swap3A_401 = vector.shape_cast %add3A_395 : vector<16xi32> to vector<1x1x16xi32>
          tpu.vector_store %arg7[%swap3A_396, %swap3A_397, %swap3A_398], %swap3A_401 {strides = array<i32>} : memref<3x8x128xi32, #tpu.memory_space<vmem>>, vector<1x1x16xi32>,
          %get3A_402 = arith.index_cast %rem3A_285 : i32 to index
          %get3A_403 = arith.index_cast %scan3A_351 : i32 to index
          %get3A_404 = arith.constant 64 : index
          %get3A_405 = tpu.vector_load %arg7[%get3A_402, %get3A_403, %get3A_404] {strides = array<i32>} : memref<3x8x128xi32, #tpu.memory_space<vmem>>, vector<1x1x16xi32>,
          %get3A_406 = vector.shape_cast %get3A_405 : vector<1x1x16xi32> to vector<16xi32>
          %add3A_407 = vector.broadcast %mul3A_3 : i32 to vector<16xi32>
          %add3A_408 = arith.addi %get3A_406, %add3A_407 : vector<16xi32>
          %swap3A_409 = arith.index_cast %rem3A_285 : i32 to index
          %swap3A_410 = arith.index_cast %scan3A_351 : i32 to index
          %swap3A_411 = arith.constant 64 : index
          %swap3A_412 = tpu.vector_load %arg7[%swap3A_409, %swap3A_410, %swap3A_411] {strides = array<i32>} : memref<3x8x128xi32, #tpu.memory_space<vmem>>, vector<1x1x16xi32>,
          %swap3A_413 = vector.shape_cast %swap3A_412 : vector<1x1x16xi32> to vector<16xi32>
          %swap3A_414 = vector.shape_cast %add3A_408 : vector<16xi32> to vector<1x1x16xi32>
          tpu.vector_store %arg7[%swap3A_409, %swap3A_410, %swap3A_411], %swap3A_414 {strides = array<i32>} : memref<3x8x128xi32, #tpu.memory_space<vmem>>, vector<1x1x16xi32>,
          %get3A_415 = arith.index_cast %rem3A_285 : i32 to index
          %get3A_416 = arith.index_cast %scan3A_351 : i32 to index
          %get3A_417 = arith.constant 80 : index
          %get3A_418 = tpu.vector_load %arg7[%get3A_415, %get3A_416, %get3A_417] {strides = array<i32>} : memref<3x8x128xi32, #tpu.memory_space<vmem>>, vector<1x1x16xi32>,
          %get3A_419 = vector.shape_cast %get3A_418 : vector<1x1x16xi32> to vector<16xi32>
          %add3A_420 = vector.broadcast %mul3A_3 : i32 to vector<16xi32>
          %add3A_421 = arith.addi %get3A_419, %add3A_420 : vector<16xi32>
          %swap3A_422 = arith.index_cast %rem3A_285 : i32 to index
          %swap3A_423 = arith.index_cast %scan3A_351 : i32 to index
          %swap3A_424 = arith.constant 80 : index
          %swap3A_425 = tpu.vector_load %arg7[%swap3A_422, %swap3A_423, %swap3A_424] {strides = array<i32>} : memref<3x8x128xi32, #tpu.memory_space<vmem>>, vector<1x1x16xi32>,
          %swap3A_426 = vector.shape_cast %swap3A_425 : vector<1x1x16xi32> to vector<16xi32>
          %swap3A_427 = vector.shape_cast %add3A_421 : vector<16xi32> to vector<1x1x16xi32>
          tpu.vector_store %arg7[%swap3A_422, %swap3A_423, %swap3A_424], %swap3A_427 {strides = array<i32>} : memref<3x8x128xi32, #tpu.memory_space<vmem>>, vector<1x1x16xi32>,
          %get3A_428 = arith.index_cast %rem3A_285 : i32 to index
          %get3A_429 = arith.index_cast %scan3A_351 : i32 to index
          %get3A_430 = arith.constant 96 : index
          %get3A_431 = tpu.vector_load %arg7[%get3A_428, %get3A_429, %get3A_430] {strides = array<i32>} : memref<3x8x128xi32, #tpu.memory_space<vmem>>, vector<1x1x16xi32>,
          %get3A_432 = vector.shape_cast %get3A_431 : vector<1x1x16xi32> to vector<16xi32>
          %add3A_433 = vector.broadcast %mul3A_3 : i32 to vector<16xi32>
          %add3A_434 = arith.addi %get3A_432, %add3A_433 : vector<16xi32>
          %swap3A_435 = arith.index_cast %rem3A_285 : i32 to index
          %swap3A_436 = arith.index_cast %scan3A_351 : i32 to index
          %swap3A_437 = arith.constant 96 : index
          %swap3A_438 = tpu.vector_load %arg7[%swap3A_435, %swap3A_436, %swap3A_437] {strides = array<i32>} : memref<3x8x128xi32, #tpu.memory_space<vmem>>, vector<1x1x16xi32>,
          %swap3A_439 = vector.shape_cast %swap3A_438 : vector<1x1x16xi32> to vector<16xi32>
          %swap3A_440 = vector.shape_cast %add3A_434 : vector<16xi32> to vector<1x1x16xi32>
          tpu.vector_store %arg7[%swap3A_435, %swap3A_436, %swap3A_437], %swap3A_440 {strides = array<i32>} : memref<3x8x128xi32, #tpu.memory_space<vmem>>, vector<1x1x16xi32>,
          %get3A_441 = arith.index_cast %rem3A_285 : i32 to index
          %get3A_442 = arith.index_cast %scan3A_351 : i32 to index
          %get3A_443 = arith.constant 112 : index
          %get3A_444 = tpu.vector_load %arg7[%get3A_441, %get3A_442, %get3A_443] {strides = array<i32>} : memref<3x8x128xi32, #tpu.memory_space<vmem>>, vector<1x1x16xi32>,
          %get3A_445 = vector.shape_cast %get3A_444 : vector<1x1x16xi32> to vector<16xi32>
          %add3A_446 = vector.broadcast %mul3A_3 : i32 to vector<16xi32>
          %add3A_447 = arith.addi %get3A_445, %add3A_446 : vector<16xi32>
          %swap3A_448 = arith.index_cast %rem3A_285 : i32 to index
          %swap3A_449 = arith.index_cast %scan3A_351 : i32 to index
          %swap3A_450 = arith.constant 112 : index
          %swap3A_451 = tpu.vector_load %arg7[%swap3A_448, %swap3A_449, %swap3A_450] {strides = array<i32>} : memref<3x8x128xi32, #tpu.memory_space<vmem>>, vector<1x1x16xi32>,
          %swap3A_452 = vector.shape_cast %swap3A_451 : vector<1x1x16xi32> to vector<16xi32>
          %swap3A_453 = vector.shape_cast %add3A_447 : vector<16xi32> to vector<1x1x16xi32>
          tpu.vector_store %arg7[%swap3A_448, %swap3A_449, %swap3A_450], %swap3A_453 {strides = array<i32>} : memref<3x8x128xi32, #tpu.memory_space<vmem>>, vector<1x1x16xi32>,
        }
        %scan3A_343 = arith.constant 8 : i32
        %add3A_344 = arith.constant 1 : i32
        %add3A_345 = arith.addi %select_n3A, %add3A_344 : i32
        %lt3A_346 = arith.constant 50 : i32
        %lt3A_347 = arith.cmpi slt, %add3A_345, %lt3A_346 : i32
        %convert_element_type3A_348 = arith.extui %lt3A_347 : i1 to i32
        %cond3A_349 = arith.constant 0 : i32
        %cond3A_350 = arith.cmpi ne, %convert_element_type3A_348, %cond3A_349 : i32
        scf.if %cond3A_350 {
          %mul3A_351 = arith.constant 50 : i32
          %mul3A_352 = arith.muli %arg1, %mul3A_351 : i32
          %add3A_353 = arith.addi %mul3A_352, %select_n3A : i32
          %add3A_354 = arith.constant 1 : i32
          %add3A_355 = arith.addi %add3A_353, %add3A_354 : i32
          %mul3A_356 = arith.constant 8 : i32
          %mul3A_357 = arith.muli %add3A_355, %mul3A_356 : i32
          %add3A_358 = arith.constant 1 : i32
          %add3A_359 = arith.addi %select_n3A, %add3A_358 : i32
          %rem3A_360 = arith.constant 3 : i32
          %rem3A_361 = arith.remsi %add3A_359, %rem3A_360 : i32
          %dma_start3A_362 = arith.constant 0 : i32
          %dma_start3A_363 = arith.constant 0 : i32
          %dma_start3A_364 = tpu.memref_slice %arg6[%rem3A_361, %dma_start3A_362, %dma_start3A_363] : memref<3x8x128xi32, #tpu.memory_space<vmem>> -> memref<1x8x128xi32, #tpu.memory_space<vmem>>
          %dma_start3A_365 = tpu.memref_squeeze %dma_start3A_364 : memref<1x8x128xi32, #tpu.memory_space<vmem>> -> memref<8x128xi32, #tpu.memory_space<vmem>>
          %dma_start3A_366 = arith.constant 0 : i32
          %dma_start3A_367 = tpu.memref_slice %arg2[%mul3A_357, %dma_start3A_366] : memref<6400x128xi32, #tpu.memory_space<hbm>> -> memref<8x128xi32, #tpu.memory_space<hbm>>
          %dma_start3A_368 = arith.constant 0 : i32
          %dma_start3A_369 = arith.constant 0 : i32
          %dma_start3A_370 = tpu.memref_slice %arg6[%rem3A_361, %dma_start3A_368, %dma_start3A_369] : memref<3x8x128xi32, #tpu.memory_space<vmem>> -> memref<1x8x128xi32, #tpu.memory_space<vmem>>
          %dma_start3A_371 = tpu.memref_squeeze %dma_start3A_370 : memref<1x8x128xi32, #tpu.memory_space<vmem>> -> memref<8x128xi32, #tpu.memory_space<vmem>>
          %dma_start3A_372 = arith.constant 0 : i32
          %dma_start3A_373 = tpu.memref_slice %arg2[%mul3A_357, %dma_start3A_372] : memref<6400x128xi32, #tpu.memory_space<hbm>> -> memref<8x128xi32, #tpu.memory_space<hbm>>
          tpu.enqueue_dma source(%dma_start3A_373 : memref<8x128xi32, #tpu.memory_space<hbm>>) target(%dma_start3A_371 : memref<8x128xi32, #tpu.memory_space<vmem>>) target_semaphore(%arg9 : memref<!tpu.dma_semaphore, #tpu.memory_space<semaphore_mem>>)
          %dma_start3A_374 = arith.constant 0 : i32
          %dma_start3A_375 = arith.constant 0 : i32
          %dma_start3A_376 = tpu.memref_slice %arg7[%rem3A_361, %dma_start3A_374, %dma_start3A_375] : memref<3x8x128xi32, #tpu.memory_space<vmem>> -> memref<1x8x128xi32, #tpu.memory_space<vmem>>
          %dma_start3A_377 = tpu.memref_squeeze %dma_start3A_376 : memref<1x8x128xi32, #tpu.memory_space<vmem>> -> memref<8x128xi32, #tpu.memory_space<vmem>>
          %dma_start3A_378 = arith.constant 0 : i32
          %dma_start3A_379 = tpu.memref_slice %arg3[%mul3A_357, %dma_start3A_378] : memref<6400x128xi32, #tpu.memory_space<hbm>> -> memref<8x128xi32, #tpu.memory_space<hbm>>
          %dma_start3A_380 = arith.constant 0 : i32
          %dma_start3A_381 = arith.constant 0 : i32
          %dma_start3A_382 = tpu.memref_slice %arg7[%rem3A_361, %dma_start3A_380, %dma_start3A_381] : memref<3x8x128xi32, #tpu.memory_space<vmem>> -> memref<1x8x128xi32, #tpu.memory_space<vmem>>
          %dma_start3A_383 = tpu.memref_squeeze %dma_start3A_382 : memref<1x8x128xi32, #tpu.memory_space<vmem>> -> memref<8x128xi32, #tpu.memory_space<vmem>>
          %dma_start3A_384 = arith.constant 0 : i32
          %dma_start3A_385 = tpu.memref_slice %arg3[%mul3A_357, %dma_start3A_384] : memref<6400x128xi32, #tpu.memory_space<hbm>> -> memref<8x128xi32, #tpu.memory_space<hbm>>
          tpu.enqueue_dma source(%dma_start3A_385 : memref<8x128xi32, #tpu.memory_space<hbm>>) target(%dma_start3A_383 : memref<8x128xi32, #tpu.memory_space<vmem>>) target_semaphore(%arg9 : memref<!tpu.dma_semaphore, #tpu.memory_space<semaphore_mem>>)
        } else {
        }
      } else {
      }
      %ge3A = arith.constant 5 : i32
      %ge3A_292 = arith.cmpi sge, %scan3A_264, %ge3A : i32
      %lt3A_293 = arith.constant 400 : i32
      %lt3A_294 = arith.cmpi slt, %scan3A_264, %lt3A_293 : i32
      %and3A_295 = arith.andi %ge3A_292, %lt3A_294 : i1
      %convert_element_type3A_296 = arith.extui %and3A_295 : i1 to i32
      %cond3A_297 = arith.constant 0 : i32
      %cond3A_298 = arith.cmpi ne, %convert_element_type3A_296, %cond3A_297 : i32
      scf.if %cond3A_298 {
        %dma_wait3A_309 = arith.constant 0 : i32
        %dma_wait3A_310 = arith.constant 0 : i32
        %dma_wait3A_311 = arith.constant 0 : i32
        %dma_wait3A_312 = tpu.memref_slice %arg8[%dma_wait3A_309, %dma_wait3A_310, %dma_wait3A_311] : memref<5x128x32xf32, #tpu.memory_space<vmem>> -> memref<1x128x32xf32, #tpu.memory_space<vmem>>
        %dma_wait3A_313 = tpu.memref_squeeze %dma_wait3A_312 : memref<1x128x32xf32, #tpu.memory_space<vmem>> -> memref<128x32xf32, #tpu.memory_space<vmem>>
        %dma_wait3A_314 = arith.constant 0 : i32
        %dma_wait3A_315 = arith.constant 0 : i32
        %dma_wait3A_316 = tpu.memref_slice %arg4[%dma_wait3A_314, %dma_wait3A_315] : memref<200000x32xf32, #tpu.memory_space<hbm>> -> memref<128x32xf32, #tpu.memory_space<hbm>>
        %dma_wait3A_317 = arith.constant 0 : i32
        %dma_wait3A_318 = arith.constant 0 : i32
        %dma_wait3A_319 = tpu.memref_slice %arg8[%dma_wait3A_309, %dma_wait3A_317, %dma_wait3A_318] : memref<5x128x32xf32, #tpu.memory_space<vmem>> -> memref<1x128x32xf32, #tpu.memory_space<vmem>>
        %dma_wait3A_320 = tpu.memref_squeeze %dma_wait3A_319 : memref<1x128x32xf32, #tpu.memory_space<vmem>> -> memref<128x32xf32, #tpu.memory_space<vmem>>
        %dma_wait3A_321 = arith.constant 0 : i32
        %dma_wait3A_322 = arith.constant 0 : i32
        %dma_wait3A_323 = tpu.memref_slice %arg4[%dma_wait3A_321, %dma_wait3A_322] : memref<200000x32xf32, #tpu.memory_space<hbm>> -> memref<128x32xf32, #tpu.memory_space<hbm>>
        tpu.wait_dma2 semaphore(%arg11 : memref<!tpu.dma_semaphore, #tpu.memory_space<semaphore_mem>>) src(%dma_wait3A_323 : memref<128x32xf32, #tpu.memory_space<hbm>>) dst(%dma_wait3A_320 : memref<128x32xf32, #tpu.memory_space<vmem>>)
      } else {
      }
      %lt3A_299 = arith.constant 400 : i32
      %lt3A_300 = arith.cmpi slt, %scan3A_264, %lt3A_299 : i32
      %convert_element_type3A_301 = arith.extui %lt3A_300 : i1 to i32
      %cond3A_302 = arith.constant 0 : i32
      %cond3A_303 = arith.cmpi ne, %convert_element_type3A_301, %cond3A_302 : i32
      scf.if %cond3A_303 {
        %dma_start3A_309 = arith.constant 0 : i32
        %dma_start3A_310 = arith.constant 0 : i32
        %dma_start3A_311 = tpu.memref_slice %arg8[%rem3A_287, %dma_start3A_309, %dma_start3A_310] : memref<5x128x32xf32, #tpu.memory_space<vmem>> -> memref<1x128x32xf32, #tpu.memory_space<vmem>>
        %dma_start3A_312 = tpu.memref_squeeze %dma_start3A_311 : memref<1x128x32xf32, #tpu.memory_space<vmem>> -> memref<128x32xf32, #tpu.memory_space<vmem>>
        %dma_start3A_313 = arith.constant 0 : i32
        %dma_start3A_314 = tpu.memref_slice %arg7[%rem3A_285, %sub3A_283, %dma_start3A_313] : memref<3x8x128xi32, #tpu.memory_space<vmem>> -> memref<1x1x128xi32, #tpu.memory_space<vmem>>
        %dma_start3A_315 = tpu.memref_squeeze %dma_start3A_314 : memref<1x1x128xi32, #tpu.memory_space<vmem>> -> memref<128xi32, #tpu.memory_space<vmem>>
        %dma_start3A_316 = arith.constant 0 : i32
        %dma_start3A_317 = arith.constant 0 : i32
        %dma_start3A_318 = tpu.memref_slice %arg4[%dma_start3A_316, %dma_start3A_317] : memref<200000x32xf32, #tpu.memory_space<hbm>> -> memref<200000x32xf32, #tpu.memory_space<hbm>>
        tpu.enqueue_indirect_dma source(%dma_start3A_318 : memref<200000x32xf32, #tpu.memory_space<hbm>>) target(%dma_start3A_312 : memref<128x32xf32, #tpu.memory_space<vmem>>) offsets(%dma_start3A_315 : memref<128xi32, #tpu.memory_space<vmem>>) semaphore(%arg10 : memref<!tpu.dma_semaphore, #tpu.memory_space<semaphore_mem>>)
      } else {
      }
      %ge3A_304 = arith.constant 3 : i32
      %ge3A_305 = arith.cmpi sge, %scan3A_264, %ge3A_304 : i32
      %convert_element_type3A_306 = arith.extui %ge3A_305 : i1 to i32
      %cond3A_307 = arith.constant 0 : i32
      %cond3A_308 = arith.cmpi ne, %convert_element_type3A_306, %cond3A_307 : i32
      scf.if %cond3A_308 {
        %sub3A_309 = arith.constant 3 : i32
        %sub3A_310 = arith.subi %scan3A_264, %sub3A_309 : i32
        %jit3A_311 = arith.constant 8 : i32
        %div3A_312 = arith.divsi %sub3A_310, %jit3A_311 : i32
        %sign3A_313 = arith.constant 0 : i32
        %sign3A_314 = arith.cmpi sgt, %sub3A_310, %sign3A_313 : i32
        %sign3A_315 = arith.extui %sign3A_314 : i1 to i32
        %sign3A_316 = arith.constant 0 : i32
        %sign3A_317 = arith.cmpi slt, %sub3A_310, %sign3A_316 : i32
        %sign3A_318 = arith.extui %sign3A_317 : i1 to i32
        %sign3A_319 = arith.subi %sign3A_315, %sign3A_318 : i32
        %sign3A_320 = arith.constant 0 : i32
        %sign3A_321 = arith.cmpi sgt, %jit3A_311, %sign3A_320 : i32
        %sign3A_322 = arith.extui %sign3A_321 : i1 to i32
        %sign3A_323 = arith.constant 0 : i32
        %sign3A_324 = arith.cmpi slt, %jit3A_311, %sign3A_323 : i32
        %sign3A_325 = arith.extui %sign3A_324 : i1 to i32
        %sign3A_326 = arith.subi %sign3A_322, %sign3A_325 : i32
        %ne3A_327 = arith.cmpi ne, %sign3A_319, %sign3A_326 : i32
        %rem3A_328 = arith.remsi %sub3A_310, %jit3A_311 : i32
        %ne3A_329 = arith.constant 0 : i32
        %ne3A_330 = arith.cmpi ne, %rem3A_328, %ne3A_329 : i32
        %and3A_331 = arith.andi %ne3A_327, %ne3A_330 : i1
        %sub3A_332 = arith.constant 1 : i32
        %sub3A_333 = arith.subi %div3A_312, %sub3A_332 : i32
        %select_n3A_334 = arith.select %and3A_331, %sub3A_333, %div3A_312 : i32
        %mul3A_335 = arith.constant 8 : i32
        %mul3A_336 = arith.muli %select_n3A_334, %mul3A_335 : i32
        %sub3A_337 = arith.subi %sub3A_310, %mul3A_336 : i32
        %rem3A_338 = arith.constant 3 : i32
        %rem3A_339 = arith.remsi %select_n3A_334, %rem3A_338 : i32
        %rem3A_340 = arith.constant 5 : i32
        %rem3A_341 = arith.remsi %sub3A_310, %rem3A_340 : i32
        %dma_wait3A_342 = arith.constant 0 : i32
        %dma_wait3A_343 = arith.constant 0 : i32
        %dma_wait3A_344 = arith.constant 0 : i32
        %dma_wait3A_345 = tpu.memref_slice %arg8[%dma_wait3A_342, %dma_wait3A_343, %dma_wait3A_344] : memref<5x128x32xf32, #tpu.memory_space<vmem>> -> memref<1x128x32xf32, #tpu.memory_space<vmem>>
        %dma_wait3A_346 = tpu.memref_squeeze %dma_wait3A_345 : memref<1x128x32xf32, #tpu.memory_space<vmem>> -> memref<128x32xf32, #tpu.memory_space<vmem>>
        %dma_wait3A_347 = arith.constant 0 : i32
        %dma_wait3A_348 = arith.constant 0 : i32
        %dma_wait3A_349 = tpu.memref_slice %arg4[%dma_wait3A_347, %dma_wait3A_348] : memref<200000x32xf32, #tpu.memory_space<hbm>> -> memref<128x32xf32, #tpu.memory_space<hbm>>
        %dma_wait3A_350 = arith.constant 0 : i32
        %dma_wait3A_351 = arith.constant 0 : i32
        %dma_wait3A_352 = tpu.memref_slice %arg8[%dma_wait3A_342, %dma_wait3A_350, %dma_wait3A_351] : memref<5x128x32xf32, #tpu.memory_space<vmem>> -> memref<1x128x32xf32, #tpu.memory_space<vmem>>
        %dma_wait3A_353 = tpu.memref_squeeze %dma_wait3A_352 : memref<1x128x32xf32, #tpu.memory_space<vmem>> -> memref<128x32xf32, #tpu.memory_space<vmem>>
        %dma_wait3A_354 = arith.constant 0 : i32
        %dma_wait3A_355 = arith.constant 0 : i32
        %dma_wait3A_356 = tpu.memref_slice %arg4[%dma_wait3A_354, %dma_wait3A_355] : memref<200000x32xf32, #tpu.memory_space<hbm>> -> memref<128x32xf32, #tpu.memory_space<hbm>>
        tpu.wait_dma2 semaphore(%arg10 : memref<!tpu.dma_semaphore, #tpu.memory_space<semaphore_mem>>) src(%dma_wait3A_356 : memref<128x32xf32, #tpu.memory_space<hbm>>) dst(%dma_wait3A_353 : memref<128x32xf32, #tpu.memory_space<vmem>>)
        %dma_start3A_357 = arith.constant 0 : i32
        %dma_start3A_358 = arith.constant 0 : i32
        %dma_start3A_359 = tpu.memref_slice %arg8[%rem3A_341, %dma_start3A_357, %dma_start3A_358] : memref<5x128x32xf32, #tpu.memory_space<vmem>> -> memref<1x128x32xf32, #tpu.memory_space<vmem>>
        %dma_start3A_360 = tpu.memref_squeeze %dma_start3A_359 : memref<1x128x32xf32, #tpu.memory_space<vmem>> -> memref<128x32xf32, #tpu.memory_space<vmem>>
        %dma_start3A_361 = arith.constant 0 : i32
        %dma_start3A_362 = tpu.memref_slice %arg6[%rem3A_339, %sub3A_337, %dma_start3A_361] : memref<3x8x128xi32, #tpu.memory_space<vmem>> -> memref<1x1x128xi32, #tpu.memory_space<vmem>>
        %dma_start3A_363 = tpu.memref_squeeze %dma_start3A_362 : memref<1x1x128xi32, #tpu.memory_space<vmem>> -> memref<128xi32, #tpu.memory_space<vmem>>
        %dma_start3A_364 = arith.constant 0 : i32
        %dma_start3A_365 = arith.constant 0 : i32
        %dma_start3A_366 = tpu.memref_slice %arg12[%dma_start3A_364, %dma_start3A_365] : memref<51200x32xf32, #tpu.memory_space<vmem_shared>> -> memref<51200x32xf32, #tpu.memory_space<vmem_shared>>
        tpu.enqueue_indirect_dma source(%dma_start3A_360 : memref<128x32xf32, #tpu.memory_space<vmem>>) target(%dma_start3A_366 : memref<51200x32xf32, #tpu.memory_space<vmem_shared>>) offsets(%dma_start3A_363 : memref<128xi32, #tpu.memory_space<vmem>>) semaphore(%arg11 : memref<!tpu.dma_semaphore, #tpu.memory_space<semaphore_mem>>) {add = true}
      } else {
      }
    }
    %scan3A_46 = arith.constant 403 : i32
    %dma_wait3A = arith.constant 0 : i32
    %dma_wait3A_47 = arith.constant 0 : i32
    %dma_wait3A_48 = arith.constant 0 : i32
    %dma_wait3A_49 = tpu.memref_slice %arg8[%dma_wait3A, %dma_wait3A_47, %dma_wait3A_48] : memref<5x128x32xf32, #tpu.memory_space<vmem>> -> memref<1x128x32xf32, #tpu.memory_space<vmem>>
    %dma_wait3A_50 = tpu.memref_squeeze %dma_wait3A_49 : memref<1x128x32xf32, #tpu.memory_space<vmem>> -> memref<128x32xf32, #tpu.memory_space<vmem>>
    %dma_wait3A_51 = arith.constant 0 : i32
    %dma_wait3A_52 = arith.constant 0 : i32
    %dma_wait3A_53 = tpu.memref_slice %arg4[%dma_wait3A_51, %dma_wait3A_52] : memref<200000x32xf32, #tpu.memory_space<hbm>> -> memref<128x32xf32, #tpu.memory_space<hbm>>
    %dma_wait3A_54 = arith.constant 0 : i32
    %dma_wait3A_55 = arith.constant 0 : i32
    %dma_wait3A_56 = tpu.memref_slice %arg8[%dma_wait3A, %dma_wait3A_54, %dma_wait3A_55] : memref<5x128x32xf32, #tpu.memory_space<vmem>> -> memref<1x128x32xf32, #tpu.memory_space<vmem>>
    %dma_wait3A_57 = tpu.memref_squeeze %dma_wait3A_56 : memref<1x128x32xf32, #tpu.memory_space<vmem>> -> memref<128x32xf32, #tpu.memory_space<vmem>>
    %dma_wait3A_58 = arith.constant 0 : i32
    %dma_wait3A_59 = arith.constant 0 : i32
    %dma_wait3A_60 = tpu.memref_slice %arg4[%dma_wait3A_58, %dma_wait3A_59] : memref<200000x32xf32, #tpu.memory_space<hbm>> -> memref<128x32xf32, #tpu.memory_space<hbm>>
    tpu.wait_dma2 semaphore(%arg11 : memref<!tpu.dma_semaphore, #tpu.memory_space<semaphore_mem>>) src(%dma_wait3A_60 : memref<128x32xf32, #tpu.memory_space<hbm>>) dst(%dma_wait3A_57 : memref<128x32xf32, #tpu.memory_space<vmem>>)
    %dma_wait3A_61 = arith.constant 0 : i32
    %dma_wait3A_62 = arith.constant 0 : i32
    %dma_wait3A_63 = arith.constant 0 : i32
    %dma_wait3A_64 = tpu.memref_slice %arg8[%dma_wait3A_61, %dma_wait3A_62, %dma_wait3A_63] : memref<5x128x32xf32, #tpu.memory_space<vmem>> -> memref<1x128x32xf32, #tpu.memory_space<vmem>>
    %dma_wait3A_65 = tpu.memref_squeeze %dma_wait3A_64 : memref<1x128x32xf32, #tpu.memory_space<vmem>> -> memref<128x32xf32, #tpu.memory_space<vmem>>
    %dma_wait3A_66 = arith.constant 0 : i32
    %dma_wait3A_67 = arith.constant 0 : i32
    %dma_wait3A_68 = tpu.memref_slice %arg4[%dma_wait3A_66, %dma_wait3A_67] : memref<200000x32xf32, #tpu.memory_space<hbm>> -> memref<128x32xf32, #tpu.memory_space<hbm>>
    %dma_wait3A_69 = arith.constant 0 : i32
    %dma_wait3A_70 = arith.constant 0 : i32
    %dma_wait3A_71 = tpu.memref_slice %arg8[%dma_wait3A_61, %dma_wait3A_69, %dma_wait3A_70] : memref<5x128x32xf32, #tpu.memory_space<vmem>> -> memref<1x128x32xf32, #tpu.memory_space<vmem>>
    %dma_wait3A_72 = tpu.memref_squeeze %dma_wait3A_71 : memref<1x128x32xf32, #tpu.memory_space<vmem>> -> memref<128x32xf32, #tpu.memory_space<vmem>>
    %dma_wait3A_73 = arith.constant 0 : i32
    %dma_wait3A_74 = arith.constant 0 : i32
    %dma_wait3A_75 = tpu.memref_slice %arg4[%dma_wait3A_73, %dma_wait3A_74] : memref<200000x32xf32, #tpu.memory_space<hbm>> -> memref<128x32xf32, #tpu.memory_space<hbm>>
    tpu.wait_dma2 semaphore(%arg11 : memref<!tpu.dma_semaphore, #tpu.memory_space<semaphore_mem>>) src(%dma_wait3A_75 : memref<128x32xf32, #tpu.memory_space<hbm>>) dst(%dma_wait3A_72 : memref<128x32xf32, #tpu.memory_space<vmem>>)
    %dma_wait3A_76 = arith.constant 0 : i32
    %dma_wait3A_77 = arith.constant 0 : i32
    %dma_wait3A_78 = arith.constant 0 : i32
    %dma_wait3A_79 = tpu.memref_slice %arg8[%dma_wait3A_76, %dma_wait3A_77, %dma_wait3A_78] : memref<5x128x32xf32, #tpu.memory_space<vmem>> -> memref<1x128x32xf32, #tpu.memory_space<vmem>>
    %dma_wait3A_80 = tpu.memref_squeeze %dma_wait3A_79 : memref<1x128x32xf32, #tpu.memory_space<vmem>> -> memref<128x32xf32, #tpu.memory_space<vmem>>
    %dma_wait3A_81 = arith.constant 0 : i32
    %dma_wait3A_82 = arith.constant 0 : i32
    %dma_wait3A_83 = tpu.memref_slice %arg4[%dma_wait3A_81, %dma_wait3A_82] : memref<200000x32xf32, #tpu.memory_space<hbm>> -> memref<128x32xf32, #tpu.memory_space<hbm>>
    %dma_wait3A_84 = arith.constant 0 : i32
    %dma_wait3A_85 = arith.constant 0 : i32
    %dma_wait3A_86 = tpu.memref_slice %arg8[%dma_wait3A_76, %dma_wait3A_84, %dma_wait3A_85] : memref<5x128x32xf32, #tpu.memory_space<vmem>> -> memref<1x128x32xf32, #tpu.memory_space<vmem>>
    %dma_wait3A_87 = tpu.memref_squeeze %dma_wait3A_86 : memref<1x128x32xf32, #tpu.memory_space<vmem>> -> memref<128x32xf32, #tpu.memory_space<vmem>>
    %dma_wait3A_88 = arith.constant 0 : i32
    %dma_wait3A_89 = arith.constant 0 : i32
    %dma_wait3A_90 = tpu.memref_slice %arg4[%dma_wait3A_88, %dma_wait3A_89] : memref<200000x32xf32, #tpu.memory_space<hbm>> -> memref<128x32xf32, #tpu.memory_space<hbm>>
    tpu.wait_dma2 semaphore(%arg11 : memref<!tpu.dma_semaphore, #tpu.memory_space<semaphore_mem>>) src(%dma_wait3A_90 : memref<128x32xf32, #tpu.memory_space<hbm>>) dst(%dma_wait3A_87 : memref<128x32xf32, #tpu.memory_space<vmem>>)
    %dma_wait3A_91 = arith.constant 0 : i32
    %dma_wait3A_92 = arith.constant 0 : i32
    %dma_wait3A_93 = arith.constant 0 : i32
    %dma_wait3A_94 = tpu.memref_slice %arg8[%dma_wait3A_91, %dma_wait3A_92, %dma_wait3A_93] : memref<5x128x32xf32, #tpu.memory_space<vmem>> -> memref<1x128x32xf32, #tpu.memory_space<vmem>>
    %dma_wait3A_95 = tpu.memref_squeeze %dma_wait3A_94 : memref<1x128x32xf32, #tpu.memory_space<vmem>> -> memref<128x32xf32, #tpu.memory_space<vmem>>
    %dma_wait3A_96 = arith.constant 0 : i32
    %dma_wait3A_97 = arith.constant 0 : i32
    %dma_wait3A_98 = tpu.memref_slice %arg4[%dma_wait3A_96, %dma_wait3A_97] : memref<200000x32xf32, #tpu.memory_space<hbm>> -> memref<128x32xf32, #tpu.memory_space<hbm>>
    %dma_wait3A_99 = arith.constant 0 : i32
    %dma_wait3A_100 = arith.constant 0 : i32
    %dma_wait3A_101 = tpu.memref_slice %arg8[%dma_wait3A_91, %dma_wait3A_99, %dma_wait3A_100] : memref<5x128x32xf32, #tpu.memory_space<vmem>> -> memref<1x128x32xf32, #tpu.memory_space<vmem>>
    %dma_wait3A_102 = tpu.memref_squeeze %dma_wait3A_101 : memref<1x128x32xf32, #tpu.memory_space<vmem>> -> memref<128x32xf32, #tpu.memory_space<vmem>>
    %dma_wait3A_103 = arith.constant 0 : i32
    %dma_wait3A_104 = arith.constant 0 : i32
    %dma_wait3A_105 = tpu.memref_slice %arg4[%dma_wait3A_103, %dma_wait3A_104] : memref<200000x32xf32, #tpu.memory_space<hbm>> -> memref<128x32xf32, #tpu.memory_space<hbm>>
    tpu.wait_dma2 semaphore(%arg11 : memref<!tpu.dma_semaphore, #tpu.memory_space<semaphore_mem>>) src(%dma_wait3A_105 : memref<128x32xf32, #tpu.memory_space<hbm>>) dst(%dma_wait3A_102 : memref<128x32xf32, #tpu.memory_space<vmem>>)
    %dma_wait3A_106 = arith.constant 0 : i32
    %dma_wait3A_107 = arith.constant 0 : i32
    %dma_wait3A_108 = arith.constant 0 : i32
    %dma_wait3A_109 = tpu.memref_slice %arg8[%dma_wait3A_106, %dma_wait3A_107, %dma_wait3A_108] : memref<5x128x32xf32, #tpu.memory_space<vmem>> -> memref<1x128x32xf32, #tpu.memory_space<vmem>>
    %dma_wait3A_110 = tpu.memref_squeeze %dma_wait3A_109 : memref<1x128x32xf32, #tpu.memory_space<vmem>> -> memref<128x32xf32, #tpu.memory_space<vmem>>
    %dma_wait3A_111 = arith.constant 0 : i32
    %dma_wait3A_112 = arith.constant 0 : i32
    %dma_wait3A_113 = tpu.memref_slice %arg4[%dma_wait3A_111, %dma_wait3A_112] : memref<200000x32xf32, #tpu.memory_space<hbm>> -> memref<128x32xf32, #tpu.memory_space<hbm>>
    %dma_wait3A_114 = arith.constant 0 : i32
    %dma_wait3A_115 = arith.constant 0 : i32
    %dma_wait3A_116 = tpu.memref_slice %arg8[%dma_wait3A_106, %dma_wait3A_114, %dma_wait3A_115] : memref<5x128x32xf32, #tpu.memory_space<vmem>> -> memref<1x128x32xf32, #tpu.memory_space<vmem>>
    %dma_wait3A_117 = tpu.memref_squeeze %dma_wait3A_116 : memref<1x128x32xf32, #tpu.memory_space<vmem>> -> memref<128x32xf32, #tpu.memory_space<vmem>>
    %dma_wait3A_118 = arith.constant 0 : i32
    %dma_wait3A_119 = arith.constant 0 : i32
    %dma_wait3A_120 = tpu.memref_slice %arg4[%dma_wait3A_118, %dma_wait3A_119] : memref<200000x32xf32, #tpu.memory_space<hbm>> -> memref<128x32xf32, #tpu.memory_space<hbm>>
    tpu.wait_dma2 semaphore(%arg11 : memref<!tpu.dma_semaphore, #tpu.memory_space<semaphore_mem>>) src(%dma_wait3A_120 : memref<128x32xf32, #tpu.memory_space<hbm>>) dst(%dma_wait3A_117 : memref<128x32xf32, #tpu.memory_space<vmem>>)
    %barrier3A_121 = arith.constant 0 : index
    tpu.barrier barrier_id(%barrier3A_121)
    %mul3A_122 = arith.constant 3200 : i32
    %mul3A_123 = arith.muli %arg1, %mul3A_122 : i32
    %mul3A_124 = arith.constant 52000 : i32
    %mul3A_125 = arith.muli %add3A_1, %mul3A_124 : i32
    %mul3A_126 = arith.constant 3200 : i32
    %mul3A_127 = arith.muli %arg1, %mul3A_126 : i32
    %add3A_128 = arith.addi %mul3A_125, %mul3A_127 : i32
    "tpu.region"() ({
      %run_scoped3A = tpu.sem_alloc : memref<!tpu.dma_semaphore, #tpu.memory_space<semaphore_mem>>
      %dma_start3A_264 = arith.constant 0 : i32
      %dma_start3A_265 = tpu.memref_slice %arg5[%add3A_128, %dma_start3A_264] : memref<208000x32xf32, #tpu.memory_space<hbm>> -> memref<3200x32xf32, #tpu.memory_space<hbm>>
      %dma_start3A_266 = arith.constant 0 : i32
      %dma_start3A_267 = tpu.memref_slice %arg12[%mul3A_123, %dma_start3A_266] : memref<51200x32xf32, #tpu.memory_space<vmem_shared>> -> memref<3200x32xf32, #tpu.memory_space<vmem_shared>>
      tpu.enqueue_dma source(%dma_start3A_267 : memref<3200x32xf32, #tpu.memory_space<vmem_shared>>) target(%dma_start3A_265 : memref<3200x32xf32, #tpu.memory_space<hbm>>) target_semaphore(%run_scoped3A : memref<!tpu.dma_semaphore, #tpu.memory_space<semaphore_mem>>)
      %dma_wait3A_268 = arith.constant 0 : i32
      %dma_wait3A_269 = tpu.memref_slice %arg5[%add3A_128, %dma_wait3A_268] : memref<208000x32xf32, #tpu.memory_space<hbm>> -> memref<3200x32xf32, #tpu.memory_space<hbm>>
      %dma_wait3A_270 = arith.constant 0 : i32
      %dma_wait3A_271 = tpu.memref_slice %arg12[%mul3A_123, %dma_wait3A_270] : memref<51200x32xf32, #tpu.memory_space<vmem_shared>> -> memref<3200x32xf32, #tpu.memory_space<vmem_shared>>
      tpu.wait_dma2 semaphore(%run_scoped3A : memref<!tpu.dma_semaphore, #tpu.memory_space<semaphore_mem>>) src(%dma_wait3A_271 : memref<3200x32xf32, #tpu.memory_space<vmem_shared>>) dst(%dma_wait3A_269 : memref<3200x32xf32, #tpu.memory_space<hbm>>)
      tpu.yield
    }) : () -> ()
    %mul3A_129 = arith.constant 2 : i32
    %mul3A_130 = arith.muli %arg0, %mul3A_129 : i32
    %add3A_131 = arith.constant 1 : i32
    %add3A_132 = arith.addi %mul3A_130, %add3A_131 : i32
    %mul3A_133 = arith.constant 50000 : i32
    %mul3A_134 = arith.muli %add3A_132, %mul3A_133 : i32
    %scan3A_135 = arith.constant 0 : i32
    %scan3A_136 = arith.constant 128 : i32
    %scan3A_137 = arith.addi %scan3A_135, %scan3A_136 : i32
    %scan3A_138 = arith.constant 1 : i32
    scf.for %scan3A_264 = %scan3A_135 to %scan3A_137 step %scan3A_138  : i32 {
      %broadcast_in_dim3A = arith.constant 0.000000e+00 : f32
      %broadcast_in_dim3A_265 = vector.broadcast %broadcast_in_dim3A : f32 to vector<16xf32>
      %swap3A = arith.constant 0 : i32
      %swap3A_266 = arith.index_cast %swap3A : i32 to index
      %swap3A_267 = arith.index_cast %scan3A_264 : i32 to index
      %swap3A_268 = arith.constant 0 : index
      %swap3A_269 = tpu.vector_load %arg8[%swap3A_266, %swap3A_267, %swap3A_268] {strides = array<i32>} : memref<5x128x32xf32, #tpu.memory_space<vmem>>, vector<1x1x16xf32>,
      %swap3A_270 = vector.shape_cast %swap3A_269 : vector<1x1x16xf32> to vector<16xf32>
      %swap3A_271 = vector.shape_cast %broadcast_in_dim3A_265 : vector<16xf32> to vector<1x1x16xf32>
      tpu.vector_store %arg8[%swap3A_266, %swap3A_267, %swap3A_268], %swap3A_271 {strides = array<i32>} : memref<5x128x32xf32, #tpu.memory_space<vmem>>, vector<1x1x16xf32>,
      %broadcast_in_dim3A_272 = arith.constant 0.000000e+00 : f32
      %broadcast_in_dim3A_273 = vector.broadcast %broadcast_in_dim3A_272 : f32 to vector<16xf32>
      %swap3A_274 = arith.constant 0 : i32
      %swap3A_275 = arith.index_cast %swap3A_274 : i32 to index
      %swap3A_276 = arith.index_cast %scan3A_264 : i32 to index
      %swap3A_277 = arith.constant 16 : index
      %swap3A_278 = tpu.vector_load %arg8[%swap3A_275, %swap3A_276, %swap3A_277] {strides = array<i32>} : memref<5x128x32xf32, #tpu.memory_space<vmem>>, vector<1x1x16xf32>,
      %swap3A_279 = vector.shape_cast %swap3A_278 : vector<1x1x16xf32> to vector<16xf32>
      %swap3A_280 = vector.shape_cast %broadcast_in_dim3A_273 : vector<16xf32> to vector<1x1x16xf32>
      tpu.vector_store %arg8[%swap3A_275, %swap3A_276, %swap3A_277], %swap3A_280 {strides = array<i32>} : memref<5x128x32xf32, #tpu.memory_space<vmem>>, vector<1x1x16xf32>,
    }
    %scan3A_139 = arith.constant 128 : i32
    %scan3A_140 = arith.constant 0 : i32
    %scan3A_141 = arith.constant 25 : i32
    %scan3A_142 = arith.addi %scan3A_140, %scan3A_141 : i32
    %scan3A_143 = arith.constant 1 : i32
    scf.for %scan3A_264 = %scan3A_140 to %scan3A_142 step %scan3A_143  : i32 {
      %mul3A_265 = arith.constant 3200 : i32
      %mul3A_266 = arith.muli %arg1, %mul3A_265 : i32
      %mul3A_267 = arith.constant 128 : i32
      %mul3A_268 = arith.muli %scan3A_264, %mul3A_267 : i32
      %add3A_269 = arith.addi %mul3A_266, %mul3A_268 : i32
      %run_scoped3A = arith.constant 0 : i32
      "tpu.region"() ({
        %run_scoped3A_270 = tpu.sem_alloc : memref<!tpu.dma_semaphore, #tpu.memory_space<semaphore_mem>>
        %dma_start3A_271 = arith.constant 0 : i32
        %dma_start3A_272 = arith.constant 0 : i32
        %dma_start3A_273 = tpu.memref_slice %arg8[%run_scoped3A, %dma_start3A_271, %dma_start3A_272] : memref<5x128x32xf32, #tpu.memory_space<vmem>> -> memref<1x128x32xf32, #tpu.memory_space<vmem>>
        %dma_start3A_274 = tpu.memref_squeeze %dma_start3A_273 : memref<1x128x32xf32, #tpu.memory_space<vmem>> -> memref<128x32xf32, #tpu.memory_space<vmem>>
        %dma_start3A_275 = arith.constant 0 : i32
        %dma_start3A_276 = tpu.memref_slice %arg12[%add3A_269, %dma_start3A_275] : memref<51200x32xf32, #tpu.memory_space<vmem_shared>> -> memref<128x32xf32, #tpu.memory_space<vmem_shared>>
        %dma_start3A_277 = arith.constant 0 : i32
        %dma_start3A_278 = tpu.memref_slice %arg12[%add3A_269, %dma_start3A_277] : memref<51200x32xf32, #tpu.memory_space<vmem_shared>> -> memref<128x32xf32, #tpu.memory_space<vmem_shared>>
        %dma_start3A_279 = arith.constant 0 : i32
        %dma_start3A_280 = arith.constant 0 : i32
        %dma_start3A_281 = tpu.memref_slice %arg8[%run_scoped3A, %dma_start3A_279, %dma_start3A_280] : memref<5x128x32xf32, #tpu.memory_space<vmem>> -> memref<1x128x32xf32, #tpu.memory_space<vmem>>
        %dma_start3A_282 = tpu.memref_squeeze %dma_start3A_281 : memref<1x128x32xf32, #tpu.memory_space<vmem>> -> memref<128x32xf32, #tpu.memory_space<vmem>>
        tpu.enqueue_dma source(%dma_start3A_282 : memref<128x32xf32, #tpu.memory_space<vmem>>) target(%dma_start3A_278 : memref<128x32xf32, #tpu.memory_space<vmem_shared>>) target_semaphore(%run_scoped3A_270 : memref<!tpu.dma_semaphore, #tpu.memory_space<semaphore_mem>>)
        %dma_wait3A_283 = arith.constant 0 : i32
        %dma_wait3A_284 = arith.constant 0 : i32
        %dma_wait3A_285 = tpu.memref_slice %arg8[%run_scoped3A, %dma_wait3A_283, %dma_wait3A_284] : memref<5x128x32xf32, #tpu.memory_space<vmem>> -> memref<1x128x32xf32, #tpu.memory_space<vmem>>
        %dma_wait3A_286 = tpu.memref_squeeze %dma_wait3A_285 : memref<1x128x32xf32, #tpu.memory_space<vmem>> -> memref<128x32xf32, #tpu.memory_space<vmem>>
        %dma_wait3A_287 = arith.constant 0 : i32
        %dma_wait3A_288 = tpu.memref_slice %arg12[%add3A_269, %dma_wait3A_287] : memref<51200x32xf32, #tpu.memory_space<vmem_shared>> -> memref<128x32xf32, #tpu.memory_space<vmem_shared>>
        %dma_wait3A_289 = arith.constant 0 : i32
        %dma_wait3A_290 = tpu.memref_slice %arg12[%add3A_269, %dma_wait3A_289] : memref<51200x32xf32, #tpu.memory_space<vmem_shared>> -> memref<128x32xf32, #tpu.memory_space<vmem_shared>>
        %dma_wait3A_291 = arith.constant 0 : i32
        %dma_wait3A_292 = arith.constant 0 : i32
        %dma_wait3A_293 = tpu.memref_slice %arg8[%run_scoped3A, %dma_wait3A_291, %dma_wait3A_292] : memref<5x128x32xf32, #tpu.memory_space<vmem>> -> memref<1x128x32xf32, #tpu.memory_space<vmem>>
        %dma_wait3A_294 = tpu.memref_squeeze %dma_wait3A_293 : memref<1x128x32xf32, #tpu.memory_space<vmem>> -> memref<128x32xf32, #tpu.memory_space<vmem>>
        tpu.wait_dma2 semaphore(%run_scoped3A_270 : memref<!tpu.dma_semaphore, #tpu.memory_space<semaphore_mem>>) src(%dma_wait3A_294 : memref<128x32xf32, #tpu.memory_space<vmem>>) dst(%dma_wait3A_290 : memref<128x32xf32, #tpu.memory_space<vmem_shared>>)
        tpu.yield
      }) : () -> ()
    }
    %scan3A_144 = arith.constant 25 : i32
    %barrier3A_145 = arith.constant 0 : index
    tpu.barrier barrier_id(%barrier3A_145)
    %mul3A_146 = arith.constant 50 : i32
    %mul3A_147 = arith.muli %arg1, %mul3A_146 : i32
    %mul3A_148 = arith.constant 8 : i32
    %mul3A_149 = arith.muli %mul3A_147, %mul3A_148 : i32
    %dma_start3A_150 = arith.constant 0 : i32
    %dma_start3A_151 = arith.constant 0 : i32
    %dma_start3A_152 = arith.constant 0 : i32
    %dma_start3A_153 = tpu.memref_slice %arg6[%dma_start3A_150, %dma_start3A_151, %dma_start3A_152] : memref<3x8x128xi32, #tpu.memory_space<vmem>> -> memref<1x8x128xi32, #tpu.memory_space<vmem>>
    %dma_start3A_154 = tpu.memref_squeeze %dma_start3A_153 : memref<1x8x128xi32, #tpu.memory_space<vmem>> -> memref<8x128xi32, #tpu.memory_space<vmem>>
    %dma_start3A_155 = arith.constant 0 : i32
    %dma_start3A_156 = tpu.memref_slice %arg2[%mul3A_149, %dma_start3A_155] : memref<6400x128xi32, #tpu.memory_space<hbm>> -> memref<8x128xi32, #tpu.memory_space<hbm>>
    %dma_start3A_157 = arith.constant 0 : i32
    %dma_start3A_158 = arith.constant 0 : i32
    %dma_start3A_159 = tpu.memref_slice %arg6[%dma_start3A_150, %dma_start3A_157, %dma_start3A_158] : memref<3x8x128xi32, #tpu.memory_space<vmem>> -> memref<1x8x128xi32, #tpu.memory_space<vmem>>
    %dma_start3A_160 = tpu.memref_squeeze %dma_start3A_159 : memref<1x8x128xi32, #tpu.memory_space<vmem>> -> memref<8x128xi32, #tpu.memory_space<vmem>>
    %dma_start3A_161 = arith.constant 0 : i32
    %dma_start3A_162 = tpu.memref_slice %arg2[%mul3A_149, %dma_start3A_161] : memref<6400x128xi32, #tpu.memory_space<hbm>> -> memref<8x128xi32, #tpu.memory_space<hbm>>
    tpu.enqueue_dma source(%dma_start3A_162 : memref<8x128xi32, #tpu.memory_space<hbm>>) target(%dma_start3A_160 : memref<8x128xi32, #tpu.memory_space<vmem>>) target_semaphore(%arg9 : memref<!tpu.dma_semaphore, #tpu.memory_space<semaphore_mem>>)
    %dma_start3A_163 = arith.constant 0 : i32
    %dma_start3A_164 = arith.constant 0 : i32
    %dma_start3A_165 = arith.constant 0 : i32
    %dma_start3A_166 = tpu.memref_slice %arg7[%dma_start3A_163, %dma_start3A_164, %dma_start3A_165] : memref<3x8x128xi32, #tpu.memory_space<vmem>> -> memref<1x8x128xi32, #tpu.memory_space<vmem>>
    %dma_start3A_167 = tpu.memref_squeeze %dma_start3A_166 : memref<1x8x128xi32, #tpu.memory_space<vmem>> -> memref<8x128xi32, #tpu.memory_space<vmem>>
    %dma_start3A_168 = arith.constant 0 : i32
    %dma_start3A_169 = tpu.memref_slice %arg3[%mul3A_149, %dma_start3A_168] : memref<6400x128xi32, #tpu.memory_space<hbm>> -> memref<8x128xi32, #tpu.memory_space<hbm>>
    %dma_start3A_170 = arith.constant 0 : i32
    %dma_start3A_171 = arith.constant 0 : i32
    %dma_start3A_172 = tpu.memref_slice %arg7[%dma_start3A_163, %dma_start3A_170, %dma_start3A_171] : memref<3x8x128xi32, #tpu.memory_space<vmem>> -> memref<1x8x128xi32, #tpu.memory_space<vmem>>
    %dma_start3A_173 = tpu.memref_squeeze %dma_start3A_172 : memref<1x8x128xi32, #tpu.memory_space<vmem>> -> memref<8x128xi32, #tpu.memory_space<vmem>>
    %dma_start3A_174 = arith.constant 0 : i32
    %dma_start3A_175 = tpu.memref_slice %arg3[%mul3A_149, %dma_start3A_174] : memref<6400x128xi32, #tpu.memory_space<hbm>> -> memref<8x128xi32, #tpu.memory_space<hbm>>
    tpu.enqueue_dma source(%dma_start3A_175 : memref<8x128xi32, #tpu.memory_space<hbm>>) target(%dma_start3A_173 : memref<8x128xi32, #tpu.memory_space<vmem>>) target_semaphore(%arg9 : memref<!tpu.dma_semaphore, #tpu.memory_space<semaphore_mem>>)
    %scan3A_176 = arith.constant 0 : i32
    %scan3A_177 = arith.constant 403 : i32
    %scan3A_178 = arith.addi %scan3A_176, %scan3A_177 : i32
    %scan3A_179 = arith.constant 1 : i32
    scf.for %scan3A_264 = %scan3A_176 to %scan3A_178 step %scan3A_179  : i32 {
      %jit3A = arith.constant 8 : i32
      %div3A = arith.divsi %scan3A_264, %jit3A : i32
      %sign3A = arith.constant 0 : i32
      %sign3A_265 = arith.cmpi sgt, %scan3A_264, %sign3A : i32
      %sign3A_266 = arith.extui %sign3A_265 : i1 to i32
      %sign3A_267 = arith.constant 0 : i32
      %sign3A_268 = arith.cmpi slt, %scan3A_264, %sign3A_267 : i32
      %sign3A_269 = arith.extui %sign3A_268 : i1 to i32
      %sign3A_270 = arith.subi %sign3A_266, %sign3A_269 : i32
      %sign3A_271 = arith.constant 0 : i32
      %sign3A_272 = arith.cmpi sgt, %jit3A, %sign3A_271 : i32
      %sign3A_273 = arith.extui %sign3A_272 : i1 to i32
      %sign3A_274 = arith.constant 0 : i32
      %sign3A_275 = arith.cmpi slt, %jit3A, %sign3A_274 : i32
      %sign3A_276 = arith.extui %sign3A_275 : i1 to i32
      %sign3A_277 = arith.subi %sign3A_273, %sign3A_276 : i32
      %ne3A = arith.cmpi ne, %sign3A_270, %sign3A_277 : i32
      %rem3A = arith.remsi %scan3A_264, %jit3A : i32
      %ne3A_278 = arith.constant 0 : i32
      %ne3A_279 = arith.cmpi ne, %rem3A, %ne3A_278 : i32
      %and3A = arith.andi %ne3A, %ne3A_279 : i1
      %sub3A = arith.constant 1 : i32
      %sub3A_280 = arith.subi %div3A, %sub3A : i32
      %select_n3A = arith.select %and3A, %sub3A_280, %div3A : i32
      %mul3A_281 = arith.constant 8 : i32
      %mul3A_282 = arith.muli %select_n3A, %mul3A_281 : i32
      %sub3A_283 = arith.subi %scan3A_264, %mul3A_282 : i32
      %rem3A_284 = arith.constant 3 : i32
      %rem3A_285 = arith.remsi %select_n3A, %rem3A_284 : i32
      %rem3A_286 = arith.constant 5 : i32
      %rem3A_287 = arith.remsi %scan3A_264, %rem3A_286 : i32
      %lt3A = arith.constant 400 : i32
      %lt3A_288 = arith.cmpi slt, %scan3A_264, %lt3A : i32
      %eq3A = arith.constant 0 : i32
      %eq3A_289 = arith.cmpi eq, %sub3A_283, %eq3A : i32
      %and3A_290 = arith.andi %lt3A_288, %eq3A_289 : i1
      %convert_element_type3A = arith.extui %and3A_290 : i1 to i32
      %cond3A = arith.constant 0 : i32
      %cond3A_291 = arith.cmpi ne, %convert_element_type3A, %cond3A : i32
      scf.if %cond3A_291 {
        %dma_wait3A_309 = arith.constant 0 : i32
        %dma_wait3A_310 = arith.constant 0 : i32
        %dma_wait3A_311 = arith.constant 0 : i32
        %dma_wait3A_312 = tpu.memref_slice %arg6[%dma_wait3A_309, %dma_wait3A_310, %dma_wait3A_311] : memref<3x8x128xi32, #tpu.memory_space<vmem>> -> memref<1x8x128xi32, #tpu.memory_space<vmem>>
        %dma_wait3A_313 = tpu.memref_squeeze %dma_wait3A_312 : memref<1x8x128xi32, #tpu.memory_space<vmem>> -> memref<8x128xi32, #tpu.memory_space<vmem>>
        %dma_wait3A_314 = arith.constant 0 : i32
        %dma_wait3A_315 = arith.constant 0 : i32
        %dma_wait3A_316 = tpu.memref_slice %arg2[%dma_wait3A_314, %dma_wait3A_315] : memref<6400x128xi32, #tpu.memory_space<hbm>> -> memref<8x128xi32, #tpu.memory_space<hbm>>
        %dma_wait3A_317 = arith.constant 0 : i32
        %dma_wait3A_318 = arith.constant 0 : i32
        %dma_wait3A_319 = tpu.memref_slice %arg6[%dma_wait3A_309, %dma_wait3A_317, %dma_wait3A_318] : memref<3x8x128xi32, #tpu.memory_space<vmem>> -> memref<1x8x128xi32, #tpu.memory_space<vmem>>
        %dma_wait3A_320 = tpu.memref_squeeze %dma_wait3A_319 : memref<1x8x128xi32, #tpu.memory_space<vmem>> -> memref<8x128xi32, #tpu.memory_space<vmem>>
        %dma_wait3A_321 = arith.constant 0 : i32
        %dma_wait3A_322 = arith.constant 0 : i32
        %dma_wait3A_323 = tpu.memref_slice %arg2[%dma_wait3A_321, %dma_wait3A_322] : memref<6400x128xi32, #tpu.memory_space<hbm>> -> memref<8x128xi32, #tpu.memory_space<hbm>>
        tpu.wait_dma2 semaphore(%arg9 : memref<!tpu.dma_semaphore, #tpu.memory_space<semaphore_mem>>) src(%dma_wait3A_323 : memref<8x128xi32, #tpu.memory_space<hbm>>) dst(%dma_wait3A_320 : memref<8x128xi32, #tpu.memory_space<vmem>>)
        %dma_wait3A_324 = arith.constant 0 : i32
        %dma_wait3A_325 = arith.constant 0 : i32
        %dma_wait3A_326 = arith.constant 0 : i32
        %dma_wait3A_327 = tpu.memref_slice %arg6[%dma_wait3A_324, %dma_wait3A_325, %dma_wait3A_326] : memref<3x8x128xi32, #tpu.memory_space<vmem>> -> memref<1x8x128xi32, #tpu.memory_space<vmem>>
        %dma_wait3A_328 = tpu.memref_squeeze %dma_wait3A_327 : memref<1x8x128xi32, #tpu.memory_space<vmem>> -> memref<8x128xi32, #tpu.memory_space<vmem>>
        %dma_wait3A_329 = arith.constant 0 : i32
        %dma_wait3A_330 = arith.constant 0 : i32
        %dma_wait3A_331 = tpu.memref_slice %arg2[%dma_wait3A_329, %dma_wait3A_330] : memref<6400x128xi32, #tpu.memory_space<hbm>> -> memref<8x128xi32, #tpu.memory_space<hbm>>
        %dma_wait3A_332 = arith.constant 0 : i32
        %dma_wait3A_333 = arith.constant 0 : i32
        %dma_wait3A_334 = tpu.memref_slice %arg6[%dma_wait3A_324, %dma_wait3A_332, %dma_wait3A_333] : memref<3x8x128xi32, #tpu.memory_space<vmem>> -> memref<1x8x128xi32, #tpu.memory_space<vmem>>
        %dma_wait3A_335 = tpu.memref_squeeze %dma_wait3A_334 : memref<1x8x128xi32, #tpu.memory_space<vmem>> -> memref<8x128xi32, #tpu.memory_space<vmem>>
        %dma_wait3A_336 = arith.constant 0 : i32
        %dma_wait3A_337 = arith.constant 0 : i32
        %dma_wait3A_338 = tpu.memref_slice %arg2[%dma_wait3A_336, %dma_wait3A_337] : memref<6400x128xi32, #tpu.memory_space<hbm>> -> memref<8x128xi32, #tpu.memory_space<hbm>>
        tpu.wait_dma2 semaphore(%arg9 : memref<!tpu.dma_semaphore, #tpu.memory_space<semaphore_mem>>) src(%dma_wait3A_338 : memref<8x128xi32, #tpu.memory_space<hbm>>) dst(%dma_wait3A_335 : memref<8x128xi32, #tpu.memory_space<vmem>>)
        %scan3A_339 = arith.constant 0 : i32
        %scan3A_340 = arith.constant 8 : i32
        %scan3A_341 = arith.addi %scan3A_339, %scan3A_340 : i32
        %scan3A_342 = arith.constant 1 : i32
        scf.for %scan3A_351 = %scan3A_339 to %scan3A_341 step %scan3A_342  : i32 {
          %get3A = arith.index_cast %rem3A_285 : i32 to index
          %get3A_352 = arith.index_cast %scan3A_351 : i32 to index
          %get3A_353 = arith.constant 0 : index
          %get3A_354 = tpu.vector_load %arg7[%get3A, %get3A_352, %get3A_353] {strides = array<i32>} : memref<3x8x128xi32, #tpu.memory_space<vmem>>, vector<1x1x16xi32>,
          %get3A_355 = vector.shape_cast %get3A_354 : vector<1x1x16xi32> to vector<16xi32>
          %add3A_356 = vector.broadcast %mul3A_134 : i32 to vector<16xi32>
          %add3A_357 = arith.addi %get3A_355, %add3A_356 : vector<16xi32>
          %swap3A = arith.index_cast %rem3A_285 : i32 to index
          %swap3A_358 = arith.index_cast %scan3A_351 : i32 to index
          %swap3A_359 = arith.constant 0 : index
          %swap3A_360 = tpu.vector_load %arg7[%swap3A, %swap3A_358, %swap3A_359] {strides = array<i32>} : memref<3x8x128xi32, #tpu.memory_space<vmem>>, vector<1x1x16xi32>,
          %swap3A_361 = vector.shape_cast %swap3A_360 : vector<1x1x16xi32> to vector<16xi32>
          %swap3A_362 = vector.shape_cast %add3A_357 : vector<16xi32> to vector<1x1x16xi32>
          tpu.vector_store %arg7[%swap3A, %swap3A_358, %swap3A_359], %swap3A_362 {strides = array<i32>} : memref<3x8x128xi32, #tpu.memory_space<vmem>>, vector<1x1x16xi32>,
          %get3A_363 = arith.index_cast %rem3A_285 : i32 to index
          %get3A_364 = arith.index_cast %scan3A_351 : i32 to index
          %get3A_365 = arith.constant 16 : index
          %get3A_366 = tpu.vector_load %arg7[%get3A_363, %get3A_364, %get3A_365] {strides = array<i32>} : memref<3x8x128xi32, #tpu.memory_space<vmem>>, vector<1x1x16xi32>,
          %get3A_367 = vector.shape_cast %get3A_366 : vector<1x1x16xi32> to vector<16xi32>
          %add3A_368 = vector.broadcast %mul3A_134 : i32 to vector<16xi32>
          %add3A_369 = arith.addi %get3A_367, %add3A_368 : vector<16xi32>
          %swap3A_370 = arith.index_cast %rem3A_285 : i32 to index
          %swap3A_371 = arith.index_cast %scan3A_351 : i32 to index
          %swap3A_372 = arith.constant 16 : index
          %swap3A_373 = tpu.vector_load %arg7[%swap3A_370, %swap3A_371, %swap3A_372] {strides = array<i32>} : memref<3x8x128xi32, #tpu.memory_space<vmem>>, vector<1x1x16xi32>,
          %swap3A_374 = vector.shape_cast %swap3A_373 : vector<1x1x16xi32> to vector<16xi32>
          %swap3A_375 = vector.shape_cast %add3A_369 : vector<16xi32> to vector<1x1x16xi32>
          tpu.vector_store %arg7[%swap3A_370, %swap3A_371, %swap3A_372], %swap3A_375 {strides = array<i32>} : memref<3x8x128xi32, #tpu.memory_space<vmem>>, vector<1x1x16xi32>,
          %get3A_376 = arith.index_cast %rem3A_285 : i32 to index
          %get3A_377 = arith.index_cast %scan3A_351 : i32 to index
          %get3A_378 = arith.constant 32 : index
          %get3A_379 = tpu.vector_load %arg7[%get3A_376, %get3A_377, %get3A_378] {strides = array<i32>} : memref<3x8x128xi32, #tpu.memory_space<vmem>>, vector<1x1x16xi32>,
          %get3A_380 = vector.shape_cast %get3A_379 : vector<1x1x16xi32> to vector<16xi32>
          %add3A_381 = vector.broadcast %mul3A_134 : i32 to vector<16xi32>
          %add3A_382 = arith.addi %get3A_380, %add3A_381 : vector<16xi32>
          %swap3A_383 = arith.index_cast %rem3A_285 : i32 to index
          %swap3A_384 = arith.index_cast %scan3A_351 : i32 to index
          %swap3A_385 = arith.constant 32 : index
          %swap3A_386 = tpu.vector_load %arg7[%swap3A_383, %swap3A_384, %swap3A_385] {strides = array<i32>} : memref<3x8x128xi32, #tpu.memory_space<vmem>>, vector<1x1x16xi32>,
          %swap3A_387 = vector.shape_cast %swap3A_386 : vector<1x1x16xi32> to vector<16xi32>
          %swap3A_388 = vector.shape_cast %add3A_382 : vector<16xi32> to vector<1x1x16xi32>
          tpu.vector_store %arg7[%swap3A_383, %swap3A_384, %swap3A_385], %swap3A_388 {strides = array<i32>} : memref<3x8x128xi32, #tpu.memory_space<vmem>>, vector<1x1x16xi32>,
          %get3A_389 = arith.index_cast %rem3A_285 : i32 to index
          %get3A_390 = arith.index_cast %scan3A_351 : i32 to index
          %get3A_391 = arith.constant 48 : index
          %get3A_392 = tpu.vector_load %arg7[%get3A_389, %get3A_390, %get3A_391] {strides = array<i32>} : memref<3x8x128xi32, #tpu.memory_space<vmem>>, vector<1x1x16xi32>,
          %get3A_393 = vector.shape_cast %get3A_392 : vector<1x1x16xi32> to vector<16xi32>
          %add3A_394 = vector.broadcast %mul3A_134 : i32 to vector<16xi32>
          %add3A_395 = arith.addi %get3A_393, %add3A_394 : vector<16xi32>
          %swap3A_396 = arith.index_cast %rem3A_285 : i32 to index
          %swap3A_397 = arith.index_cast %scan3A_351 : i32 to index
          %swap3A_398 = arith.constant 48 : index
          %swap3A_399 = tpu.vector_load %arg7[%swap3A_396, %swap3A_397, %swap3A_398] {strides = array<i32>} : memref<3x8x128xi32, #tpu.memory_space<vmem>>, vector<1x1x16xi32>,
          %swap3A_400 = vector.shape_cast %swap3A_399 : vector<1x1x16xi32> to vector<16xi32>
          %swap3A_401 = vector.shape_cast %add3A_395 : vector<16xi32> to vector<1x1x16xi32>
          tpu.vector_store %arg7[%swap3A_396, %swap3A_397, %swap3A_398], %swap3A_401 {strides = array<i32>} : memref<3x8x128xi32, #tpu.memory_space<vmem>>, vector<1x1x16xi32>,
          %get3A_402 = arith.index_cast %rem3A_285 : i32 to index
          %get3A_403 = arith.index_cast %scan3A_351 : i32 to index
          %get3A_404 = arith.constant 64 : index
          %get3A_405 = tpu.vector_load %arg7[%get3A_402, %get3A_403, %get3A_404] {strides = array<i32>} : memref<3x8x128xi32, #tpu.memory_space<vmem>>, vector<1x1x16xi32>,
          %get3A_406 = vector.shape_cast %get3A_405 : vector<1x1x16xi32> to vector<16xi32>
          %add3A_407 = vector.broadcast %mul3A_134 : i32 to vector<16xi32>
          %add3A_408 = arith.addi %get3A_406, %add3A_407 : vector<16xi32>
          %swap3A_409 = arith.index_cast %rem3A_285 : i32 to index
          %swap3A_410 = arith.index_cast %scan3A_351 : i32 to index
          %swap3A_411 = arith.constant 64 : index
          %swap3A_412 = tpu.vector_load %arg7[%swap3A_409, %swap3A_410, %swap3A_411] {strides = array<i32>} : memref<3x8x128xi32, #tpu.memory_space<vmem>>, vector<1x1x16xi32>,
          %swap3A_413 = vector.shape_cast %swap3A_412 : vector<1x1x16xi32> to vector<16xi32>
          %swap3A_414 = vector.shape_cast %add3A_408 : vector<16xi32> to vector<1x1x16xi32>
          tpu.vector_store %arg7[%swap3A_409, %swap3A_410, %swap3A_411], %swap3A_414 {strides = array<i32>} : memref<3x8x128xi32, #tpu.memory_space<vmem>>, vector<1x1x16xi32>,
          %get3A_415 = arith.index_cast %rem3A_285 : i32 to index
          %get3A_416 = arith.index_cast %scan3A_351 : i32 to index
          %get3A_417 = arith.constant 80 : index
          %get3A_418 = tpu.vector_load %arg7[%get3A_415, %get3A_416, %get3A_417] {strides = array<i32>} : memref<3x8x128xi32, #tpu.memory_space<vmem>>, vector<1x1x16xi32>,
          %get3A_419 = vector.shape_cast %get3A_418 : vector<1x1x16xi32> to vector<16xi32>
          %add3A_420 = vector.broadcast %mul3A_134 : i32 to vector<16xi32>
          %add3A_421 = arith.addi %get3A_419, %add3A_420 : vector<16xi32>
          %swap3A_422 = arith.index_cast %rem3A_285 : i32 to index
          %swap3A_423 = arith.index_cast %scan3A_351 : i32 to index
          %swap3A_424 = arith.constant 80 : index
          %swap3A_425 = tpu.vector_load %arg7[%swap3A_422, %swap3A_423, %swap3A_424] {strides = array<i32>} : memref<3x8x128xi32, #tpu.memory_space<vmem>>, vector<1x1x16xi32>,
          %swap3A_426 = vector.shape_cast %swap3A_425 : vector<1x1x16xi32> to vector<16xi32>
          %swap3A_427 = vector.shape_cast %add3A_421 : vector<16xi32> to vector<1x1x16xi32>
          tpu.vector_store %arg7[%swap3A_422, %swap3A_423, %swap3A_424], %swap3A_427 {strides = array<i32>} : memref<3x8x128xi32, #tpu.memory_space<vmem>>, vector<1x1x16xi32>,
          %get3A_428 = arith.index_cast %rem3A_285 : i32 to index
          %get3A_429 = arith.index_cast %scan3A_351 : i32 to index
          %get3A_430 = arith.constant 96 : index
          %get3A_431 = tpu.vector_load %arg7[%get3A_428, %get3A_429, %get3A_430] {strides = array<i32>} : memref<3x8x128xi32, #tpu.memory_space<vmem>>, vector<1x1x16xi32>,
          %get3A_432 = vector.shape_cast %get3A_431 : vector<1x1x16xi32> to vector<16xi32>
          %add3A_433 = vector.broadcast %mul3A_134 : i32 to vector<16xi32>
          %add3A_434 = arith.addi %get3A_432, %add3A_433 : vector<16xi32>
          %swap3A_435 = arith.index_cast %rem3A_285 : i32 to index
          %swap3A_436 = arith.index_cast %scan3A_351 : i32 to index
          %swap3A_437 = arith.constant 96 : index
          %swap3A_438 = tpu.vector_load %arg7[%swap3A_435, %swap3A_436, %swap3A_437] {strides = array<i32>} : memref<3x8x128xi32, #tpu.memory_space<vmem>>, vector<1x1x16xi32>,
          %swap3A_439 = vector.shape_cast %swap3A_438 : vector<1x1x16xi32> to vector<16xi32>
          %swap3A_440 = vector.shape_cast %add3A_434 : vector<16xi32> to vector<1x1x16xi32>
          tpu.vector_store %arg7[%swap3A_435, %swap3A_436, %swap3A_437], %swap3A_440 {strides = array<i32>} : memref<3x8x128xi32, #tpu.memory_space<vmem>>, vector<1x1x16xi32>,
          %get3A_441 = arith.index_cast %rem3A_285 : i32 to index
          %get3A_442 = arith.index_cast %scan3A_351 : i32 to index
          %get3A_443 = arith.constant 112 : index
          %get3A_444 = tpu.vector_load %arg7[%get3A_441, %get3A_442, %get3A_443] {strides = array<i32>} : memref<3x8x128xi32, #tpu.memory_space<vmem>>, vector<1x1x16xi32>,
          %get3A_445 = vector.shape_cast %get3A_444 : vector<1x1x16xi32> to vector<16xi32>
          %add3A_446 = vector.broadcast %mul3A_134 : i32 to vector<16xi32>
          %add3A_447 = arith.addi %get3A_445, %add3A_446 : vector<16xi32>
          %swap3A_448 = arith.index_cast %rem3A_285 : i32 to index
          %swap3A_449 = arith.index_cast %scan3A_351 : i32 to index
          %swap3A_450 = arith.constant 112 : index
          %swap3A_451 = tpu.vector_load %arg7[%swap3A_448, %swap3A_449, %swap3A_450] {strides = array<i32>} : memref<3x8x128xi32, #tpu.memory_space<vmem>>, vector<1x1x16xi32>,
          %swap3A_452 = vector.shape_cast %swap3A_451 : vector<1x1x16xi32> to vector<16xi32>
          %swap3A_453 = vector.shape_cast %add3A_447 : vector<16xi32> to vector<1x1x16xi32>
          tpu.vector_store %arg7[%swap3A_448, %swap3A_449, %swap3A_450], %swap3A_453 {strides = array<i32>} : memref<3x8x128xi32, #tpu.memory_space<vmem>>, vector<1x1x16xi32>,
        }
        %scan3A_343 = arith.constant 8 : i32
        %add3A_344 = arith.constant 1 : i32
        %add3A_345 = arith.addi %select_n3A, %add3A_344 : i32
        %lt3A_346 = arith.constant 50 : i32
        %lt3A_347 = arith.cmpi slt, %add3A_345, %lt3A_346 : i32
        %convert_element_type3A_348 = arith.extui %lt3A_347 : i1 to i32
        %cond3A_349 = arith.constant 0 : i32
        %cond3A_350 = arith.cmpi ne, %convert_element_type3A_348, %cond3A_349 : i32
        scf.if %cond3A_350 {
          %mul3A_351 = arith.constant 50 : i32
          %mul3A_352 = arith.muli %arg1, %mul3A_351 : i32
          %add3A_353 = arith.addi %mul3A_352, %select_n3A : i32
          %add3A_354 = arith.constant 1 : i32
          %add3A_355 = arith.addi %add3A_353, %add3A_354 : i32
          %mul3A_356 = arith.constant 8 : i32
          %mul3A_357 = arith.muli %add3A_355, %mul3A_356 : i32
          %add3A_358 = arith.constant 1 : i32
          %add3A_359 = arith.addi %select_n3A, %add3A_358 : i32
          %rem3A_360 = arith.constant 3 : i32
          %rem3A_361 = arith.remsi %add3A_359, %rem3A_360 : i32
          %dma_start3A_362 = arith.constant 0 : i32
          %dma_start3A_363 = arith.constant 0 : i32
          %dma_start3A_364 = tpu.memref_slice %arg6[%rem3A_361, %dma_start3A_362, %dma_start3A_363] : memref<3x8x128xi32, #tpu.memory_space<vmem>> -> memref<1x8x128xi32, #tpu.memory_space<vmem>>
          %dma_start3A_365 = tpu.memref_squeeze %dma_start3A_364 : memref<1x8x128xi32, #tpu.memory_space<vmem>> -> memref<8x128xi32, #tpu.memory_space<vmem>>
          %dma_start3A_366 = arith.constant 0 : i32
          %dma_start3A_367 = tpu.memref_slice %arg2[%mul3A_357, %dma_start3A_366] : memref<6400x128xi32, #tpu.memory_space<hbm>> -> memref<8x128xi32, #tpu.memory_space<hbm>>
          %dma_start3A_368 = arith.constant 0 : i32
          %dma_start3A_369 = arith.constant 0 : i32
          %dma_start3A_370 = tpu.memref_slice %arg6[%rem3A_361, %dma_start3A_368, %dma_start3A_369] : memref<3x8x128xi32, #tpu.memory_space<vmem>> -> memref<1x8x128xi32, #tpu.memory_space<vmem>>
          %dma_start3A_371 = tpu.memref_squeeze %dma_start3A_370 : memref<1x8x128xi32, #tpu.memory_space<vmem>> -> memref<8x128xi32, #tpu.memory_space<vmem>>
          %dma_start3A_372 = arith.constant 0 : i32
          %dma_start3A_373 = tpu.memref_slice %arg2[%mul3A_357, %dma_start3A_372] : memref<6400x128xi32, #tpu.memory_space<hbm>> -> memref<8x128xi32, #tpu.memory_space<hbm>>
          tpu.enqueue_dma source(%dma_start3A_373 : memref<8x128xi32, #tpu.memory_space<hbm>>) target(%dma_start3A_371 : memref<8x128xi32, #tpu.memory_space<vmem>>) target_semaphore(%arg9 : memref<!tpu.dma_semaphore, #tpu.memory_space<semaphore_mem>>)
          %dma_start3A_374 = arith.constant 0 : i32
          %dma_start3A_375 = arith.constant 0 : i32
          %dma_start3A_376 = tpu.memref_slice %arg7[%rem3A_361, %dma_start3A_374, %dma_start3A_375] : memref<3x8x128xi32, #tpu.memory_space<vmem>> -> memref<1x8x128xi32, #tpu.memory_space<vmem>>
          %dma_start3A_377 = tpu.memref_squeeze %dma_start3A_376 : memref<1x8x128xi32, #tpu.memory_space<vmem>> -> memref<8x128xi32, #tpu.memory_space<vmem>>
          %dma_start3A_378 = arith.constant 0 : i32
          %dma_start3A_379 = tpu.memref_slice %arg3[%mul3A_357, %dma_start3A_378] : memref<6400x128xi32, #tpu.memory_space<hbm>> -> memref<8x128xi32, #tpu.memory_space<hbm>>
          %dma_start3A_380 = arith.constant 0 : i32
          %dma_start3A_381 = arith.constant 0 : i32
          %dma_start3A_382 = tpu.memref_slice %arg7[%rem3A_361, %dma_start3A_380, %dma_start3A_381] : memref<3x8x128xi32, #tpu.memory_space<vmem>> -> memref<1x8x128xi32, #tpu.memory_space<vmem>>
          %dma_start3A_383 = tpu.memref_squeeze %dma_start3A_382 : memref<1x8x128xi32, #tpu.memory_space<vmem>> -> memref<8x128xi32, #tpu.memory_space<vmem>>
          %dma_start3A_384 = arith.constant 0 : i32
          %dma_start3A_385 = tpu.memref_slice %arg3[%mul3A_357, %dma_start3A_384] : memref<6400x128xi32, #tpu.memory_space<hbm>> -> memref<8x128xi32, #tpu.memory_space<hbm>>
          tpu.enqueue_dma source(%dma_start3A_385 : memref<8x128xi32, #tpu.memory_space<hbm>>) target(%dma_start3A_383 : memref<8x128xi32, #tpu.memory_space<vmem>>) target_semaphore(%arg9 : memref<!tpu.dma_semaphore, #tpu.memory_space<semaphore_mem>>)
        } else {
        }
      } else {
      }
      %ge3A = arith.constant 5 : i32
      %ge3A_292 = arith.cmpi sge, %scan3A_264, %ge3A : i32
      %lt3A_293 = arith.constant 400 : i32
      %lt3A_294 = arith.cmpi slt, %scan3A_264, %lt3A_293 : i32
      %and3A_295 = arith.andi %ge3A_292, %lt3A_294 : i1
      %convert_element_type3A_296 = arith.extui %and3A_295 : i1 to i32
      %cond3A_297 = arith.constant 0 : i32
      %cond3A_298 = arith.cmpi ne, %convert_element_type3A_296, %cond3A_297 : i32
      scf.if %cond3A_298 {
        %dma_wait3A_309 = arith.constant 0 : i32
        %dma_wait3A_310 = arith.constant 0 : i32
        %dma_wait3A_311 = arith.constant 0 : i32
        %dma_wait3A_312 = tpu.memref_slice %arg8[%dma_wait3A_309, %dma_wait3A_310, %dma_wait3A_311] : memref<5x128x32xf32, #tpu.memory_space<vmem>> -> memref<1x128x32xf32, #tpu.memory_space<vmem>>
        %dma_wait3A_313 = tpu.memref_squeeze %dma_wait3A_312 : memref<1x128x32xf32, #tpu.memory_space<vmem>> -> memref<128x32xf32, #tpu.memory_space<vmem>>
        %dma_wait3A_314 = arith.constant 0 : i32
        %dma_wait3A_315 = arith.constant 0 : i32
        %dma_wait3A_316 = tpu.memref_slice %arg4[%dma_wait3A_314, %dma_wait3A_315] : memref<200000x32xf32, #tpu.memory_space<hbm>> -> memref<128x32xf32, #tpu.memory_space<hbm>>
        %dma_wait3A_317 = arith.constant 0 : i32
        %dma_wait3A_318 = arith.constant 0 : i32
        %dma_wait3A_319 = tpu.memref_slice %arg8[%dma_wait3A_309, %dma_wait3A_317, %dma_wait3A_318] : memref<5x128x32xf32, #tpu.memory_space<vmem>> -> memref<1x128x32xf32, #tpu.memory_space<vmem>>
        %dma_wait3A_320 = tpu.memref_squeeze %dma_wait3A_319 : memref<1x128x32xf32, #tpu.memory_space<vmem>> -> memref<128x32xf32, #tpu.memory_space<vmem>>
        %dma_wait3A_321 = arith.constant 0 : i32
        %dma_wait3A_322 = arith.constant 0 : i32
        %dma_wait3A_323 = tpu.memref_slice %arg4[%dma_wait3A_321, %dma_wait3A_322] : memref<200000x32xf32, #tpu.memory_space<hbm>> -> memref<128x32xf32, #tpu.memory_space<hbm>>
        tpu.wait_dma2 semaphore(%arg11 : memref<!tpu.dma_semaphore, #tpu.memory_space<semaphore_mem>>) src(%dma_wait3A_323 : memref<128x32xf32, #tpu.memory_space<hbm>>) dst(%dma_wait3A_320 : memref<128x32xf32, #tpu.memory_space<vmem>>)
      } else {
      }
      %lt3A_299 = arith.constant 400 : i32
      %lt3A_300 = arith.cmpi slt, %scan3A_264, %lt3A_299 : i32
      %convert_element_type3A_301 = arith.extui %lt3A_300 : i1 to i32
      %cond3A_302 = arith.constant 0 : i32
      %cond3A_303 = arith.cmpi ne, %convert_element_type3A_301, %cond3A_302 : i32
      scf.if %cond3A_303 {
        %dma_start3A_309 = arith.constant 0 : i32
        %dma_start3A_310 = arith.constant 0 : i32
        %dma_start3A_311 = tpu.memref_slice %arg8[%rem3A_287, %dma_start3A_309, %dma_start3A_310] : memref<5x128x32xf32, #tpu.memory_space<vmem>> -> memref<1x128x32xf32, #tpu.memory_space<vmem>>
        %dma_start3A_312 = tpu.memref_squeeze %dma_start3A_311 : memref<1x128x32xf32, #tpu.memory_space<vmem>> -> memref<128x32xf32, #tpu.memory_space<vmem>>
        %dma_start3A_313 = arith.constant 0 : i32
        %dma_start3A_314 = tpu.memref_slice %arg7[%rem3A_285, %sub3A_283, %dma_start3A_313] : memref<3x8x128xi32, #tpu.memory_space<vmem>> -> memref<1x1x128xi32, #tpu.memory_space<vmem>>
        %dma_start3A_315 = tpu.memref_squeeze %dma_start3A_314 : memref<1x1x128xi32, #tpu.memory_space<vmem>> -> memref<128xi32, #tpu.memory_space<vmem>>
        %dma_start3A_316 = arith.constant 0 : i32
        %dma_start3A_317 = arith.constant 0 : i32
        %dma_start3A_318 = tpu.memref_slice %arg4[%dma_start3A_316, %dma_start3A_317] : memref<200000x32xf32, #tpu.memory_space<hbm>> -> memref<200000x32xf32, #tpu.memory_space<hbm>>
        tpu.enqueue_indirect_dma source(%dma_start3A_318 : memref<200000x32xf32, #tpu.memory_space<hbm>>) target(%dma_start3A_312 : memref<128x32xf32, #tpu.memory_space<vmem>>) offsets(%dma_start3A_315 : memref<128xi32, #tpu.memory_space<vmem>>) semaphore(%arg10 : memref<!tpu.dma_semaphore, #tpu.memory_space<semaphore_mem>>)
      } else {
      }
      %ge3A_304 = arith.constant 3 : i32
      %ge3A_305 = arith.cmpi sge, %scan3A_264, %ge3A_304 : i32
      %convert_element_type3A_306 = arith.extui %ge3A_305 : i1 to i32
      %cond3A_307 = arith.constant 0 : i32
      %cond3A_308 = arith.cmpi ne, %convert_element_type3A_306, %cond3A_307 : i32
      scf.if %cond3A_308 {
        %sub3A_309 = arith.constant 3 : i32
        %sub3A_310 = arith.subi %scan3A_264, %sub3A_309 : i32
        %jit3A_311 = arith.constant 8 : i32
        %div3A_312 = arith.divsi %sub3A_310, %jit3A_311 : i32
        %sign3A_313 = arith.constant 0 : i32
        %sign3A_314 = arith.cmpi sgt, %sub3A_310, %sign3A_313 : i32
        %sign3A_315 = arith.extui %sign3A_314 : i1 to i32
        %sign3A_316 = arith.constant 0 : i32
        %sign3A_317 = arith.cmpi slt, %sub3A_310, %sign3A_316 : i32
        %sign3A_318 = arith.extui %sign3A_317 : i1 to i32
        %sign3A_319 = arith.subi %sign3A_315, %sign3A_318 : i32
        %sign3A_320 = arith.constant 0 : i32
        %sign3A_321 = arith.cmpi sgt, %jit3A_311, %sign3A_320 : i32
        %sign3A_322 = arith.extui %sign3A_321 : i1 to i32
        %sign3A_323 = arith.constant 0 : i32
        %sign3A_324 = arith.cmpi slt, %jit3A_311, %sign3A_323 : i32
        %sign3A_325 = arith.extui %sign3A_324 : i1 to i32
        %sign3A_326 = arith.subi %sign3A_322, %sign3A_325 : i32
        %ne3A_327 = arith.cmpi ne, %sign3A_319, %sign3A_326 : i32
        %rem3A_328 = arith.remsi %sub3A_310, %jit3A_311 : i32
        %ne3A_329 = arith.constant 0 : i32
        %ne3A_330 = arith.cmpi ne, %rem3A_328, %ne3A_329 : i32
        %and3A_331 = arith.andi %ne3A_327, %ne3A_330 : i1
        %sub3A_332 = arith.constant 1 : i32
        %sub3A_333 = arith.subi %div3A_312, %sub3A_332 : i32
        %select_n3A_334 = arith.select %and3A_331, %sub3A_333, %div3A_312 : i32
        %mul3A_335 = arith.constant 8 : i32
        %mul3A_336 = arith.muli %select_n3A_334, %mul3A_335 : i32
        %sub3A_337 = arith.subi %sub3A_310, %mul3A_336 : i32
        %rem3A_338 = arith.constant 3 : i32
        %rem3A_339 = arith.remsi %select_n3A_334, %rem3A_338 : i32
        %rem3A_340 = arith.constant 5 : i32
        %rem3A_341 = arith.remsi %sub3A_310, %rem3A_340 : i32
        %dma_wait3A_342 = arith.constant 0 : i32
        %dma_wait3A_343 = arith.constant 0 : i32
        %dma_wait3A_344 = arith.constant 0 : i32
        %dma_wait3A_345 = tpu.memref_slice %arg8[%dma_wait3A_342, %dma_wait3A_343, %dma_wait3A_344] : memref<5x128x32xf32, #tpu.memory_space<vmem>> -> memref<1x128x32xf32, #tpu.memory_space<vmem>>
        %dma_wait3A_346 = tpu.memref_squeeze %dma_wait3A_345 : memref<1x128x32xf32, #tpu.memory_space<vmem>> -> memref<128x32xf32, #tpu.memory_space<vmem>>
        %dma_wait3A_347 = arith.constant 0 : i32
        %dma_wait3A_348 = arith.constant 0 : i32
        %dma_wait3A_349 = tpu.memref_slice %arg4[%dma_wait3A_347, %dma_wait3A_348] : memref<200000x32xf32, #tpu.memory_space<hbm>> -> memref<128x32xf32, #tpu.memory_space<hbm>>
        %dma_wait3A_350 = arith.constant 0 : i32
        %dma_wait3A_351 = arith.constant 0 : i32
        %dma_wait3A_352 = tpu.memref_slice %arg8[%dma_wait3A_342, %dma_wait3A_350, %dma_wait3A_351] : memref<5x128x32xf32, #tpu.memory_space<vmem>> -> memref<1x128x32xf32, #tpu.memory_space<vmem>>
        %dma_wait3A_353 = tpu.memref_squeeze %dma_wait3A_352 : memref<1x128x32xf32, #tpu.memory_space<vmem>> -> memref<128x32xf32, #tpu.memory_space<vmem>>
        %dma_wait3A_354 = arith.constant 0 : i32
        %dma_wait3A_355 = arith.constant 0 : i32
        %dma_wait3A_356 = tpu.memref_slice %arg4[%dma_wait3A_354, %dma_wait3A_355] : memref<200000x32xf32, #tpu.memory_space<hbm>> -> memref<128x32xf32, #tpu.memory_space<hbm>>
        tpu.wait_dma2 semaphore(%arg10 : memref<!tpu.dma_semaphore, #tpu.memory_space<semaphore_mem>>) src(%dma_wait3A_356 : memref<128x32xf32, #tpu.memory_space<hbm>>) dst(%dma_wait3A_353 : memref<128x32xf32, #tpu.memory_space<vmem>>)
        %dma_start3A_357 = arith.constant 0 : i32
        %dma_start3A_358 = arith.constant 0 : i32
        %dma_start3A_359 = tpu.memref_slice %arg8[%rem3A_341, %dma_start3A_357, %dma_start3A_358] : memref<5x128x32xf32, #tpu.memory_space<vmem>> -> memref<1x128x32xf32, #tpu.memory_space<vmem>>
        %dma_start3A_360 = tpu.memref_squeeze %dma_start3A_359 : memref<1x128x32xf32, #tpu.memory_space<vmem>> -> memref<128x32xf32, #tpu.memory_space<vmem>>
        %dma_start3A_361 = arith.constant 0 : i32
        %dma_start3A_362 = tpu.memref_slice %arg6[%rem3A_339, %sub3A_337, %dma_start3A_361] : memref<3x8x128xi32, #tpu.memory_space<vmem>> -> memref<1x1x128xi32, #tpu.memory_space<vmem>>
        %dma_start3A_363 = tpu.memref_squeeze %dma_start3A_362 : memref<1x1x128xi32, #tpu.memory_space<vmem>> -> memref<128xi32, #tpu.memory_space<vmem>>
        %dma_start3A_364 = arith.constant 0 : i32
        %dma_start3A_365 = arith.constant 0 : i32
        %dma_start3A_366 = tpu.memref_slice %arg12[%dma_start3A_364, %dma_start3A_365] : memref<51200x32xf32, #tpu.memory_space<vmem_shared>> -> memref<51200x32xf32, #tpu.memory_space<vmem_shared>>
        tpu.enqueue_indirect_dma source(%dma_start3A_360 : memref<128x32xf32, #tpu.memory_space<vmem>>) target(%dma_start3A_366 : memref<51200x32xf32, #tpu.memory_space<vmem_shared>>) offsets(%dma_start3A_363 : memref<128xi32, #tpu.memory_space<vmem>>) semaphore(%arg11 : memref<!tpu.dma_semaphore, #tpu.memory_space<semaphore_mem>>) {add = true}
      } else {
      }
    }
    %scan3A_180 = arith.constant 403 : i32
    %dma_wait3A_181 = arith.constant 0 : i32
    %dma_wait3A_182 = arith.constant 0 : i32
    %dma_wait3A_183 = arith.constant 0 : i32
    %dma_wait3A_184 = tpu.memref_slice %arg8[%dma_wait3A_181, %dma_wait3A_182, %dma_wait3A_183] : memref<5x128x32xf32, #tpu.memory_space<vmem>> -> memref<1x128x32xf32, #tpu.memory_space<vmem>>
    %dma_wait3A_185 = tpu.memref_squeeze %dma_wait3A_184 : memref<1x128x32xf32, #tpu.memory_space<vmem>> -> memref<128x32xf32, #tpu.memory_space<vmem>>
    %dma_wait3A_186 = arith.constant 0 : i32
    %dma_wait3A_187 = arith.constant 0 : i32
    %dma_wait3A_188 = tpu.memref_slice %arg4[%dma_wait3A_186, %dma_wait3A_187] : memref<200000x32xf32, #tpu.memory_space<hbm>> -> memref<128x32xf32, #tpu.memory_space<hbm>>
    %dma_wait3A_189 = arith.constant 0 : i32
    %dma_wait3A_190 = arith.constant 0 : i32
    %dma_wait3A_191 = tpu.memref_slice %arg8[%dma_wait3A_181, %dma_wait3A_189, %dma_wait3A_190] : memref<5x128x32xf32, #tpu.memory_space<vmem>> -> memref<1x128x32xf32, #tpu.memory_space<vmem>>
    %dma_wait3A_192 = tpu.memref_squeeze %dma_wait3A_191 : memref<1x128x32xf32, #tpu.memory_space<vmem>> -> memref<128x32xf32, #tpu.memory_space<vmem>>
    %dma_wait3A_193 = arith.constant 0 : i32
    %dma_wait3A_194 = arith.constant 0 : i32
    %dma_wait3A_195 = tpu.memref_slice %arg4[%dma_wait3A_193, %dma_wait3A_194] : memref<200000x32xf32, #tpu.memory_space<hbm>> -> memref<128x32xf32, #tpu.memory_space<hbm>>
    tpu.wait_dma2 semaphore(%arg11 : memref<!tpu.dma_semaphore, #tpu.memory_space<semaphore_mem>>) src(%dma_wait3A_195 : memref<128x32xf32, #tpu.memory_space<hbm>>) dst(%dma_wait3A_192 : memref<128x32xf32, #tpu.memory_space<vmem>>)
    %dma_wait3A_196 = arith.constant 0 : i32
    %dma_wait3A_197 = arith.constant 0 : i32
    %dma_wait3A_198 = arith.constant 0 : i32
    %dma_wait3A_199 = tpu.memref_slice %arg8[%dma_wait3A_196, %dma_wait3A_197, %dma_wait3A_198] : memref<5x128x32xf32, #tpu.memory_space<vmem>> -> memref<1x128x32xf32, #tpu.memory_space<vmem>>
    %dma_wait3A_200 = tpu.memref_squeeze %dma_wait3A_199 : memref<1x128x32xf32, #tpu.memory_space<vmem>> -> memref<128x32xf32, #tpu.memory_space<vmem>>
    %dma_wait3A_201 = arith.constant 0 : i32
    %dma_wait3A_202 = arith.constant 0 : i32
    %dma_wait3A_203 = tpu.memref_slice %arg4[%dma_wait3A_201, %dma_wait3A_202] : memref<200000x32xf32, #tpu.memory_space<hbm>> -> memref<128x32xf32, #tpu.memory_space<hbm>>
    %dma_wait3A_204 = arith.constant 0 : i32
    %dma_wait3A_205 = arith.constant 0 : i32
    %dma_wait3A_206 = tpu.memref_slice %arg8[%dma_wait3A_196, %dma_wait3A_204, %dma_wait3A_205] : memref<5x128x32xf32, #tpu.memory_space<vmem>> -> memref<1x128x32xf32, #tpu.memory_space<vmem>>
    %dma_wait3A_207 = tpu.memref_squeeze %dma_wait3A_206 : memref<1x128x32xf32, #tpu.memory_space<vmem>> -> memref<128x32xf32, #tpu.memory_space<vmem>>
    %dma_wait3A_208 = arith.constant 0 : i32
    %dma_wait3A_209 = arith.constant 0 : i32
    %dma_wait3A_210 = tpu.memref_slice %arg4[%dma_wait3A_208, %dma_wait3A_209] : memref<200000x32xf32, #tpu.memory_space<hbm>> -> memref<128x32xf32, #tpu.memory_space<hbm>>
    tpu.wait_dma2 semaphore(%arg11 : memref<!tpu.dma_semaphore, #tpu.memory_space<semaphore_mem>>) src(%dma_wait3A_210 : memref<128x32xf32, #tpu.memory_space<hbm>>) dst(%dma_wait3A_207 : memref<128x32xf32, #tpu.memory_space<vmem>>)
    %dma_wait3A_211 = arith.constant 0 : i32
    %dma_wait3A_212 = arith.constant 0 : i32
    %dma_wait3A_213 = arith.constant 0 : i32
    %dma_wait3A_214 = tpu.memref_slice %arg8[%dma_wait3A_211, %dma_wait3A_212, %dma_wait3A_213] : memref<5x128x32xf32, #tpu.memory_space<vmem>> -> memref<1x128x32xf32, #tpu.memory_space<vmem>>
    %dma_wait3A_215 = tpu.memref_squeeze %dma_wait3A_214 : memref<1x128x32xf32, #tpu.memory_space<vmem>> -> memref<128x32xf32, #tpu.memory_space<vmem>>
    %dma_wait3A_216 = arith.constant 0 : i32
    %dma_wait3A_217 = arith.constant 0 : i32
    %dma_wait3A_218 = tpu.memref_slice %arg4[%dma_wait3A_216, %dma_wait3A_217] : memref<200000x32xf32, #tpu.memory_space<hbm>> -> memref<128x32xf32, #tpu.memory_space<hbm>>
    %dma_wait3A_219 = arith.constant 0 : i32
    %dma_wait3A_220 = arith.constant 0 : i32
    %dma_wait3A_221 = tpu.memref_slice %arg8[%dma_wait3A_211, %dma_wait3A_219, %dma_wait3A_220] : memref<5x128x32xf32, #tpu.memory_space<vmem>> -> memref<1x128x32xf32, #tpu.memory_space<vmem>>
    %dma_wait3A_222 = tpu.memref_squeeze %dma_wait3A_221 : memref<1x128x32xf32, #tpu.memory_space<vmem>> -> memref<128x32xf32, #tpu.memory_space<vmem>>
    %dma_wait3A_223 = arith.constant 0 : i32
    %dma_wait3A_224 = arith.constant 0 : i32
    %dma_wait3A_225 = tpu.memref_slice %arg4[%dma_wait3A_223, %dma_wait3A_224] : memref<200000x32xf32, #tpu.memory_space<hbm>> -> memref<128x32xf32, #tpu.memory_space<hbm>>
    tpu.wait_dma2 semaphore(%arg11 : memref<!tpu.dma_semaphore, #tpu.memory_space<semaphore_mem>>) src(%dma_wait3A_225 : memref<128x32xf32, #tpu.memory_space<hbm>>) dst(%dma_wait3A_222 : memref<128x32xf32, #tpu.memory_space<vmem>>)
    %dma_wait3A_226 = arith.constant 0 : i32
    %dma_wait3A_227 = arith.constant 0 : i32
    %dma_wait3A_228 = arith.constant 0 : i32
    %dma_wait3A_229 = tpu.memref_slice %arg8[%dma_wait3A_226, %dma_wait3A_227, %dma_wait3A_228] : memref<5x128x32xf32, #tpu.memory_space<vmem>> -> memref<1x128x32xf32, #tpu.memory_space<vmem>>
    %dma_wait3A_230 = tpu.memref_squeeze %dma_wait3A_229 : memref<1x128x32xf32, #tpu.memory_space<vmem>> -> memref<128x32xf32, #tpu.memory_space<vmem>>
    %dma_wait3A_231 = arith.constant 0 : i32
    %dma_wait3A_232 = arith.constant 0 : i32
    %dma_wait3A_233 = tpu.memref_slice %arg4[%dma_wait3A_231, %dma_wait3A_232] : memref<200000x32xf32, #tpu.memory_space<hbm>> -> memref<128x32xf32, #tpu.memory_space<hbm>>
    %dma_wait3A_234 = arith.constant 0 : i32
    %dma_wait3A_235 = arith.constant 0 : i32
    %dma_wait3A_236 = tpu.memref_slice %arg8[%dma_wait3A_226, %dma_wait3A_234, %dma_wait3A_235] : memref<5x128x32xf32, #tpu.memory_space<vmem>> -> memref<1x128x32xf32, #tpu.memory_space<vmem>>
    %dma_wait3A_237 = tpu.memref_squeeze %dma_wait3A_236 : memref<1x128x32xf32, #tpu.memory_space<vmem>> -> memref<128x32xf32, #tpu.memory_space<vmem>>
    %dma_wait3A_238 = arith.constant 0 : i32
    %dma_wait3A_239 = arith.constant 0 : i32
    %dma_wait3A_240 = tpu.memref_slice %arg4[%dma_wait3A_238, %dma_wait3A_239] : memref<200000x32xf32, #tpu.memory_space<hbm>> -> memref<128x32xf32, #tpu.memory_space<hbm>>
    tpu.wait_dma2 semaphore(%arg11 : memref<!tpu.dma_semaphore, #tpu.memory_space<semaphore_mem>>) src(%dma_wait3A_240 : memref<128x32xf32, #tpu.memory_space<hbm>>) dst(%dma_wait3A_237 : memref<128x32xf32, #tpu.memory_space<vmem>>)
    %dma_wait3A_241 = arith.constant 0 : i32
    %dma_wait3A_242 = arith.constant 0 : i32
    %dma_wait3A_243 = arith.constant 0 : i32
    %dma_wait3A_244 = tpu.memref_slice %arg8[%dma_wait3A_241, %dma_wait3A_242, %dma_wait3A_243] : memref<5x128x32xf32, #tpu.memory_space<vmem>> -> memref<1x128x32xf32, #tpu.memory_space<vmem>>
    %dma_wait3A_245 = tpu.memref_squeeze %dma_wait3A_244 : memref<1x128x32xf32, #tpu.memory_space<vmem>> -> memref<128x32xf32, #tpu.memory_space<vmem>>
    %dma_wait3A_246 = arith.constant 0 : i32
    %dma_wait3A_247 = arith.constant 0 : i32
    %dma_wait3A_248 = tpu.memref_slice %arg4[%dma_wait3A_246, %dma_wait3A_247] : memref<200000x32xf32, #tpu.memory_space<hbm>> -> memref<128x32xf32, #tpu.memory_space<hbm>>
    %dma_wait3A_249 = arith.constant 0 : i32
    %dma_wait3A_250 = arith.constant 0 : i32
    %dma_wait3A_251 = tpu.memref_slice %arg8[%dma_wait3A_241, %dma_wait3A_249, %dma_wait3A_250] : memref<5x128x32xf32, #tpu.memory_space<vmem>> -> memref<1x128x32xf32, #tpu.memory_space<vmem>>
    %dma_wait3A_252 = tpu.memref_squeeze %dma_wait3A_251 : memref<1x128x32xf32, #tpu.memory_space<vmem>> -> memref<128x32xf32, #tpu.memory_space<vmem>>
    %dma_wait3A_253 = arith.constant 0 : i32
    %dma_wait3A_254 = arith.constant 0 : i32
    %dma_wait3A_255 = tpu.memref_slice %arg4[%dma_wait3A_253, %dma_wait3A_254] : memref<200000x32xf32, #tpu.memory_space<hbm>> -> memref<128x32xf32, #tpu.memory_space<hbm>>
    tpu.wait_dma2 semaphore(%arg11 : memref<!tpu.dma_semaphore, #tpu.memory_space<semaphore_mem>>) src(%dma_wait3A_255 : memref<128x32xf32, #tpu.memory_space<hbm>>) dst(%dma_wait3A_252 : memref<128x32xf32, #tpu.memory_space<vmem>>)
    %barrier3A_256 = arith.constant 0 : index
    tpu.barrier barrier_id(%barrier3A_256)
    %mul3A_257 = arith.constant 3200 : i32
    %mul3A_258 = arith.muli %arg1, %mul3A_257 : i32
    %mul3A_259 = arith.constant 52000 : i32
    %mul3A_260 = arith.muli %add3A_132, %mul3A_259 : i32
    %mul3A_261 = arith.constant 3200 : i32
    %mul3A_262 = arith.muli %arg1, %mul3A_261 : i32
    %add3A_263 = arith.addi %mul3A_260, %mul3A_262 : i32
    "tpu.region"() ({
      %run_scoped3A = tpu.sem_alloc : memref<!tpu.dma_semaphore, #tpu.memory_space<semaphore_mem>>
      %dma_start3A_264 = arith.constant 0 : i32
      %dma_start3A_265 = tpu.memref_slice %arg5[%add3A_263, %dma_start3A_264] : memref<208000x32xf32, #tpu.memory_space<hbm>> -> memref<3200x32xf32, #tpu.memory_space<hbm>>
      %dma_start3A_266 = arith.constant 0 : i32
      %dma_start3A_267 = tpu.memref_slice %arg12[%mul3A_258, %dma_start3A_266] : memref<51200x32xf32, #tpu.memory_space<vmem_shared>> -> memref<3200x32xf32, #tpu.memory_space<vmem_shared>>
      tpu.enqueue_dma source(%dma_start3A_267 : memref<3200x32xf32, #tpu.memory_space<vmem_shared>>) target(%dma_start3A_265 : memref<3200x32xf32, #tpu.memory_space<hbm>>) target_semaphore(%run_scoped3A : memref<!tpu.dma_semaphore, #tpu.memory_space<semaphore_mem>>)
      %dma_wait3A_268 = arith.constant 0 : i32
      %dma_wait3A_269 = tpu.memref_slice %arg5[%add3A_263, %dma_wait3A_268] : memref<208000x32xf32, #tpu.memory_space<hbm>> -> memref<3200x32xf32, #tpu.memory_space<hbm>>
      %dma_wait3A_270 = arith.constant 0 : i32
      %dma_wait3A_271 = tpu.memref_slice %arg12[%mul3A_258, %dma_wait3A_270] : memref<51200x32xf32, #tpu.memory_space<vmem_shared>> -> memref<3200x32xf32, #tpu.memory_space<vmem_shared>>
      tpu.wait_dma2 semaphore(%run_scoped3A : memref<!tpu.dma_semaphore, #tpu.memory_space<semaphore_mem>>) src(%dma_wait3A_271 : memref<3200x32xf32, #tpu.memory_space<vmem_shared>>) dst(%dma_wait3A_269 : memref<3200x32xf32, #tpu.memory_space<hbm>>)
      tpu.yield
    }) : () -> ()
    return
  }
}

#map = affine_map<(d0, d1) -> (0, 0)>
module attributes {stable_mosaic.version = 14 : i64} {
  func.func @_ka_body(%arg0: i32, %arg1: i32, %arg2: memref<6400x128xi32, #tpu.memory_space<hbm>>, %arg3: memref<6400x128xi32, #tpu.memory_space<hbm>>, %arg4: memref<6400x128xi32, #tpu.memory_space<hbm>>, %arg5: memref<2x51200xf32, #tpu.memory_space<hbm>>, %arg6: memref<8x128xi32, #tpu.memory_space<vmem>>, %arg7: memref<8x128xi32, #tpu.memory_space<vmem>>, %arg8: memref<8x128xi32, #tpu.memory_space<vmem>>, %arg9: memref<128xf32, #tpu.memory_space<vmem>>, %arg10: memref<3200xf32, #tpu.memory_space<vmem>>, %arg11: memref<51200xf32, #tpu.memory_space<vmem_shared>>) attributes {dimension_semantics = [#tpu.dimension_semantics<core_parallel>, #tpu.dimension_semantics<subcore_parallel>], iteration_bounds = array<i64: 2, 16>, scalar_prefetch = 0 : i64, scratch_operands = 6 : i64, tpu.core_type = #tpu.core_type<sc_vector_subcore>, window_params = [{transform_indices = #map}, {transform_indices = #map}, {transform_indices = #map}, {transform_indices = #map}]} {
    %mul3A = arith.constant 16 : i32
    %mul3A_0 = arith.muli %arg0, %mul3A : i32
    %add3A = arith.addi %mul3A_0, %arg1 : i32
    %scan3A = arith.constant 0 : i32
    %scan3A_1 = arith.constant 200 : i32
    %scan3A_2 = arith.addi %scan3A, %scan3A_1 : i32
    %scan3A_3 = arith.constant 1 : i32
    scf.for %scan3A_67 = %scan3A to %scan3A_2 step %scan3A_3  : i32 {
      %broadcast_in_dim3A_68 = arith.constant 0.000000e+00 : f32
      %broadcast_in_dim3A_69 = vector.broadcast %broadcast_in_dim3A_68 : f32 to vector<16xf32>
      %mul3A_70 = arith.constant 16 : i32
      %mul3A_71 = arith.muli %scan3A_67, %mul3A_70 : i32
      %swap3A_72 = arith.index_cast %mul3A_71 : i32 to index
      %swap3A_73 = tpu.vector_load %arg10[%swap3A_72] {strides = array<i32>} : memref<3200xf32, #tpu.memory_space<vmem>>, vector<16xf32>,
      %swap3A_74 = vector.shape_cast %swap3A_73 : vector<16xf32> to vector<16xf32>
      %swap3A_75 = vector.shape_cast %broadcast_in_dim3A_69 : vector<16xf32> to vector<16xf32>
      tpu.vector_store %arg10[%swap3A_72], %swap3A_75 {strides = array<i32>} : memref<3200xf32, #tpu.memory_space<vmem>>, vector<16xf32>,
    }
    %scan3A_4 = arith.constant 200 : i32
    %broadcast_in_dim3A = arith.constant 1.000000e+00 : f32
    %broadcast_in_dim3A_5 = vector.broadcast %broadcast_in_dim3A : f32 to vector<16xf32>
    %swap3A = arith.constant 0 : index
    %swap3A_6 = tpu.vector_load %arg9[%swap3A] {strides = array<i32>} : memref<128xf32, #tpu.memory_space<vmem>>, vector<16xf32>,
    %swap3A_7 = vector.shape_cast %swap3A_6 : vector<16xf32> to vector<16xf32>
    %swap3A_8 = vector.shape_cast %broadcast_in_dim3A_5 : vector<16xf32> to vector<16xf32>
    tpu.vector_store %arg9[%swap3A], %swap3A_8 {strides = array<i32>} : memref<128xf32, #tpu.memory_space<vmem>>, vector<16xf32>,
    %broadcast_in_dim3A_9 = arith.constant 1.000000e+00 : f32
    %broadcast_in_dim3A_10 = vector.broadcast %broadcast_in_dim3A_9 : f32 to vector<16xf32>
    %swap3A_11 = arith.constant 16 : index
    %swap3A_12 = tpu.vector_load %arg9[%swap3A_11] {strides = array<i32>} : memref<128xf32, #tpu.memory_space<vmem>>, vector<16xf32>,
    %swap3A_13 = vector.shape_cast %swap3A_12 : vector<16xf32> to vector<16xf32>
    %swap3A_14 = vector.shape_cast %broadcast_in_dim3A_10 : vector<16xf32> to vector<16xf32>
    tpu.vector_store %arg9[%swap3A_11], %swap3A_14 {strides = array<i32>} : memref<128xf32, #tpu.memory_space<vmem>>, vector<16xf32>,
    %broadcast_in_dim3A_15 = arith.constant 1.000000e+00 : f32
    %broadcast_in_dim3A_16 = vector.broadcast %broadcast_in_dim3A_15 : f32 to vector<16xf32>
    %swap3A_17 = arith.constant 32 : index
    %swap3A_18 = tpu.vector_load %arg9[%swap3A_17] {strides = array<i32>} : memref<128xf32, #tpu.memory_space<vmem>>, vector<16xf32>,
    %swap3A_19 = vector.shape_cast %swap3A_18 : vector<16xf32> to vector<16xf32>
    %swap3A_20 = vector.shape_cast %broadcast_in_dim3A_16 : vector<16xf32> to vector<16xf32>
    tpu.vector_store %arg9[%swap3A_17], %swap3A_20 {strides = array<i32>} : memref<128xf32, #tpu.memory_space<vmem>>, vector<16xf32>,
    %broadcast_in_dim3A_21 = arith.constant 1.000000e+00 : f32
    %broadcast_in_dim3A_22 = vector.broadcast %broadcast_in_dim3A_21 : f32 to vector<16xf32>
    %swap3A_23 = arith.constant 48 : index
    %swap3A_24 = tpu.vector_load %arg9[%swap3A_23] {strides = array<i32>} : memref<128xf32, #tpu.memory_space<vmem>>, vector<16xf32>,
    %swap3A_25 = vector.shape_cast %swap3A_24 : vector<16xf32> to vector<16xf32>
    %swap3A_26 = vector.shape_cast %broadcast_in_dim3A_22 : vector<16xf32> to vector<16xf32>
    tpu.vector_store %arg9[%swap3A_23], %swap3A_26 {strides = array<i32>} : memref<128xf32, #tpu.memory_space<vmem>>, vector<16xf32>,
    %broadcast_in_dim3A_27 = arith.constant 1.000000e+00 : f32
    %broadcast_in_dim3A_28 = vector.broadcast %broadcast_in_dim3A_27 : f32 to vector<16xf32>
    %swap3A_29 = arith.constant 64 : index
    %swap3A_30 = tpu.vector_load %arg9[%swap3A_29] {strides = array<i32>} : memref<128xf32, #tpu.memory_space<vmem>>, vector<16xf32>,
    %swap3A_31 = vector.shape_cast %swap3A_30 : vector<16xf32> to vector<16xf32>
    %swap3A_32 = vector.shape_cast %broadcast_in_dim3A_28 : vector<16xf32> to vector<16xf32>
    tpu.vector_store %arg9[%swap3A_29], %swap3A_32 {strides = array<i32>} : memref<128xf32, #tpu.memory_space<vmem>>, vector<16xf32>,
    %broadcast_in_dim3A_33 = arith.constant 1.000000e+00 : f32
    %broadcast_in_dim3A_34 = vector.broadcast %broadcast_in_dim3A_33 : f32 to vector<16xf32>
    %swap3A_35 = arith.constant 80 : index
    %swap3A_36 = tpu.vector_load %arg9[%swap3A_35] {strides = array<i32>} : memref<128xf32, #tpu.memory_space<vmem>>, vector<16xf32>,
    %swap3A_37 = vector.shape_cast %swap3A_36 : vector<16xf32> to vector<16xf32>
    %swap3A_38 = vector.shape_cast %broadcast_in_dim3A_34 : vector<16xf32> to vector<16xf32>
    tpu.vector_store %arg9[%swap3A_35], %swap3A_38 {strides = array<i32>} : memref<128xf32, #tpu.memory_space<vmem>>, vector<16xf32>,
    %broadcast_in_dim3A_39 = arith.constant 1.000000e+00 : f32
    %broadcast_in_dim3A_40 = vector.broadcast %broadcast_in_dim3A_39 : f32 to vector<16xf32>
    %swap3A_41 = arith.constant 96 : index
    %swap3A_42 = tpu.vector_load %arg9[%swap3A_41] {strides = array<i32>} : memref<128xf32, #tpu.memory_space<vmem>>, vector<16xf32>,
    %swap3A_43 = vector.shape_cast %swap3A_42 : vector<16xf32> to vector<16xf32>
    %swap3A_44 = vector.shape_cast %broadcast_in_dim3A_40 : vector<16xf32> to vector<16xf32>
    tpu.vector_store %arg9[%swap3A_41], %swap3A_44 {strides = array<i32>} : memref<128xf32, #tpu.memory_space<vmem>>, vector<16xf32>,
    %broadcast_in_dim3A_45 = arith.constant 1.000000e+00 : f32
    %broadcast_in_dim3A_46 = vector.broadcast %broadcast_in_dim3A_45 : f32 to vector<16xf32>
    %swap3A_47 = arith.constant 112 : index
    %swap3A_48 = tpu.vector_load %arg9[%swap3A_47] {strides = array<i32>} : memref<128xf32, #tpu.memory_space<vmem>>, vector<16xf32>,
    %swap3A_49 = vector.shape_cast %swap3A_48 : vector<16xf32> to vector<16xf32>
    %swap3A_50 = vector.shape_cast %broadcast_in_dim3A_46 : vector<16xf32> to vector<16xf32>
    tpu.vector_store %arg9[%swap3A_47], %swap3A_50 {strides = array<i32>} : memref<128xf32, #tpu.memory_space<vmem>>, vector<16xf32>,
    %mul3A_51 = arith.constant 3200 : i32
    %mul3A_52 = arith.muli %arg1, %mul3A_51 : i32
    "tpu.region"() ({
      %run_scoped3A = tpu.sem_alloc : memref<!tpu.dma_semaphore, #tpu.memory_space<semaphore_mem>>
      %dma_start3A = tpu.memref_slice %arg11[%mul3A_52] : memref<51200xf32, #tpu.memory_space<vmem_shared>> -> memref<3200xf32, #tpu.memory_space<vmem_shared>>
      %dma_start3A_67 = tpu.memref_slice %arg11[%mul3A_52] : memref<51200xf32, #tpu.memory_space<vmem_shared>> -> memref<3200xf32, #tpu.memory_space<vmem_shared>>
      tpu.enqueue_dma source(%arg10 : memref<3200xf32, #tpu.memory_space<vmem>>) target(%dma_start3A_67 : memref<3200xf32, #tpu.memory_space<vmem_shared>>) target_semaphore(%run_scoped3A : memref<!tpu.dma_semaphore, #tpu.memory_space<semaphore_mem>>)
      %dma_wait3A = tpu.memref_slice %arg11[%mul3A_52] : memref<51200xf32, #tpu.memory_space<vmem_shared>> -> memref<3200xf32, #tpu.memory_space<vmem_shared>>
      %dma_wait3A_68 = tpu.memref_slice %arg11[%mul3A_52] : memref<51200xf32, #tpu.memory_space<vmem_shared>> -> memref<3200xf32, #tpu.memory_space<vmem_shared>>
      tpu.wait_dma2 semaphore(%run_scoped3A : memref<!tpu.dma_semaphore, #tpu.memory_space<semaphore_mem>>) src(%arg10 : memref<3200xf32, #tpu.memory_space<vmem>>) dst(%dma_wait3A_68 : memref<3200xf32, #tpu.memory_space<vmem_shared>>)
      tpu.yield
    }) : () -> ()
    %barrier3A = arith.constant 0 : index
    tpu.barrier barrier_id(%barrier3A)
    %mul3A_53 = arith.constant 16 : i32
    %mul3A_54 = arith.muli %add3A, %mul3A_53 : i32
    %add3A_55 = arith.constant 50000 : i32
    %add3A_56 = arith.addi %add3A_55, %mul3A_54 : i32
    %iota3A = tpu.iota {dimensions = array<i32: 0>} : vector<16xi32>
    %add3A_57 = vector.broadcast %add3A_56 : i32 to vector<16xi32>
    %add3A_58 = arith.addi %add3A_57, %iota3A : vector<16xi32>
    %scan3A_59 = arith.constant 0 : i32
    %scan3A_60 = arith.constant 25 : i32
    %scan3A_61 = arith.addi %scan3A_59, %scan3A_60 : i32
    %scan3A_62 = arith.constant 1 : i32
    scf.for %scan3A_67 = %scan3A_59 to %scan3A_61 step %scan3A_62  : i32 {
      %mul3A_68 = arith.constant 25 : i32
      %mul3A_69 = arith.muli %add3A, %mul3A_68 : i32
      %add3A_70 = arith.addi %mul3A_69, %scan3A_67 : i32
      %mul3A_71 = arith.constant 8 : i32
      %mul3A_72 = arith.muli %add3A_70, %mul3A_71 : i32
      "tpu.region"() ({
        %run_scoped3A_85 = tpu.sem_alloc : memref<!tpu.dma_semaphore, #tpu.memory_space<semaphore_mem>>
        %dma_start3A = arith.constant 0 : i32
        %dma_start3A_86 = tpu.memref_slice %arg2[%mul3A_72, %dma_start3A] : memref<6400x128xi32, #tpu.memory_space<hbm>> -> memref<8x128xi32, #tpu.memory_space<hbm>>
        %dma_start3A_87 = arith.constant 0 : i32
        %dma_start3A_88 = tpu.memref_slice %arg2[%mul3A_72, %dma_start3A_87] : memref<6400x128xi32, #tpu.memory_space<hbm>> -> memref<8x128xi32, #tpu.memory_space<hbm>>
        tpu.enqueue_dma source(%dma_start3A_88 : memref<8x128xi32, #tpu.memory_space<hbm>>) target(%arg6 : memref<8x128xi32, #tpu.memory_space<vmem>>) target_semaphore(%run_scoped3A_85 : memref<!tpu.dma_semaphore, #tpu.memory_space<semaphore_mem>>)
        %dma_wait3A = arith.constant 0 : i32
        %dma_wait3A_89 = tpu.memref_slice %arg2[%mul3A_72, %dma_wait3A] : memref<6400x128xi32, #tpu.memory_space<hbm>> -> memref<8x128xi32, #tpu.memory_space<hbm>>
        %dma_wait3A_90 = arith.constant 0 : i32
        %dma_wait3A_91 = tpu.memref_slice %arg2[%mul3A_72, %dma_wait3A_90] : memref<6400x128xi32, #tpu.memory_space<hbm>> -> memref<8x128xi32, #tpu.memory_space<hbm>>
        tpu.wait_dma2 semaphore(%run_scoped3A_85 : memref<!tpu.dma_semaphore, #tpu.memory_space<semaphore_mem>>) src(%dma_wait3A_91 : memref<8x128xi32, #tpu.memory_space<hbm>>) dst(%arg6 : memref<8x128xi32, #tpu.memory_space<vmem>>)
        tpu.yield
      }) : () -> ()
      "tpu.region"() ({
        %run_scoped3A_85 = tpu.sem_alloc : memref<!tpu.dma_semaphore, #tpu.memory_space<semaphore_mem>>
        %dma_start3A = arith.constant 0 : i32
        %dma_start3A_86 = tpu.memref_slice %arg3[%mul3A_72, %dma_start3A] : memref<6400x128xi32, #tpu.memory_space<hbm>> -> memref<8x128xi32, #tpu.memory_space<hbm>>
        %dma_start3A_87 = arith.constant 0 : i32
        %dma_start3A_88 = tpu.memref_slice %arg3[%mul3A_72, %dma_start3A_87] : memref<6400x128xi32, #tpu.memory_space<hbm>> -> memref<8x128xi32, #tpu.memory_space<hbm>>
        tpu.enqueue_dma source(%dma_start3A_88 : memref<8x128xi32, #tpu.memory_space<hbm>>) target(%arg7 : memref<8x128xi32, #tpu.memory_space<vmem>>) target_semaphore(%run_scoped3A_85 : memref<!tpu.dma_semaphore, #tpu.memory_space<semaphore_mem>>)
        %dma_wait3A = arith.constant 0 : i32
        %dma_wait3A_89 = tpu.memref_slice %arg3[%mul3A_72, %dma_wait3A] : memref<6400x128xi32, #tpu.memory_space<hbm>> -> memref<8x128xi32, #tpu.memory_space<hbm>>
        %dma_wait3A_90 = arith.constant 0 : i32
        %dma_wait3A_91 = tpu.memref_slice %arg3[%mul3A_72, %dma_wait3A_90] : memref<6400x128xi32, #tpu.memory_space<hbm>> -> memref<8x128xi32, #tpu.memory_space<hbm>>
        tpu.wait_dma2 semaphore(%run_scoped3A_85 : memref<!tpu.dma_semaphore, #tpu.memory_space<semaphore_mem>>) src(%dma_wait3A_91 : memref<8x128xi32, #tpu.memory_space<hbm>>) dst(%arg7 : memref<8x128xi32, #tpu.memory_space<vmem>>)
        tpu.yield
      }) : () -> ()
      %scan3A_73 = arith.constant 0 : i32
      %scan3A_74 = arith.constant 8 : i32
      %scan3A_75 = arith.addi %scan3A_73, %scan3A_74 : i32
      %scan3A_76 = arith.constant 1 : i32
      scf.for %scan3A_85 = %scan3A_73 to %scan3A_75 step %scan3A_76  : i32 {
        %get3A = arith.index_cast %scan3A_85 : i32 to index
        %get3A_86 = arith.constant 0 : index
        %get3A_87 = tpu.vector_load %arg6[%get3A, %get3A_86] {strides = array<i32>} : memref<8x128xi32, #tpu.memory_space<vmem>>, vector<1x16xi32>,
        %get3A_88 = vector.shape_cast %get3A_87 : vector<1x16xi32> to vector<16xi32>
        %get3A_89 = arith.index_cast %scan3A_85 : i32 to index
        %get3A_90 = arith.constant 0 : index
        %get3A_91 = tpu.vector_load %arg7[%get3A_89, %get3A_90] {strides = array<i32>} : memref<8x128xi32, #tpu.memory_space<vmem>>, vector<1x16xi32>,
        %get3A_92 = vector.shape_cast %get3A_91 : vector<1x16xi32> to vector<16xi32>
        %eq3A = arith.cmpi eq, %get3A_88, %get3A_92 : vector<16xi32>
        %select_n3A = arith.select %eq3A, %add3A_58, %get3A_88 : vector<16xi1>, vector<16xi32>
        %swap3A_93 = arith.index_cast %scan3A_85 : i32 to index
        %swap3A_94 = arith.constant 0 : index
        %swap3A_95 = tpu.vector_load %arg8[%swap3A_93, %swap3A_94] {strides = array<i32>} : memref<8x128xi32, #tpu.memory_space<vmem>>, vector<1x16xi32>,
        %swap3A_96 = vector.shape_cast %swap3A_95 : vector<1x16xi32> to vector<16xi32>
        %swap3A_97 = vector.shape_cast %select_n3A : vector<16xi32> to vector<1x16xi32>
        tpu.vector_store %arg8[%swap3A_93, %swap3A_94], %swap3A_97 {strides = array<i32>} : memref<8x128xi32, #tpu.memory_space<vmem>>, vector<1x16xi32>,
        %get3A_98 = arith.index_cast %scan3A_85 : i32 to index
        %get3A_99 = arith.constant 16 : index
        %get3A_100 = tpu.vector_load %arg6[%get3A_98, %get3A_99] {strides = array<i32>} : memref<8x128xi32, #tpu.memory_space<vmem>>, vector<1x16xi32>,
        %get3A_101 = vector.shape_cast %get3A_100 : vector<1x16xi32> to vector<16xi32>
        %get3A_102 = arith.index_cast %scan3A_85 : i32 to index
        %get3A_103 = arith.constant 16 : index
        %get3A_104 = tpu.vector_load %arg7[%get3A_102, %get3A_103] {strides = array<i32>} : memref<8x128xi32, #tpu.memory_space<vmem>>, vector<1x16xi32>,
        %get3A_105 = vector.shape_cast %get3A_104 : vector<1x16xi32> to vector<16xi32>
        %eq3A_106 = arith.cmpi eq, %get3A_101, %get3A_105 : vector<16xi32>
        %select_n3A_107 = arith.select %eq3A_106, %add3A_58, %get3A_101 : vector<16xi1>, vector<16xi32>
        %swap3A_108 = arith.index_cast %scan3A_85 : i32 to index
        %swap3A_109 = arith.constant 16 : index
        %swap3A_110 = tpu.vector_load %arg8[%swap3A_108, %swap3A_109] {strides = array<i32>} : memref<8x128xi32, #tpu.memory_space<vmem>>, vector<1x16xi32>,
        %swap3A_111 = vector.shape_cast %swap3A_110 : vector<1x16xi32> to vector<16xi32>
        %swap3A_112 = vector.shape_cast %select_n3A_107 : vector<16xi32> to vector<1x16xi32>
        tpu.vector_store %arg8[%swap3A_108, %swap3A_109], %swap3A_112 {strides = array<i32>} : memref<8x128xi32, #tpu.memory_space<vmem>>, vector<1x16xi32>,
        %get3A_113 = arith.index_cast %scan3A_85 : i32 to index
        %get3A_114 = arith.constant 32 : index
        %get3A_115 = tpu.vector_load %arg6[%get3A_113, %get3A_114] {strides = array<i32>} : memref<8x128xi32, #tpu.memory_space<vmem>>, vector<1x16xi32>,
        %get3A_116 = vector.shape_cast %get3A_115 : vector<1x16xi32> to vector<16xi32>
        %get3A_117 = arith.index_cast %scan3A_85 : i32 to index
        %get3A_118 = arith.constant 32 : index
        %get3A_119 = tpu.vector_load %arg7[%get3A_117, %get3A_118] {strides = array<i32>} : memref<8x128xi32, #tpu.memory_space<vmem>>, vector<1x16xi32>,
        %get3A_120 = vector.shape_cast %get3A_119 : vector<1x16xi32> to vector<16xi32>
        %eq3A_121 = arith.cmpi eq, %get3A_116, %get3A_120 : vector<16xi32>
        %select_n3A_122 = arith.select %eq3A_121, %add3A_58, %get3A_116 : vector<16xi1>, vector<16xi32>
        %swap3A_123 = arith.index_cast %scan3A_85 : i32 to index
        %swap3A_124 = arith.constant 32 : index
        %swap3A_125 = tpu.vector_load %arg8[%swap3A_123, %swap3A_124] {strides = array<i32>} : memref<8x128xi32, #tpu.memory_space<vmem>>, vector<1x16xi32>,
        %swap3A_126 = vector.shape_cast %swap3A_125 : vector<1x16xi32> to vector<16xi32>
        %swap3A_127 = vector.shape_cast %select_n3A_122 : vector<16xi32> to vector<1x16xi32>
        tpu.vector_store %arg8[%swap3A_123, %swap3A_124], %swap3A_127 {strides = array<i32>} : memref<8x128xi32, #tpu.memory_space<vmem>>, vector<1x16xi32>,
        %get3A_128 = arith.index_cast %scan3A_85 : i32 to index
        %get3A_129 = arith.constant 48 : index
        %get3A_130 = tpu.vector_load %arg6[%get3A_128, %get3A_129] {strides = array<i32>} : memref<8x128xi32, #tpu.memory_space<vmem>>, vector<1x16xi32>,
        %get3A_131 = vector.shape_cast %get3A_130 : vector<1x16xi32> to vector<16xi32>
        %get3A_132 = arith.index_cast %scan3A_85 : i32 to index
        %get3A_133 = arith.constant 48 : index
        %get3A_134 = tpu.vector_load %arg7[%get3A_132, %get3A_133] {strides = array<i32>} : memref<8x128xi32, #tpu.memory_space<vmem>>, vector<1x16xi32>,
        %get3A_135 = vector.shape_cast %get3A_134 : vector<1x16xi32> to vector<16xi32>
        %eq3A_136 = arith.cmpi eq, %get3A_131, %get3A_135 : vector<16xi32>
        %select_n3A_137 = arith.select %eq3A_136, %add3A_58, %get3A_131 : vector<16xi1>, vector<16xi32>
        %swap3A_138 = arith.index_cast %scan3A_85 : i32 to index
        %swap3A_139 = arith.constant 48 : index
        %swap3A_140 = tpu.vector_load %arg8[%swap3A_138, %swap3A_139] {strides = array<i32>} : memref<8x128xi32, #tpu.memory_space<vmem>>, vector<1x16xi32>,
        %swap3A_141 = vector.shape_cast %swap3A_140 : vector<1x16xi32> to vector<16xi32>
        %swap3A_142 = vector.shape_cast %select_n3A_137 : vector<16xi32> to vector<1x16xi32>
        tpu.vector_store %arg8[%swap3A_138, %swap3A_139], %swap3A_142 {strides = array<i32>} : memref<8x128xi32, #tpu.memory_space<vmem>>, vector<1x16xi32>,
        %get3A_143 = arith.index_cast %scan3A_85 : i32 to index
        %get3A_144 = arith.constant 64 : index
        %get3A_145 = tpu.vector_load %arg6[%get3A_143, %get3A_144] {strides = array<i32>} : memref<8x128xi32, #tpu.memory_space<vmem>>, vector<1x16xi32>,
        %get3A_146 = vector.shape_cast %get3A_145 : vector<1x16xi32> to vector<16xi32>
        %get3A_147 = arith.index_cast %scan3A_85 : i32 to index
        %get3A_148 = arith.constant 64 : index
        %get3A_149 = tpu.vector_load %arg7[%get3A_147, %get3A_148] {strides = array<i32>} : memref<8x128xi32, #tpu.memory_space<vmem>>, vector<1x16xi32>,
        %get3A_150 = vector.shape_cast %get3A_149 : vector<1x16xi32> to vector<16xi32>
        %eq3A_151 = arith.cmpi eq, %get3A_146, %get3A_150 : vector<16xi32>
        %select_n3A_152 = arith.select %eq3A_151, %add3A_58, %get3A_146 : vector<16xi1>, vector<16xi32>
        %swap3A_153 = arith.index_cast %scan3A_85 : i32 to index
        %swap3A_154 = arith.constant 64 : index
        %swap3A_155 = tpu.vector_load %arg8[%swap3A_153, %swap3A_154] {strides = array<i32>} : memref<8x128xi32, #tpu.memory_space<vmem>>, vector<1x16xi32>,
        %swap3A_156 = vector.shape_cast %swap3A_155 : vector<1x16xi32> to vector<16xi32>
        %swap3A_157 = vector.shape_cast %select_n3A_152 : vector<16xi32> to vector<1x16xi32>
        tpu.vector_store %arg8[%swap3A_153, %swap3A_154], %swap3A_157 {strides = array<i32>} : memref<8x128xi32, #tpu.memory_space<vmem>>, vector<1x16xi32>,
        %get3A_158 = arith.index_cast %scan3A_85 : i32 to index
        %get3A_159 = arith.constant 80 : index
        %get3A_160 = tpu.vector_load %arg6[%get3A_158, %get3A_159] {strides = array<i32>} : memref<8x128xi32, #tpu.memory_space<vmem>>, vector<1x16xi32>,
        %get3A_161 = vector.shape_cast %get3A_160 : vector<1x16xi32> to vector<16xi32>
        %get3A_162 = arith.index_cast %scan3A_85 : i32 to index
        %get3A_163 = arith.constant 80 : index
        %get3A_164 = tpu.vector_load %arg7[%get3A_162, %get3A_163] {strides = array<i32>} : memref<8x128xi32, #tpu.memory_space<vmem>>, vector<1x16xi32>,
        %get3A_165 = vector.shape_cast %get3A_164 : vector<1x16xi32> to vector<16xi32>
        %eq3A_166 = arith.cmpi eq, %get3A_161, %get3A_165 : vector<16xi32>
        %select_n3A_167 = arith.select %eq3A_166, %add3A_58, %get3A_161 : vector<16xi1>, vector<16xi32>
        %swap3A_168 = arith.index_cast %scan3A_85 : i32 to index
        %swap3A_169 = arith.constant 80 : index
        %swap3A_170 = tpu.vector_load %arg8[%swap3A_168, %swap3A_169] {strides = array<i32>} : memref<8x128xi32, #tpu.memory_space<vmem>>, vector<1x16xi32>,
        %swap3A_171 = vector.shape_cast %swap3A_170 : vector<1x16xi32> to vector<16xi32>
        %swap3A_172 = vector.shape_cast %select_n3A_167 : vector<16xi32> to vector<1x16xi32>
        tpu.vector_store %arg8[%swap3A_168, %swap3A_169], %swap3A_172 {strides = array<i32>} : memref<8x128xi32, #tpu.memory_space<vmem>>, vector<1x16xi32>,
        %get3A_173 = arith.index_cast %scan3A_85 : i32 to index
        %get3A_174 = arith.constant 96 : index
        %get3A_175 = tpu.vector_load %arg6[%get3A_173, %get3A_174] {strides = array<i32>} : memref<8x128xi32, #tpu.memory_space<vmem>>, vector<1x16xi32>,
        %get3A_176 = vector.shape_cast %get3A_175 : vector<1x16xi32> to vector<16xi32>
        %get3A_177 = arith.index_cast %scan3A_85 : i32 to index
        %get3A_178 = arith.constant 96 : index
        %get3A_179 = tpu.vector_load %arg7[%get3A_177, %get3A_178] {strides = array<i32>} : memref<8x128xi32, #tpu.memory_space<vmem>>, vector<1x16xi32>,
        %get3A_180 = vector.shape_cast %get3A_179 : vector<1x16xi32> to vector<16xi32>
        %eq3A_181 = arith.cmpi eq, %get3A_176, %get3A_180 : vector<16xi32>
        %select_n3A_182 = arith.select %eq3A_181, %add3A_58, %get3A_176 : vector<16xi1>, vector<16xi32>
        %swap3A_183 = arith.index_cast %scan3A_85 : i32 to index
        %swap3A_184 = arith.constant 96 : index
        %swap3A_185 = tpu.vector_load %arg8[%swap3A_183, %swap3A_184] {strides = array<i32>} : memref<8x128xi32, #tpu.memory_space<vmem>>, vector<1x16xi32>,
        %swap3A_186 = vector.shape_cast %swap3A_185 : vector<1x16xi32> to vector<16xi32>
        %swap3A_187 = vector.shape_cast %select_n3A_182 : vector<16xi32> to vector<1x16xi32>
        tpu.vector_store %arg8[%swap3A_183, %swap3A_184], %swap3A_187 {strides = array<i32>} : memref<8x128xi32, #tpu.memory_space<vmem>>, vector<1x16xi32>,
        %get3A_188 = arith.index_cast %scan3A_85 : i32 to index
        %get3A_189 = arith.constant 112 : index
        %get3A_190 = tpu.vector_load %arg6[%get3A_188, %get3A_189] {strides = array<i32>} : memref<8x128xi32, #tpu.memory_space<vmem>>, vector<1x16xi32>,
        %get3A_191 = vector.shape_cast %get3A_190 : vector<1x16xi32> to vector<16xi32>
        %get3A_192 = arith.index_cast %scan3A_85 : i32 to index
        %get3A_193 = arith.constant 112 : index
        %get3A_194 = tpu.vector_load %arg7[%get3A_192, %get3A_193] {strides = array<i32>} : memref<8x128xi32, #tpu.memory_space<vmem>>, vector<1x16xi32>,
        %get3A_195 = vector.shape_cast %get3A_194 : vector<1x16xi32> to vector<16xi32>
        %eq3A_196 = arith.cmpi eq, %get3A_191, %get3A_195 : vector<16xi32>
        %select_n3A_197 = arith.select %eq3A_196, %add3A_58, %get3A_191 : vector<16xi1>, vector<16xi32>
        %swap3A_198 = arith.index_cast %scan3A_85 : i32 to index
        %swap3A_199 = arith.constant 112 : index
        %swap3A_200 = tpu.vector_load %arg8[%swap3A_198, %swap3A_199] {strides = array<i32>} : memref<8x128xi32, #tpu.memory_space<vmem>>, vector<1x16xi32>,
        %swap3A_201 = vector.shape_cast %swap3A_200 : vector<1x16xi32> to vector<16xi32>
        %swap3A_202 = vector.shape_cast %select_n3A_197 : vector<16xi32> to vector<1x16xi32>
        tpu.vector_store %arg8[%swap3A_198, %swap3A_199], %swap3A_202 {strides = array<i32>} : memref<8x128xi32, #tpu.memory_space<vmem>>, vector<1x16xi32>,
      }
      %scan3A_77 = arith.constant 8 : i32
      %run_scoped3A = arith.constant 0 : i32
      "tpu.region"() ({
        %run_scoped3A_85 = tpu.sem_alloc : memref<!tpu.dma_semaphore, #tpu.memory_space<semaphore_mem>>
        %dma_start3A = arith.constant 0 : i32
        %dma_start3A_86 = tpu.memref_slice %arg8[%run_scoped3A, %dma_start3A] : memref<8x128xi32, #tpu.memory_space<vmem>> -> memref<1x128xi32, #tpu.memory_space<vmem>>
        %dma_start3A_87 = tpu.memref_squeeze %dma_start3A_86 : memref<1x128xi32, #tpu.memory_space<vmem>> -> memref<128xi32, #tpu.memory_space<vmem>>
        %dma_start3A_88 = arith.constant 0 : i32
        %dma_start3A_89 = tpu.memref_slice %arg11[%dma_start3A_88] : memref<51200xf32, #tpu.memory_space<vmem_shared>> -> memref<51200xf32, #tpu.memory_space<vmem_shared>>
        tpu.enqueue_indirect_dma source(%arg9 : memref<128xf32, #tpu.memory_space<vmem>>) target(%dma_start3A_89 : memref<51200xf32, #tpu.memory_space<vmem_shared>>) offsets(%dma_start3A_87 : memref<128xi32, #tpu.memory_space<vmem>>) semaphore(%run_scoped3A_85 : memref<!tpu.dma_semaphore, #tpu.memory_space<semaphore_mem>>) {add = true}
        %dma_wait3A = arith.constant 0 : i32
        %dma_wait3A_90 = tpu.memref_slice %arg8[%run_scoped3A, %dma_wait3A] : memref<8x128xi32, #tpu.memory_space<vmem>> -> memref<1x128xi32, #tpu.memory_space<vmem>>
        %dma_wait3A_91 = tpu.memref_squeeze %dma_wait3A_90 : memref<1x128xi32, #tpu.memory_space<vmem>> -> memref<128xi32, #tpu.memory_space<vmem>>
        %dma_wait3A_92 = arith.constant 0 : i32
        %dma_wait3A_93 = tpu.memref_slice %arg11[%dma_wait3A_92] : memref<51200xf32, #tpu.memory_space<vmem_shared>> -> memref<51200xf32, #tpu.memory_space<vmem_shared>>
        tpu.wait_indirect_dma semaphore(%run_scoped3A_85 : memref<!tpu.dma_semaphore, #tpu.memory_space<semaphore_mem>>) src(%arg9 : memref<128xf32, #tpu.memory_space<vmem>>) dst(%dma_wait3A_93 : memref<51200xf32, #tpu.memory_space<vmem_shared>>)
        tpu.yield
      }) : () -> ()
      %run_scoped3A_78 = arith.constant 1 : i32
      "tpu.region"() ({
        %run_scoped3A_85 = tpu.sem_alloc : memref<!tpu.dma_semaphore, #tpu.memory_space<semaphore_mem>>
        %dma_start3A = arith.constant 0 : i32
        %dma_start3A_86 = tpu.memref_slice %arg8[%run_scoped3A_78, %dma_start3A] : memref<8x128xi32, #tpu.memory_space<vmem>> -> memref<1x128xi32, #tpu.memory_space<vmem>>
        %dma_start3A_87 = tpu.memref_squeeze %dma_start3A_86 : memref<1x128xi32, #tpu.memory_space<vmem>> -> memref<128xi32, #tpu.memory_space<vmem>>
        %dma_start3A_88 = arith.constant 0 : i32
        %dma_start3A_89 = tpu.memref_slice %arg11[%dma_start3A_88] : memref<51200xf32, #tpu.memory_space<vmem_shared>> -> memref<51200xf32, #tpu.memory_space<vmem_shared>>
        tpu.enqueue_indirect_dma source(%arg9 : memref<128xf32, #tpu.memory_space<vmem>>) target(%dma_start3A_89 : memref<51200xf32, #tpu.memory_space<vmem_shared>>) offsets(%dma_start3A_87 : memref<128xi32, #tpu.memory_space<vmem>>) semaphore(%run_scoped3A_85 : memref<!tpu.dma_semaphore, #tpu.memory_space<semaphore_mem>>) {add = true}
        %dma_wait3A = arith.constant 0 : i32
        %dma_wait3A_90 = tpu.memref_slice %arg8[%run_scoped3A_78, %dma_wait3A] : memref<8x128xi32, #tpu.memory_space<vmem>> -> memref<1x128xi32, #tpu.memory_space<vmem>>
        %dma_wait3A_91 = tpu.memref_squeeze %dma_wait3A_90 : memref<1x128xi32, #tpu.memory_space<vmem>> -> memref<128xi32, #tpu.memory_space<vmem>>
        %dma_wait3A_92 = arith.constant 0 : i32
        %dma_wait3A_93 = tpu.memref_slice %arg11[%dma_wait3A_92] : memref<51200xf32, #tpu.memory_space<vmem_shared>> -> memref<51200xf32, #tpu.memory_space<vmem_shared>>
        tpu.wait_indirect_dma semaphore(%run_scoped3A_85 : memref<!tpu.dma_semaphore, #tpu.memory_space<semaphore_mem>>) src(%arg9 : memref<128xf32, #tpu.memory_space<vmem>>) dst(%dma_wait3A_93 : memref<51200xf32, #tpu.memory_space<vmem_shared>>)
        tpu.yield
      }) : () -> ()
      %run_scoped3A_79 = arith.constant 2 : i32
      "tpu.region"() ({
        %run_scoped3A_85 = tpu.sem_alloc : memref<!tpu.dma_semaphore, #tpu.memory_space<semaphore_mem>>
        %dma_start3A = arith.constant 0 : i32
        %dma_start3A_86 = tpu.memref_slice %arg8[%run_scoped3A_79, %dma_start3A] : memref<8x128xi32, #tpu.memory_space<vmem>> -> memref<1x128xi32, #tpu.memory_space<vmem>>
        %dma_start3A_87 = tpu.memref_squeeze %dma_start3A_86 : memref<1x128xi32, #tpu.memory_space<vmem>> -> memref<128xi32, #tpu.memory_space<vmem>>
        %dma_start3A_88 = arith.constant 0 : i32
        %dma_start3A_89 = tpu.memref_slice %arg11[%dma_start3A_88] : memref<51200xf32, #tpu.memory_space<vmem_shared>> -> memref<51200xf32, #tpu.memory_space<vmem_shared>>
        tpu.enqueue_indirect_dma source(%arg9 : memref<128xf32, #tpu.memory_space<vmem>>) target(%dma_start3A_89 : memref<51200xf32, #tpu.memory_space<vmem_shared>>) offsets(%dma_start3A_87 : memref<128xi32, #tpu.memory_space<vmem>>) semaphore(%run_scoped3A_85 : memref<!tpu.dma_semaphore, #tpu.memory_space<semaphore_mem>>) {add = true}
        %dma_wait3A = arith.constant 0 : i32
        %dma_wait3A_90 = tpu.memref_slice %arg8[%run_scoped3A_79, %dma_wait3A] : memref<8x128xi32, #tpu.memory_space<vmem>> -> memref<1x128xi32, #tpu.memory_space<vmem>>
        %dma_wait3A_91 = tpu.memref_squeeze %dma_wait3A_90 : memref<1x128xi32, #tpu.memory_space<vmem>> -> memref<128xi32, #tpu.memory_space<vmem>>
        %dma_wait3A_92 = arith.constant 0 : i32
        %dma_wait3A_93 = tpu.memref_slice %arg11[%dma_wait3A_92] : memref<51200xf32, #tpu.memory_space<vmem_shared>> -> memref<51200xf32, #tpu.memory_space<vmem_shared>>
        tpu.wait_indirect_dma semaphore(%run_scoped3A_85 : memref<!tpu.dma_semaphore, #tpu.memory_space<semaphore_mem>>) src(%arg9 : memref<128xf32, #tpu.memory_space<vmem>>) dst(%dma_wait3A_93 : memref<51200xf32, #tpu.memory_space<vmem_shared>>)
        tpu.yield
      }) : () -> ()
      %run_scoped3A_80 = arith.constant 3 : i32
      "tpu.region"() ({
        %run_scoped3A_85 = tpu.sem_alloc : memref<!tpu.dma_semaphore, #tpu.memory_space<semaphore_mem>>
        %dma_start3A = arith.constant 0 : i32
        %dma_start3A_86 = tpu.memref_slice %arg8[%run_scoped3A_80, %dma_start3A] : memref<8x128xi32, #tpu.memory_space<vmem>> -> memref<1x128xi32, #tpu.memory_space<vmem>>
        %dma_start3A_87 = tpu.memref_squeeze %dma_start3A_86 : memref<1x128xi32, #tpu.memory_space<vmem>> -> memref<128xi32, #tpu.memory_space<vmem>>
        %dma_start3A_88 = arith.constant 0 : i32
        %dma_start3A_89 = tpu.memref_slice %arg11[%dma_start3A_88] : memref<51200xf32, #tpu.memory_space<vmem_shared>> -> memref<51200xf32, #tpu.memory_space<vmem_shared>>
        tpu.enqueue_indirect_dma source(%arg9 : memref<128xf32, #tpu.memory_space<vmem>>) target(%dma_start3A_89 : memref<51200xf32, #tpu.memory_space<vmem_shared>>) offsets(%dma_start3A_87 : memref<128xi32, #tpu.memory_space<vmem>>) semaphore(%run_scoped3A_85 : memref<!tpu.dma_semaphore, #tpu.memory_space<semaphore_mem>>) {add = true}
        %dma_wait3A = arith.constant 0 : i32
        %dma_wait3A_90 = tpu.memref_slice %arg8[%run_scoped3A_80, %dma_wait3A] : memref<8x128xi32, #tpu.memory_space<vmem>> -> memref<1x128xi32, #tpu.memory_space<vmem>>
        %dma_wait3A_91 = tpu.memref_squeeze %dma_wait3A_90 : memref<1x128xi32, #tpu.memory_space<vmem>> -> memref<128xi32, #tpu.memory_space<vmem>>
        %dma_wait3A_92 = arith.constant 0 : i32
        %dma_wait3A_93 = tpu.memref_slice %arg11[%dma_wait3A_92] : memref<51200xf32, #tpu.memory_space<vmem_shared>> -> memref<51200xf32, #tpu.memory_space<vmem_shared>>
        tpu.wait_indirect_dma semaphore(%run_scoped3A_85 : memref<!tpu.dma_semaphore, #tpu.memory_space<semaphore_mem>>) src(%arg9 : memref<128xf32, #tpu.memory_space<vmem>>) dst(%dma_wait3A_93 : memref<51200xf32, #tpu.memory_space<vmem_shared>>)
        tpu.yield
      }) : () -> ()
      %run_scoped3A_81 = arith.constant 4 : i32
      "tpu.region"() ({
        %run_scoped3A_85 = tpu.sem_alloc : memref<!tpu.dma_semaphore, #tpu.memory_space<semaphore_mem>>
        %dma_start3A = arith.constant 0 : i32
        %dma_start3A_86 = tpu.memref_slice %arg8[%run_scoped3A_81, %dma_start3A] : memref<8x128xi32, #tpu.memory_space<vmem>> -> memref<1x128xi32, #tpu.memory_space<vmem>>
        %dma_start3A_87 = tpu.memref_squeeze %dma_start3A_86 : memref<1x128xi32, #tpu.memory_space<vmem>> -> memref<128xi32, #tpu.memory_space<vmem>>
        %dma_start3A_88 = arith.constant 0 : i32
        %dma_start3A_89 = tpu.memref_slice %arg11[%dma_start3A_88] : memref<51200xf32, #tpu.memory_space<vmem_shared>> -> memref<51200xf32, #tpu.memory_space<vmem_shared>>
        tpu.enqueue_indirect_dma source(%arg9 : memref<128xf32, #tpu.memory_space<vmem>>) target(%dma_start3A_89 : memref<51200xf32, #tpu.memory_space<vmem_shared>>) offsets(%dma_start3A_87 : memref<128xi32, #tpu.memory_space<vmem>>) semaphore(%run_scoped3A_85 : memref<!tpu.dma_semaphore, #tpu.memory_space<semaphore_mem>>) {add = true}
        %dma_wait3A = arith.constant 0 : i32
        %dma_wait3A_90 = tpu.memref_slice %arg8[%run_scoped3A_81, %dma_wait3A] : memref<8x128xi32, #tpu.memory_space<vmem>> -> memref<1x128xi32, #tpu.memory_space<vmem>>
        %dma_wait3A_91 = tpu.memref_squeeze %dma_wait3A_90 : memref<1x128xi32, #tpu.memory_space<vmem>> -> memref<128xi32, #tpu.memory_space<vmem>>
        %dma_wait3A_92 = arith.constant 0 : i32
        %dma_wait3A_93 = tpu.memref_slice %arg11[%dma_wait3A_92] : memref<51200xf32, #tpu.memory_space<vmem_shared>> -> memref<51200xf32, #tpu.memory_space<vmem_shared>>
        tpu.wait_indirect_dma semaphore(%run_scoped3A_85 : memref<!tpu.dma_semaphore, #tpu.memory_space<semaphore_mem>>) src(%arg9 : memref<128xf32, #tpu.memory_space<vmem>>) dst(%dma_wait3A_93 : memref<51200xf32, #tpu.memory_space<vmem_shared>>)
        tpu.yield
      }) : () -> ()
      %run_scoped3A_82 = arith.constant 5 : i32
      "tpu.region"() ({
        %run_scoped3A_85 = tpu.sem_alloc : memref<!tpu.dma_semaphore, #tpu.memory_space<semaphore_mem>>
        %dma_start3A = arith.constant 0 : i32
        %dma_start3A_86 = tpu.memref_slice %arg8[%run_scoped3A_82, %dma_start3A] : memref<8x128xi32, #tpu.memory_space<vmem>> -> memref<1x128xi32, #tpu.memory_space<vmem>>
        %dma_start3A_87 = tpu.memref_squeeze %dma_start3A_86 : memref<1x128xi32, #tpu.memory_space<vmem>> -> memref<128xi32, #tpu.memory_space<vmem>>
        %dma_start3A_88 = arith.constant 0 : i32
        %dma_start3A_89 = tpu.memref_slice %arg11[%dma_start3A_88] : memref<51200xf32, #tpu.memory_space<vmem_shared>> -> memref<51200xf32, #tpu.memory_space<vmem_shared>>
        tpu.enqueue_indirect_dma source(%arg9 : memref<128xf32, #tpu.memory_space<vmem>>) target(%dma_start3A_89 : memref<51200xf32, #tpu.memory_space<vmem_shared>>) offsets(%dma_start3A_87 : memref<128xi32, #tpu.memory_space<vmem>>) semaphore(%run_scoped3A_85 : memref<!tpu.dma_semaphore, #tpu.memory_space<semaphore_mem>>) {add = true}
        %dma_wait3A = arith.constant 0 : i32
        %dma_wait3A_90 = tpu.memref_slice %arg8[%run_scoped3A_82, %dma_wait3A] : memref<8x128xi32, #tpu.memory_space<vmem>> -> memref<1x128xi32, #tpu.memory_space<vmem>>
        %dma_wait3A_91 = tpu.memref_squeeze %dma_wait3A_90 : memref<1x128xi32, #tpu.memory_space<vmem>> -> memref<128xi32, #tpu.memory_space<vmem>>
        %dma_wait3A_92 = arith.constant 0 : i32
        %dma_wait3A_93 = tpu.memref_slice %arg11[%dma_wait3A_92] : memref<51200xf32, #tpu.memory_space<vmem_shared>> -> memref<51200xf32, #tpu.memory_space<vmem_shared>>
        tpu.wait_indirect_dma semaphore(%run_scoped3A_85 : memref<!tpu.dma_semaphore, #tpu.memory_space<semaphore_mem>>) src(%arg9 : memref<128xf32, #tpu.memory_space<vmem>>) dst(%dma_wait3A_93 : memref<51200xf32, #tpu.memory_space<vmem_shared>>)
        tpu.yield
      }) : () -> ()
      %run_scoped3A_83 = arith.constant 6 : i32
      "tpu.region"() ({
        %run_scoped3A_85 = tpu.sem_alloc : memref<!tpu.dma_semaphore, #tpu.memory_space<semaphore_mem>>
        %dma_start3A = arith.constant 0 : i32
        %dma_start3A_86 = tpu.memref_slice %arg8[%run_scoped3A_83, %dma_start3A] : memref<8x128xi32, #tpu.memory_space<vmem>> -> memref<1x128xi32, #tpu.memory_space<vmem>>
        %dma_start3A_87 = tpu.memref_squeeze %dma_start3A_86 : memref<1x128xi32, #tpu.memory_space<vmem>> -> memref<128xi32, #tpu.memory_space<vmem>>
        %dma_start3A_88 = arith.constant 0 : i32
        %dma_start3A_89 = tpu.memref_slice %arg11[%dma_start3A_88] : memref<51200xf32, #tpu.memory_space<vmem_shared>> -> memref<51200xf32, #tpu.memory_space<vmem_shared>>
        tpu.enqueue_indirect_dma source(%arg9 : memref<128xf32, #tpu.memory_space<vmem>>) target(%dma_start3A_89 : memref<51200xf32, #tpu.memory_space<vmem_shared>>) offsets(%dma_start3A_87 : memref<128xi32, #tpu.memory_space<vmem>>) semaphore(%run_scoped3A_85 : memref<!tpu.dma_semaphore, #tpu.memory_space<semaphore_mem>>) {add = true}
        %dma_wait3A = arith.constant 0 : i32
        %dma_wait3A_90 = tpu.memref_slice %arg8[%run_scoped3A_83, %dma_wait3A] : memref<8x128xi32, #tpu.memory_space<vmem>> -> memref<1x128xi32, #tpu.memory_space<vmem>>
        %dma_wait3A_91 = tpu.memref_squeeze %dma_wait3A_90 : memref<1x128xi32, #tpu.memory_space<vmem>> -> memref<128xi32, #tpu.memory_space<vmem>>
        %dma_wait3A_92 = arith.constant 0 : i32
        %dma_wait3A_93 = tpu.memref_slice %arg11[%dma_wait3A_92] : memref<51200xf32, #tpu.memory_space<vmem_shared>> -> memref<51200xf32, #tpu.memory_space<vmem_shared>>
        tpu.wait_indirect_dma semaphore(%run_scoped3A_85 : memref<!tpu.dma_semaphore, #tpu.memory_space<semaphore_mem>>) src(%arg9 : memref<128xf32, #tpu.memory_space<vmem>>) dst(%dma_wait3A_93 : memref<51200xf32, #tpu.memory_space<vmem_shared>>)
        tpu.yield
      }) : () -> ()
      %run_scoped3A_84 = arith.constant 7 : i32
      "tpu.region"() ({
        %run_scoped3A_85 = tpu.sem_alloc : memref<!tpu.dma_semaphore, #tpu.memory_space<semaphore_mem>>
        %dma_start3A = arith.constant 0 : i32
        %dma_start3A_86 = tpu.memref_slice %arg8[%run_scoped3A_84, %dma_start3A] : memref<8x128xi32, #tpu.memory_space<vmem>> -> memref<1x128xi32, #tpu.memory_space<vmem>>
        %dma_start3A_87 = tpu.memref_squeeze %dma_start3A_86 : memref<1x128xi32, #tpu.memory_space<vmem>> -> memref<128xi32, #tpu.memory_space<vmem>>
        %dma_start3A_88 = arith.constant 0 : i32
        %dma_start3A_89 = tpu.memref_slice %arg11[%dma_start3A_88] : memref<51200xf32, #tpu.memory_space<vmem_shared>> -> memref<51200xf32, #tpu.memory_space<vmem_shared>>
        tpu.enqueue_indirect_dma source(%arg9 : memref<128xf32, #tpu.memory_space<vmem>>) target(%dma_start3A_89 : memref<51200xf32, #tpu.memory_space<vmem_shared>>) offsets(%dma_start3A_87 : memref<128xi32, #tpu.memory_space<vmem>>) semaphore(%run_scoped3A_85 : memref<!tpu.dma_semaphore, #tpu.memory_space<semaphore_mem>>) {add = true}
        %dma_wait3A = arith.constant 0 : i32
        %dma_wait3A_90 = tpu.memref_slice %arg8[%run_scoped3A_84, %dma_wait3A] : memref<8x128xi32, #tpu.memory_space<vmem>> -> memref<1x128xi32, #tpu.memory_space<vmem>>
        %dma_wait3A_91 = tpu.memref_squeeze %dma_wait3A_90 : memref<1x128xi32, #tpu.memory_space<vmem>> -> memref<128xi32, #tpu.memory_space<vmem>>
        %dma_wait3A_92 = arith.constant 0 : i32
        %dma_wait3A_93 = tpu.memref_slice %arg11[%dma_wait3A_92] : memref<51200xf32, #tpu.memory_space<vmem_shared>> -> memref<51200xf32, #tpu.memory_space<vmem_shared>>
        tpu.wait_indirect_dma semaphore(%run_scoped3A_85 : memref<!tpu.dma_semaphore, #tpu.memory_space<semaphore_mem>>) src(%arg9 : memref<128xf32, #tpu.memory_space<vmem>>) dst(%dma_wait3A_93 : memref<51200xf32, #tpu.memory_space<vmem_shared>>)
        tpu.yield
      }) : () -> ()
      "tpu.region"() ({
        %run_scoped3A_85 = tpu.sem_alloc : memref<!tpu.dma_semaphore, #tpu.memory_space<semaphore_mem>>
        %dma_start3A = arith.constant 0 : i32
        %dma_start3A_86 = tpu.memref_slice %arg4[%mul3A_72, %dma_start3A] : memref<6400x128xi32, #tpu.memory_space<hbm>> -> memref<8x128xi32, #tpu.memory_space<hbm>>
        %dma_start3A_87 = arith.constant 0 : i32
        %dma_start3A_88 = tpu.memref_slice %arg4[%mul3A_72, %dma_start3A_87] : memref<6400x128xi32, #tpu.memory_space<hbm>> -> memref<8x128xi32, #tpu.memory_space<hbm>>
        tpu.enqueue_dma source(%arg8 : memref<8x128xi32, #tpu.memory_space<vmem>>) target(%dma_start3A_88 : memref<8x128xi32, #tpu.memory_space<hbm>>) target_semaphore(%run_scoped3A_85 : memref<!tpu.dma_semaphore, #tpu.memory_space<semaphore_mem>>)
        %dma_wait3A = arith.constant 0 : i32
        %dma_wait3A_89 = tpu.memref_slice %arg4[%mul3A_72, %dma_wait3A] : memref<6400x128xi32, #tpu.memory_space<hbm>> -> memref<8x128xi32, #tpu.memory_space<hbm>>
        %dma_wait3A_90 = arith.constant 0 : i32
        %dma_wait3A_91 = tpu.memref_slice %arg4[%mul3A_72, %dma_wait3A_90] : memref<6400x128xi32, #tpu.memory_space<hbm>> -> memref<8x128xi32, #tpu.memory_space<hbm>>
        tpu.wait_dma2 semaphore(%run_scoped3A_85 : memref<!tpu.dma_semaphore, #tpu.memory_space<semaphore_mem>>) src(%arg8 : memref<8x128xi32, #tpu.memory_space<vmem>>) dst(%dma_wait3A_91 : memref<8x128xi32, #tpu.memory_space<hbm>>)
        tpu.yield
      }) : () -> ()
    }
    %scan3A_63 = arith.constant 25 : i32
    %barrier3A_64 = arith.constant 0 : index
    tpu.barrier barrier_id(%barrier3A_64)
    %mul3A_65 = arith.constant 3200 : i32
    %mul3A_66 = arith.muli %arg1, %mul3A_65 : i32
    "tpu.region"() ({
      %run_scoped3A = tpu.sem_alloc : memref<!tpu.dma_semaphore, #tpu.memory_space<semaphore_mem>>
      %dma_start3A = tpu.memref_slice %arg5[%arg0, %mul3A_66] : memref<2x51200xf32, #tpu.memory_space<hbm>> -> memref<1x3200xf32, #tpu.memory_space<hbm>>
      %dma_start3A_67 = tpu.memref_squeeze %dma_start3A : memref<1x3200xf32, #tpu.memory_space<hbm>> -> memref<3200xf32, #tpu.memory_space<hbm>>
      %dma_start3A_68 = tpu.memref_slice %arg11[%mul3A_66] : memref<51200xf32, #tpu.memory_space<vmem_shared>> -> memref<3200xf32, #tpu.memory_space<vmem_shared>>
      tpu.enqueue_dma source(%dma_start3A_68 : memref<3200xf32, #tpu.memory_space<vmem_shared>>) target(%dma_start3A_67 : memref<3200xf32, #tpu.memory_space<hbm>>) target_semaphore(%run_scoped3A : memref<!tpu.dma_semaphore, #tpu.memory_space<semaphore_mem>>)
      %dma_wait3A = tpu.memref_slice %arg5[%arg0, %mul3A_66] : memref<2x51200xf32, #tpu.memory_space<hbm>> -> memref<1x3200xf32, #tpu.memory_space<hbm>>
      %dma_wait3A_69 = tpu.memref_squeeze %dma_wait3A : memref<1x3200xf32, #tpu.memory_space<hbm>> -> memref<3200xf32, #tpu.memory_space<hbm>>
      %dma_wait3A_70 = tpu.memref_slice %arg11[%mul3A_66] : memref<51200xf32, #tpu.memory_space<vmem_shared>> -> memref<3200xf32, #tpu.memory_space<vmem_shared>>
      tpu.wait_dma2 semaphore(%run_scoped3A : memref<!tpu.dma_semaphore, #tpu.memory_space<semaphore_mem>>) src(%dma_wait3A_70 : memref<3200xf32, #tpu.memory_space<vmem_shared>>) dst(%dma_wait3A_69 : memref<3200xf32, #tpu.memory_space<hbm>>)
      tpu.yield
    }) : () -> ()
    return
  }
}

module attributes {stable_mosaic.version = 14 : i64} {
  func.func @_kb_body(%arg0: i32, %arg1: memref<2000x64xf32, #tpu.memory_space<vmem>>, %arg2: memref<64x96xf32, #tpu.memory_space<vmem>>, %arg3: memref<1x32xf32, #tpu.memory_space<vmem>>, %arg4: memref<2000x2xf32, #tpu.memory_space<vmem>>, %arg5: memref<2000x32xf32, #tpu.memory_space<vmem>>, %arg6: memref<2000x32xf32, #tpu.memory_space<vmem>>, %arg7: memref<2000x32xf32, #tpu.memory_space<vmem>>, %arg8: memref<2000x1xf32, #tpu.memory_space<vmem>>) attributes {dimension_semantics = [#tpu.dimension_semantics<arbitrary>], iteration_bounds = array<i64: 100>, scalar_prefetch = 0 : i64, scratch_operands = 0 : i64, tpu.core_type = #tpu.core_type<tc>, window_params = [{transform_indices = @transform_0, window_bounds = array<i64: 2000, 64>}, {pipeline_mode = #tpu.pipeline_mode<synchronous>, transform_indices = @transform_1, window_bounds = array<i64: 64, 96>}, {pipeline_mode = #tpu.pipeline_mode<synchronous>, transform_indices = @transform_2, window_bounds = array<i64: 1, 32>}, {transform_indices = @transform_3, window_bounds = array<i64: 2000, 2>}, {transform_indices = @transform_4, window_bounds = array<i64: 2000, 32>}, {transform_indices = @transform_5, window_bounds = array<i64: 2000, 32>}, {transform_indices = @transform_6, window_bounds = array<i64: 2000, 32>}, {transform_indices = @transform_7, window_bounds = array<i64: 2000, 1>}]} {
    %get3A = arith.constant 0 : index
    %get3A_0 = arith.constant 0 : index
    %get3A_1 = vector.load %arg4[%get3A, %get3A_0] : memref<2000x2xf32, #tpu.memory_space<vmem>>, vector<2000x1xf32>
    %get3A_2 = vector.shape_cast %get3A_1 : vector<2000x1xf32> to vector<2000xf32>
    %get3A_3 = arith.constant 0 : index
    %get3A_4 = arith.constant 1 : index
    %get3A_5 = vector.load %arg4[%get3A_3, %get3A_4] : memref<2000x2xf32, #tpu.memory_space<vmem>>, vector<2000x1xf32>
    %get3A_6 = vector.shape_cast %get3A_5 : vector<2000x1xf32> to vector<2000xf32>
    %add3A = arith.addf %get3A_2, %get3A_6 : vector<2000xf32>
    %gt3A = arith.constant 0.000000e+00 : f32
    %gt3A_7 = vector.broadcast %gt3A : f32 to vector<2000xf32>
    %gt3A_8 = arith.cmpf ogt, %add3A, %gt3A_7 : vector<2000xf32>
    %rsqrt3A = math.rsqrt %add3A : vector<2000xf32>
    %jit3A = arith.constant 0.000000e+00 : f32
    %broadcast_in_dim3A = vector.broadcast %jit3A : f32 to vector<2000xf32>
    %select_n3A = arith.select %gt3A_8, %rsqrt3A, %broadcast_in_dim3A : vector<2000xi1>, vector<2000xf32>
    %get3A_9 = arith.constant 0 : index
    %get3A_10 = arith.constant 0 : index
    %get3A_11 = vector.load %arg1[%get3A_9, %get3A_10] : memref<2000x64xf32, #tpu.memory_space<vmem>>, vector<2000x64xf32>
    %get3A_12 = arith.constant 0 : index
    %get3A_13 = arith.constant 0 : index
    %get3A_14 = vector.load %arg2[%get3A_12, %get3A_13] : memref<64x96xf32, #tpu.memory_space<vmem>>, vector<64x96xf32>
    %dot_general3A = arith.constant dense<0.000000e+00> : vector<2000x96xf32>
    %dot_general3A_15 = tpu.matmul %get3A_11, %get3A_14, %dot_general3A {dimension_numbers = #tpu.dot_dimension_numbers<[1], [0], [0], [1], [0, 0, 1, 1], [], []>, transpose_lhs_hint = false} : vector<2000x64xf32>, vector<64x96xf32>, vector<2000x96xf32> -> vector<2000x96xf32>
    %slice3A = vector.extract_strided_slice %dot_general3A_15 {offsets = [0, 0], sizes = [2000, 32], strides = [1, 1]} : vector<2000x96xf32> to vector<2000x32xf32>
    %slice3A_16 = vector.extract_strided_slice %dot_general3A_15 {offsets = [0, 32], sizes = [2000, 32], strides = [1, 1]} : vector<2000x96xf32> to vector<2000x32xf32>
    %slice3A_17 = vector.extract_strided_slice %dot_general3A_15 {offsets = [0, 64], sizes = [2000, 32], strides = [1, 1]} : vector<2000x96xf32> to vector<2000x32xf32>
    %sub3A = arith.subf %slice3A, %slice3A_17 : vector<2000x32xf32>
    %get3A_18 = arith.constant 0 : index
    %get3A_19 = arith.constant 0 : index
    %get3A_20 = vector.load %arg3[%get3A_18, %get3A_19] : memref<1x32xf32, #tpu.memory_space<vmem>>, vector<1x32xf32>
    %get3A_21 = vector.shape_cast %get3A_20 : vector<1x32xf32> to vector<32xf32>
    %broadcast_in_dim3A_22 = vector.shape_cast %get3A_21 : vector<32xf32> to vector<1x32xf32>
    %add3A_23 = vector.broadcast %broadcast_in_dim3A_22 : vector<1x32xf32> to vector<2000x32xf32>
    %add3A_24 = arith.addf %sub3A, %add3A_23 : vector<2000x32xf32>
    %swap3A = arith.constant 0 : index
    %swap3A_25 = arith.constant 0 : index
    %swap3A_26 = vector.load %arg5[%swap3A, %swap3A_25] : memref<2000x32xf32, #tpu.memory_space<vmem>>, vector<2000x32xf32>
    tpu.vector_store %arg5[%swap3A, %swap3A_25], %add3A_24 {strides = array<i32>} : memref<2000x32xf32, #tpu.memory_space<vmem>>, vector<2000x32xf32>,
    %swap3A_27 = arith.constant 0 : index
    %swap3A_28 = arith.constant 0 : index
    %swap3A_29 = vector.load %arg6[%swap3A_27, %swap3A_28] : memref<2000x32xf32, #tpu.memory_space<vmem>>, vector<2000x32xf32>
    tpu.vector_store %arg6[%swap3A_27, %swap3A_28], %slice3A_16 {strides = array<i32>} : memref<2000x32xf32, #tpu.memory_space<vmem>>, vector<2000x32xf32>,
    %broadcast_in_dim3A_30 = vector.shape_cast %select_n3A : vector<2000xf32> to vector<2000x1xf32>
    %mul3A = vector.broadcast %broadcast_in_dim3A_30 : vector<2000x1xf32> to vector<2000x32xf32>
    %mul3A_31 = arith.mulf %slice3A_17, %mul3A : vector<2000x32xf32>
    %swap3A_32 = arith.constant 0 : index
    %swap3A_33 = arith.constant 0 : index
    %swap3A_34 = vector.load %arg7[%swap3A_32, %swap3A_33] : memref<2000x32xf32, #tpu.memory_space<vmem>>, vector<2000x32xf32>
    tpu.vector_store %arg7[%swap3A_32, %swap3A_33], %mul3A_31 {strides = array<i32>} : memref<2000x32xf32, #tpu.memory_space<vmem>>, vector<2000x32xf32>,
    %broadcast_in_dim3A_35 = vector.shape_cast %select_n3A : vector<2000xf32> to vector<2000x1xf32>
    %swap3A_36 = arith.constant 0 : index
    %swap3A_37 = arith.constant 0 : index
    %swap3A_38 = vector.load %arg8[%swap3A_36, %swap3A_37] : memref<2000x1xf32, #tpu.memory_space<vmem>>, vector<2000x1xf32>
    tpu.vector_store %arg8[%swap3A_36, %swap3A_37], %broadcast_in_dim3A_35 {strides = array<i32>} : memref<2000x1xf32, #tpu.memory_space<vmem>>, vector<2000x1xf32>,
    return
  }
  func.func @transform_0(%arg0: i32) -> (i32, i32) {
    %c0_i32 = arith.constant 0 : i32
    %c0_i32_0 = arith.constant 0 : i32
    return %arg0, %c0_i32 : i32, i32
  }
  func.func @transform_1(%arg0: i32) -> (i32, i32) {
    %c0_i32 = arith.constant 0 : i32
    %c0_i32_0 = arith.constant 0 : i32
    %c0_i32_1 = arith.constant 0 : i32
    return %c0_i32, %c0_i32_0 : i32, i32
  }
  func.func @transform_2(%arg0: i32) -> (i32, i32) {
    %c0_i32 = arith.constant 0 : i32
    %c0_i32_0 = arith.constant 0 : i32
    %c0_i32_1 = arith.constant 0 : i32
    return %c0_i32, %c0_i32_0 : i32, i32
  }
  func.func @transform_3(%arg0: i32) -> (i32, i32) {
    %jit3A = arith.constant 25 : i32
    %eq3A = arith.constant 0 : i32
    %eq3A_0 = arith.cmpi eq, %jit3A, %eq3A : i32
    %jit3A_1 = arith.constant 1 : i32
    %select_n3A = arith.select %eq3A_0, %jit3A_1, %jit3A : i32
    %rem3A = arith.remsi %arg0, %select_n3A : i32
    %ne3A = arith.constant 0 : i32
    %ne3A_2 = arith.cmpi ne, %rem3A, %ne3A : i32
    %lt3A = arith.constant 0 : i32
    %lt3A_3 = arith.cmpi slt, %rem3A, %lt3A : i32
    %lt3A_4 = arith.constant 0 : i32
    %lt3A_5 = arith.cmpi slt, %select_n3A, %lt3A_4 : i32
    %ne3A_6 = arith.xori %lt3A_3, %lt3A_5 : i1
    %and3A = arith.andi %ne3A_6, %ne3A_2 : i1
    %add3A = arith.addi %rem3A, %select_n3A : i32
    %select_n3A_7 = arith.select %and3A, %add3A, %rem3A : i32
    %c0_i32 = arith.constant 0 : i32
    %c0_i32_8 = arith.constant 0 : i32
    return %select_n3A_7, %c0_i32 : i32, i32
  }
  func.func @transform_4(%arg0: i32) -> (i32, i32) {
    %c0_i32 = arith.constant 0 : i32
    %c0_i32_0 = arith.constant 0 : i32
    return %arg0, %c0_i32 : i32, i32
  }
  func.func @transform_5(%arg0: i32) -> (i32, i32) {
    %c0_i32 = arith.constant 0 : i32
    %c0_i32_0 = arith.constant 0 : i32
    return %arg0, %c0_i32 : i32, i32
  }
  func.func @transform_6(%arg0: i32) -> (i32, i32) {
    %c0_i32 = arith.constant 0 : i32
    %c0_i32_0 = arith.constant 0 : i32
    return %arg0, %c0_i32 : i32, i32
  }
  func.func @transform_7(%arg0: i32) -> (i32, i32) {
    %jit3A = arith.constant 25 : i32
    %eq3A = arith.constant 0 : i32
    %eq3A_0 = arith.cmpi eq, %jit3A, %eq3A : i32
    %jit3A_1 = arith.constant 1 : i32
    %select_n3A = arith.select %eq3A_0, %jit3A_1, %jit3A : i32
    %rem3A = arith.remsi %arg0, %select_n3A : i32
    %ne3A = arith.constant 0 : i32
    %ne3A_2 = arith.cmpi ne, %rem3A, %ne3A : i32
    %lt3A = arith.constant 0 : i32
    %lt3A_3 = arith.cmpi slt, %rem3A, %lt3A : i32
    %lt3A_4 = arith.constant 0 : i32
    %lt3A_5 = arith.cmpi slt, %select_n3A, %lt3A_4 : i32
    %ne3A_6 = arith.xori %lt3A_3, %lt3A_5 : i1
    %and3A = arith.andi %ne3A_6, %ne3A_2 : i1
    %add3A = arith.addi %rem3A, %select_n3A : i32
    %select_n3A_7 = arith.select %and3A, %add3A, %rem3A : i32
    %c0_i32 = arith.constant 0 : i32
    %c0_i32_8 = arith.constant 0 : i32
    return %select_n3A_7, %c0_i32 : i32, i32
  }
}

module attributes {stable_mosaic.version = 14 : i64} {
  func.func @_kd_body(%arg0: i32, %arg1: memref<2000x32xf32, #tpu.memory_space<vmem>>, %arg2: memref<2000x32xf32, #tpu.memory_space<vmem>>, %arg3: memref<2000x1xf32, #tpu.memory_space<vmem>>, %arg4: memref<2000x32xf32, #tpu.memory_space<vmem>>) attributes {dimension_semantics = [#tpu.dimension_semantics<arbitrary>], iteration_bounds = array<i64: 100>, scalar_prefetch = 0 : i64, scratch_operands = 0 : i64, tpu.core_type = #tpu.core_type<tc>, window_params = [{transform_indices = @transform_0, window_bounds = array<i64: 2000, 32>}, {transform_indices = @transform_1, window_bounds = array<i64: 2000, 32>}, {transform_indices = @transform_2, window_bounds = array<i64: 2000, 1>}, {transform_indices = @transform_3, window_bounds = array<i64: 2000, 32>}]} {
    %get3A = arith.constant 0 : index
    %get3A_0 = arith.constant 0 : index
    %get3A_1 = vector.load %arg3[%get3A, %get3A_0] : memref<2000x1xf32, #tpu.memory_space<vmem>>, vector<2000x1xf32>
    %get3A_2 = vector.shape_cast %get3A_1 : vector<2000x1xf32> to vector<2000xf32>
    %get3A_3 = arith.constant 0 : index
    %get3A_4 = arith.constant 0 : index
    %get3A_5 = vector.load %arg1[%get3A_3, %get3A_4] : memref<2000x32xf32, #tpu.memory_space<vmem>>, vector<2000x32xf32>
    %broadcast_in_dim3A = vector.shape_cast %get3A_2 : vector<2000xf32> to vector<2000x1xf32>
    %mul3A = vector.broadcast %broadcast_in_dim3A : vector<2000x1xf32> to vector<2000x32xf32>
    %mul3A_6 = arith.mulf %get3A_5, %mul3A : vector<2000x32xf32>
    %mul3A_7 = arith.constant 2.000000e+00 : f32
    %mul3A_8 = vector.broadcast %mul3A_7 : f32 to vector<2000xf32>
    %mul3A_9 = arith.mulf %mul3A_8, %get3A_2 : vector<2000xf32>
    %mul3A_10 = arith.mulf %mul3A_9, %get3A_2 : vector<2000xf32>
    %broadcast_in_dim3A_11 = vector.shape_cast %mul3A_10 : vector<2000xf32> to vector<2000x1xf32>
    %get3A_12 = arith.constant 0 : index
    %get3A_13 = arith.constant 0 : index
    %get3A_14 = vector.load %arg2[%get3A_12, %get3A_13] : memref<2000x32xf32, #tpu.memory_space<vmem>>, vector<2000x32xf32>
    %mul3A_15 = vector.broadcast %broadcast_in_dim3A_11 : vector<2000x1xf32> to vector<2000x32xf32>
    %mul3A_16 = arith.mulf %mul3A_15, %get3A_14 : vector<2000x32xf32>
    %sub3A = arith.subf %mul3A_6, %mul3A_16 : vector<2000x32xf32>
    %swap3A = arith.constant 0 : index
    %swap3A_17 = arith.constant 0 : index
    %swap3A_18 = vector.load %arg4[%swap3A, %swap3A_17] : memref<2000x32xf32, #tpu.memory_space<vmem>>, vector<2000x32xf32>
    tpu.vector_store %arg4[%swap3A, %swap3A_17], %sub3A {strides = array<i32>} : memref<2000x32xf32, #tpu.memory_space<vmem>>, vector<2000x32xf32>,
    return
  }
  func.func @transform_0(%arg0: i32) -> (i32, i32) {
    %c0_i32 = arith.constant 0 : i32
    %c0_i32_0 = arith.constant 0 : i32
    return %arg0, %c0_i32 : i32, i32
  }
  func.func @transform_1(%arg0: i32) -> (i32, i32) {
    %jit3A = arith.constant 25 : i32
    %div3A = arith.divsi %arg0, %jit3A : i32
    %sign3A = arith.constant 0 : i32
    %sign3A_0 = arith.cmpi sgt, %arg0, %sign3A : i32
    %sign3A_1 = arith.extui %sign3A_0 : i1 to i32
    %sign3A_2 = arith.constant 0 : i32
    %sign3A_3 = arith.cmpi slt, %arg0, %sign3A_2 : i32
    %sign3A_4 = arith.extui %sign3A_3 : i1 to i32
    %sign3A_5 = arith.subi %sign3A_1, %sign3A_4 : i32
    %sign3A_6 = arith.constant 0 : i32
    %sign3A_7 = arith.cmpi sgt, %jit3A, %sign3A_6 : i32
    %sign3A_8 = arith.extui %sign3A_7 : i1 to i32
    %sign3A_9 = arith.constant 0 : i32
    %sign3A_10 = arith.cmpi slt, %jit3A, %sign3A_9 : i32
    %sign3A_11 = arith.extui %sign3A_10 : i1 to i32
    %sign3A_12 = arith.subi %sign3A_8, %sign3A_11 : i32
    %ne3A = arith.cmpi ne, %sign3A_5, %sign3A_12 : i32
    %rem3A = arith.remsi %arg0, %jit3A : i32
    %ne3A_13 = arith.constant 0 : i32
    %ne3A_14 = arith.cmpi ne, %rem3A, %ne3A_13 : i32
    %and3A = arith.andi %ne3A, %ne3A_14 : i1
    %sub3A = arith.constant 1 : i32
    %sub3A_15 = arith.subi %div3A, %sub3A : i32
    %select_n3A = arith.select %and3A, %sub3A_15, %div3A : i32
    %mul3A = arith.constant 26 : i32
    %mul3A_16 = arith.muli %select_n3A, %mul3A : i32
    %jit3A_17 = arith.constant 25 : i32
    %eq3A = arith.constant 0 : i32
    %eq3A_18 = arith.cmpi eq, %jit3A_17, %eq3A : i32
    %jit3A_19 = arith.constant 1 : i32
    %select_n3A_20 = arith.select %eq3A_18, %jit3A_19, %jit3A_17 : i32
    %rem3A_21 = arith.remsi %arg0, %select_n3A_20 : i32
    %ne3A_22 = arith.constant 0 : i32
    %ne3A_23 = arith.cmpi ne, %rem3A_21, %ne3A_22 : i32
    %lt3A = arith.constant 0 : i32
    %lt3A_24 = arith.cmpi slt, %rem3A_21, %lt3A : i32
    %lt3A_25 = arith.constant 0 : i32
    %lt3A_26 = arith.cmpi slt, %select_n3A_20, %lt3A_25 : i32
    %ne3A_27 = arith.xori %lt3A_24, %lt3A_26 : i1
    %and3A_28 = arith.andi %ne3A_27, %ne3A_23 : i1
    %add3A = arith.addi %rem3A_21, %select_n3A_20 : i32
    %select_n3A_29 = arith.select %and3A_28, %add3A, %rem3A_21 : i32
    %add3A_30 = arith.addi %mul3A_16, %select_n3A_29 : i32
    %c0_i32 = arith.constant 0 : i32
    %c0_i32_31 = arith.constant 0 : i32
    return %add3A_30, %c0_i32 : i32, i32
  }
  func.func @transform_2(%arg0: i32) -> (i32, i32) {
    %jit3A = arith.constant 25 : i32
    %eq3A = arith.constant 0 : i32
    %eq3A_0 = arith.cmpi eq, %jit3A, %eq3A : i32
    %jit3A_1 = arith.constant 1 : i32
    %select_n3A = arith.select %eq3A_0, %jit3A_1, %jit3A : i32
    %rem3A = arith.remsi %arg0, %select_n3A : i32
    %ne3A = arith.constant 0 : i32
    %ne3A_2 = arith.cmpi ne, %rem3A, %ne3A : i32
    %lt3A = arith.constant 0 : i32
    %lt3A_3 = arith.cmpi slt, %rem3A, %lt3A : i32
    %lt3A_4 = arith.constant 0 : i32
    %lt3A_5 = arith.cmpi slt, %select_n3A, %lt3A_4 : i32
    %ne3A_6 = arith.xori %lt3A_3, %lt3A_5 : i1
    %and3A = arith.andi %ne3A_6, %ne3A_2 : i1
    %add3A = arith.addi %rem3A, %select_n3A : i32
    %select_n3A_7 = arith.select %and3A, %add3A, %rem3A : i32
    %c0_i32 = arith.constant 0 : i32
    %c0_i32_8 = arith.constant 0 : i32
    return %select_n3A_7, %c0_i32 : i32, i32
  }
  func.func @transform_3(%arg0: i32) -> (i32, i32) {
    %c0_i32 = arith.constant 0 : i32
    %c0_i32_0 = arith.constant 0 : i32
    return %arg0, %c0_i32 : i32, i32
  }
}

module attributes {stable_mosaic.version = 14 : i64} {
  func.func @_ke_body(%arg0: i32, %arg1: memref<2000x32xf32, #tpu.memory_space<vmem>>, %arg2: memref<2000x32xf32, #tpu.memory_space<vmem>>, %arg3: memref<2000x1xf32, #tpu.memory_space<vmem>>, %arg4: memref<2000x32xf32, #tpu.memory_space<vmem>>) attributes {dimension_semantics = [#tpu.dimension_semantics<arbitrary>], iteration_bounds = array<i64: 100>, scalar_prefetch = 0 : i64, scratch_operands = 0 : i64, tpu.core_type = #tpu.core_type<tc>, window_params = [{transform_indices = @transform_0, window_bounds = array<i64: 2000, 32>}, {transform_indices = @transform_1, window_bounds = array<i64: 2000, 32>}, {transform_indices = @transform_2, window_bounds = array<i64: 2000, 1>}, {transform_indices = @transform_3, window_bounds = array<i64: 2000, 32>}]} {
    %get3A = arith.constant 0 : index
    %get3A_0 = arith.constant 0 : index
    %get3A_1 = vector.load %arg3[%get3A, %get3A_0] : memref<2000x1xf32, #tpu.memory_space<vmem>>, vector<2000x1xf32>
    %get3A_2 = vector.shape_cast %get3A_1 : vector<2000x1xf32> to vector<2000xf32>
    %get3A_3 = arith.constant 0 : index
    %get3A_4 = arith.constant 0 : index
    %get3A_5 = vector.load %arg1[%get3A_3, %get3A_4] : memref<2000x32xf32, #tpu.memory_space<vmem>>, vector<2000x32xf32>
    %broadcast_in_dim3A = vector.shape_cast %get3A_2 : vector<2000xf32> to vector<2000x1xf32>
    %get3A_6 = arith.constant 0 : index
    %get3A_7 = arith.constant 0 : index
    %get3A_8 = vector.load %arg2[%get3A_6, %get3A_7] : memref<2000x32xf32, #tpu.memory_space<vmem>>, vector<2000x32xf32>
    %mul3A = vector.broadcast %broadcast_in_dim3A : vector<2000x1xf32> to vector<2000x32xf32>
    %mul3A_9 = arith.mulf %mul3A, %get3A_8 : vector<2000x32xf32>
    %sub3A = arith.subf %get3A_5, %mul3A_9 : vector<2000x32xf32>
    %swap3A = arith.constant 0 : index
    %swap3A_10 = arith.constant 0 : index
    %swap3A_11 = vector.load %arg4[%swap3A, %swap3A_10] : memref<2000x32xf32, #tpu.memory_space<vmem>>, vector<2000x32xf32>
    tpu.vector_store %arg4[%swap3A, %swap3A_10], %sub3A {strides = array<i32>} : memref<2000x32xf32, #tpu.memory_space<vmem>>, vector<2000x32xf32>,
    return
  }
  func.func @transform_0(%arg0: i32) -> (i32, i32) {
    %c0_i32 = arith.constant 0 : i32
    %c0_i32_0 = arith.constant 0 : i32
    return %arg0, %c0_i32 : i32, i32
  }
  func.func @transform_1(%arg0: i32) -> (i32, i32) {
    %jit3A = arith.constant 25 : i32
    %div3A = arith.divsi %arg0, %jit3A : i32
    %sign3A = arith.constant 0 : i32
    %sign3A_0 = arith.cmpi sgt, %arg0, %sign3A : i32
    %sign3A_1 = arith.extui %sign3A_0 : i1 to i32
    %sign3A_2 = arith.constant 0 : i32
    %sign3A_3 = arith.cmpi slt, %arg0, %sign3A_2 : i32
    %sign3A_4 = arith.extui %sign3A_3 : i1 to i32
    %sign3A_5 = arith.subi %sign3A_1, %sign3A_4 : i32
    %sign3A_6 = arith.constant 0 : i32
    %sign3A_7 = arith.cmpi sgt, %jit3A, %sign3A_6 : i32
    %sign3A_8 = arith.extui %sign3A_7 : i1 to i32
    %sign3A_9 = arith.constant 0 : i32
    %sign3A_10 = arith.cmpi slt, %jit3A, %sign3A_9 : i32
    %sign3A_11 = arith.extui %sign3A_10 : i1 to i32
    %sign3A_12 = arith.subi %sign3A_8, %sign3A_11 : i32
    %ne3A = arith.cmpi ne, %sign3A_5, %sign3A_12 : i32
    %rem3A = arith.remsi %arg0, %jit3A : i32
    %ne3A_13 = arith.constant 0 : i32
    %ne3A_14 = arith.cmpi ne, %rem3A, %ne3A_13 : i32
    %and3A = arith.andi %ne3A, %ne3A_14 : i1
    %sub3A = arith.constant 1 : i32
    %sub3A_15 = arith.subi %div3A, %sub3A : i32
    %select_n3A = arith.select %and3A, %sub3A_15, %div3A : i32
    %mul3A = arith.constant 26 : i32
    %mul3A_16 = arith.muli %select_n3A, %mul3A : i32
    %jit3A_17 = arith.constant 25 : i32
    %eq3A = arith.constant 0 : i32
    %eq3A_18 = arith.cmpi eq, %jit3A_17, %eq3A : i32
    %jit3A_19 = arith.constant 1 : i32
    %select_n3A_20 = arith.select %eq3A_18, %jit3A_19, %jit3A_17 : i32
    %rem3A_21 = arith.remsi %arg0, %select_n3A_20 : i32
    %ne3A_22 = arith.constant 0 : i32
    %ne3A_23 = arith.cmpi ne, %rem3A_21, %ne3A_22 : i32
    %lt3A = arith.constant 0 : i32
    %lt3A_24 = arith.cmpi slt, %rem3A_21, %lt3A : i32
    %lt3A_25 = arith.constant 0 : i32
    %lt3A_26 = arith.cmpi slt, %select_n3A_20, %lt3A_25 : i32
    %ne3A_27 = arith.xori %lt3A_24, %lt3A_26 : i1
    %and3A_28 = arith.andi %ne3A_27, %ne3A_23 : i1
    %add3A = arith.addi %rem3A_21, %select_n3A_20 : i32
    %select_n3A_29 = arith.select %and3A_28, %add3A, %rem3A_21 : i32
    %add3A_30 = arith.addi %mul3A_16, %select_n3A_29 : i32
    %c0_i32 = arith.constant 0 : i32
    %c0_i32_31 = arith.constant 0 : i32
    return %add3A_30, %c0_i32 : i32, i32
  }
  func.func @transform_2(%arg0: i32) -> (i32, i32) {
    %jit3A = arith.constant 25 : i32
    %eq3A = arith.constant 0 : i32
    %eq3A_0 = arith.cmpi eq, %jit3A, %eq3A : i32
    %jit3A_1 = arith.constant 1 : i32
    %select_n3A = arith.select %eq3A_0, %jit3A_1, %jit3A : i32
    %rem3A = arith.remsi %arg0, %select_n3A : i32
    %ne3A = arith.constant 0 : i32
    %ne3A_2 = arith.cmpi ne, %rem3A, %ne3A : i32
    %lt3A = arith.constant 0 : i32
    %lt3A_3 = arith.cmpi slt, %rem3A, %lt3A : i32
    %lt3A_4 = arith.constant 0 : i32
    %lt3A_5 = arith.cmpi slt, %select_n3A, %lt3A_4 : i32
    %ne3A_6 = arith.xori %lt3A_3, %lt3A_5 : i1
    %and3A = arith.andi %ne3A_6, %ne3A_2 : i1
    %add3A = arith.addi %rem3A, %select_n3A : i32
    %select_n3A_7 = arith.select %and3A, %add3A, %rem3A : i32
    %c0_i32 = arith.constant 0 : i32
    %c0_i32_8 = arith.constant 0 : i32
    return %select_n3A_7, %c0_i32 : i32, i32
  }
  func.func @transform_3(%arg0: i32) -> (i32, i32) {
    %c0_i32 = arith.constant 0 : i32
    %c0_i32_0 = arith.constant 0 : i32
    return %arg0, %c0_i32 : i32, i32
  }
}

</mosaic_0001>

<sc_bundles>
// kernel: kernel.11.cloned.1.call-start
scs
__scs_entry_jumppad:
0x0: {  	(pc) =	sbr.rel $0x88, $3  }
0x1: {  	(tag) =	ssettag $0x0;
	lr =	simm.s32 $0x1  }
0x2: {  	[smem:$0x3F9D] =	sst lr;
	_ =	strace $0xD0000000  }
0x3: {  	_ = 	snop  }
0x4: {  	_ = 	snop  }
0x5: {  	_ = 	snop  }
0x6: {  	_ = 	snop  }
0x7: {  	_ = 	snop  }
__scs_overlays_trampoline_lowered:
0x8: {  	[smem:$0x3FAC] =	sst s0  }
0x9: {  	[smem:$0x3FAD] =	sst s1  }
0xa: {  	[smem:$0x3FAE] =	sst s2  }
0xb: {  	[smem:$0x3FAF] =	sst s3  }
0xc: {  	[smem:$0x3FB0] =	sst s4  }
0xd: {  	[smem:$0x3FB1] =	sst s5  }
0xe: {  	[smem:$0x3FB2] =	sst s6  }
0xf: {  	[smem:$0x3FB3] =	sst s7  }
0x10: {  	[smem:$0x3FB4] =	sst s8  }
0x11: {  	[smem:$0x3FB5] =	sst s9;
	s0 =	simm.s32 @!p0 $0x0  }
0x12: {  	s1 =	sld [smem:$0x3F9B];
	s0 =	simm.s32 @p0 $0x1  }
0x13: {  	[smem:$0x3FB6] =	sst s0;
	s0 =	simm.s32 @!p1 $0x0  }
0x14: {  	s2 =	sld [smem:$0x3F9A];
	s0 =	simm.s32 @p1 $0x1  }
0x15: {  	[smem:$0x3FB7] =	sst s0;
	s0 =	simm.s32 @!p2 $0x0  }
0x16: {  	s3 =	sld [smem:$0x3FDB];
	s0 =	simm.s32 @p2 $0x1  }
0x17: {  	s4 =	simm.s32 $0x1BF5;
	[smem:$0x3FB9] =	sst s0  }
0x18: {  	s0 =	sld [smem:$0x3F9C];
	_ =	swait.ge [sflag:s4], $0x0  }
0x19: {  	s7 =	sld [smem:$0x3F9D]  }
0x1a: {  	s8 =	sadd.s32 $0xFFFFE003, lr  }
0x1b: {  	s9 =	sadd.s32 $0xFFFFFEF7, lr;
	s5 =	simm.s32 $0xFFFFFFFF;
	p2 =	slt.u32 s8, $0xFFFFF086  }
0x1c: {  	p1 =	slt.u32 s9, $0xF7A;
	s5 =	simm.s32 @!p2 $0x0  }
0x1d: {  	s5 =	simm.s32 @p1 $0x1;
	p0 =	seq.s32 s7, s2  }
0x1e: {  	s7 =	smul.u32 @!p0 $0xF7A, s2;
	p2 =	seq.s32 @!p0 s5, $0x0  }
0x1f: {  	s9 =	smul.u32 $0xF7A, s1;
	s8 =	simm.s32 @!p0 $0x1BF5;
	p2 =	por !p2, p0  }
0x20: {  	[sflag:s8] =	ssyncset.s32 @!p0 $0xFFFFF086;
	s6 =	sadd.s32 @!p0 s3, s7;
	s7 =	simm.s32 @!p0 $0x108  }
0x21: {  	s3 =	sadd.s32 s3, s9;
	s6 =	sadd.s32 @!p0 $0x88, s6;
	s7 =	simm.s32 @p2 $0x1082  }
0x22: {  	[simem:s7], [sflag:s8] =	dma.local @!p0 [hbm:s6], $0xF7A  }
0x23: {  	s9 =	sor.u32 $0xD0000000, s2;
	s6 =	simm.s32 $0x108;
	_ =	swait.ge @!p0 [sflag:s8], $0x0  }
0x24: {  	s3 =	sadd.s32 $0x88, s3;
	s6 =	simm.s32 @!p1 $0x1082;
	[sflag:s4] =	ssyncset.s32 $0xFFFFF086  }
0x25: {  	[simem:s6], [sflag:s4] =	dma.local [hbm:s3], $0xF7A  }
0x26: {  	[smem:$0x3F9D] =	sst s1;
	(tag) =	ssettag s2;
	_ =	strace s9  }
0x27: {  	s1 =	sld [smem:$0x3FAD]  }
0x28: {  	s2 =	sld [smem:$0x3FAE]  }
0x29: {  	s4 =	sld [smem:$0x3FB0]  }
0x2a: {  	p0 =	seq.s32 s5, $0x0;
	s5 =	sld [smem:$0x3FB1]  }
0x2b: {  	s6 =	sld [smem:$0x3FB2]  }
0x2c: {  	s7 =	sld [smem:$0x3FB3]  }
0x2d: {  	s3 =	simm.s32 $0x108;
	s8 =	sld [smem:$0x3FB4]  }
0x2e: {  	s3 =	simm.s32 @!p0 $0x1082;
	s9 =	sld [smem:$0x3FB5]  }
0x2f: {  	lr =	sadd.s32 s0, s3;
	s0 =	sld [smem:$0x3FAC]  }
0x30: {  	s3 =	sld [smem:$0x3FAF]  }
0x31: {  	[smem:$0x3FB8] =	sst s10  }
0x32: {  	s10 =	sld [smem:$0x3FB6];
	_ =	sdelay $0x3  }
0x33: {  	p0 =	seq.s32 s10, $0x1;
	s10 =	sld [smem:$0x3FB8];
	_ =	sdelay $0x3  }
0x34: {  	[smem:$0x3FB8] =	sst s10  }
0x35: {  	s10 =	sld [smem:$0x3FB7];
	_ =	sdelay $0x3  }
0x36: {  	p1 =	seq.s32 s10, $0x1;
	s10 =	sld [smem:$0x3FB8];
	_ =	sdelay $0x3  }
0x37: {  	[smem:$0x3FB8] =	sst s10  }
0x38: {  	s10 =	sld [smem:$0x3FB9]  }
0x39: {  	_ = 	snop;
	(pc) =	sbr.ind lr, $3  }
0x3a: {  	_ = 	snop  }
0x3b: {  	_ = 	snop  }
0x3c: {  	p2 =	seq.s32 s10, $0x1;
	s10 =	sld [smem:$0x3FB8]  }
0x3d: {  	_ =	shalt  }
0x3e: {  	_ =	shalt  }
0x3f: {  	_ =	shalt  }
0x40: {  	_ =	shalt  }
0x41: {  	_ =	shalt  }
0x42: {  	_ =	shalt  }
0x43: {  	_ =	shalt  }
0x44: {  	_ =	shalt  }
0x45: {  	_ =	shalt  }
0x46: {  	_ =	shalt  }
0x47: {  	_ =	shalt  }
0x48: {  	_ =	shalt  }
0x49: {  	_ =	shalt  }
0x4a: {  	_ =	shalt  }
0x4b: {  	_ =	shalt  }
0x4c: {  	_ =	shalt  }
0x4d: {  	_ =	shalt  }
0x4e: {  	_ =	shalt  }
0x4f: {  	_ =	shalt  }
0x50: {  	_ =	shalt  }
0x51: {  	_ =	shalt  }
0x52: {  	_ =	shalt  }
0x53: {  	_ =	shalt  }
0x54: {  	_ =	shalt  }
0x55: {  	_ =	shalt  }
0x56: {  	_ =	shalt  }
0x57: {  	_ =	shalt  }
0x58: {  	_ =	shalt  }
0x59: {  	_ =	shalt  }
0x5a: {  	_ =	shalt  }
0x5b: {  	_ =	shalt  }
0x5c: {  	_ =	shalt  }
0x5d: {  	_ =	shalt  }
0x5e: {  	_ =	shalt  }
0x5f: {  	_ =	shalt  }
0x60: {  	_ =	shalt  }
0x61: {  	_ =	shalt  }
0x62: {  	_ =	shalt  }
0x63: {  	_ =	shalt  }
0x64: {  	_ =	shalt  }
0x65: {  	_ =	shalt  }
0x66: {  	_ =	shalt  }
0x67: {  	_ =	shalt  }
0x68: {  	_ =	shalt  }
0x69: {  	_ =	shalt  }
0x6a: {  	_ =	shalt  }
0x6b: {  	_ =	shalt  }
0x6c: {  	_ =	shalt  }
0x6d: {  	_ =	shalt  }
0x6e: {  	_ =	shalt  }
0x6f: {  	_ =	shalt  }
0x70: {  	_ =	shalt  }
0x71: {  	_ =	shalt  }
0x72: {  	_ =	shalt  }
0x73: {  	_ =	shalt  }
0x74: {  	_ =	shalt  }
0x75: {  	_ =	shalt  }
0x76: {  	_ =	shalt  }
0x77: {  	_ =	shalt  }
0x78: {  	_ =	shalt  }
0x79: {  	_ =	shalt  }
0x7a: {  	_ =	shalt  }
0x7b: {  	_ =	shalt  }
0x7c: {  	_ =	shalt  }
0x7d: {  	_ =	shalt  }
0x7e: {  	_ =	shalt  }
0x7f: {  	_ =	shalt  }
0x80: {  	_ =	shalt  }
0x81: {  	_ =	shalt  }
0x82: {  	_ =	shalt  }
0x83: {  	_ =	shalt  }
0x84: {  	_ =	shalt  }
0x85: {  	_ =	shalt  }
0x86: {  	_ =	shalt  }
0x87: {  	_ =	shalt  }
.Lfunc_end0:
.L_simem_size_0:
called_computation.1_lowered:
.L_overlay_start_0:
0x88: {  	s2 =	sld [smem:$0x3FD9]  }
0x89: {  	s3 =	sld [smem:$0x3FFE];
	_ =	sdelay $0x1  }
0x8a: {  	s1 =	srdreg.scid  }
0x8b: {  	s0 =	sand.u32 $0x1, s1  }
0x8c: {  	s16 =	sshll.u32 s0, $0xA;
	s2 =	sadd.s32 s3, s2  }
0x8d: {  	s2 =	sadd.s32 s2, s16  }
0x8e: {  	[smem:$0x3FC4] =	sst s2  }
0x8f: {  	_ = 	snop  }
0x90: {  	(tm) =	ssettm $0x1  }
0x91: {  	s17 =	sld [smem:$0x3FFB];
	_ =	sdelay $0x3  }
0x92: {  	_ =	strace s17  }
0x93: {  	s2 =	sld [smem:$0x3FFC];
	_ =	sdelay $0x3  }
0x94: {  	_ =	strace s2  }
0x95: {  	s2 =	sld [smem:$0x3FFD];
	_ =	sdelay $0x3  }
0x96: {  	_ =	strace s2  }
0x97: {  	_ =	strace $0x8FFFFFFF  }
0x98: {  	s18 =	sld [smem:$0x3FDB];
	_ =	sdelay $0x1  }
0x99: {  	s19 =	simm.s32 $_scs_section_size  }
0x9a: {  	s4 =	simm.s32 $_size__tile_overlayer_lowered;
	s5 =	simm.s32 $_tile_overlayer_lowered  }
0x9b: {  	s22 =	simm.s32 $0x1BFF;
	s21 =	sshll.u32 s5, $0x1;
	s2 =	sadd.s32 s19, s18  }
0x9c: {  	s6 =	simm.s32 $0x0;
	s20 =	sshll.u32 s4, $0x1;
	s4 =	sadd.s32 s21, s2  }
0x9d: {  	[timem:s6], [sflag:s22] =	dma.local [hbm:s4], s20  }
0x9e: {  	_ =	swait.ge [sflag:s22], s20  }
0x9f: {  	s3 =	ssub.s32 $0x0, s20;
	[sflag:s22] =	ssyncset.done $0x0  }
0xa0: {  	[sflag:s22] =	ssyncadd.s32 s3;
	_ =	sdelay $0x1  }
0xa1: {  	s23 =	simm.s32 $0x1B8B  }
0xa2: {  	_ =	swait.ge [sflag:s23], $0x1  }
0xa3: {  	[sflag:s23] =	ssyncset.done $0x0  }
0xa4: {  	s25 =	simm.s32 $0x1B8E;
	s24 =	sld [smem:$0x3FFE];
	[sflag:s23] =	ssyncadd.s32 $0xFFFFFFFF  }
0xa5: {  	s26 =	simm.s32 $execute0_lowered;
	[smem:$0x3FD2] =	sst s25  }
0xa6: {  	s4 =	sshll.u32 s26, $0x1;
	_ =	strace $0x80000049;
	[dreg:$0x1] =	wrdreg $0xFFFFFFFF  }
0xa7: {  	s28 =	simm.s32 $_size_execute0_lowered;
	s2 =	sadd.s32 s2, s4;
	[dreg:$0x0] =	wrdreg $0x0  }
0xa8: {  	s4 =	sshll.u32 s28, $0x1;
	[dreg:$0x2] =	wrdreg s2  }
0xa9: {  	[dreg:$0x3] =	wrdreg s4  }
0xaa: {  	[dreg:$0x4] =	wrdreg $0xC0  }
0xab: {  	_ =	task [dreg:s6], $0x5FFFF  }
0xac: {  	[dreg:$0x1] =	wrdreg $0xFFFFFFFF  }
0xad: {  	[dreg:$0x0] =	wrdreg $0x60  }
0xae: {  	[dreg:$0x2] =	wrdreg s24  }
0xaf: {  	[dreg:$0x3] =	wrdreg $0x68000  }
0xb0: {  	[dreg:$0x4] =	wrdreg $0x9  }
0xb1: {  	_ =	task.clear_ibuf [dreg:s6], $0x5FFFF;
	_ =	strace $0x90000049  }
0xb2: {  	s29 =	simm.s32 $0x9;
	_ =	strace $0x8000004B  }
0xb3: {  	_ =	swait.ge [sflag:s29], $0x1  }
0xb4: {  	[sflag:s29] =	ssyncadd.s32 $0xFFFFFFFF  }
0xb5: {  	_ =	strace $0x9000004B  }
0xb6: {  	_ =	sfence  }
0xb7: {  	s30 =	sld [smem:$0x0];
	_ =	sdelay $0x2  }
0xb8: {  	s31 =	sshll.u32 s1, $0xD;
	s1 =	sshrl.u32 s1, $0x2  }
0xb9: {  	s3 =	sand.u32 $0x4000, s31;
	s1 =	sadd.s32 s1, s30  }
0xba: {  	s0 =	sor.u32 s3, s0;
	s1 =	sshll.u32 s1, $0x11  }
0xbb: {  	s0 =	sor.u32 s1, s0  }
0xbc: {  	s0 =	sadd.s32 $0x8F2B, s0  }
0xbd: {  	[sflag:s0] =	ssyncadd.remote.s32 $0x1  }
0xbe: {  	_ =	sfence.sel $0xFFFF  }
0xbf: {  	[dreg:$0x0] =	wrdreg $0xFFFFFFFF;
	(pc) =	sbr.abs _section_cstart, $3  }
0xc0: {  	[dreg:$0x1] =	wrdreg $0xFFFFFFFF  }
0xc1: {  	_ =	task.clear_ibuf [dreg:s6], $0x2FFFF;
	_ =	strace $0x9FFFFFFF  }
0xc2: {  	(tm) =	ssettm $0x7FFFFFFF  }
0xc3: {  	_ =	shalt  }
tec
execute0_lowered:
.L_overlay_start_1:
0x0: {  	(tag) =	ssettag $0x1  }
0x1: {  	s7 =	rddreg [dreg:$0x0]  }
0x2: {  	s1 =	rddreg [dreg:$0x1];
	s3 =	srdreg.scid  }
0x3: {  	s0 =	rddreg [dreg:$0x2];
	s8 =	sand.u32 $0x1, s3  }
0x4: {  	s2 =	simm.s32 $0x0;
	s3 =	stileid.u32;
	s18 =	smul.u32 $0x186A0, s8  }
0x5: {  	s20 =	simm.s32 $0x2;
	[smem:$0x7FF] =	sst s2;
	s9 =	smul.u32 $0x64000, s3  }
0x6: {  	s4 =	sadd.s32 $0x1DA00, s7;
	s5 =	sadd.s32 $0x1800, s7;
	s11 =	smul.u32 $0x1900, s3  }
0x7: {  	s6 =	sadd.s32 $0x36A00, s7;
	s12 =	sadd.s32 $0xFA000, s7;
	s13 =	smul.u32 $0xC80, s3  }
0x8: {  	s10 =	ssub.s32 $0x2, s8;
	s14 =	smul.u32 $0x19640, s8;
	s15 =	sshllo.u32 s8, $0x1  }
0x9: {  	_ =	strace $0x8000004A;
	s30 =	sshrl.u32 s10, $0x1;
	s17 =	smul.u32 $0xCB20, s15  }
0xa: {  	s19 =	smul.u32 $0xC350, s15;
	s15 =	simm.s32 $0x4;
	s9 =	sshrl.u32 s9, $0x2  }
0xb: {  	s16 =	ssub.s32 s10, s30;
	s8 =	sadd.s32 s4, s11;
	s10 =	smul.u32 $0x32, s3  }
.Ltmp0:
0xc: {  	s31 =	sadd.s32 s13, s14;
	s14 =	simm.s32 $0x1800;
	(pc) =	sbr.rel .LBB2_1-.Ltmp0, $4  }
0xd: {  	v0 =	vmov s18;
	s18 =	simm.s32 $0x3;
	s7 =	sadd.s32 s9, s1;
	s9 =	sadd.s32 s5, s11  }
0xe: {  	s11 =	sshll.u32 s31, $0x2;
	s13 =	sadd.s32 s13, s17;
	s17 =	simm.s32 $0x1  }
0xf: {  	v1 =	vmov s19;
	s19 =	simm.s32 $0x80;
	s11 =	sadd.s32 s12, s11;
	s13 =	sshll.u32 s13, $0x2  }
0x10: {  	v2 =	vimm.f32 $0.0e+00;
	s12 =	sadd.s32 s12, s13;
	s13 =	smax.u32 s16, $0x1;
	s16 =	simm.s32 $0xC00  }
.LBB2_31:
0x11: {  	_ =	swait.ge [sflag:s18], $0x1000  }
0x12: {  	[sflag:s18] =	ssyncset.done $0x0  }
0x13: {  	[sflag:s18] =	ssyncadd.s32 $0xFFFFF000  }
0x14: {  	_ =	swait.ge [sflag:s18], $0x1000  }
0x15: {  	[sflag:s18] =	ssyncset.done $0x0  }
0x16: {  	[sflag:s18] =	ssyncadd.s32 $0xFFFFF000  }
0x17: {  	_ =	swait.ge [sflag:s18], $0x1000  }
0x18: {  	[sflag:s18] =	ssyncset.done $0x0  }
0x19: {  	[sflag:s18] =	ssyncadd.s32 $0xFFFFF000  }
0x1a: {  	_ =	swait.ge [sflag:s18], $0x1000  }
0x1b: {  	[sflag:s18] =	ssyncset.done $0x0  }
0x1c: {  	[sflag:s18] =	ssyncadd.s32 $0xFFFFF000  }
0x1d: {  	_ =	swait.ge [sflag:s18], $0x1000  }
0x1e: {  	s2 =	sadd.s32 $0x1, s2;
	[sflag:s18] =	ssyncset.done $0x0  }
0x1f: {  	p0 =	sne.s32 s2, s13;
	[sflag:s18] =	ssyncadd.s32 $0xFFFFF000  }
.Ltmp1:
0x20: {  	[bflag:$0x0] =	sbarrier.arrive $0xFFFF;
	(pc) =	sbr.rel @!p0 .LBB2_32-.Ltmp1, $4  }
0x21: {  	[hbm:s12], [sflag:s21] =	dma.local [spmem:s22], $0x3200  }
0x22: {  	_ =	swait.ge [sflag:s15], $0x3200  }
0x23: {  	[sflag:s15] =	ssyncset.done $0x0  }
0x24: {  	[sflag:s15] =	ssyncadd.s32 $0xFFFFCE00  }
.LBB2_1:
0x25: {  	s21 =	simm.s32 $0x0  }
.LBB2_2:
0x26: {  	p0 =	sne.s32 s21, $0x3F80  }
.Ltmp2:
0x27: {  	_ = 	snop;
	(pc) =	sbr.rel @p0 .LBB2_2-.Ltmp2, $4  }
0x28: {  	_ = 	snop  }
0x29: {  	s22 =	sshra.s32 s21, $0x2  }
0x2a: {  	[tilespmem:s22+$0x1800] =	vst v2  }
0x2b: {  	s21 =	sadd.s32 $0x80, s21;
	[tilespmem:s22+$0x1810] =	vst v2  }
0x2c: {  	s21 =	sadd.s32 $0x0, s7  }
0x2d: {  	[spmem:s21] =	stream.linear.scatter [tilespmem:s14], [sflag:$0x4], $0x1000, $0x38;
	[tilespmem:$0x1F800] =	vst v63  }
0x2e: {  	s21 =	simm.s32 $0x4000;
	_ =	swait.ge [sflag:s15], $0x1000  }
.LBB2_4:
0x2f: {  	s22 =	sshra.s32 s21, $0x2;
	[sflag:s15] =	ssyncset.done $0x0;
	p0 =	sne.s32 s21, $0x60000  }
.Ltmp3:
0x30: {  	s22 =	sadd.s32 s22, s7;
	[sflag:s15] =	ssyncadd.s32 $0xFFFFF000;
	(pc) =	sbr.rel @p0 .LBB2_4-.Ltmp3, $3  }
0x31: {  	[spmem:s22] =	stream.linear.scatter [tilespmem:s14], [sflag:$0x4], $0x1000, $0x38;
	[tilespmem:$0x1F800] =	vst v63  }
0x32: {  	s21 =	sadd.s32 $0x4000, s21;
	_ =	sdelay $0x1  }
0x33: {  	_ =	swait.ge [sflag:s15], $0x1000  }
0x34: {  	[sflag:s15] =	ssyncset.done $0x0  }
.Ltmp4:
0x35: {  	[sflag:s15] =	ssyncadd.s32 $0xFFFFF000;
	(pc) =	sbr.rel .LBB2_6-.Ltmp4, $4  }
0x36: {  	s21 =	simm.s32 $0x0;
	[bflag:$0x0] =	sbarrier.arrive $0xFFFF  }
0x37: {  	[tilespmem:s21], [sflag:$0x1] =	stream.linear.gather [hbm4b:s8+s21], $0x400, $0x38;
	[tilespmem:$0x1F800] =	vst v63  }
0x38: {  	_ = 	snop  }
0x39: {  	[tilespmem:s16], [sflag:$0x1] =	stream.linear.gather [hbm4b:s9+s21], $0x400, $0x38;
	[tilespmem:$0x1F800] =	vst v63  }
.LBB2_14:
0x3a: {  	s22 =	sadd.s32 $0xFFFFFFFD, s21  }
0x3b: {  	s23 =	sshrl.u32 s22, $0x3;
	s25 =	smulhi.u32 $0xCCCCCCCD, s22  }
0x3c: {  	s24 =	smulhi.u32 $0x55555556, s23;
	_ =	sdelay $0x1  }
0x3d: {  	s25 =	sshrl.u32 s25, $0x2;
	s24 =	smul.u32 $0x3, s24  }
0x3e: {  	_ =	swait.ge [sflag:s20], $0x1000;
	s25 =	smul.u32 $0x5, s25  }
0x3f: {  	[sflag:s20] =	ssyncset.done $0x0;
	s24 =	ssub.s32 s23, s24  }
0x40: {  	s25 =	ssub.s32 s22, s25;
	s23 =	sshll.u32 s23, $0xA;
	s22 =	sshll.u32 s22, $0x7  }
0x41: {  	s25 =	sshll.u32 s25, $0xC;
	s22 =	ssub.s32 s22, s23;
	s30 =	sshll.u32 s24, $0xA  }
0x42: {  	[sflag:s20] =	ssyncadd.s32 $0xFFFFF000;
	s31 =	sadd.s32 $0x1800, s25;
	s22 =	sadd.s32 s22, s30  }
0x43: {  	[spmem:s1] =	stream.indirect.scatter.add.f32 [tilespmem:s31], [sflag:$0x3], $0x20, s22, s19, $0xb8;
	[tilespmem:$0x1F800] =	vst v63  }
.LBB2_15:
0x44: {  	s21 =	sadd.s32 $0x1, s21  }
0x45: {  	p0 =	sne.s32 s21, $0x193  }
.Ltmp5:
0x46: {  	_ = 	snop;
	(pc) =	sbr.rel @!p0 .LBB2_16-.Ltmp5, $1  }
0x47: {  	_ =	sdelay $0x3  }
.LBB2_6:
0x48: {  	s23 =	sshrl.u32 s21, $0x3  }
0x49: {  	s22 =	sand.u32 $0xFF, s23  }
0x4a: {  	s22 =	smul.u32 $0xAB, s22  }
0x4b: {  	p0 =	sgt.u32 s21, $0x18F;
	s24 =	sand.u32 $0x7, s21  }
0x4c: {  	p1 =	sne.s32 @!p0 s24, $0x0;
	s22 =	sshrl.u32 s22, $0x9  }
0x4d: {  	p1 =	por p0, p1;
	s22 =	smul.u32 $0x3, s22  }
.Ltmp6:
0x4e: {  	_ = 	snop;
	(pc) =	sbr.rel @p1 .LBB2_10-.Ltmp6, $4  }
0x4f: {  	_ = 	snop  }
0x50: {  	s22 =	ssub.s32 s23, s22  }
0x51: {  	s22 =	sand.u32 $0xFF, s22  }
0x52: {  	s22 =	sshll.u32 s22, $0xA  }
0x53: {  	s24 =	sadd.s32 $0xC40, s22;
	_ =	swait.ge [sflag:s17], $0x400  }
0x54: {  	[sflag:s17] =	ssyncset.done $0x0;
	v3 =	vmov s24  }
0x55: {  	[sflag:s17] =	ssyncadd.s32 $0xFFFFFC00  }
0x56: {  	_ =	swait.ge [sflag:s17], $0x400  }
0x57: {  	[sflag:s17] =	ssyncset.done $0x0  }
0x58: {  	s24 =	simm.s32 $0x0;
	[sflag:s17] =	ssyncadd.s32 $0xFFFFFC00  }
0x59: {  	v4 =	vld.idx.msk [tilespmem:v3+s24+$0xFFFFFFC0 ss:$0x1], $0xffff;
	_ =	sdelay $0x4  }
0x5a: {  	v4 =	vadd.s32 v0, v4  }
0x5b: {  	[tilespmem:v3+s24+$0xFFFFFFC0 ss:$0x1] =	vst.idx.msk $0xffff, v4  }
0x5c: {  	v4 =	vld.idx.msk [tilespmem:v3+s24+$0xFFFFFFD0 ss:$0x1], $0xffff;
	_ =	sdelay $0x4  }
0x5d: {  	v4 =	vadd.s32 v0, v4  }
0x5e: {  	[tilespmem:v3+s24+$0xFFFFFFD0 ss:$0x1] =	vst.idx.msk $0xffff, v4  }
0x5f: {  	v4 =	vld.idx.msk [tilespmem:v3+s24+$0xFFFFFFE0 ss:$0x1], $0xffff;
	_ =	sdelay $0x4  }
0x60: {  	v4 =	vadd.s32 v0, v4  }
0x61: {  	[tilespmem:v3+s24+$0xFFFFFFE0 ss:$0x1] =	vst.idx.msk $0xffff, v4  }
0x62: {  	v4 =	vld.idx.msk [tilespmem:v3+s24+$0xFFFFFFF0 ss:$0x1], $0xffff;
	_ =	sdelay $0x4  }
0x63: {  	v4 =	vadd.s32 v0, v4  }
0x64: {  	[tilespmem:v3+s24+$0xFFFFFFF0 ss:$0x1] =	vst.idx.msk $0xffff, v4  }
0x65: {  	v4 =	vld.idx.msk [tilespmem:v3+s24+$0x0 ss:$0x1], $0xffff;
	_ =	sdelay $0x4  }
0x66: {  	v4 =	vadd.s32 v0, v4  }
0x67: {  	[tilespmem:v3+s24+$0x0 ss:$0x1] =	vst.idx.msk $0xffff, v4  }
0x68: {  	v4 =	vld.idx.msk [tilespmem:v3+s24+$0x10 ss:$0x1], $0xffff;
	_ =	sdelay $0x4  }
0x69: {  	v4 =	vadd.s32 v0, v4  }
0x6a: {  	[tilespmem:v3+s24+$0x10 ss:$0x1] =	vst.idx.msk $0xffff, v4  }
0x6b: {  	v4 =	vld.idx.msk [tilespmem:v3+s24+$0x20 ss:$0x1], $0xffff;
	_ =	sdelay $0x4  }
0x6c: {  	v4 =	vadd.s32 v0, v4  }
0x6d: {  	[tilespmem:v3+s24+$0x20 ss:$0x1] =	vst.idx.msk $0xffff, v4  }
0x6e: {  	v4 =	vld.idx.msk [tilespmem:v3+s24+$0x30 ss:$0x1], $0xffff;
	_ =	sdelay $0x4  }
0x6f: {  	s25 =	simm.s32 $0x200;
	s26 =	simm.s32 $0x400;
	v4 =	vadd.s32 v0, v4  }
.LBB2_8:
0x70: {  	p1 =	sne.s32 s26, $0xE00  }
0x71: {  	[tilespmem:v3+s24+$0x30 ss:$0x1] =	vst.idx.msk $0xffff, v4;
	s24 =	sshra.s32 s25, $0x2;
	s25 =	smov.u32 s26;
	s26 =	sadd.s32 $0x200, s26  }
0x72: {  	v4 =	vld.idx.msk [tilespmem:v3+s24+$0xFFFFFFC0 ss:$0x1], $0xffff;
	_ =	sdelay $0x5  }
0x73: {  	v4 =	vadd.s32 v0, v4  }
0x74: {  	[tilespmem:v3+s24+$0xFFFFFFC0 ss:$0x1] =	vst.idx.msk $0xffff, v4  }
0x75: {  	v4 =	vld.idx.msk [tilespmem:v3+s24+$0xFFFFFFD0 ss:$0x1], $0xffff;
	_ =	sdelay $0x5  }
0x76: {  	v4 =	vadd.s32 v0, v4  }
0x77: {  	[tilespmem:v3+s24+$0xFFFFFFD0 ss:$0x1] =	vst.idx.msk $0xffff, v4  }
0x78: {  	v4 =	vld.idx.msk [tilespmem:v3+s24+$0xFFFFFFE0 ss:$0x1], $0xffff;
	_ =	sdelay $0x5  }
0x79: {  	v4 =	vadd.s32 v0, v4  }
0x7a: {  	[tilespmem:v3+s24+$0xFFFFFFE0 ss:$0x1] =	vst.idx.msk $0xffff, v4  }
0x7b: {  	v4 =	vld.idx.msk [tilespmem:v3+s24+$0xFFFFFFF0 ss:$0x1], $0xffff;
	_ =	sdelay $0x5  }
0x7c: {  	v4 =	vadd.s32 v0, v4  }
0x7d: {  	[tilespmem:v3+s24+$0xFFFFFFF0 ss:$0x1] =	vst.idx.msk $0xffff, v4  }
0x7e: {  	v4 =	vld.idx.msk [tilespmem:v3+s24+$0x0 ss:$0x1], $0xffff;
	_ =	sdelay $0x5  }
0x7f: {  	v4 =	vadd.s32 v0, v4  }
0x80: {  	[tilespmem:v3+s24+$0x0 ss:$0x1] =	vst.idx.msk $0xffff, v4  }
0x81: {  	v4 =	vld.idx.msk [tilespmem:v3+s24+$0x10 ss:$0x1], $0xffff;
	_ =	sdelay $0x5  }
0x82: {  	v4 =	vadd.s32 v0, v4  }
0x83: {  	[tilespmem:v3+s24+$0x10 ss:$0x1] =	vst.idx.msk $0xffff, v4  }
0x84: {  	v4 =	vld.idx.msk [tilespmem:v3+s24+$0x20 ss:$0x1], $0xffff;
	_ =	sdelay $0x5  }
0x85: {  	v4 =	vadd.s32 v0, v4  }
0x86: {  	[tilespmem:v3+s24+$0x20 ss:$0x1] =	vst.idx.msk $0xffff, v4  }
0x87: {  	v4 =	vld.idx.msk [tilespmem:v3+s24+$0x30 ss:$0x1], $0xffff;
	_ =	sdelay $0x1  }
.Ltmp7:
0x88: {  	(pc) =	sbr.rel @p1 .LBB2_8-.Ltmp7, $2  }
0x89: {  	_ =	sdelay $0x2  }
0x8a: {  	v4 =	vadd.s32 v0, v4  }
0x8b: {  	_ =	sdelay $0x3  }
0x8c: {  	s25 =	sshra.s32 s25, $0x2;
	[tilespmem:v3+s24+$0x30 ss:$0x1] =	vst.idx.msk $0xffff, v4  }
0x8d: {  	v4 =	vld.idx.msk [tilespmem:v3+s25+$0xFFFFFFC0 ss:$0x1], $0xffff;
	_ =	sdelay $0x4  }
0x8e: {  	v4 =	vadd.s32 v0, v4  }
0x8f: {  	[tilespmem:v3+s25+$0xFFFFFFC0 ss:$0x1] =	vst.idx.msk $0xffff, v4  }
0x90: {  	v4 =	vld.idx.msk [tilespmem:v3+s25+$0xFFFFFFD0 ss:$0x1], $0xffff;
	_ =	sdelay $0x4  }
0x91: {  	v4 =	vadd.s32 v0, v4  }
0x92: {  	[tilespmem:v3+s25+$0xFFFFFFD0 ss:$0x1] =	vst.idx.msk $0xffff, v4  }
0x93: {  	v4 =	vld.idx.msk [tilespmem:v3+s25+$0xFFFFFFE0 ss:$0x1], $0xffff;
	_ =	sdelay $0x4  }
0x94: {  	v4 =	vadd.s32 v0, v4  }
0x95: {  	[tilespmem:v3+s25+$0xFFFFFFE0 ss:$0x1] =	vst.idx.msk $0xffff, v4  }
0x96: {  	v4 =	vld.idx.msk [tilespmem:v3+s25+$0xFFFFFFF0 ss:$0x1], $0xffff;
	_ =	sdelay $0x4  }
0x97: {  	v4 =	vadd.s32 v0, v4  }
0x98: {  	[tilespmem:v3+s25+$0xFFFFFFF0 ss:$0x1] =	vst.idx.msk $0xffff, v4  }
0x99: {  	v4 =	vld.idx.msk [tilespmem:v3+s25+$0x0 ss:$0x1], $0xffff;
	_ =	sdelay $0x4  }
0x9a: {  	v4 =	vadd.s32 v0, v4  }
0x9b: {  	[tilespmem:v3+s25+$0x0 ss:$0x1] =	vst.idx.msk $0xffff, v4  }
0x9c: {  	v4 =	vld.idx.msk [tilespmem:v3+s25+$0x10 ss:$0x1], $0xffff;
	_ =	sdelay $0x4  }
0x9d: {  	v4 =	vadd.s32 v0, v4  }
0x9e: {  	[tilespmem:v3+s25+$0x10 ss:$0x1] =	vst.idx.msk $0xffff, v4  }
0x9f: {  	v4 =	vld.idx.msk [tilespmem:v3+s25+$0x20 ss:$0x1], $0xffff;
	_ =	sdelay $0x4  }
0xa0: {  	v4 =	vadd.s32 v0, v4  }
0xa1: {  	p1 =	sgt.u32 s21, $0x187;
	[tilespmem:v3+s25+$0x20 ss:$0x1] =	vst.idx.msk $0xffff, v4  }
0xa2: {  	s24 =	sadd.s32 @!p1 $0x1, s23;
	v4 =	vld.idx.msk [tilespmem:v3+s25+$0x30 ss:$0x1], $0xffff  }
0xa3: {  	s26 =	smulhi.u32 @!p1 $0x55555556, s24;
	_ =	sdelay $0x1  }
0xa4: {  	s23 =	sadd.s32 @!p1 s10, s23;
	s26 =	smul.u32 @!p1 $0x3, s26  }
0xa5: {  	s23 =	sshll.u32 @!p1 s23, $0x7  }
0xa6: {  	s23 =	sadd.s32 @!p1 $0x80, s23;
	s24 =	ssub.s32 @!p1 s24, s26;
	v4 =	vadd.s32 v0, v4  }
0xa7: {  	s26 =	simm.s32 @!p1 $0x0;
	s24 =	sshll.u32 @!p1 s24, $0xA;
	[tilespmem:v3+s25+$0x30 ss:$0x1] =	vst.idx.msk $0xffff, v4;
	s25 =	sadd.s32 @!p1 s4, s23  }
0xa8: {  	[tilespmem:s24], [sflag:$0x1] =	stream.linear.gather @!p1 [hbm4b:s25+s26], $0x400, $0x38;
	[tilespmem:$0x1F800] =	vst v63  }
0xa9: {  	s23 =	sadd.s32 @!p1 s5, s23;
	s24 =	sadd.s32 @!p1 $0xC00, s24  }
0xaa: {  	[tilespmem:s24], [sflag:$0x1] =	stream.linear.gather @!p1 [hbm4b:s23+s26], $0x400, $0x38;
	[tilespmem:$0x1F800] =	vst v63  }
.LBB2_10:
0xab: {  	s23 =	sadd.s32 $0xFFFFFFFB, s21  }
0xac: {  	p1 =	sgt.u32 s23, $0x18A  }
.Ltmp8:
0xad: {  	_ = 	snop;
	(pc) =	sbr.rel @p1 .LBB2_12-.Ltmp8, $1  }
0xae: {  	_ =	sdelay $0x3  }
.Ltmp9:
0xaf: {  	(pc) =	sbr.rel .LBB2_13-.Ltmp9, $4  }
0xb0: {  	_ = 	snop  }
0xb1: {  	_ =	swait.ge [sflag:s18], $0x1000  }
0xb2: {  	[sflag:s18] =	ssyncset.done $0x0  }
0xb3: {  	[sflag:s18] =	ssyncadd.s32 $0xFFFFF000  }
.LBB2_12:
.Ltmp10:
0xb4: {  	(pc) =	sbr.rel @p0 .LBB2_14-.Ltmp10, $1  }
0xb5: {  	_ =	sdelay $0x3  }
.LBB2_13:
0xb6: {  	s23 =	smul.u32 $0xCCCD, s21;
	_ =	sdelay $0x1  }
0xb7: {  	s23 =	sshrl.u32 s23, $0x12  }
0xb8: {  	s23 =	smul.u32 $0x5, s23  }
0xb9: {  	p0 =	slt.u32 s21, $0x3  }
.Ltmp11:
0xba: {  	s24 =	sshll.u32 s21, $0x7;
	s23 =	ssub.s32 s21, s23;
	(pc) =	sbr.rel @p0 .LBB2_15-.Ltmp11, $4  }
.Ltmp12:
0xbb: {  	s24 =	sand.u32 $0x380, s24;
	s23 =	sand.u32 $0xFFFF, s23;
	(pc) =	sbr.rel @!p0 .LBB2_14-.Ltmp12, $4  }
0xbc: {  	s22 =	sor.u32 s24, s22;
	s23 =	sshll.u32 s23, $0xC  }
0xbd: {  	s22 =	sadd.s32 $0xC00, s22;
	s23 =	sadd.s32 $0x1800, s23  }
0xbe: {  	[tilespmem:s23], [sflag:$0x2] =	stream.indirect.gather [hbm4b:s6+s19], $0x20, s22, s19, $0xb8;
	[tilespmem:$0x1F800] =	vst v63  }
0xbf: {  	_ = 	snop  }
.LBB2_16:
0xc0: {  	_ =	swait.ge [sflag:s18], $0x1000  }
0xc1: {  	[sflag:s18] =	ssyncset.done $0x0  }
0xc2: {  	[sflag:s18] =	ssyncadd.s32 $0xFFFFF000  }
0xc3: {  	_ =	swait.ge [sflag:s18], $0x1000  }
0xc4: {  	[sflag:s18] =	ssyncset.done $0x0  }
0xc5: {  	[sflag:s18] =	ssyncadd.s32 $0xFFFFF000  }
0xc6: {  	_ =	swait.ge [sflag:s18], $0x1000  }
0xc7: {  	[sflag:s18] =	ssyncset.done $0x0  }
0xc8: {  	[sflag:s18] =	ssyncadd.s32 $0xFFFFF000  }
0xc9: {  	_ =	swait.ge [sflag:s18], $0x1000  }
0xca: {  	[sflag:s18] =	ssyncset.done $0x0  }
0xcb: {  	[sflag:s18] =	ssyncadd.s32 $0xFFFFF000  }
0xcc: {  	_ =	swait.ge [sflag:s18], $0x1000  }
0xcd: {  	[sflag:s18] =	ssyncset.done $0x0  }
0xce: {  	s21 =	sshll.u32 s3, $0x6;
	[sflag:s18] =	ssyncadd.s32 $0xFFFFF000  }
0xcf: {  	s22 =	sshrl.u32 s7, $0x3;
	s21 =	sor.u32 $0x1C04, s21;
	[bflag:$0x0] =	sbarrier.arrive $0xFFFF  }
0xd0: {  	[hbm:s11], [sflag:s21] =	dma.local [spmem:s22], $0x3200  }
0xd1: {  	_ =	swait.ge [sflag:s15], $0x3200  }
0xd2: {  	[sflag:s15] =	ssyncset.done $0x0  }
0xd3: {  	s23 =	simm.s32 $0x80;
	s24 =	simm.s32 $0x0;
	[sflag:s15] =	ssyncadd.s32 $0xFFFFCE00  }
.LBB2_17:
0xd4: {  	p0 =	sne.s32 s23, $0x3F80;
	[tilespmem:s24+$0x1800] =	vst v2;
	s25 =	smov.u32 s23;
	s23 =	sadd.s32 $0x80, s23  }
.Ltmp13:
0xd5: {  	[tilespmem:s24+$0x1810] =	vst v2;
	(pc) =	sbr.rel @p0 .LBB2_17-.Ltmp13, $2  }
0xd6: {  	_ =	sdelay $0x2  }
0xd7: {  	s24 =	sshra.s32 s25, $0x2  }
0xd8: {  	[tilespmem:s24+$0x1800] =	vst v2  }
0xd9: {  	[tilespmem:s24+$0x1810] =	vst v2;
	s23 =	sadd.s32 $0x0, s7  }
0xda: {  	[spmem:s23] =	stream.linear.scatter [tilespmem:s14], [sflag:$0x4], $0x1000, $0x38;
	[tilespmem:$0x1F800] =	vst v63  }
0xdb: {  	s23 =	simm.s32 $0x4000;
	_ =	swait.ge [sflag:s15], $0x1000  }
.LBB2_19:
0xdc: {  	s24 =	sshra.s32 s23, $0x2;
	[sflag:s15] =	ssyncset.done $0x0;
	p0 =	sne.s32 s23, $0x60000  }
.Ltmp14:
0xdd: {  	s24 =	sadd.s32 s24, s7;
	[sflag:s15] =	ssyncadd.s32 $0xFFFFF000;
	(pc) =	sbr.rel @p0 .LBB2_19-.Ltmp14, $3  }
0xde: {  	[spmem:s24] =	stream.linear.scatter [tilespmem:s14], [sflag:$0x4], $0x1000, $0x38;
	[tilespmem:$0x1F800] =	vst v63  }
0xdf: {  	s23 =	sadd.s32 $0x4000, s23;
	_ =	sdelay $0x1  }
0xe0: {  	_ =	swait.ge [sflag:s15], $0x1000  }
0xe1: {  	[sflag:s15] =	ssyncset.done $0x0  }
.Ltmp15:
0xe2: {  	[sflag:s15] =	ssyncadd.s32 $0xFFFFF000;
	(pc) =	sbr.rel .LBB2_21-.Ltmp15, $4  }
0xe3: {  	s23 =	simm.s32 $0x0;
	[bflag:$0x0] =	sbarrier.arrive $0xFFFF  }
0xe4: {  	[tilespmem:s23], [sflag:$0x1] =	stream.linear.gather [hbm4b:s8+s23], $0x400, $0x38;
	[tilespmem:$0x1F800] =	vst v63  }
0xe5: {  	_ = 	snop  }
0xe6: {  	[tilespmem:s16], [sflag:$0x1] =	stream.linear.gather [hbm4b:s9+s23], $0x400, $0x38;
	[tilespmem:$0x1F800] =	vst v63  }
.LBB2_29:
0xe7: {  	s24 =	sadd.s32 $0xFFFFFFFD, s23  }
0xe8: {  	s25 =	sshrl.u32 s24, $0x3;
	s28 =	smulhi.u32 $0xCCCCCCCD, s24  }
0xe9: {  	s26 =	smulhi.u32 $0x55555556, s25;
	_ =	sdelay $0x1  }
0xea: {  	s28 =	sshrl.u32 s28, $0x2;
	s26 =	smul.u32 $0x3, s26  }
0xeb: {  	_ =	swait.ge [sflag:s20], $0x1000;
	s28 =	smul.u32 $0x5, s28  }
0xec: {  	[sflag:s20] =	ssyncset.done $0x0;
	s26 =	ssub.s32 s25, s26  }
0xed: {  	s28 =	ssub.s32 s24, s28;
	s25 =	sshll.u32 s25, $0xA;
	s24 =	sshll.u32 s24, $0x7  }
0xee: {  	s28 =	sshll.u32 s28, $0xC;
	s24 =	ssub.s32 s24, s25;
	s30 =	sshll.u32 s26, $0xA  }
0xef: {  	[sflag:s20] =	ssyncadd.s32 $0xFFFFF000;
	s31 =	sadd.s32 $0x1800, s28;
	s24 =	sadd.s32 s24, s30  }
0xf0: {  	[spmem:s1] =	stream.indirect.scatter.add.f32 [tilespmem:s31], [sflag:$0x3], $0x20, s24, s19, $0xb8;
	[tilespmem:$0x1F800] =	vst v63  }
.LBB2_30:
0xf1: {  	s23 =	sadd.s32 $0x1, s23  }
0xf2: {  	p0 =	sne.s32 s23, $0x193  }
.Ltmp16:
0xf3: {  	_ = 	snop;
	(pc) =	sbr.rel @!p0 .LBB2_31-.Ltmp16, $1  }
0xf4: {  	_ =	sdelay $0x3  }
.LBB2_21:
0xf5: {  	s25 =	sshrl.u32 s23, $0x3  }
0xf6: {  	s24 =	sand.u32 $0xFF, s25  }
0xf7: {  	s24 =	smul.u32 $0xAB, s24  }
0xf8: {  	p0 =	sgt.u32 s23, $0x18F;
	s26 =	sand.u32 $0x7, s23  }
0xf9: {  	p1 =	sne.s32 @!p0 s26, $0x0;
	s24 =	sshrl.u32 s24, $0x9  }
0xfa: {  	p1 =	por p0, p1;
	s24 =	smul.u32 $0x3, s24  }
.Ltmp17:
0xfb: {  	_ = 	snop;
	(pc) =	sbr.rel @p1 .LBB2_25-.Ltmp17, $4  }
0xfc: {  	_ = 	snop  }
0xfd: {  	s24 =	ssub.s32 s25, s24  }
0xfe: {  	s24 =	sand.u32 $0xFF, s24  }
0xff: {  	s24 =	sshll.u32 s24, $0xA  }
0x100: {  	s26 =	sadd.s32 $0xC40, s24;
	_ =	swait.ge [sflag:s17], $0x400  }
0x101: {  	[sflag:s17] =	ssyncset.done $0x0;
	v3 =	vmov s26  }
0x102: {  	[sflag:s17] =	ssyncadd.s32 $0xFFFFFC00  }
0x103: {  	_ =	swait.ge [sflag:s17], $0x400  }
0x104: {  	[sflag:s17] =	ssyncset.done $0x0  }
0x105: {  	s26 =	simm.s32 $0x0;
	[sflag:s17] =	ssyncadd.s32 $0xFFFFFC00  }
0x106: {  	v4 =	vld.idx.msk [tilespmem:v3+s26+$0xFFFFFFC0 ss:$0x1], $0xffff;
	_ =	sdelay $0x4  }
0x107: {  	v4 =	vadd.s32 v1, v4  }
0x108: {  	[tilespmem:v3+s26+$0xFFFFFFC0 ss:$0x1] =	vst.idx.msk $0xffff, v4  }
0x109: {  	v4 =	vld.idx.msk [tilespmem:v3+s26+$0xFFFFFFD0 ss:$0x1], $0xffff;
	_ =	sdelay $0x4  }
0x10a: {  	v4 =	vadd.s32 v1, v4  }
0x10b: {  	[tilespmem:v3+s26+$0xFFFFFFD0 ss:$0x1] =	vst.idx.msk $0xffff, v4  }
0x10c: {  	v4 =	vld.idx.msk [tilespmem:v3+s26+$0xFFFFFFE0 ss:$0x1], $0xffff;
	_ =	sdelay $0x4  }
0x10d: {  	v4 =	vadd.s32 v1, v4  }
0x10e: {  	[tilespmem:v3+s26+$0xFFFFFFE0 ss:$0x1] =	vst.idx.msk $0xffff, v4  }
0x10f: {  	v4 =	vld.idx.msk [tilespmem:v3+s26+$0xFFFFFFF0 ss:$0x1], $0xffff;
	_ =	sdelay $0x4  }
0x110: {  	v4 =	vadd.s32 v1, v4  }
0x111: {  	[tilespmem:v3+s26+$0xFFFFFFF0 ss:$0x1] =	vst.idx.msk $0xffff, v4  }
0x112: {  	v4 =	vld.idx.msk [tilespmem:v3+s26+$0x0 ss:$0x1], $0xffff;
	_ =	sdelay $0x4  }
0x113: {  	v4 =	vadd.s32 v1, v4  }
0x114: {  	[tilespmem:v3+s26+$0x0 ss:$0x1] =	vst.idx.msk $0xffff, v4  }
0x115: {  	v4 =	vld.idx.msk [tilespmem:v3+s26+$0x10 ss:$0x1], $0xffff;
	_ =	sdelay $0x4  }
0x116: {  	v4 =	vadd.s32 v1, v4  }
0x117: {  	[tilespmem:v3+s26+$0x10 ss:$0x1] =	vst.idx.msk $0xffff, v4  }
0x118: {  	v4 =	vld.idx.msk [tilespmem:v3+s26+$0x20 ss:$0x1], $0xffff;
	_ =	sdelay $0x4  }
0x119: {  	v4 =	vadd.s32 v1, v4  }
0x11a: {  	[tilespmem:v3+s26+$0x20 ss:$0x1] =	vst.idx.msk $0xffff, v4  }
0x11b: {  	v4 =	vld.idx.msk [tilespmem:v3+s26+$0x30 ss:$0x1], $0xffff;
	_ =	sdelay $0x4  }
0x11c: {  	s28 =	simm.s32 $0x200;
	s29 =	simm.s32 $0x400;
	v4 =	vadd.s32 v1, v4  }
.LBB2_23:
0x11d: {  	p1 =	sne.s32 s29, $0xE00  }
0x11e: {  	[tilespmem:v3+s26+$0x30 ss:$0x1] =	vst.idx.msk $0xffff, v4;
	s26 =	sshra.s32 s28, $0x2;
	s28 =	smov.u32 s29;
	s29 =	sadd.s32 $0x200, s29  }
0x11f: {  	v4 =	vld.idx.msk [tilespmem:v3+s26+$0xFFFFFFC0 ss:$0x1], $0xffff;
	_ =	sdelay $0x5  }
0x120: {  	v4 =	vadd.s32 v1, v4  }
0x121: {  	[tilespmem:v3+s26+$0xFFFFFFC0 ss:$0x1] =	vst.idx.msk $0xffff, v4  }
0x122: {  	v4 =	vld.idx.msk [tilespmem:v3+s26+$0xFFFFFFD0 ss:$0x1], $0xffff;
	_ =	sdelay $0x5  }
0x123: {  	v4 =	vadd.s32 v1, v4  }
0x124: {  	[tilespmem:v3+s26+$0xFFFFFFD0 ss:$0x1] =	vst.idx.msk $0xffff, v4  }
0x125: {  	v4 =	vld.idx.msk [tilespmem:v3+s26+$0xFFFFFFE0 ss:$0x1], $0xffff;
	_ =	sdelay $0x5  }
0x126: {  	v4 =	vadd.s32 v1, v4  }
0x127: {  	[tilespmem:v3+s26+$0xFFFFFFE0 ss:$0x1] =	vst.idx.msk $0xffff, v4  }
0x128: {  	v4 =	vld.idx.msk [tilespmem:v3+s26+$0xFFFFFFF0 ss:$0x1], $0xffff;
	_ =	sdelay $0x5  }
0x129: {  	v4 =	vadd.s32 v1, v4  }
0x12a: {  	[tilespmem:v3+s26+$0xFFFFFFF0 ss:$0x1] =	vst.idx.msk $0xffff, v4  }
0x12b: {  	v4 =	vld.idx.msk [tilespmem:v3+s26+$0x0 ss:$0x1], $0xffff;
	_ =	sdelay $0x5  }
0x12c: {  	v4 =	vadd.s32 v1, v4  }
0x12d: {  	[tilespmem:v3+s26+$0x0 ss:$0x1] =	vst.idx.msk $0xffff, v4  }
0x12e: {  	v4 =	vld.idx.msk [tilespmem:v3+s26+$0x10 ss:$0x1], $0xffff;
	_ =	sdelay $0x5  }
0x12f: {  	v4 =	vadd.s32 v1, v4  }
0x130: {  	[tilespmem:v3+s26+$0x10 ss:$0x1] =	vst.idx.msk $0xffff, v4  }
0x131: {  	v4 =	vld.idx.msk [tilespmem:v3+s26+$0x20 ss:$0x1], $0xffff;
	_ =	sdelay $0x5  }
0x132: {  	v4 =	vadd.s32 v1, v4  }
0x133: {  	[tilespmem:v3+s26+$0x20 ss:$0x1] =	vst.idx.msk $0xffff, v4  }
0x134: {  	v4 =	vld.idx.msk [tilespmem:v3+s26+$0x30 ss:$0x1], $0xffff;
	_ =	sdelay $0x1  }
.Ltmp18:
0x135: {  	(pc) =	sbr.rel @p1 .LBB2_23-.Ltmp18, $2  }
0x136: {  	_ =	sdelay $0x2  }
0x137: {  	v4 =	vadd.s32 v1, v4  }
0x138: {  	_ =	sdelay $0x3  }
0x139: {  	s28 =	sshra.s32 s28, $0x2;
	[tilespmem:v3+s26+$0x30 ss:$0x1] =	vst.idx.msk $0xffff, v4  }
0x13a: {  	v4 =	vld.idx.msk [tilespmem:v3+s28+$0xFFFFFFC0 ss:$0x1], $0xffff;
	_ =	sdelay $0x4  }
0x13b: {  	v4 =	vadd.s32 v1, v4  }
0x13c: {  	[tilespmem:v3+s28+$0xFFFFFFC0 ss:$0x1] =	vst.idx.msk $0xffff, v4  }
0x13d: {  	v4 =	vld.idx.msk [tilespmem:v3+s28+$0xFFFFFFD0 ss:$0x1], $0xffff;
	_ =	sdelay $0x4  }
0x13e: {  	v4 =	vadd.s32 v1, v4  }
0x13f: {  	[tilespmem:v3+s28+$0xFFFFFFD0 ss:$0x1] =	vst.idx.msk $0xffff, v4  }
0x140: {  	v4 =	vld.idx.msk [tilespmem:v3+s28+$0xFFFFFFE0 ss:$0x1], $0xffff;
	_ =	sdelay $0x4  }
0x141: {  	v4 =	vadd.s32 v1, v4  }
0x142: {  	[tilespmem:v3+s28+$0xFFFFFFE0 ss:$0x1] =	vst.idx.msk $0xffff, v4  }
0x143: {  	v4 =	vld.idx.msk [tilespmem:v3+s28+$0xFFFFFFF0 ss:$0x1], $0xffff;
	_ =	sdelay $0x4  }
0x144: {  	v4 =	vadd.s32 v1, v4  }
0x145: {  	[tilespmem:v3+s28+$0xFFFFFFF0 ss:$0x1] =	vst.idx.msk $0xffff, v4  }
0x146: {  	v4 =	vld.idx.msk [tilespmem:v3+s28+$0x0 ss:$0x1], $0xffff;
	_ =	sdelay $0x4  }
0x147: {  	v4 =	vadd.s32 v1, v4  }
0x148: {  	[tilespmem:v3+s28+$0x0 ss:$0x1] =	vst.idx.msk $0xffff, v4  }
0x149: {  	v4 =	vld.idx.msk [tilespmem:v3+s28+$0x10 ss:$0x1], $0xffff;
	_ =	sdelay $0x4  }
0x14a: {  	v4 =	vadd.s32 v1, v4  }
0x14b: {  	[tilespmem:v3+s28+$0x10 ss:$0x1] =	vst.idx.msk $0xffff, v4  }
0x14c: {  	v4 =	vld.idx.msk [tilespmem:v3+s28+$0x20 ss:$0x1], $0xffff;
	_ =	sdelay $0x4  }
0x14d: {  	v4 =	vadd.s32 v1, v4  }
0x14e: {  	p1 =	sgt.u32 s23, $0x187;
	[tilespmem:v3+s28+$0x20 ss:$0x1] =	vst.idx.msk $0xffff, v4  }
0x14f: {  	s26 =	sadd.s32 @!p1 $0x1, s25;
	v4 =	vld.idx.msk [tilespmem:v3+s28+$0x30 ss:$0x1], $0xffff  }
0x150: {  	s29 =	smulhi.u32 @!p1 $0x55555556, s26;
	_ =	sdelay $0x1  }
0x151: {  	s25 =	sadd.s32 @!p1 s10, s25;
	s29 =	smul.u32 @!p1 $0x3, s29  }
0x152: {  	s25 =	sshll.u32 @!p1 s25, $0x7  }
0x153: {  	s25 =	sadd.s32 @!p1 $0x80, s25;
	s26 =	ssub.s32 @!p1 s26, s29;
	v4 =	vadd.s32 v1, v4  }
0x154: {  	s29 =	simm.s32 @!p1 $0x0;
	s26 =	sshll.u32 @!p1 s26, $0xA;
	[tilespmem:v3+s28+$0x30 ss:$0x1] =	vst.idx.msk $0xffff, v4;
	s28 =	sadd.s32 @!p1 s4, s25  }
0x155: {  	[tilespmem:s26], [sflag:$0x1] =	stream.linear.gather @!p1 [hbm4b:s28+s29], $0x400, $0x38;
	[tilespmem:$0x1F800] =	vst v63  }
0x156: {  	s25 =	sadd.s32 @!p1 s5, s25;
	s26 =	sadd.s32 @!p1 $0xC00, s26  }
0x157: {  	[tilespmem:s26], [sflag:$0x1] =	stream.linear.gather @!p1 [hbm4b:s25+s29], $0x400, $0x38;
	[tilespmem:$0x1F800] =	vst v63  }
.LBB2_25:
0x158: {  	s25 =	sadd.s32 $0xFFFFFFFB, s23  }
0x159: {  	p1 =	sgt.u32 s25, $0x18A  }
.Ltmp19:
0x15a: {  	_ = 	snop;
	(pc) =	sbr.rel @p1 .LBB2_27-.Ltmp19, $1  }
0x15b: {  	_ =	sdelay $0x3  }
.Ltmp20:
0x15c: {  	(pc) =	sbr.rel .LBB2_28-.Ltmp20, $4  }
0x15d: {  	_ = 	snop  }
0x15e: {  	_ =	swait.ge [sflag:s18], $0x1000  }
0x15f: {  	[sflag:s18] =	ssyncset.done $0x0  }
0x160: {  	[sflag:s18] =	ssyncadd.s32 $0xFFFFF000  }
.LBB2_27:
.Ltmp21:
0x161: {  	(pc) =	sbr.rel @p0 .LBB2_29-.Ltmp21, $1  }
0x162: {  	_ =	sdelay $0x3  }
.LBB2_28:
0x163: {  	s25 =	smul.u32 $0xCCCD, s23;
	_ =	sdelay $0x1  }
0x164: {  	s25 =	sshrl.u32 s25, $0x12  }
0x165: {  	s25 =	smul.u32 $0x5, s25  }
0x166: {  	p0 =	slt.u32 s23, $0x3  }
.Ltmp22:
0x167: {  	s26 =	sshll.u32 s23, $0x7;
	s25 =	ssub.s32 s23, s25;
	(pc) =	sbr.rel @p0 .LBB2_30-.Ltmp22, $4  }
.Ltmp23:
0x168: {  	s26 =	sand.u32 $0x380, s26;
	s25 =	sand.u32 $0xFFFF, s25;
	(pc) =	sbr.rel @!p0 .LBB2_29-.Ltmp23, $4  }
0x169: {  	s24 =	sor.u32 s26, s24;
	s25 =	sshll.u32 s25, $0xC  }
0x16a: {  	s24 =	sadd.s32 $0xC00, s24;
	s25 =	sadd.s32 $0x1800, s25  }
0x16b: {  	[tilespmem:s25], [sflag:$0x2] =	stream.indirect.gather [hbm4b:s6+s19], $0x20, s24, s19, $0xb8;
	[tilespmem:$0x1F800] =	vst v63  }
0x16c: {  	_ = 	snop  }
.LBB2_32:
0x16d: {  	_ =	sfence.sel $0x180000  }
0x16e: {  	[bflag:$0x0] =	sbarrier.arrive $0xFFFF  }
0x16f: {  	p0 =	sne.s32 s3, $0x0;
	_ =	strace $0x9000004A  }
0x170: {  	s0 =	sadd.s32 @!p0 $0x100000, s0;
	[bflag:$0x2] =	sbarrier.arrive $0xFFFF  }
0x171: {  	[sflag:s0] =	ssyncadd.tile.s32 @!p0 $0x1;
	_ =	shalt  }
.Lfunc_end2:
_tile_overlayer_lowered:
.L_overlay_start_2:
0x172: {  	(tag) =	ssettag $0x2  }
0x173: {  	s0 =	rddreg [dreg:$0x0];
	s2 =	stileid.u32  }
0x174: {  	s1 =	rddreg [dreg:$0x1];
	p0 =	sne.s32 s2, $0x0  }
0x175: {  	s3 =	rddreg [dreg:$0x2];
	[bflag:$0x3] =	sbarrier.arrive $0xFFFF;
	s2 =	simm.s32 @!p0 $0x1C04  }
0x176: {  	[timem:s3], [sflag:s2] =	dma.local @!p0 [hbm:s0], s1  }
0x177: {  	s0 =	simm.s32 @!p0 $0x4  }
0x178: {  	_ =	swait.ge @!p0 [sflag:s0], s1  }
0x179: {  	s1 =	ssub.s32 @!p0 $0x0, s1;
	[sflag:s0] =	ssyncset.done @!p0 $0x0  }
0x17a: {  	[sflag:s0] =	ssyncadd.s32 @!p0 s1  }
0x17b: {  	[bflag:$0x3] =	sbarrier.arrive $0xFFFF  }
0x17c: {  	_ =	shalt  }

// kernel: kernel.14.cloned.1.call-start
scs
__scs_entry_jumppad:
0x0: {  	(pc) =	sbr.rel $0x88, $3  }
0x1: {  	(tag) =	ssettag $0x0;
	lr =	simm.s32 $0x1  }
0x2: {  	[smem:$0x3F9D] =	sst lr;
	_ =	strace $0xD0000000  }
0x3: {  	_ = 	snop  }
0x4: {  	_ = 	snop  }
0x5: {  	_ = 	snop  }
0x6: {  	_ = 	snop  }
0x7: {  	_ = 	snop  }
__scs_overlays_trampoline_lowered:
0x8: {  	[smem:$0x3FAC] =	sst s0  }
0x9: {  	[smem:$0x3FAD] =	sst s1  }
0xa: {  	[smem:$0x3FAE] =	sst s2  }
0xb: {  	[smem:$0x3FAF] =	sst s3  }
0xc: {  	[smem:$0x3FB0] =	sst s4  }
0xd: {  	[smem:$0x3FB1] =	sst s5  }
0xe: {  	[smem:$0x3FB2] =	sst s6  }
0xf: {  	[smem:$0x3FB3] =	sst s7  }
0x10: {  	[smem:$0x3FB4] =	sst s8  }
0x11: {  	[smem:$0x3FB5] =	sst s9;
	s0 =	simm.s32 @!p0 $0x0  }
0x12: {  	s1 =	sld [smem:$0x3F9B];
	s0 =	simm.s32 @p0 $0x1  }
0x13: {  	[smem:$0x3FB6] =	sst s0;
	s0 =	simm.s32 @!p1 $0x0  }
0x14: {  	s2 =	sld [smem:$0x3F9A];
	s0 =	simm.s32 @p1 $0x1  }
0x15: {  	[smem:$0x3FB7] =	sst s0;
	s0 =	simm.s32 @!p2 $0x0  }
0x16: {  	s3 =	sld [smem:$0x3FDB];
	s0 =	simm.s32 @p2 $0x1  }
0x17: {  	s4 =	simm.s32 $0x1BF5;
	[smem:$0x3FB9] =	sst s0  }
0x18: {  	s0 =	sld [smem:$0x3F9C];
	_ =	swait.ge [sflag:s4], $0x0  }
0x19: {  	s7 =	sld [smem:$0x3F9D]  }
0x1a: {  	s8 =	sadd.s32 $0xFFFFE003, lr  }
0x1b: {  	s9 =	sadd.s32 $0xFFFFFEF7, lr;
	s5 =	simm.s32 $0xFFFFFFFF;
	p2 =	slt.u32 s8, $0xFFFFF086  }
0x1c: {  	p1 =	slt.u32 s9, $0xF7A;
	s5 =	simm.s32 @!p2 $0x0  }
0x1d: {  	s5 =	simm.s32 @p1 $0x1;
	p0 =	seq.s32 s7, s2  }
0x1e: {  	s7 =	smul.u32 @!p0 $0xF7A, s2;
	p2 =	seq.s32 @!p0 s5, $0x0  }
0x1f: {  	s9 =	smul.u32 $0xF7A, s1;
	s8 =	simm.s32 @!p0 $0x1BF5;
	p2 =	por !p2, p0  }
0x20: {  	[sflag:s8] =	ssyncset.s32 @!p0 $0xFFFFF086;
	s6 =	sadd.s32 @!p0 s3, s7;
	s7 =	simm.s32 @!p0 $0x108  }
0x21: {  	s3 =	sadd.s32 s3, s9;
	s6 =	sadd.s32 @!p0 $0x88, s6;
	s7 =	simm.s32 @p2 $0x1082  }
0x22: {  	[simem:s7], [sflag:s8] =	dma.local @!p0 [hbm:s6], $0xF7A  }
0x23: {  	s9 =	sor.u32 $0xD0000000, s2;
	s6 =	simm.s32 $0x108;
	_ =	swait.ge @!p0 [sflag:s8], $0x0  }
0x24: {  	s3 =	sadd.s32 $0x88, s3;
	s6 =	simm.s32 @!p1 $0x1082;
	[sflag:s4] =	ssyncset.s32 $0xFFFFF086  }
0x25: {  	[simem:s6], [sflag:s4] =	dma.local [hbm:s3], $0xF7A  }
0x26: {  	[smem:$0x3F9D] =	sst s1;
	(tag) =	ssettag s2;
	_ =	strace s9  }
0x27: {  	s1 =	sld [smem:$0x3FAD]  }
0x28: {  	s2 =	sld [smem:$0x3FAE]  }
0x29: {  	s4 =	sld [smem:$0x3FB0]  }
0x2a: {  	p0 =	seq.s32 s5, $0x0;
	s5 =	sld [smem:$0x3FB1]  }
0x2b: {  	s6 =	sld [smem:$0x3FB2]  }
0x2c: {  	s7 =	sld [smem:$0x3FB3]  }
0x2d: {  	s3 =	simm.s32 $0x108;
	s8 =	sld [smem:$0x3FB4]  }
0x2e: {  	s3 =	simm.s32 @!p0 $0x1082;
	s9 =	sld [smem:$0x3FB5]  }
0x2f: {  	lr =	sadd.s32 s0, s3;
	s0 =	sld [smem:$0x3FAC]  }
0x30: {  	s3 =	sld [smem:$0x3FAF]  }
0x31: {  	[smem:$0x3FB8] =	sst s10  }
0x32: {  	s10 =	sld [smem:$0x3FB6];
	_ =	sdelay $0x3  }
0x33: {  	p0 =	seq.s32 s10, $0x1;
	s10 =	sld [smem:$0x3FB8];
	_ =	sdelay $0x3  }
0x34: {  	[smem:$0x3FB8] =	sst s10  }
0x35: {  	s10 =	sld [smem:$0x3FB7];
	_ =	sdelay $0x3  }
0x36: {  	p1 =	seq.s32 s10, $0x1;
	s10 =	sld [smem:$0x3FB8];
	_ =	sdelay $0x3  }
0x37: {  	[smem:$0x3FB8] =	sst s10  }
0x38: {  	s10 =	sld [smem:$0x3FB9]  }
0x39: {  	_ = 	snop;
	(pc) =	sbr.ind lr, $3  }
0x3a: {  	_ = 	snop  }
0x3b: {  	_ = 	snop  }
0x3c: {  	p2 =	seq.s32 s10, $0x1;
	s10 =	sld [smem:$0x3FB8]  }
0x3d: {  	_ =	shalt  }
0x3e: {  	_ =	shalt  }
0x3f: {  	_ =	shalt  }
0x40: {  	_ =	shalt  }
0x41: {  	_ =	shalt  }
0x42: {  	_ =	shalt  }
0x43: {  	_ =	shalt  }
0x44: {  	_ =	shalt  }
0x45: {  	_ =	shalt  }
0x46: {  	_ =	shalt  }
0x47: {  	_ =	shalt  }
0x48: {  	_ =	shalt  }
0x49: {  	_ =	shalt  }
0x4a: {  	_ =	shalt  }
0x4b: {  	_ =	shalt  }
0x4c: {  	_ =	shalt  }
0x4d: {  	_ =	shalt  }
0x4e: {  	_ =	shalt  }
0x4f: {  	_ =	shalt  }
0x50: {  	_ =	shalt  }
0x51: {  	_ =	shalt  }
0x52: {  	_ =	shalt  }
0x53: {  	_ =	shalt  }
0x54: {  	_ =	shalt  }
0x55: {  	_ =	shalt  }
0x56: {  	_ =	shalt  }
0x57: {  	_ =	shalt  }
0x58: {  	_ =	shalt  }
0x59: {  	_ =	shalt  }
0x5a: {  	_ =	shalt  }
0x5b: {  	_ =	shalt  }
0x5c: {  	_ =	shalt  }
0x5d: {  	_ =	shalt  }
0x5e: {  	_ =	shalt  }
0x5f: {  	_ =	shalt  }
0x60: {  	_ =	shalt  }
0x61: {  	_ =	shalt  }
0x62: {  	_ =	shalt  }
0x63: {  	_ =	shalt  }
0x64: {  	_ =	shalt  }
0x65: {  	_ =	shalt  }
0x66: {  	_ =	shalt  }
0x67: {  	_ =	shalt  }
0x68: {  	_ =	shalt  }
0x69: {  	_ =	shalt  }
0x6a: {  	_ =	shalt  }
0x6b: {  	_ =	shalt  }
0x6c: {  	_ =	shalt  }
0x6d: {  	_ =	shalt  }
0x6e: {  	_ =	shalt  }
0x6f: {  	_ =	shalt  }
0x70: {  	_ =	shalt  }
0x71: {  	_ =	shalt  }
0x72: {  	_ =	shalt  }
0x73: {  	_ =	shalt  }
0x74: {  	_ =	shalt  }
0x75: {  	_ =	shalt  }
0x76: {  	_ =	shalt  }
0x77: {  	_ =	shalt  }
0x78: {  	_ =	shalt  }
0x79: {  	_ =	shalt  }
0x7a: {  	_ =	shalt  }
0x7b: {  	_ =	shalt  }
0x7c: {  	_ =	shalt  }
0x7d: {  	_ =	shalt  }
0x7e: {  	_ =	shalt  }
0x7f: {  	_ =	shalt  }
0x80: {  	_ =	shalt  }
0x81: {  	_ =	shalt  }
0x82: {  	_ =	shalt  }
0x83: {  	_ =	shalt  }
0x84: {  	_ =	shalt  }
0x85: {  	_ =	shalt  }
0x86: {  	_ =	shalt  }
0x87: {  	_ =	shalt  }
.Lfunc_end0:
.L_simem_size_0:
called_computation.2_lowered:
.L_overlay_start_0:
0x88: {  	s2 =	sld [smem:$0x3FD9]  }
0x89: {  	s3 =	sld [smem:$0x3FFE];
	_ =	sdelay $0x1  }
0x8a: {  	s1 =	srdreg.scid  }
0x8b: {  	s0 =	sand.u32 $0x1, s1  }
0x8c: {  	s16 =	sshll.u32 s0, $0xA;
	s2 =	sadd.s32 s3, s2  }
0x8d: {  	s2 =	sadd.s32 s2, s16  }
0x8e: {  	[smem:$0x3FC4] =	sst s2  }
0x8f: {  	_ = 	snop  }
0x90: {  	(tm) =	ssettm $0x1  }
0x91: {  	s17 =	sld [smem:$0x3FFB];
	_ =	sdelay $0x3  }
0x92: {  	_ =	strace s17  }
0x93: {  	s2 =	sld [smem:$0x3FFC];
	_ =	sdelay $0x3  }
0x94: {  	_ =	strace s2  }
0x95: {  	s2 =	sld [smem:$0x3FFD];
	_ =	sdelay $0x3  }
0x96: {  	_ =	strace s2  }
0x97: {  	_ =	strace $0x8FFFFFFF  }
0x98: {  	s18 =	sld [smem:$0x3FDB];
	_ =	sdelay $0x1  }
0x99: {  	s19 =	simm.s32 $_scs_section_size  }
0x9a: {  	s4 =	simm.s32 $_size__tile_overlayer_lowered;
	s5 =	simm.s32 $_tile_overlayer_lowered  }
0x9b: {  	s22 =	simm.s32 $0x1BFF;
	s21 =	sshll.u32 s5, $0x1;
	s2 =	sadd.s32 s19, s18  }
0x9c: {  	s6 =	simm.s32 $0x0;
	s20 =	sshll.u32 s4, $0x1;
	s4 =	sadd.s32 s21, s2  }
0x9d: {  	[timem:s6], [sflag:s22] =	dma.local [hbm:s4], s20  }
0x9e: {  	_ =	swait.ge [sflag:s22], s20  }
0x9f: {  	s3 =	ssub.s32 $0x0, s20;
	[sflag:s22] =	ssyncset.done $0x0  }
0xa0: {  	[sflag:s22] =	ssyncadd.s32 s3;
	_ =	sdelay $0x1  }
0xa1: {  	s23 =	simm.s32 $0x1B8B  }
0xa2: {  	_ =	swait.ge [sflag:s23], $0x1  }
0xa3: {  	[sflag:s23] =	ssyncset.done $0x0  }
0xa4: {  	s25 =	simm.s32 $0x1B8E;
	s24 =	sld [smem:$0x3FFE];
	[sflag:s23] =	ssyncadd.s32 $0xFFFFFFFF  }
0xa5: {  	s26 =	simm.s32 $execute0_lowered;
	[smem:$0x3FD2] =	sst s25  }
0xa6: {  	s4 =	sshll.u32 s26, $0x1;
	_ =	strace $0x8000004C;
	[dreg:$0x1] =	wrdreg $0xFFFFFFFF  }
0xa7: {  	s28 =	simm.s32 $_size_execute0_lowered;
	s2 =	sadd.s32 s2, s4;
	[dreg:$0x0] =	wrdreg $0x0  }
0xa8: {  	s4 =	sshll.u32 s28, $0x1;
	[dreg:$0x2] =	wrdreg s2  }
0xa9: {  	[dreg:$0x3] =	wrdreg s4  }
0xaa: {  	[dreg:$0x4] =	wrdreg $0xC0  }
0xab: {  	_ =	task [dreg:s6], $0x5FFFF  }
0xac: {  	[dreg:$0x1] =	wrdreg $0xFFFFFFFF  }
0xad: {  	[dreg:$0x0] =	wrdreg $0x60  }
0xae: {  	[dreg:$0x2] =	wrdreg s24  }
0xaf: {  	[dreg:$0x3] =	wrdreg $0x68000  }
0xb0: {  	[dreg:$0x4] =	wrdreg $0x9  }
0xb1: {  	_ =	task.clear_ibuf [dreg:s6], $0x5FFFF;
	_ =	strace $0x9000004C  }
0xb2: {  	s29 =	simm.s32 $0x9;
	_ =	strace $0x8000004E  }
0xb3: {  	_ =	swait.ge [sflag:s29], $0x1  }
0xb4: {  	[sflag:s29] =	ssyncadd.s32 $0xFFFFFFFF  }
0xb5: {  	_ =	strace $0x9000004E  }
0xb6: {  	_ =	sfence  }
0xb7: {  	s30 =	sld [smem:$0x0];
	_ =	sdelay $0x2  }
0xb8: {  	s31 =	sshll.u32 s1, $0xD;
	s1 =	sshrl.u32 s1, $0x2  }
0xb9: {  	s3 =	sand.u32 $0x4000, s31;
	s1 =	sadd.s32 s1, s30  }
0xba: {  	s0 =	sor.u32 s3, s0;
	s1 =	sshll.u32 s1, $0x11  }
0xbb: {  	s0 =	sor.u32 s1, s0  }
0xbc: {  	s0 =	sadd.s32 $0x8F2B, s0  }
0xbd: {  	[sflag:s0] =	ssyncadd.remote.s32 $0x1  }
0xbe: {  	_ =	sfence.sel $0xFFFF  }
0xbf: {  	[dreg:$0x0] =	wrdreg $0xFFFFFFFF;
	(pc) =	sbr.abs _section_cstart, $3  }
0xc0: {  	[dreg:$0x1] =	wrdreg $0xFFFFFFFF  }
0xc1: {  	_ =	task.clear_ibuf [dreg:s6], $0x2FFFF;
	_ =	strace $0x9FFFFFFF  }
0xc2: {  	(tm) =	ssettm $0x7FFFFFFF  }
0xc3: {  	_ =	shalt  }
tec
execute0_lowered:
.L_overlay_start_1:
0x0: {  	(tag) =	ssettag $0x1  }
0x1: {  	s7 =	rddreg [dreg:$0x0]  }
0x2: {  	s1 =	rddreg [dreg:$0x1];
	s3 =	srdreg.scid  }
0x3: {  	s0 =	rddreg [dreg:$0x2];
	s8 =	sand.u32 $0x1, s3  }
0x4: {  	s2 =	simm.s32 $0x0;
	s3 =	stileid.u32;
	s18 =	smul.u32 $0x186A0, s8  }
0x5: {  	s20 =	simm.s32 $0x2;
	[smem:$0x7FF] =	sst s2;
	s9 =	smul.u32 $0x64000, s3  }
0x6: {  	s4 =	sadd.s32 $0x1DA00, s7;
	s6 =	sadd.s32 $0x7FEE00, s7;
	s11 =	smul.u32 $0x1900, s3  }
0x7: {  	s5 =	sadd.s32 $0x1800, s7;
	s12 =	sadd.s32 $0x8C2400, s7;
	s13 =	smul.u32 $0xC80, s3  }
0x8: {  	s10 =	ssub.s32 $0x2, s8;
	s14 =	smul.u32 $0x19640, s8;
	s15 =	sshllo.u32 s8, $0x1  }
0x9: {  	_ =	strace $0x8000004D;
	s30 =	sshrl.u32 s10, $0x1;
	s17 =	smul.u32 $0xCB20, s15  }
0xa: {  	s19 =	smul.u32 $0xC350, s15;
	s15 =	simm.s32 $0x4;
	s9 =	sshrl.u32 s9, $0x2  }
0xb: {  	s16 =	ssub.s32 s10, s30;
	s8 =	sadd.s32 s4, s11;
	s10 =	smul.u32 $0x32, s3  }
.Ltmp0:
0xc: {  	s31 =	sadd.s32 s13, s14;
	s14 =	simm.s32 $0x1800;
	(pc) =	sbr.rel .LBB2_1-.Ltmp0, $4  }
0xd: {  	v0 =	vmov s18;
	s18 =	simm.s32 $0x3;
	s7 =	sadd.s32 s9, s1;
	s9 =	sadd.s32 s5, s11  }
0xe: {  	s11 =	sshll.u32 s31, $0x2;
	s13 =	sadd.s32 s13, s17;
	s17 =	simm.s32 $0x1  }
0xf: {  	v1 =	vmov s19;
	s19 =	simm.s32 $0x80;
	s11 =	sadd.s32 s12, s11;
	s13 =	sshll.u32 s13, $0x2  }
0x10: {  	v2 =	vimm.f32 $0.0e+00;
	s12 =	sadd.s32 s12, s13;
	s13 =	smax.u32 s16, $0x1;
	s16 =	simm.s32 $0xC00  }
.LBB2_31:
0x11: {  	_ =	swait.ge [sflag:s18], $0x1000  }
0x12: {  	[sflag:s18] =	ssyncset.done $0x0  }
0x13: {  	[sflag:s18] =	ssyncadd.s32 $0xFFFFF000  }
0x14: {  	_ =	swait.ge [sflag:s18], $0x1000  }
0x15: {  	[sflag:s18] =	ssyncset.done $0x0  }
0x16: {  	[sflag:s18] =	ssyncadd.s32 $0xFFFFF000  }
0x17: {  	_ =	swait.ge [sflag:s18], $0x1000  }
0x18: {  	[sflag:s18] =	ssyncset.done $0x0  }
0x19: {  	[sflag:s18] =	ssyncadd.s32 $0xFFFFF000  }
0x1a: {  	_ =	swait.ge [sflag:s18], $0x1000  }
0x1b: {  	[sflag:s18] =	ssyncset.done $0x0  }
0x1c: {  	[sflag:s18] =	ssyncadd.s32 $0xFFFFF000  }
0x1d: {  	_ =	swait.ge [sflag:s18], $0x1000  }
0x1e: {  	s2 =	sadd.s32 $0x1, s2;
	[sflag:s18] =	ssyncset.done $0x0  }
0x1f: {  	p0 =	sne.s32 s2, s13;
	[sflag:s18] =	ssyncadd.s32 $0xFFFFF000  }
.Ltmp1:
0x20: {  	[bflag:$0x0] =	sbarrier.arrive $0xFFFF;
	(pc) =	sbr.rel @!p0 .LBB2_32-.Ltmp1, $4  }
0x21: {  	[hbm:s12], [sflag:s21] =	dma.local [spmem:s22], $0x3200  }
0x22: {  	_ =	swait.ge [sflag:s15], $0x3200  }
0x23: {  	[sflag:s15] =	ssyncset.done $0x0  }
0x24: {  	[sflag:s15] =	ssyncadd.s32 $0xFFFFCE00  }
.LBB2_1:
0x25: {  	s21 =	simm.s32 $0x0  }
.LBB2_2:
0x26: {  	p0 =	sne.s32 s21, $0x3F80  }
.Ltmp2:
0x27: {  	_ = 	snop;
	(pc) =	sbr.rel @p0 .LBB2_2-.Ltmp2, $4  }
0x28: {  	_ = 	snop  }
0x29: {  	s22 =	sshra.s32 s21, $0x2  }
0x2a: {  	[tilespmem:s22+$0x1800] =	vst v2  }
0x2b: {  	s21 =	sadd.s32 $0x80, s21;
	[tilespmem:s22+$0x1810] =	vst v2  }
0x2c: {  	s21 =	sadd.s32 $0x0, s7  }
0x2d: {  	[spmem:s21] =	stream.linear.scatter [tilespmem:s14], [sflag:$0x4], $0x1000, $0x38;
	[tilespmem:$0x1F800] =	vst v63  }
0x2e: {  	s21 =	simm.s32 $0x4000;
	_ =	swait.ge [sflag:s15], $0x1000  }
.LBB2_4:
0x2f: {  	s22 =	sshra.s32 s21, $0x2;
	[sflag:s15] =	ssyncset.done $0x0;
	p0 =	sne.s32 s21, $0x60000  }
.Ltmp3:
0x30: {  	s22 =	sadd.s32 s22, s7;
	[sflag:s15] =	ssyncadd.s32 $0xFFFFF000;
	(pc) =	sbr.rel @p0 .LBB2_4-.Ltmp3, $3  }
0x31: {  	[spmem:s22] =	stream.linear.scatter [tilespmem:s14], [sflag:$0x4], $0x1000, $0x38;
	[tilespmem:$0x1F800] =	vst v63  }
0x32: {  	s21 =	sadd.s32 $0x4000, s21;
	_ =	sdelay $0x1  }
0x33: {  	_ =	swait.ge [sflag:s15], $0x1000  }
0x34: {  	[sflag:s15] =	ssyncset.done $0x0  }
.Ltmp4:
0x35: {  	[sflag:s15] =	ssyncadd.s32 $0xFFFFF000;
	(pc) =	sbr.rel .LBB2_6-.Ltmp4, $4  }
0x36: {  	s21 =	simm.s32 $0x0;
	[bflag:$0x0] =	sbarrier.arrive $0xFFFF  }
0x37: {  	[tilespmem:s21], [sflag:$0x1] =	stream.linear.gather [hbm4b:s8+s21], $0x400, $0x38;
	[tilespmem:$0x1F800] =	vst v63  }
0x38: {  	_ = 	snop  }
0x39: {  	[tilespmem:s16], [sflag:$0x1] =	stream.linear.gather [hbm4b:s9+s21], $0x400, $0x38;
	[tilespmem:$0x1F800] =	vst v63  }
.LBB2_14:
0x3a: {  	s22 =	sadd.s32 $0xFFFFFFFD, s21  }
0x3b: {  	s23 =	sshrl.u32 s22, $0x3;
	s25 =	smulhi.u32 $0xCCCCCCCD, s22  }
0x3c: {  	s24 =	smulhi.u32 $0x55555556, s23;
	_ =	sdelay $0x1  }
0x3d: {  	s25 =	sshrl.u32 s25, $0x2;
	s24 =	smul.u32 $0x3, s24  }
0x3e: {  	_ =	swait.ge [sflag:s20], $0x1000;
	s25 =	smul.u32 $0x5, s25  }
0x3f: {  	[sflag:s20] =	ssyncset.done $0x0;
	s24 =	ssub.s32 s23, s24  }
0x40: {  	s25 =	ssub.s32 s22, s25;
	s23 =	sshll.u32 s23, $0xA;
	s22 =	sshll.u32 s22, $0x7  }
0x41: {  	s25 =	sshll.u32 s25, $0xC;
	s22 =	ssub.s32 s22, s23;
	s30 =	sshll.u32 s24, $0xA  }
0x42: {  	[sflag:s20] =	ssyncadd.s32 $0xFFFFF000;
	s31 =	sadd.s32 $0x1800, s25;
	s22 =	sadd.s32 s22, s30  }
0x43: {  	[spmem:s1] =	stream.indirect.scatter.add.f32 [tilespmem:s31], [sflag:$0x3], $0x20, s22, s19, $0xb8;
	[tilespmem:$0x1F800] =	vst v63  }
.LBB2_15:
0x44: {  	s21 =	sadd.s32 $0x1, s21  }
0x45: {  	p0 =	sne.s32 s21, $0x193  }
.Ltmp5:
0x46: {  	_ = 	snop;
	(pc) =	sbr.rel @!p0 .LBB2_16-.Ltmp5, $1  }
0x47: {  	_ =	sdelay $0x3  }
.LBB2_6:
0x48: {  	s23 =	sshrl.u32 s21, $0x3  }
0x49: {  	s22 =	sand.u32 $0xFF, s23  }
0x4a: {  	s22 =	smul.u32 $0xAB, s22  }
0x4b: {  	p0 =	sgt.u32 s21, $0x18F;
	s24 =	sand.u32 $0x7, s21  }
0x4c: {  	p1 =	sne.s32 @!p0 s24, $0x0;
	s22 =	sshrl.u32 s22, $0x9  }
0x4d: {  	p1 =	por p0, p1;
	s22 =	smul.u32 $0x3, s22  }
.Ltmp6:
0x4e: {  	_ = 	snop;
	(pc) =	sbr.rel @p1 .LBB2_10-.Ltmp6, $4  }
0x4f: {  	_ = 	snop  }
0x50: {  	s22 =	ssub.s32 s23, s22  }
0x51: {  	s22 =	sand.u32 $0xFF, s22  }
0x52: {  	s22 =	sshll.u32 s22, $0xA  }
0x53: {  	s24 =	sadd.s32 $0xC40, s22;
	_ =	swait.ge [sflag:s17], $0x400  }
0x54: {  	[sflag:s17] =	ssyncset.done $0x0;
	v3 =	vmov s24  }
0x55: {  	[sflag:s17] =	ssyncadd.s32 $0xFFFFFC00  }
0x56: {  	_ =	swait.ge [sflag:s17], $0x400  }
0x57: {  	[sflag:s17] =	ssyncset.done $0x0  }
0x58: {  	s24 =	simm.s32 $0x0;
	[sflag:s17] =	ssyncadd.s32 $0xFFFFFC00  }
0x59: {  	v4 =	vld.idx.msk [tilespmem:v3+s24+$0xFFFFFFC0 ss:$0x1], $0xffff;
	_ =	sdelay $0x4  }
0x5a: {  	v4 =	vadd.s32 v0, v4  }
0x5b: {  	[tilespmem:v3+s24+$0xFFFFFFC0 ss:$0x1] =	vst.idx.msk $0xffff, v4  }
0x5c: {  	v4 =	vld.idx.msk [tilespmem:v3+s24+$0xFFFFFFD0 ss:$0x1], $0xffff;
	_ =	sdelay $0x4  }
0x5d: {  	v4 =	vadd.s32 v0, v4  }
0x5e: {  	[tilespmem:v3+s24+$0xFFFFFFD0 ss:$0x1] =	vst.idx.msk $0xffff, v4  }
0x5f: {  	v4 =	vld.idx.msk [tilespmem:v3+s24+$0xFFFFFFE0 ss:$0x1], $0xffff;
	_ =	sdelay $0x4  }
0x60: {  	v4 =	vadd.s32 v0, v4  }
0x61: {  	[tilespmem:v3+s24+$0xFFFFFFE0 ss:$0x1] =	vst.idx.msk $0xffff, v4  }
0x62: {  	v4 =	vld.idx.msk [tilespmem:v3+s24+$0xFFFFFFF0 ss:$0x1], $0xffff;
	_ =	sdelay $0x4  }
0x63: {  	v4 =	vadd.s32 v0, v4  }
0x64: {  	[tilespmem:v3+s24+$0xFFFFFFF0 ss:$0x1] =	vst.idx.msk $0xffff, v4  }
0x65: {  	v4 =	vld.idx.msk [tilespmem:v3+s24+$0x0 ss:$0x1], $0xffff;
	_ =	sdelay $0x4  }
0x66: {  	v4 =	vadd.s32 v0, v4  }
0x67: {  	[tilespmem:v3+s24+$0x0 ss:$0x1] =	vst.idx.msk $0xffff, v4  }
0x68: {  	v4 =	vld.idx.msk [tilespmem:v3+s24+$0x10 ss:$0x1], $0xffff;
	_ =	sdelay $0x4  }
0x69: {  	v4 =	vadd.s32 v0, v4  }
0x6a: {  	[tilespmem:v3+s24+$0x10 ss:$0x1] =	vst.idx.msk $0xffff, v4  }
0x6b: {  	v4 =	vld.idx.msk [tilespmem:v3+s24+$0x20 ss:$0x1], $0xffff;
	_ =	sdelay $0x4  }
0x6c: {  	v4 =	vadd.s32 v0, v4  }
0x6d: {  	[tilespmem:v3+s24+$0x20 ss:$0x1] =	vst.idx.msk $0xffff, v4  }
0x6e: {  	v4 =	vld.idx.msk [tilespmem:v3+s24+$0x30 ss:$0x1], $0xffff;
	_ =	sdelay $0x4  }
0x6f: {  	s25 =	simm.s32 $0x200;
	s26 =	simm.s32 $0x400;
	v4 =	vadd.s32 v0, v4  }
.LBB2_8:
0x70: {  	p1 =	sne.s32 s26, $0xE00  }
0x71: {  	[tilespmem:v3+s24+$0x30 ss:$0x1] =	vst.idx.msk $0xffff, v4;
	s24 =	sshra.s32 s25, $0x2;
	s25 =	smov.u32 s26;
	s26 =	sadd.s32 $0x200, s26  }
0x72: {  	v4 =	vld.idx.msk [tilespmem:v3+s24+$0xFFFFFFC0 ss:$0x1], $0xffff;
	_ =	sdelay $0x5  }
0x73: {  	v4 =	vadd.s32 v0, v4  }
0x74: {  	[tilespmem:v3+s24+$0xFFFFFFC0 ss:$0x1] =	vst.idx.msk $0xffff, v4  }
0x75: {  	v4 =	vld.idx.msk [tilespmem:v3+s24+$0xFFFFFFD0 ss:$0x1], $0xffff;
	_ =	sdelay $0x5  }
0x76: {  	v4 =	vadd.s32 v0, v4  }
0x77: {  	[tilespmem:v3+s24+$0xFFFFFFD0 ss:$0x1] =	vst.idx.msk $0xffff, v4  }
0x78: {  	v4 =	vld.idx.msk [tilespmem:v3+s24+$0xFFFFFFE0 ss:$0x1], $0xffff;
	_ =	sdelay $0x5  }
0x79: {  	v4 =	vadd.s32 v0, v4  }
0x7a: {  	[tilespmem:v3+s24+$0xFFFFFFE0 ss:$0x1] =	vst.idx.msk $0xffff, v4  }
0x7b: {  	v4 =	vld.idx.msk [tilespmem:v3+s24+$0xFFFFFFF0 ss:$0x1], $0xffff;
	_ =	sdelay $0x5  }
0x7c: {  	v4 =	vadd.s32 v0, v4  }
0x7d: {  	[tilespmem:v3+s24+$0xFFFFFFF0 ss:$0x1] =	vst.idx.msk $0xffff, v4  }
0x7e: {  	v4 =	vld.idx.msk [tilespmem:v3+s24+$0x0 ss:$0x1], $0xffff;
	_ =	sdelay $0x5  }
0x7f: {  	v4 =	vadd.s32 v0, v4  }
0x80: {  	[tilespmem:v3+s24+$0x0 ss:$0x1] =	vst.idx.msk $0xffff, v4  }
0x81: {  	v4 =	vld.idx.msk [tilespmem:v3+s24+$0x10 ss:$0x1], $0xffff;
	_ =	sdelay $0x5  }
0x82: {  	v4 =	vadd.s32 v0, v4  }
0x83: {  	[tilespmem:v3+s24+$0x10 ss:$0x1] =	vst.idx.msk $0xffff, v4  }
0x84: {  	v4 =	vld.idx.msk [tilespmem:v3+s24+$0x20 ss:$0x1], $0xffff;
	_ =	sdelay $0x5  }
0x85: {  	v4 =	vadd.s32 v0, v4  }
0x86: {  	[tilespmem:v3+s24+$0x20 ss:$0x1] =	vst.idx.msk $0xffff, v4  }
0x87: {  	v4 =	vld.idx.msk [tilespmem:v3+s24+$0x30 ss:$0x1], $0xffff;
	_ =	sdelay $0x1  }
.Ltmp7:
0x88: {  	(pc) =	sbr.rel @p1 .LBB2_8-.Ltmp7, $2  }
0x89: {  	_ =	sdelay $0x2  }
0x8a: {  	v4 =	vadd.s32 v0, v4  }
0x8b: {  	_ =	sdelay $0x3  }
0x8c: {  	s25 =	sshra.s32 s25, $0x2;
	[tilespmem:v3+s24+$0x30 ss:$0x1] =	vst.idx.msk $0xffff, v4  }
0x8d: {  	v4 =	vld.idx.msk [tilespmem:v3+s25+$0xFFFFFFC0 ss:$0x1], $0xffff;
	_ =	sdelay $0x4  }
0x8e: {  	v4 =	vadd.s32 v0, v4  }
0x8f: {  	[tilespmem:v3+s25+$0xFFFFFFC0 ss:$0x1] =	vst.idx.msk $0xffff, v4  }
0x90: {  	v4 =	vld.idx.msk [tilespmem:v3+s25+$0xFFFFFFD0 ss:$0x1], $0xffff;
	_ =	sdelay $0x4  }
0x91: {  	v4 =	vadd.s32 v0, v4  }
0x92: {  	[tilespmem:v3+s25+$0xFFFFFFD0 ss:$0x1] =	vst.idx.msk $0xffff, v4  }
0x93: {  	v4 =	vld.idx.msk [tilespmem:v3+s25+$0xFFFFFFE0 ss:$0x1], $0xffff;
	_ =	sdelay $0x4  }
0x94: {  	v4 =	vadd.s32 v0, v4  }
0x95: {  	[tilespmem:v3+s25+$0xFFFFFFE0 ss:$0x1] =	vst.idx.msk $0xffff, v4  }
0x96: {  	v4 =	vld.idx.msk [tilespmem:v3+s25+$0xFFFFFFF0 ss:$0x1], $0xffff;
	_ =	sdelay $0x4  }
0x97: {  	v4 =	vadd.s32 v0, v4  }
0x98: {  	[tilespmem:v3+s25+$0xFFFFFFF0 ss:$0x1] =	vst.idx.msk $0xffff, v4  }
0x99: {  	v4 =	vld.idx.msk [tilespmem:v3+s25+$0x0 ss:$0x1], $0xffff;
	_ =	sdelay $0x4  }
0x9a: {  	v4 =	vadd.s32 v0, v4  }
0x9b: {  	[tilespmem:v3+s25+$0x0 ss:$0x1] =	vst.idx.msk $0xffff, v4  }
0x9c: {  	v4 =	vld.idx.msk [tilespmem:v3+s25+$0x10 ss:$0x1], $0xffff;
	_ =	sdelay $0x4  }
0x9d: {  	v4 =	vadd.s32 v0, v4  }
0x9e: {  	[tilespmem:v3+s25+$0x10 ss:$0x1] =	vst.idx.msk $0xffff, v4  }
0x9f: {  	v4 =	vld.idx.msk [tilespmem:v3+s25+$0x20 ss:$0x1], $0xffff;
	_ =	sdelay $0x4  }
0xa0: {  	v4 =	vadd.s32 v0, v4  }
0xa1: {  	p1 =	sgt.u32 s21, $0x187;
	[tilespmem:v3+s25+$0x20 ss:$0x1] =	vst.idx.msk $0xffff, v4  }
0xa2: {  	s24 =	sadd.s32 @!p1 $0x1, s23;
	v4 =	vld.idx.msk [tilespmem:v3+s25+$0x30 ss:$0x1], $0xffff  }
0xa3: {  	s26 =	smulhi.u32 @!p1 $0x55555556, s24;
	_ =	sdelay $0x1  }
0xa4: {  	s23 =	sadd.s32 @!p1 s10, s23;
	s26 =	smul.u32 @!p1 $0x3, s26  }
0xa5: {  	s23 =	sshll.u32 @!p1 s23, $0x7  }
0xa6: {  	s23 =	sadd.s32 @!p1 $0x80, s23;
	s24 =	ssub.s32 @!p1 s24, s26;
	v4 =	vadd.s32 v0, v4  }
0xa7: {  	s26 =	simm.s32 @!p1 $0x0;
	s24 =	sshll.u32 @!p1 s24, $0xA;
	[tilespmem:v3+s25+$0x30 ss:$0x1] =	vst.idx.msk $0xffff, v4;
	s25 =	sadd.s32 @!p1 s4, s23  }
0xa8: {  	[tilespmem:s24], [sflag:$0x1] =	stream.linear.gather @!p1 [hbm4b:s25+s26], $0x400, $0x38;
	[tilespmem:$0x1F800] =	vst v63  }
0xa9: {  	s23 =	sadd.s32 @!p1 s5, s23;
	s24 =	sadd.s32 @!p1 $0xC00, s24  }
0xaa: {  	[tilespmem:s24], [sflag:$0x1] =	stream.linear.gather @!p1 [hbm4b:s23+s26], $0x400, $0x38;
	[tilespmem:$0x1F800] =	vst v63  }
.LBB2_10:
0xab: {  	s23 =	sadd.s32 $0xFFFFFFFB, s21  }
0xac: {  	p1 =	sgt.u32 s23, $0x18A  }
.Ltmp8:
0xad: {  	_ = 	snop;
	(pc) =	sbr.rel @p1 .LBB2_12-.Ltmp8, $1  }
0xae: {  	_ =	sdelay $0x3  }
.Ltmp9:
0xaf: {  	(pc) =	sbr.rel .LBB2_13-.Ltmp9, $4  }
0xb0: {  	_ = 	snop  }
0xb1: {  	_ =	swait.ge [sflag:s18], $0x1000  }
0xb2: {  	[sflag:s18] =	ssyncset.done $0x0  }
0xb3: {  	[sflag:s18] =	ssyncadd.s32 $0xFFFFF000  }
.LBB2_12:
.Ltmp10:
0xb4: {  	(pc) =	sbr.rel @p0 .LBB2_14-.Ltmp10, $1  }
0xb5: {  	_ =	sdelay $0x3  }
.LBB2_13:
0xb6: {  	s23 =	smul.u32 $0xCCCD, s21;
	_ =	sdelay $0x1  }
0xb7: {  	s23 =	sshrl.u32 s23, $0x12  }
0xb8: {  	s23 =	smul.u32 $0x5, s23  }
0xb9: {  	p0 =	slt.u32 s21, $0x3  }
.Ltmp11:
0xba: {  	s24 =	sshll.u32 s21, $0x7;
	s23 =	ssub.s32 s21, s23;
	(pc) =	sbr.rel @p0 .LBB2_15-.Ltmp11, $4  }
.Ltmp12:
0xbb: {  	s24 =	sand.u32 $0x380, s24;
	s23 =	sand.u32 $0xFFFF, s23;
	(pc) =	sbr.rel @!p0 .LBB2_14-.Ltmp12, $4  }
0xbc: {  	s22 =	sor.u32 s24, s22;
	s23 =	sshll.u32 s23, $0xC  }
0xbd: {  	s22 =	sadd.s32 $0xC00, s22;
	s23 =	sadd.s32 $0x1800, s23  }
0xbe: {  	[tilespmem:s23], [sflag:$0x2] =	stream.indirect.gather [hbm4b:s6+s19], $0x20, s22, s19, $0xb8;
	[tilespmem:$0x1F800] =	vst v63  }
0xbf: {  	_ = 	snop  }
.LBB2_16:
0xc0: {  	_ =	swait.ge [sflag:s18], $0x1000  }
0xc1: {  	[sflag:s18] =	ssyncset.done $0x0  }
0xc2: {  	[sflag:s18] =	ssyncadd.s32 $0xFFFFF000  }
0xc3: {  	_ =	swait.ge [sflag:s18], $0x1000  }
0xc4: {  	[sflag:s18] =	ssyncset.done $0x0  }
0xc5: {  	[sflag:s18] =	ssyncadd.s32 $0xFFFFF000  }
0xc6: {  	_ =	swait.ge [sflag:s18], $0x1000  }
0xc7: {  	[sflag:s18] =	ssyncset.done $0x0  }
0xc8: {  	[sflag:s18] =	ssyncadd.s32 $0xFFFFF000  }
0xc9: {  	_ =	swait.ge [sflag:s18], $0x1000  }
0xca: {  	[sflag:s18] =	ssyncset.done $0x0  }
0xcb: {  	[sflag:s18] =	ssyncadd.s32 $0xFFFFF000  }
0xcc: {  	_ =	swait.ge [sflag:s18], $0x1000  }
0xcd: {  	[sflag:s18] =	ssyncset.done $0x0  }
0xce: {  	s21 =	sshll.u32 s3, $0x6;
	[sflag:s18] =	ssyncadd.s32 $0xFFFFF000  }
0xcf: {  	s22 =	sshrl.u32 s7, $0x3;
	s21 =	sor.u32 $0x1C04, s21;
	[bflag:$0x0] =	sbarrier.arrive $0xFFFF  }
0xd0: {  	[hbm:s11], [sflag:s21] =	dma.local [spmem:s22], $0x3200  }
0xd1: {  	_ =	swait.ge [sflag:s15], $0x3200  }
0xd2: {  	[sflag:s15] =	ssyncset.done $0x0  }
0xd3: {  	s23 =	simm.s32 $0x80;
	s24 =	simm.s32 $0x0;
	[sflag:s15] =	ssyncadd.s32 $0xFFFFCE00  }
.LBB2_17:
0xd4: {  	p0 =	sne.s32 s23, $0x3F80;
	[tilespmem:s24+$0x1800] =	vst v2;
	s25 =	smov.u32 s23;
	s23 =	sadd.s32 $0x80, s23  }
.Ltmp13:
0xd5: {  	[tilespmem:s24+$0x1810] =	vst v2;
	(pc) =	sbr.rel @p0 .LBB2_17-.Ltmp13, $2  }
0xd6: {  	_ =	sdelay $0x2  }
0xd7: {  	s24 =	sshra.s32 s25, $0x2  }
0xd8: {  	[tilespmem:s24+$0x1800] =	vst v2  }
0xd9: {  	[tilespmem:s24+$0x1810] =	vst v2;
	s23 =	sadd.s32 $0x0, s7  }
0xda: {  	[spmem:s23] =	stream.linear.scatter [tilespmem:s14], [sflag:$0x4], $0x1000, $0x38;
	[tilespmem:$0x1F800] =	vst v63  }
0xdb: {  	s23 =	simm.s32 $0x4000;
	_ =	swait.ge [sflag:s15], $0x1000  }
.LBB2_19:
0xdc: {  	s24 =	sshra.s32 s23, $0x2;
	[sflag:s15] =	ssyncset.done $0x0;
	p0 =	sne.s32 s23, $0x60000  }
.Ltmp14:
0xdd: {  	s24 =	sadd.s32 s24, s7;
	[sflag:s15] =	ssyncadd.s32 $0xFFFFF000;
	(pc) =	sbr.rel @p0 .LBB2_19-.Ltmp14, $3  }
0xde: {  	[spmem:s24] =	stream.linear.scatter [tilespmem:s14], [sflag:$0x4], $0x1000, $0x38;
	[tilespmem:$0x1F800] =	vst v63  }
0xdf: {  	s23 =	sadd.s32 $0x4000, s23;
	_ =	sdelay $0x1  }
0xe0: {  	_ =	swait.ge [sflag:s15], $0x1000  }
0xe1: {  	[sflag:s15] =	ssyncset.done $0x0  }
.Ltmp15:
0xe2: {  	[sflag:s15] =	ssyncadd.s32 $0xFFFFF000;
	(pc) =	sbr.rel .LBB2_21-.Ltmp15, $4  }
0xe3: {  	s23 =	simm.s32 $0x0;
	[bflag:$0x0] =	sbarrier.arrive $0xFFFF  }
0xe4: {  	[tilespmem:s23], [sflag:$0x1] =	stream.linear.gather [hbm4b:s8+s23], $0x400, $0x38;
	[tilespmem:$0x1F800] =	vst v63  }
0xe5: {  	_ = 	snop  }
0xe6: {  	[tilespmem:s16], [sflag:$0x1] =	stream.linear.gather [hbm4b:s9+s23], $0x400, $0x38;
	[tilespmem:$0x1F800] =	vst v63  }
.LBB2_29:
0xe7: {  	s24 =	sadd.s32 $0xFFFFFFFD, s23  }
0xe8: {  	s25 =	sshrl.u32 s24, $0x3;
	s28 =	smulhi.u32 $0xCCCCCCCD, s24  }
0xe9: {  	s26 =	smulhi.u32 $0x55555556, s25;
	_ =	sdelay $0x1  }
0xea: {  	s28 =	sshrl.u32 s28, $0x2;
	s26 =	smul.u32 $0x3, s26  }
0xeb: {  	_ =	swait.ge [sflag:s20], $0x1000;
	s28 =	smul.u32 $0x5, s28  }
0xec: {  	[sflag:s20] =	ssyncset.done $0x0;
	s26 =	ssub.s32 s25, s26  }
0xed: {  	s28 =	ssub.s32 s24, s28;
	s25 =	sshll.u32 s25, $0xA;
	s24 =	sshll.u32 s24, $0x7  }
0xee: {  	s28 =	sshll.u32 s28, $0xC;
	s24 =	ssub.s32 s24, s25;
	s30 =	sshll.u32 s26, $0xA  }
0xef: {  	[sflag:s20] =	ssyncadd.s32 $0xFFFFF000;
	s31 =	sadd.s32 $0x1800, s28;
	s24 =	sadd.s32 s24, s30  }
0xf0: {  	[spmem:s1] =	stream.indirect.scatter.add.f32 [tilespmem:s31], [sflag:$0x3], $0x20, s24, s19, $0xb8;
	[tilespmem:$0x1F800] =	vst v63  }
.LBB2_30:
0xf1: {  	s23 =	sadd.s32 $0x1, s23  }
0xf2: {  	p0 =	sne.s32 s23, $0x193  }
.Ltmp16:
0xf3: {  	_ = 	snop;
	(pc) =	sbr.rel @!p0 .LBB2_31-.Ltmp16, $1  }
0xf4: {  	_ =	sdelay $0x3  }
.LBB2_21:
0xf5: {  	s25 =	sshrl.u32 s23, $0x3  }
0xf6: {  	s24 =	sand.u32 $0xFF, s25  }
0xf7: {  	s24 =	smul.u32 $0xAB, s24  }
0xf8: {  	p0 =	sgt.u32 s23, $0x18F;
	s26 =	sand.u32 $0x7, s23  }
0xf9: {  	p1 =	sne.s32 @!p0 s26, $0x0;
	s24 =	sshrl.u32 s24, $0x9  }
0xfa: {  	p1 =	por p0, p1;
	s24 =	smul.u32 $0x3, s24  }
.Ltmp17:
0xfb: {  	_ = 	snop;
	(pc) =	sbr.rel @p1 .LBB2_25-.Ltmp17, $4  }
0xfc: {  	_ = 	snop  }
0xfd: {  	s24 =	ssub.s32 s25, s24  }
0xfe: {  	s24 =	sand.u32 $0xFF, s24  }
0xff: {  	s24 =	sshll.u32 s24, $0xA  }
0x100: {  	s26 =	sadd.s32 $0xC40, s24;
	_ =	swait.ge [sflag:s17], $0x400  }
0x101: {  	[sflag:s17] =	ssyncset.done $0x0;
	v3 =	vmov s26  }
0x102: {  	[sflag:s17] =	ssyncadd.s32 $0xFFFFFC00  }
0x103: {  	_ =	swait.ge [sflag:s17], $0x400  }
0x104: {  	[sflag:s17] =	ssyncset.done $0x0  }
0x105: {  	s26 =	simm.s32 $0x0;
	[sflag:s17] =	ssyncadd.s32 $0xFFFFFC00  }
0x106: {  	v4 =	vld.idx.msk [tilespmem:v3+s26+$0xFFFFFFC0 ss:$0x1], $0xffff;
	_ =	sdelay $0x4  }
0x107: {  	v4 =	vadd.s32 v1, v4  }
0x108: {  	[tilespmem:v3+s26+$0xFFFFFFC0 ss:$0x1] =	vst.idx.msk $0xffff, v4  }
0x109: {  	v4 =	vld.idx.msk [tilespmem:v3+s26+$0xFFFFFFD0 ss:$0x1], $0xffff;
	_ =	sdelay $0x4  }
0x10a: {  	v4 =	vadd.s32 v1, v4  }
0x10b: {  	[tilespmem:v3+s26+$0xFFFFFFD0 ss:$0x1] =	vst.idx.msk $0xffff, v4  }
0x10c: {  	v4 =	vld.idx.msk [tilespmem:v3+s26+$0xFFFFFFE0 ss:$0x1], $0xffff;
	_ =	sdelay $0x4  }
0x10d: {  	v4 =	vadd.s32 v1, v4  }
0x10e: {  	[tilespmem:v3+s26+$0xFFFFFFE0 ss:$0x1] =	vst.idx.msk $0xffff, v4  }
0x10f: {  	v4 =	vld.idx.msk [tilespmem:v3+s26+$0xFFFFFFF0 ss:$0x1], $0xffff;
	_ =	sdelay $0x4  }
0x110: {  	v4 =	vadd.s32 v1, v4  }
0x111: {  	[tilespmem:v3+s26+$0xFFFFFFF0 ss:$0x1] =	vst.idx.msk $0xffff, v4  }
0x112: {  	v4 =	vld.idx.msk [tilespmem:v3+s26+$0x0 ss:$0x1], $0xffff;
	_ =	sdelay $0x4  }
0x113: {  	v4 =	vadd.s32 v1, v4  }
0x114: {  	[tilespmem:v3+s26+$0x0 ss:$0x1] =	vst.idx.msk $0xffff, v4  }
0x115: {  	v4 =	vld.idx.msk [tilespmem:v3+s26+$0x10 ss:$0x1], $0xffff;
	_ =	sdelay $0x4  }
0x116: {  	v4 =	vadd.s32 v1, v4  }
0x117: {  	[tilespmem:v3+s26+$0x10 ss:$0x1] =	vst.idx.msk $0xffff, v4  }
0x118: {  	v4 =	vld.idx.msk [tilespmem:v3+s26+$0x20 ss:$0x1], $0xffff;
	_ =	sdelay $0x4  }
0x119: {  	v4 =	vadd.s32 v1, v4  }
0x11a: {  	[tilespmem:v3+s26+$0x20 ss:$0x1] =	vst.idx.msk $0xffff, v4  }
0x11b: {  	v4 =	vld.idx.msk [tilespmem:v3+s26+$0x30 ss:$0x1], $0xffff;
	_ =	sdelay $0x4  }
0x11c: {  	s28 =	simm.s32 $0x200;
	s29 =	simm.s32 $0x400;
	v4 =	vadd.s32 v1, v4  }
.LBB2_23:
0x11d: {  	p1 =	sne.s32 s29, $0xE00  }
0x11e: {  	[tilespmem:v3+s26+$0x30 ss:$0x1] =	vst.idx.msk $0xffff, v4;
	s26 =	sshra.s32 s28, $0x2;
	s28 =	smov.u32 s29;
	s29 =	sadd.s32 $0x200, s29  }
0x11f: {  	v4 =	vld.idx.msk [tilespmem:v3+s26+$0xFFFFFFC0 ss:$0x1], $0xffff;
	_ =	sdelay $0x5  }
0x120: {  	v4 =	vadd.s32 v1, v4  }
0x121: {  	[tilespmem:v3+s26+$0xFFFFFFC0 ss:$0x1] =	vst.idx.msk $0xffff, v4  }
0x122: {  	v4 =	vld.idx.msk [tilespmem:v3+s26+$0xFFFFFFD0 ss:$0x1], $0xffff;
	_ =	sdelay $0x5  }
0x123: {  	v4 =	vadd.s32 v1, v4  }
0x124: {  	[tilespmem:v3+s26+$0xFFFFFFD0 ss:$0x1] =	vst.idx.msk $0xffff, v4  }
0x125: {  	v4 =	vld.idx.msk [tilespmem:v3+s26+$0xFFFFFFE0 ss:$0x1], $0xffff;
	_ =	sdelay $0x5  }
0x126: {  	v4 =	vadd.s32 v1, v4  }
0x127: {  	[tilespmem:v3+s26+$0xFFFFFFE0 ss:$0x1] =	vst.idx.msk $0xffff, v4  }
0x128: {  	v4 =	vld.idx.msk [tilespmem:v3+s26+$0xFFFFFFF0 ss:$0x1], $0xffff;
	_ =	sdelay $0x5  }
0x129: {  	v4 =	vadd.s32 v1, v4  }
0x12a: {  	[tilespmem:v3+s26+$0xFFFFFFF0 ss:$0x1] =	vst.idx.msk $0xffff, v4  }
0x12b: {  	v4 =	vld.idx.msk [tilespmem:v3+s26+$0x0 ss:$0x1], $0xffff;
	_ =	sdelay $0x5  }
0x12c: {  	v4 =	vadd.s32 v1, v4  }
0x12d: {  	[tilespmem:v3+s26+$0x0 ss:$0x1] =	vst.idx.msk $0xffff, v4  }
0x12e: {  	v4 =	vld.idx.msk [tilespmem:v3+s26+$0x10 ss:$0x1], $0xffff;
	_ =	sdelay $0x5  }
0x12f: {  	v4 =	vadd.s32 v1, v4  }
0x130: {  	[tilespmem:v3+s26+$0x10 ss:$0x1] =	vst.idx.msk $0xffff, v4  }
0x131: {  	v4 =	vld.idx.msk [tilespmem:v3+s26+$0x20 ss:$0x1], $0xffff;
	_ =	sdelay $0x5  }
0x132: {  	v4 =	vadd.s32 v1, v4  }
0x133: {  	[tilespmem:v3+s26+$0x20 ss:$0x1] =	vst.idx.msk $0xffff, v4  }
0x134: {  	v4 =	vld.idx.msk [tilespmem:v3+s26+$0x30 ss:$0x1], $0xffff;
	_ =	sdelay $0x1  }
.Ltmp18:
0x135: {  	(pc) =	sbr.rel @p1 .LBB2_23-.Ltmp18, $2  }
0x136: {  	_ =	sdelay $0x2  }
0x137: {  	v4 =	vadd.s32 v1, v4  }
0x138: {  	_ =	sdelay $0x3  }
0x139: {  	s28 =	sshra.s32 s28, $0x2;
	[tilespmem:v3+s26+$0x30 ss:$0x1] =	vst.idx.msk $0xffff, v4  }
0x13a: {  	v4 =	vld.idx.msk [tilespmem:v3+s28+$0xFFFFFFC0 ss:$0x1], $0xffff;
	_ =	sdelay $0x4  }
0x13b: {  	v4 =	vadd.s32 v1, v4  }
0x13c: {  	[tilespmem:v3+s28+$0xFFFFFFC0 ss:$0x1] =	vst.idx.msk $0xffff, v4  }
0x13d: {  	v4 =	vld.idx.msk [tilespmem:v3+s28+$0xFFFFFFD0 ss:$0x1], $0xffff;
	_ =	sdelay $0x4  }
0x13e: {  	v4 =	vadd.s32 v1, v4  }
0x13f: {  	[tilespmem:v3+s28+$0xFFFFFFD0 ss:$0x1] =	vst.idx.msk $0xffff, v4  }
0x140: {  	v4 =	vld.idx.msk [tilespmem:v3+s28+$0xFFFFFFE0 ss:$0x1], $0xffff;
	_ =	sdelay $0x4  }
0x141: {  	v4 =	vadd.s32 v1, v4  }
0x142: {  	[tilespmem:v3+s28+$0xFFFFFFE0 ss:$0x1] =	vst.idx.msk $0xffff, v4  }
0x143: {  	v4 =	vld.idx.msk [tilespmem:v3+s28+$0xFFFFFFF0 ss:$0x1], $0xffff;
	_ =	sdelay $0x4  }
0x144: {  	v4 =	vadd.s32 v1, v4  }
0x145: {  	[tilespmem:v3+s28+$0xFFFFFFF0 ss:$0x1] =	vst.idx.msk $0xffff, v4  }
0x146: {  	v4 =	vld.idx.msk [tilespmem:v3+s28+$0x0 ss:$0x1], $0xffff;
	_ =	sdelay $0x4  }
0x147: {  	v4 =	vadd.s32 v1, v4  }
0x148: {  	[tilespmem:v3+s28+$0x0 ss:$0x1] =	vst.idx.msk $0xffff, v4  }
0x149: {  	v4 =	vld.idx.msk [tilespmem:v3+s28+$0x10 ss:$0x1], $0xffff;
	_ =	sdelay $0x4  }
0x14a: {  	v4 =	vadd.s32 v1, v4  }
0x14b: {  	[tilespmem:v3+s28+$0x10 ss:$0x1] =	vst.idx.msk $0xffff, v4  }
0x14c: {  	v4 =	vld.idx.msk [tilespmem:v3+s28+$0x20 ss:$0x1], $0xffff;
	_ =	sdelay $0x4  }
0x14d: {  	v4 =	vadd.s32 v1, v4  }
0x14e: {  	p1 =	sgt.u32 s23, $0x187;
	[tilespmem:v3+s28+$0x20 ss:$0x1] =	vst.idx.msk $0xffff, v4  }
0x14f: {  	s26 =	sadd.s32 @!p1 $0x1, s25;
	v4 =	vld.idx.msk [tilespmem:v3+s28+$0x30 ss:$0x1], $0xffff  }
0x150: {  	s29 =	smulhi.u32 @!p1 $0x55555556, s26;
	_ =	sdelay $0x1  }
0x151: {  	s25 =	sadd.s32 @!p1 s10, s25;
	s29 =	smul.u32 @!p1 $0x3, s29  }
0x152: {  	s25 =	sshll.u32 @!p1 s25, $0x7  }
0x153: {  	s25 =	sadd.s32 @!p1 $0x80, s25;
	s26 =	ssub.s32 @!p1 s26, s29;
	v4 =	vadd.s32 v1, v4  }
0x154: {  	s29 =	simm.s32 @!p1 $0x0;
	s26 =	sshll.u32 @!p1 s26, $0xA;
	[tilespmem:v3+s28+$0x30 ss:$0x1] =	vst.idx.msk $0xffff, v4;
	s28 =	sadd.s32 @!p1 s4, s25  }
0x155: {  	[tilespmem:s26], [sflag:$0x1] =	stream.linear.gather @!p1 [hbm4b:s28+s29], $0x400, $0x38;
	[tilespmem:$0x1F800] =	vst v63  }
0x156: {  	s25 =	sadd.s32 @!p1 s5, s25;
	s26 =	sadd.s32 @!p1 $0xC00, s26  }
0x157: {  	[tilespmem:s26], [sflag:$0x1] =	stream.linear.gather @!p1 [hbm4b:s25+s29], $0x400, $0x38;
	[tilespmem:$0x1F800] =	vst v63  }
.LBB2_25:
0x158: {  	s25 =	sadd.s32 $0xFFFFFFFB, s23  }
0x159: {  	p1 =	sgt.u32 s25, $0x18A  }
.Ltmp19:
0x15a: {  	_ = 	snop;
	(pc) =	sbr.rel @p1 .LBB2_27-.Ltmp19, $1  }
0x15b: {  	_ =	sdelay $0x3  }
.Ltmp20:
0x15c: {  	(pc) =	sbr.rel .LBB2_28-.Ltmp20, $4  }
0x15d: {  	_ = 	snop  }
0x15e: {  	_ =	swait.ge [sflag:s18], $0x1000  }
0x15f: {  	[sflag:s18] =	ssyncset.done $0x0  }
0x160: {  	[sflag:s18] =	ssyncadd.s32 $0xFFFFF000  }
.LBB2_27:
.Ltmp21:
0x161: {  	(pc) =	sbr.rel @p0 .LBB2_29-.Ltmp21, $1  }
0x162: {  	_ =	sdelay $0x3  }
.LBB2_28:
0x163: {  	s25 =	smul.u32 $0xCCCD, s23;
	_ =	sdelay $0x1  }
0x164: {  	s25 =	sshrl.u32 s25, $0x12  }
0x165: {  	s25 =	smul.u32 $0x5, s25  }
0x166: {  	p0 =	slt.u32 s23, $0x3  }
.Ltmp22:
0x167: {  	s26 =	sshll.u32 s23, $0x7;
	s25 =	ssub.s32 s23, s25;
	(pc) =	sbr.rel @p0 .LBB2_30-.Ltmp22, $4  }
.Ltmp23:
0x168: {  	s26 =	sand.u32 $0x380, s26;
	s25 =	sand.u32 $0xFFFF, s25;
	(pc) =	sbr.rel @!p0 .LBB2_29-.Ltmp23, $4  }
0x169: {  	s24 =	sor.u32 s26, s24;
	s25 =	sshll.u32 s25, $0xC  }
0x16a: {  	s24 =	sadd.s32 $0xC00, s24;
	s25 =	sadd.s32 $0x1800, s25  }
0x16b: {  	[tilespmem:s25], [sflag:$0x2] =	stream.indirect.gather [hbm4b:s6+s19], $0x20, s24, s19, $0xb8;
	[tilespmem:$0x1F800] =	vst v63  }
0x16c: {  	_ = 	snop  }
.LBB2_32:
0x16d: {  	_ =	sfence.sel $0x180000  }
0x16e: {  	[bflag:$0x0] =	sbarrier.arrive $0xFFFF  }
0x16f: {  	p0 =	sne.s32 s3, $0x0;
	_ =	strace $0x9000004D  }
0x170: {  	s0 =	sadd.s32 @!p0 $0x100000, s0;
	[bflag:$0x2] =	sbarrier.arrive $0xFFFF  }
0x171: {  	[sflag:s0] =	ssyncadd.tile.s32 @!p0 $0x1;
	_ =	shalt  }
.Lfunc_end2:
_tile_overlayer_lowered:
.L_overlay_start_2:
0x172: {  	(tag) =	ssettag $0x2  }
0x173: {  	s0 =	rddreg [dreg:$0x0];
	s2 =	stileid.u32  }
0x174: {  	s1 =	rddreg [dreg:$0x1];
	p0 =	sne.s32 s2, $0x0  }
0x175: {  	s3 =	rddreg [dreg:$0x2];
	[bflag:$0x3] =	sbarrier.arrive $0xFFFF;
	s2 =	simm.s32 @!p0 $0x1C04  }
0x176: {  	[timem:s3], [sflag:s2] =	dma.local @!p0 [hbm:s0], s1  }
0x177: {  	s0 =	simm.s32 @!p0 $0x4  }
0x178: {  	_ =	swait.ge @!p0 [sflag:s0], s1  }
0x179: {  	s1 =	ssub.s32 @!p0 $0x0, s1;
	[sflag:s0] =	ssyncset.done @!p0 $0x0  }
0x17a: {  	[sflag:s0] =	ssyncadd.s32 @!p0 s1  }
0x17b: {  	[bflag:$0x3] =	sbarrier.arrive $0xFFFF  }
0x17c: {  	_ =	shalt  }

// kernel: kernel.8.cloned.1.call-start
scs
__scs_entry_jumppad:
0x0: {  	(pc) =	sbr.rel $0x88, $3  }
0x1: {  	(tag) =	ssettag $0x0;
	lr =	simm.s32 $0x1  }
0x2: {  	[smem:$0x3F9D] =	sst lr;
	_ =	strace $0xD0000000  }
0x3: {  	_ = 	snop  }
0x4: {  	_ = 	snop  }
0x5: {  	_ = 	snop  }
0x6: {  	_ = 	snop  }
0x7: {  	_ = 	snop  }
__scs_overlays_trampoline_lowered:
0x8: {  	[smem:$0x3FAC] =	sst s0  }
0x9: {  	[smem:$0x3FAD] =	sst s1  }
0xa: {  	[smem:$0x3FAE] =	sst s2  }
0xb: {  	[smem:$0x3FAF] =	sst s3  }
0xc: {  	[smem:$0x3FB0] =	sst s4  }
0xd: {  	[smem:$0x3FB1] =	sst s5  }
0xe: {  	[smem:$0x3FB2] =	sst s6  }
0xf: {  	[smem:$0x3FB3] =	sst s7  }
0x10: {  	[smem:$0x3FB4] =	sst s8  }
0x11: {  	[smem:$0x3FB5] =	sst s9;
	s0 =	simm.s32 @!p0 $0x0  }
0x12: {  	s1 =	sld [smem:$0x3F9B];
	s0 =	simm.s32 @p0 $0x1  }
0x13: {  	[smem:$0x3FB6] =	sst s0;
	s0 =	simm.s32 @!p1 $0x0  }
0x14: {  	s2 =	sld [smem:$0x3F9A];
	s0 =	simm.s32 @p1 $0x1  }
0x15: {  	[smem:$0x3FB7] =	sst s0;
	s0 =	simm.s32 @!p2 $0x0  }
0x16: {  	s3 =	sld [smem:$0x3FDB];
	s0 =	simm.s32 @p2 $0x1  }
0x17: {  	s4 =	simm.s32 $0x1BF5;
	[smem:$0x3FB9] =	sst s0  }
0x18: {  	s0 =	sld [smem:$0x3F9C];
	_ =	swait.ge [sflag:s4], $0x0  }
0x19: {  	s7 =	sld [smem:$0x3F9D]  }
0x1a: {  	s8 =	sadd.s32 $0xFFFFE003, lr  }
0x1b: {  	s9 =	sadd.s32 $0xFFFFFEF7, lr;
	s5 =	simm.s32 $0xFFFFFFFF;
	p2 =	slt.u32 s8, $0xFFFFF086  }
0x1c: {  	p1 =	slt.u32 s9, $0xF7A;
	s5 =	simm.s32 @!p2 $0x0  }
0x1d: {  	s5 =	simm.s32 @p1 $0x1;
	p0 =	seq.s32 s7, s2  }
0x1e: {  	s7 =	smul.u32 @!p0 $0xF7A, s2;
	p2 =	seq.s32 @!p0 s5, $0x0  }
0x1f: {  	s9 =	smul.u32 $0xF7A, s1;
	s8 =	simm.s32 @!p0 $0x1BF5;
	p2 =	por !p2, p0  }
0x20: {  	[sflag:s8] =	ssyncset.s32 @!p0 $0xFFFFF086;
	s6 =	sadd.s32 @!p0 s3, s7;
	s7 =	simm.s32 @!p0 $0x108  }
0x21: {  	s3 =	sadd.s32 s3, s9;
	s6 =	sadd.s32 @!p0 $0x88, s6;
	s7 =	simm.s32 @p2 $0x1082  }
0x22: {  	[simem:s7], [sflag:s8] =	dma.local @!p0 [hbm:s6], $0xF7A  }
0x23: {  	s9 =	sor.u32 $0xD0000000, s2;
	s6 =	simm.s32 $0x108;
	_ =	swait.ge @!p0 [sflag:s8], $0x0  }
0x24: {  	s3 =	sadd.s32 $0x88, s3;
	s6 =	simm.s32 @!p1 $0x1082;
	[sflag:s4] =	ssyncset.s32 $0xFFFFF086  }
0x25: {  	[simem:s6], [sflag:s4] =	dma.local [hbm:s3], $0xF7A  }
0x26: {  	[smem:$0x3F9D] =	sst s1;
	(tag) =	ssettag s2;
	_ =	strace s9  }
0x27: {  	s1 =	sld [smem:$0x3FAD]  }
0x28: {  	s2 =	sld [smem:$0x3FAE]  }
0x29: {  	s4 =	sld [smem:$0x3FB0]  }
0x2a: {  	p0 =	seq.s32 s5, $0x0;
	s5 =	sld [smem:$0x3FB1]  }
0x2b: {  	s6 =	sld [smem:$0x3FB2]  }
0x2c: {  	s7 =	sld [smem:$0x3FB3]  }
0x2d: {  	s3 =	simm.s32 $0x108;
	s8 =	sld [smem:$0x3FB4]  }
0x2e: {  	s3 =	simm.s32 @!p0 $0x1082;
	s9 =	sld [smem:$0x3FB5]  }
0x2f: {  	lr =	sadd.s32 s0, s3;
	s0 =	sld [smem:$0x3FAC]  }
0x30: {  	s3 =	sld [smem:$0x3FAF]  }
0x31: {  	[smem:$0x3FB8] =	sst s10  }
0x32: {  	s10 =	sld [smem:$0x3FB6];
	_ =	sdelay $0x3  }
0x33: {  	p0 =	seq.s32 s10, $0x1;
	s10 =	sld [smem:$0x3FB8];
	_ =	sdelay $0x3  }
0x34: {  	[smem:$0x3FB8] =	sst s10  }
0x35: {  	s10 =	sld [smem:$0x3FB7];
	_ =	sdelay $0x3  }
0x36: {  	p1 =	seq.s32 s10, $0x1;
	s10 =	sld [smem:$0x3FB8];
	_ =	sdelay $0x3  }
0x37: {  	[smem:$0x3FB8] =	sst s10  }
0x38: {  	s10 =	sld [smem:$0x3FB9]  }
0x39: {  	_ = 	snop;
	(pc) =	sbr.ind lr, $3  }
0x3a: {  	_ = 	snop  }
0x3b: {  	_ = 	snop  }
0x3c: {  	p2 =	seq.s32 s10, $0x1;
	s10 =	sld [smem:$0x3FB8]  }
0x3d: {  	_ =	shalt  }
0x3e: {  	_ =	shalt  }
0x3f: {  	_ =	shalt  }
0x40: {  	_ =	shalt  }
0x41: {  	_ =	shalt  }
0x42: {  	_ =	shalt  }
0x43: {  	_ =	shalt  }
0x44: {  	_ =	shalt  }
0x45: {  	_ =	shalt  }
0x46: {  	_ =	shalt  }
0x47: {  	_ =	shalt  }
0x48: {  	_ =	shalt  }
0x49: {  	_ =	shalt  }
0x4a: {  	_ =	shalt  }
0x4b: {  	_ =	shalt  }
0x4c: {  	_ =	shalt  }
0x4d: {  	_ =	shalt  }
0x4e: {  	_ =	shalt  }
0x4f: {  	_ =	shalt  }
0x50: {  	_ =	shalt  }
0x51: {  	_ =	shalt  }
0x52: {  	_ =	shalt  }
0x53: {  	_ =	shalt  }
0x54: {  	_ =	shalt  }
0x55: {  	_ =	shalt  }
0x56: {  	_ =	shalt  }
0x57: {  	_ =	shalt  }
0x58: {  	_ =	shalt  }
0x59: {  	_ =	shalt  }
0x5a: {  	_ =	shalt  }
0x5b: {  	_ =	shalt  }
0x5c: {  	_ =	shalt  }
0x5d: {  	_ =	shalt  }
0x5e: {  	_ =	shalt  }
0x5f: {  	_ =	shalt  }
0x60: {  	_ =	shalt  }
0x61: {  	_ =	shalt  }
0x62: {  	_ =	shalt  }
0x63: {  	_ =	shalt  }
0x64: {  	_ =	shalt  }
0x65: {  	_ =	shalt  }
0x66: {  	_ =	shalt  }
0x67: {  	_ =	shalt  }
0x68: {  	_ =	shalt  }
0x69: {  	_ =	shalt  }
0x6a: {  	_ =	shalt  }
0x6b: {  	_ =	shalt  }
0x6c: {  	_ =	shalt  }
0x6d: {  	_ =	shalt  }
0x6e: {  	_ =	shalt  }
0x6f: {  	_ =	shalt  }
0x70: {  	_ =	shalt  }
0x71: {  	_ =	shalt  }
0x72: {  	_ =	shalt  }
0x73: {  	_ =	shalt  }
0x74: {  	_ =	shalt  }
0x75: {  	_ =	shalt  }
0x76: {  	_ =	shalt  }
0x77: {  	_ =	shalt  }
0x78: {  	_ =	shalt  }
0x79: {  	_ =	shalt  }
0x7a: {  	_ =	shalt  }
0x7b: {  	_ =	shalt  }
0x7c: {  	_ =	shalt  }
0x7d: {  	_ =	shalt  }
0x7e: {  	_ =	shalt  }
0x7f: {  	_ =	shalt  }
0x80: {  	_ =	shalt  }
0x81: {  	_ =	shalt  }
0x82: {  	_ =	shalt  }
0x83: {  	_ =	shalt  }
0x84: {  	_ =	shalt  }
0x85: {  	_ =	shalt  }
0x86: {  	_ =	shalt  }
0x87: {  	_ =	shalt  }
.Lfunc_end0:
.L_simem_size_0:
called_computation_lowered:
.L_overlay_start_0:
0x88: {  	s2 =	sld [smem:$0x3FD9]  }
0x89: {  	s3 =	sld [smem:$0x3FFE];
	_ =	sdelay $0x1  }
0x8a: {  	s1 =	srdreg.scid  }
0x8b: {  	s0 =	sand.u32 $0x1, s1  }
0x8c: {  	s17 =	sshll.u32 s0, $0xA;
	s2 =	sadd.s32 s3, s2  }
0x8d: {  	s2 =	sadd.s32 s2, s17  }
0x8e: {  	[smem:$0x3FC4] =	sst s2  }
0x8f: {  	_ = 	snop  }
0x90: {  	s2 =	sld [smem:$0x3FD0];
	(tm) =	ssettm $0x1  }
0x91: {  	s18 =	sld [smem:$0x3FFB];
	_ =	sdelay $0x3  }
0x92: {  	_ =	strace s18  }
0x93: {  	s3 =	sld [smem:$0x3FFC];
	_ =	sdelay $0x3  }
0x94: {  	_ =	strace s3  }
0x95: {  	s3 =	sld [smem:$0x3FFD];
	_ =	sdelay $0x3  }
0x96: {  	_ =	strace s3  }
0x97: {  	_ =	strace $0x8FFFFFFF  }
0x98: {  	s19 =	sld [smem:$0x3FDB];
	_ =	sdelay $0x1  }
0x99: {  	s4 =	simm.s32 $_scs_section_size  }
0x9a: {  	s5 =	simm.s32 $_size__tile_overlayer_lowered;
	s6 =	simm.s32 $_tile_overlayer_lowered  }
0x9b: {  	s22 =	simm.s32 $0x1BFF;
	s21 =	sshll.u32 s6, $0x1;
	s3 =	sadd.s32 s4, s19  }
0x9c: {  	s7 =	simm.s32 $0x0;
	s20 =	sshll.u32 s5, $0x1;
	s5 =	sadd.s32 s21, s3  }
0x9d: {  	[timem:s7], [sflag:s22] =	dma.local [hbm:s5], s20  }
0x9e: {  	_ =	swait.ge [sflag:s22], s20  }
0x9f: {  	s4 =	ssub.s32 $0x0, s20;
	[sflag:s22] =	ssyncset.done $0x0  }
0xa0: {  	[sflag:s22] =	ssyncadd.s32 s4;
	_ =	sdelay $0x1  }
0xa1: {  	s23 =	simm.s32 $0x1B8B  }
0xa2: {  	_ =	swait.ge [sflag:s23], $0x1  }
0xa3: {  	[sflag:s23] =	ssyncset.done $0x0  }
0xa4: {  	s25 =	simm.s32 $0x1B8E;
	s24 =	sld [smem:$0x3FFE];
	[sflag:s23] =	ssyncadd.s32 $0xFFFFFFFF  }
0xa5: {  	s26 =	simm.s32 $execute0_lowered;
	[smem:$0x3FD2] =	sst s25  }
0xa6: {  	s5 =	sshll.u32 s26, $0x1;
	_ =	strace $0x80000046;
	[dreg:$0x1] =	wrdreg $0xFFFFFFFF  }
0xa7: {  	s28 =	simm.s32 $_size_execute0_lowered;
	s3 =	sadd.s32 s3, s5;
	[dreg:$0x0] =	wrdreg $0x0  }
0xa8: {  	s5 =	sshll.u32 s28, $0x1;
	[dreg:$0x2] =	wrdreg s3  }
0xa9: {  	[dreg:$0x3] =	wrdreg s5  }
0xaa: {  	[dreg:$0x4] =	wrdreg $0xC0  }
0xab: {  	_ =	task [dreg:s7], $0x5FFFF  }
0xac: {  	[dreg:$0x1] =	wrdreg $0xFFFFFFFF  }
0xad: {  	[dreg:$0x0] =	wrdreg $0x60  }
0xae: {  	[dreg:$0x2] =	wrdreg s2  }
0xaf: {  	[dreg:$0x3] =	wrdreg s24  }
0xb0: {  	[dreg:$0x4] =	wrdreg $0x19000  }
0xb1: {  	[dreg:$0x5] =	wrdreg $0x9  }
0xb2: {  	_ =	task.clear_ibuf [dreg:s7], $0x6FFFF;
	_ =	strace $0x90000046  }
0xb3: {  	s29 =	simm.s32 $0x9;
	_ =	strace $0x80000048  }
0xb4: {  	_ =	swait.ge [sflag:s29], $0x1  }
0xb5: {  	[sflag:s29] =	ssyncadd.s32 $0xFFFFFFFF  }
0xb6: {  	_ =	strace $0x90000048  }
0xb7: {  	_ =	sfence  }
0xb8: {  	s30 =	sld [smem:$0x0];
	_ =	sdelay $0x2  }
0xb9: {  	s31 =	sshll.u32 s1, $0xD;
	s1 =	sshrl.u32 s1, $0x2  }
0xba: {  	s3 =	sand.u32 $0x4000, s31;
	s1 =	sadd.s32 s1, s30  }
0xbb: {  	s0 =	sor.u32 s3, s0;
	s1 =	sshll.u32 s1, $0x11  }
0xbc: {  	s0 =	sor.u32 s1, s0  }
0xbd: {  	s0 =	sadd.s32 $0x8F2B, s0  }
0xbe: {  	[sflag:s0] =	ssyncadd.remote.s32 $0x1  }
0xbf: {  	_ =	sfence.sel $0xFFFF  }
0xc0: {  	[dreg:$0x0] =	wrdreg $0xFFFFFFFF;
	(pc) =	sbr.abs _section_cstart, $3  }
0xc1: {  	[dreg:$0x1] =	wrdreg $0xFFFFFFFF  }
0xc2: {  	_ =	task.clear_ibuf [dreg:s7], $0x2FFFF;
	_ =	strace $0x9FFFFFFF  }
0xc3: {  	(tm) =	ssettm $0x7FFFFFFF  }
tec
execute0_lowered:
.L_overlay_start_1:
0x0: {  	(tag) =	ssettag $0x1  }
0x1: {  	s1 =	rddreg [dreg:$0x0]  }
0x2: {  	s7 =	rddreg [dreg:$0x1]  }
0x3: {  	s3 =	rddreg [dreg:$0x2]  }
0x4: {  	s0 =	rddreg [dreg:$0x3]  }
0x5: {  	s5 =	srdreg.scid;
	s2 =	stileid.u32  }
0x6: {  	s4 =	simm.s32 $0x0;
	s12 =	simm.s32 $0x1;
	s13 =	simm.s32 $0x400  }
0x7: {  	s14 =	simm.s32 $0x80;
	s15 =	simm.s32 $0x800;
	s16 =	simm.s32 $0xC00  }
0x8: {  	s17 =	simm.s32 $0x880;
	s18 =	simm.s32 $0x900;
	s19 =	simm.s32 $0x980  }
0x9: {  	s20 =	simm.s32 $0xA00;
	s21 =	simm.s32 $0xA80;
	s23 =	simm.s32 $0xB80  }
0xa: {  	s24 =	simm.s32 $0x0;
	s8 =	sand.u32 $0x1, s5;
	s9 =	smul.u32 $0xC80, s2  }
0xb: {  	[smem:$0x7FF] =	sst s4;
	s5 =	sadd.s32 $0x1800, s7;
	s6 =	sadd.s32 $0x1DA00, s7  }
0xc: {  	s10 =	smul.u32 $0xC800, s8;
	s11 =	ssub.s32 $0x2, s8;
	s8 =	sshll.u32 s8, $0x4  }
0xd: {  	_ =	strace $0x80000047;
	s30 =	sshrl.u32 s11, $0x1;
	s8 =	sor.u32 s2, s8  }
0xe: {  	s10 =	sadd.s32 s9, s10;
	s11 =	ssub.s32 s11, s30;
	s31 =	sshll.u32 s8, $0x4  }
0xf: {  	v0 =	vlaneseq.u32;
	s8 =	smul.u32 $0x19, s8;
	s10 =	sshrl.u32 s10, $0x3;
	s22 =	sadd.s32 $0xC350, s31  }
0x10: {  	s10 =	sadd.s32 s10, s7;
	s7 =	sadd.s32 s9, s3;
	v0 =	vor.u32 s22, v0;
	s22 =	simm.s32 $0xB00  }
0x11: {  	v1 =	vimm.f32 $0.0e+00;
	v2 =	vimm.f32 $1.000000000e+00;
	s9 =	sadd.s32 $0x1A800, s10;
	s10 =	smax.u32 s11, $0x1;
	s11 =	simm.s32 $0xC80  }
.LBB2_1:
0x12: {  	s25 =	simm.s32 $0x40;
	s26 =	simm.s32 $0x0  }
.LBB2_2:
0x13: {  	p0 =	sne.s32 s25, $0x31C0;
	[tilespmem:s26+$0xC80] =	vst v1;
	s26 =	smov.u32 s25;
	s25 =	sadd.s32 $0x40, s25  }
.Ltmp0:
0x14: {  	(pc) =	sbr.rel @p0 .LBB2_2-.Ltmp0, $2  }
0x15: {  	_ =	sdelay $0x2  }
0x16: {  	s26 =	sshra.s32 s26, $0x2  }
0x17: {  	[tilespmem:s26+$0xC80] =	vst v1  }
0x18: {  	[tilespmem:$0xC00] =	vst v2  }
0x19: {  	[tilespmem:$0xC10] =	vst v2  }
0x1a: {  	[tilespmem:$0xC20] =	vst v2  }
0x1b: {  	[tilespmem:$0xC30] =	vst v2  }
0x1c: {  	[tilespmem:$0xC40] =	vst v2  }
0x1d: {  	[tilespmem:$0xC50] =	vst v2  }
0x1e: {  	[tilespmem:$0xC60] =	vst v2  }
0x1f: {  	[tilespmem:$0xC70] =	vst v2  }
0x20: {  	[spmem:s7] =	stream.linear.scatter [tilespmem:s11], [sflag:$0x1], $0xC80, $0x38;
	[tilespmem:$0x2580] =	vst v63  }
0x21: {  	_ =	swait.ge [sflag:s12], $0xC80  }
0x22: {  	[sflag:s12] =	ssyncset.done $0x0  }
0x23: {  	[sflag:s12] =	ssyncadd.s32 $0xFFFFF380  }
0x24: {  	s25 =	simm.s32 $0x0;
	s26 =	simm.s32 $0x0;
	[bflag:$0x0] =	sbarrier.arrive $0xFFFF  }
.LBB2_4:
0x25: {  	s28 =	sadd.s32 s8, s26  }
0x26: {  	s28 =	sshll.u32 s28, $0x7  }
0x27: {  	s29 =	sadd.s32 s1, s28  }
0x28: {  	[tilespmem:s25], [sflag:$0x1] =	stream.linear.gather [hbm4b:s29+s25], $0x400, $0x38;
	[tilespmem:$0x2580] =	vst v63  }
0x29: {  	_ =	swait.ge [sflag:s12], $0x400  }
0x2a: {  	[sflag:s12] =	ssyncset.done $0x0  }
0x2b: {  	s29 =	sadd.s32 s5, s28;
	[sflag:s12] =	ssyncadd.s32 $0xFFFFFC00  }
0x2c: {  	[tilespmem:s13], [sflag:$0x1] =	stream.linear.gather [hbm4b:s29+s25], $0x400, $0x38;
	[tilespmem:$0x2580] =	vst v63  }
0x2d: {  	_ =	swait.ge [sflag:s12], $0x400  }
0x2e: {  	[sflag:s12] =	ssyncset.done $0x0  }
0x2f: {  	s29 =	simm.s32 $0x0;
	[sflag:s12] =	ssyncadd.s32 $0xFFFFFC00  }
0x30: {  	v3 =	vld [tilespmem:s29+$0x70]  }
0x31: {  	v4 =	vld [tilespmem:s29+$0x470]  }
0x32: {  	v5 =	vld [tilespmem:s29+$0x0]  }
0x33: {  	v6 =	vld [tilespmem:s29+$0x400]  }
0x34: {  	v7 =	vld [tilespmem:s29+$0x10]  }
0x35: {  	v8 =	vld [tilespmem:s29+$0x410]  }
0x36: {  	v9 =	vld [tilespmem:s29+$0x20]  }
0x37: {  	v10 =	vld [tilespmem:s29+$0x30]  }
0x38: {  	vm0 =	veq.s32 v3, v4;
	v4 =	vld [tilespmem:s29+$0x420]  }
0x39: {  	v11 =	vld [tilespmem:s29+$0x430]  }
0x3a: {  	v12 =	vld [tilespmem:s29+$0x440];
	v3 =	vsel vm0, v0, v3;
	vm0 =	veq.s32 v5, v6  }
0x3b: {  	[tilespmem:s29+$0x870] =	vst v3;
	v3 =	vsel vm0, v0, v5;
	v5 =	vld [tilespmem:s29+$0x40]  }
0x3c: {  	v6 =	vld [tilespmem:s29+$0x50];
	vm0 =	veq.s32 v7, v8  }
0x3d: {  	[tilespmem:s29+$0x800] =	vst v3;
	v3 =	vsel vm0, v0, v7;
	v7 =	vld [tilespmem:s29+$0x450];
	vm0 =	veq.s32 v9, v4  }
0x3e: {  	v8 =	vld [tilespmem:s29+$0x460];
	[tilespmem:s29+$0x810] =	vst v3;
	v3 =	vsel vm0, v0, v9;
	vm0 =	veq.s32 v10, v11  }
0x3f: {  	s30 =	simm.s32 $0x80;
	v4 =	vld [tilespmem:s29+$0x60];
	[tilespmem:s29+$0x820] =	vst v3;
	v9 =	vsel vm0, v0, v10  }
0x40: {  	s31 =	simm.s32 $0x400;
	vm0 =	veq.s32 v5, v12;
	v3 =	vld [tilespmem:s30+$0x70];
	[tilespmem:s29+$0x830] =	vst v9  }
.LBB2_5:
0x41: {  	p0 =	sne.s32 s31, $0xE00;
	v9 =	vld [tilespmem:s30+$0x470];
	v5 =	vsel vm0, v0, v5  }
0x42: {  	v10 =	vld [tilespmem:s30+$0x0];
	[tilespmem:s29+$0x840] =	vst v5;
	vm0 =	veq.s32 v6, v7  }
0x43: {  	v5 =	vld [tilespmem:s30+$0x400];
	v6 =	vsel vm0, v0, v6  }
0x44: {  	v7 =	vld [tilespmem:s30+$0x10];
	[tilespmem:s29+$0x850] =	vst v6;
	vm0 =	veq.s32 v4, v8  }
0x45: {  	v6 =	vld [tilespmem:s30+$0x410];
	v4 =	vsel vm0, v0, v4  }
0x46: {  	v8 =	vld [tilespmem:s30+$0x20];
	vm0 =	veq.s32 v3, v9;
	[tilespmem:s29+$0x860] =	vst v4;
	s29 =	smov.u32 s30  }
0x47: {  	v4 =	vld [tilespmem:s29+$0x420];
	v3 =	vsel vm0, v0, v3  }
0x48: {  	vm0 =	veq.s32 v10, v5;
	v9 =	vld [tilespmem:s29+$0x30];
	[tilespmem:s29+$0x870] =	vst v3  }
0x49: {  	v3 =	vsel vm0, v0, v10;
	v10 =	vld [tilespmem:s29+$0x430]  }
0x4a: {  	[tilespmem:s29+$0x800] =	vst v3;
	vm0 =	veq.s32 v7, v6;
	v5 =	vld [tilespmem:s29+$0x40]  }
0x4b: {  	v3 =	vsel vm0, v0, v7;
	v11 =	vld [tilespmem:s29+$0x440]  }
.Ltmp1:
0x4c: {  	[tilespmem:s29+$0x810] =	vst v3;
	vm0 =	veq.s32 v8, v4;
	v6 =	vld [tilespmem:s29+$0x50];
	(pc) =	sbr.rel @p0 .LBB2_5-.Ltmp1, $4  }
0x4d: {  	v3 =	vsel vm0, v0, v8;
	v7 =	vld [tilespmem:s29+$0x450]  }
0x4e: {  	[tilespmem:s29+$0x820] =	vst v3;
	vm0 =	veq.s32 v9, v10;
	v4 =	vld [tilespmem:s29+$0x60]  }
0x4f: {  	s30 =	sshra.s32 s31, $0x2;
	v9 =	vsel vm0, v0, v9;
	v8 =	vld [tilespmem:s29+$0x460]  }
0x50: {  	s31 =	sadd.s32 $0x200, s31;
	v3 =	vld [tilespmem:s30+$0x70];
	[tilespmem:s29+$0x830] =	vst v9;
	vm0 =	veq.s32 v5, v11  }
0x51: {  	v9 =	vld [tilespmem:s30+$0x470];
	v5 =	vsel vm0, v0, v5  }
0x52: {  	v10 =	vld [tilespmem:s30+$0x0];
	[tilespmem:s29+$0x840] =	vst v5;
	vm6 =	veq.s32 v6, v7  }
0x53: {  	v5 =	vld [tilespmem:s30+$0x400];
	v6 =	vsel vm6, v0, v6  }
0x54: {  	v54 =	vld [tilespmem:s30+$0x10];
	[tilespmem:s29+$0x850] =	vst v6;
	vm7 =	veq.s32 v4, v8  }
0x55: {  	v6 =	vld [tilespmem:s30+$0x410];
	v4 =	vsel vm7, v0, v4  }
0x56: {  	v55 =	vld [tilespmem:s30+$0x20];
	[tilespmem:s29+$0x860] =	vst v4  }
0x57: {  	v4 =	vld [tilespmem:s30+$0x420]  }
0x58: {  	v56 =	vld [tilespmem:s30+$0x30]  }
0x59: {  	v57 =	vld [tilespmem:s30+$0x430]  }
0x5a: {  	vm8 =	veq.s32 v3, v9;
	v58 =	vld [tilespmem:s30+$0x440]  }
0x5b: {  	v3 =	vsel vm8, v0, v3;
	v59 =	vld [tilespmem:s30+$0x50];
	vm9 =	veq.s32 v10, v5  }
0x5c: {  	v61 =	vld [tilespmem:s30+$0x450];
	[tilespmem:s30+$0x870] =	vst v3;
	v3 =	vsel vm9, v0, v10  }
0x5d: {  	[tilespmem:s30+$0x800] =	vst v3;
	v3 =	vld [tilespmem:s30+$0x40]  }
0x5e: {  	v62 =	vld [tilespmem:s30+$0x60]  }
0x5f: {  	v63 =	vld [tilespmem:s30+$0x460];
	vm10 =	veq.s32 v54, v6  }
0x60: {  	v6 =	vsel vm10, v0, v54;
	vm11 =	veq.s32 v55, v4  }
0x61: {  	[tilespmem:s30+$0x810] =	vst v6;
	vm12 =	veq.s32 v56, v57;
	v60 =	vsel vm11, v0, v55  }
0x62: {  	v5 =	vsel vm12, v0, v56;
	[tilespmem:s30+$0x820] =	vst v60;
	vm13 =	veq.s32 v3, v58  }
0x63: {  	vm14 =	veq.s32 v59, v61;
	[tilespmem:s30+$0x830] =	vst v5;
	v3 =	vsel vm13, v0, v3  }
0x64: {  	vm15 =	veq.s32 v62, v63;
	[tilespmem:s30+$0x840] =	vst v3;
	v3 =	vsel vm14, v0, v59  }
0x65: {  	[tilespmem:s30+$0x850] =	vst v3;
	v3 =	vsel vm15, v0, v62  }
0x66: {  	[tilespmem:s30+$0x860] =	vst v3  }
0x67: {  	[spmem:s3] =	stream.indirect.scatter.add.f32 [tilespmem:s16], [sflag:$0x1], $0x1, s15, s14, $0xb8;
	[tilespmem:$0x2580] =	vst v63  }
0x68: {  	_ =	swait.ge [sflag:s12], $0x80  }
0x69: {  	[sflag:s12] =	ssyncset.done $0x0  }
0x6a: {  	[sflag:s12] =	ssyncadd.s32 $0xFFFFFF80  }
0x6b: {  	[spmem:s3] =	stream.indirect.scatter.add.f32 [tilespmem:s16], [sflag:$0x1], $0x1, s17, s14, $0xb8;
	[tilespmem:$0x2580] =	vst v63  }
0x6c: {  	_ =	swait.ge [sflag:s12], $0x80  }
0x6d: {  	[sflag:s12] =	ssyncset.done $0x0  }
0x6e: {  	[sflag:s12] =	ssyncadd.s32 $0xFFFFFF80  }
0x6f: {  	[spmem:s3] =	stream.indirect.scatter.add.f32 [tilespmem:s16], [sflag:$0x1], $0x1, s18, s14, $0xb8;
	[tilespmem:$0x2580] =	vst v63  }
0x70: {  	_ =	swait.ge [sflag:s12], $0x80  }
0x71: {  	[sflag:s12] =	ssyncset.done $0x0  }
0x72: {  	[sflag:s12] =	ssyncadd.s32 $0xFFFFFF80  }
0x73: {  	[spmem:s3] =	stream.indirect.scatter.add.f32 [tilespmem:s16], [sflag:$0x1], $0x1, s19, s14, $0xb8;
	[tilespmem:$0x2580] =	vst v63  }
0x74: {  	_ =	swait.ge [sflag:s12], $0x80  }
0x75: {  	[sflag:s12] =	ssyncset.done $0x0  }
0x76: {  	[sflag:s12] =	ssyncadd.s32 $0xFFFFFF80  }
0x77: {  	[spmem:s3] =	stream.indirect.scatter.add.f32 [tilespmem:s16], [sflag:$0x1], $0x1, s20, s14, $0xb8;
	[tilespmem:$0x2580] =	vst v63  }
0x78: {  	_ =	swait.ge [sflag:s12], $0x80  }
0x79: {  	[sflag:s12] =	ssyncset.done $0x0  }
0x7a: {  	[sflag:s12] =	ssyncadd.s32 $0xFFFFFF80  }
0x7b: {  	[spmem:s3] =	stream.indirect.scatter.add.f32 [tilespmem:s16], [sflag:$0x1], $0x1, s21, s14, $0xb8;
	[tilespmem:$0x2580] =	vst v63  }
0x7c: {  	_ =	swait.ge [sflag:s12], $0x80  }
0x7d: {  	[sflag:s12] =	ssyncset.done $0x0  }
0x7e: {  	[sflag:s12] =	ssyncadd.s32 $0xFFFFFF80  }
0x7f: {  	[spmem:s3] =	stream.indirect.scatter.add.f32 [tilespmem:s16], [sflag:$0x1], $0x1, s22, s14, $0xb8;
	[tilespmem:$0x2580] =	vst v63  }
0x80: {  	_ =	swait.ge [sflag:s12], $0x80  }
0x81: {  	[sflag:s12] =	ssyncset.done $0x0  }
0x82: {  	[sflag:s12] =	ssyncadd.s32 $0xFFFFFF80  }
0x83: {  	[spmem:s3] =	stream.indirect.scatter.add.f32 [tilespmem:s16], [sflag:$0x1], $0x1, s23, s14, $0xb8;
	[tilespmem:$0x2580] =	vst v63  }
0x84: {  	s26 =	sadd.s32 $0x1, s26;
	_ =	swait.ge [sflag:s12], $0x80  }
0x85: {  	p0 =	sne.s32 s26, $0x19;
	[sflag:s12] =	ssyncset.done $0x0  }
.Ltmp2:
0x86: {  	s28 =	sadd.s32 s6, s28;
	[sflag:s12] =	ssyncadd.s32 $0xFFFFFF80;
	(pc) =	sbr.rel @p0 .LBB2_4-.Ltmp2, $4  }
0x87: {  	[hbm4b:s28+s4] =	stream.linear.scatter [tilespmem:s15], [sflag:$0x1], $0x400, $0x38;
	[tilespmem:$0x2580] =	vst v63  }
0x88: {  	_ =	swait.ge [sflag:s12], $0x400  }
0x89: {  	[sflag:s12] =	ssyncset.done $0x0  }
0x8a: {  	[sflag:s12] =	ssyncadd.s32 $0xFFFFFC00  }
0x8b: {  	s24 =	sadd.s32 $0x1, s24  }
0x8c: {  	s25 =	sshll.u32 s2, $0x6;
	[bflag:$0x0] =	sbarrier.arrive $0xFFFF;
	p0 =	sne.s32 s24, s10  }
.Ltmp3:
0x8d: {  	s26 =	sshrl.u32 s7, $0x3;
	s25 =	sor.u32 $0x1C01, s25;
	(pc) =	sbr.rel @p0 .LBB2_1-.Ltmp3, $4  }
0x8e: {  	[hbm:s9], [sflag:s25] =	dma.local [spmem:s26], $0x190  }
0x8f: {  	_ =	swait.ge [sflag:s12], $0x190  }
0x90: {  	[sflag:s12] =	ssyncset.done $0x0  }
0x91: {  	[sflag:s12] =	ssyncadd.s32 $0xFFFFFE70  }
0x92: {  	_ =	sfence.sel $0x180000  }
0x93: {  	[bflag:$0x0] =	sbarrier.arrive $0xFFFF  }
0x94: {  	p0 =	sne.s32 s2, $0x0;
	_ =	strace $0x90000047  }
0x95: {  	s0 =	sadd.s32 @!p0 $0x100000, s0;
	[bflag:$0x2] =	sbarrier.arrive $0xFFFF  }
0x96: {  	[sflag:s0] =	ssyncadd.tile.s32 @!p0 $0x1;
	_ =	shalt  }
.Lfunc_end2:
_tile_overlayer_lowered:
.L_overlay_start_2:
0x97: {  	(tag) =	ssettag $0x2  }
0x98: {  	s0 =	rddreg [dreg:$0x0];
	s2 =	stileid.u32  }
0x99: {  	s1 =	rddreg [dreg:$0x1];
	p0 =	sne.s32 s2, $0x0  }
0x9a: {  	s3 =	rddreg [dreg:$0x2];
	[bflag:$0x3] =	sbarrier.arrive $0xFFFF;
	s2 =	simm.s32 @!p0 $0x1C01  }
0x9b: {  	[timem:s3], [sflag:s2] =	dma.local @!p0 [hbm:s0], s1  }
0x9c: {  	s0 =	simm.s32 @!p0 $0x1  }
0x9d: {  	_ =	swait.ge @!p0 [sflag:s0], s1  }
0x9e: {  	s1 =	ssub.s32 @!p0 $0x0, s1;
	[sflag:s0] =	ssyncset.done @!p0 $0x0  }
0x9f: {  	[sflag:s0] =	ssyncadd.s32 @!p0 s1  }
0xa0: {  	[bflag:$0x3] =	sbarrier.arrive $0xFFFF  }
0xa1: {  	_ =	shalt  }

</sc_bundles>
